<compile_context>
chip_gen: v7x
topology: tpu7x:2x2x1
jax: 0.10.2.dev20260603
libtpu: 0.0.44.dev20260713+nightly
codegen_flags: <defaults>
</compile_context>

<pallas_src>
import functools

import jax
import jax.numpy as jnp
from jax import lax
from jax.experimental import pallas as pl
from jax.experimental.pallas import tpu as pltpu
from jax.experimental.pallas import tpu_sc as plsc

_N = 10000
_NP = 10240
_E = 320000
_K = 125
_NB = 80
_NBH = 40
_RPT = _NP // 16
_ZR = 32


def _mesh():
    return plsc.VectorSubcoreMesh(core_axis_name="c", subcore_axis_name="s")


def _make_prop(d):

    @functools.partial(
        pl.kernel,
        mesh=_mesh(),
        out_type=jax.ShapeDtypeStruct((2, _NP, d), jnp.float32),
        scratch_types=[
            pltpu.VMEM((_NBH, _K), jnp.int32),
            pltpu.VMEM((_NBH, _K), jnp.int32),
            pltpu.VMEM((2, _K, d), jnp.float32),
            pltpu.VMEM((_ZR, d), jnp.float32),
            pltpu.VMEM_SHARED((_NP, d), jnp.float32),
            pltpu.SemaphoreType.DMA,
            pltpu.SemaphoreType.DMA,
        ],
    )
    def prop(tab_hbm, src_hbm, dst_hbm, out_hbm, src_t, dst_t, rbuf, zbuf, acc,
             sem0, sem1):
        c = lax.axis_index("c")
        s = lax.axis_index("s")
        wid = c * 16 + s

        def zrow(i, carry):
            for j in range(d // 16):
                zbuf[i, pl.ds(j * 16, 16)] = jnp.zeros((16,), jnp.float32)
            return carry

        lax.fori_loop(0, _ZR, zrow, None)

        def zacc(i, carry):
            pltpu.sync_copy(zbuf, acc.at[pl.ds(s * _RPT + i * _ZR, _ZR), :])
            return carry

        lax.fori_loop(0, _RPT // _ZR, zacc, None)

        plsc.subcore_barrier()

        for phase in range(_NB // _NBH):
            base = wid * _NB + phase * _NBH
            pltpu.sync_copy(src_hbm.at[pl.ds(base, _NBH), :], src_t)
            pltpu.sync_copy(dst_hbm.at[pl.ds(base, _NBH), :], dst_t)

            pltpu.async_copy(tab_hbm.at[src_t.at[0]], rbuf.at[0], sem0)
            pltpu.async_copy(tab_hbm.at[src_t.at[1]], rbuf.at[1], sem1)

            def stage(b, buf, sem):
                pltpu.make_async_copy(
                    tab_hbm.at[src_t.at[b]], rbuf.at[buf], sem
                ).wait()
                pltpu.sync_copy(rbuf.at[buf], acc.at[dst_t.at[b]], add=True)

                @pl.when(b + 2 < _NBH)
                def _():
                    pltpu.async_copy(
                        tab_hbm.at[src_t.at[b + 2]], rbuf.at[buf], sem
                    )

            def body(b, carry):
                even = lax.rem(b, 2) == 0

                @pl.when(even)
                def _():
                    stage(b, 0, sem0)

                @pl.when(jnp.logical_not(even))
                def _():
                    stage(b, 1, sem1)

                return carry

            lax.fori_loop(0, _NBH, body, None)

        plsc.subcore_barrier()

        pltpu.sync_copy(
            acc.at[pl.ds(s * _RPT, _RPT), :],
            out_hbm.at[c, pl.ds(s * _RPT, _RPT), :],
        )

    return prop


@functools.partial(
    pl.kernel,
    mesh=_mesh(),
    out_type=jax.ShapeDtypeStruct((2, _NP, 128), jnp.float32),
    scratch_types=[
        pltpu.VMEM((_NB, _K), jnp.int32),
        pltpu.VMEM((_K, 128), jnp.float32),
        pltpu.VMEM((_ZR, 128), jnp.float32),
        pltpu.VMEM_SHARED((_NP, 128), jnp.float32),
        pltpu.SemaphoreType.DMA,
    ],
)
def _deg_nogather(ones_hbm, zeros_hbm, dst_hbm, out_hbm, dst_t, ones_t, zbuf, acc,
                  semd):
    c = lax.axis_index("c")
    s = lax.axis_index("s")
    wid = c * 16 + s

    pltpu.sync_copy(ones_hbm, ones_t)
    pltpu.sync_copy(zeros_hbm, zbuf)

    def zacc(i, carry):
        pltpu.sync_copy(zbuf, acc.at[pl.ds(s * _RPT + i * _ZR, _ZR), :])
        return carry

    lax.fori_loop(0, _RPT // _ZR, zacc, None)

    pltpu.sync_copy(dst_hbm.at[pl.ds(wid * _NB, _NB), :], dst_t)
    plsc.subcore_barrier()

    def body(b, carry):
        pltpu.async_copy(ones_t, acc.at[dst_t.at[b]], semd, add=True)
        return carry

    lax.fori_loop(0, _NB, body, None)

    def drain(b, carry):
        pltpu.make_async_copy(ones_t, acc.at[dst_t.at[0]], semd).wait()
        return carry

    lax.fori_loop(0, _NB, drain, None)
    plsc.subcore_barrier()

    pltpu.sync_copy(
        acc.at[pl.ds(s * _RPT, _RPT), :],
        out_hbm.at[c, pl.ds(s * _RPT, _RPT), :],
    )


_prop128 = _make_prop(128)


def _tc_first_body(degp, x, w1, a1_o, dis_o):
    deg = degp[0, 0:_N, 0:1] + degp[1, 0:_N, 0:1] + 1.0
    dis = lax.rsqrt(deg)
    h = jnp.dot(x[...], w1[...], preferred_element_type=jnp.float32)
    a1_o[...] = dis * h
    dis_o[...] = dis


def _tc_mid_body(accp, a_prev, dis, b, gam, bet, wn, out):
    dis_v = dis[...]
    pre = dis_v * (accp[0, 0:_N, :] + accp[1, 0:_N, :] + a_prev[...]) + b[...]
    m = jnp.mean(pre, axis=0, keepdims=True)
    v = jnp.mean((pre - m) * (pre - m), axis=0, keepdims=True)
    y = gam[...] * (pre - m) * lax.rsqrt(v + 1e-5) + bet[...]
    y = jnp.maximum(y, 0.0)
    out[...] = dis_v * jnp.dot(y, wn[...], preferred_element_type=jnp.float32)


def _tc_final_body(accp, a3, dis, b3, out):
    out[...] = dis[...] * (accp[0, 0:_N, :] + accp[1, 0:_N, :] + a3[...]) + b3[...]


def kernel(x, edge_index, W1, b1, g1, be1, W2, b2, g2, be2, W3, b3):
    src = edge_index[0].astype(jnp.int32).reshape(_E // _K, _K)
    dst = edge_index[1].astype(jnp.int32).reshape(_E // _K, _K)

    ones_rows = jnp.ones((_K, 128), jnp.float32)
    zero_rows = jnp.zeros((_ZR, 128), jnp.float32)
    degp = _deg_nogather(ones_rows, zero_rows, dst)

    a1, dis = pl.pallas_call(
        _tc_first_body,
        out_shape=[
            jax.ShapeDtypeStruct((_N, 128), jnp.float32),
            jax.ShapeDtypeStruct((_N, 1), jnp.float32),
        ],
    )(degp, x, W1)

    acc1 = _prop128(a1, src, dst)
    a2 = pl.pallas_call(
        _tc_mid_body,
        out_shape=jax.ShapeDtypeStruct((_N, 128), jnp.float32),
    )(acc1, a1, dis, b1.reshape(1, -1), g1.reshape(1, -1), be1.reshape(1, -1), W2)

    acc2 = _prop128(a2, src, dst)
    w3p = jnp.pad(W3, ((0, 0), (0, 128 - W3.shape[1])))
    b3p = jnp.pad(b3, (0, 128 - b3.shape[0])).reshape(1, -1)
    a3 = pl.pallas_call(
        _tc_mid_body,
        out_shape=jax.ShapeDtypeStruct((_N, 128), jnp.float32),
    )(acc2, a2, dis, b2.reshape(1, -1), g2.reshape(1, -1), be2.reshape(1, -1), w3p)

    acc3 = _prop128(a3, src, dst)
    out = pl.pallas_call(
        _tc_final_body,
        out_shape=jax.ShapeDtypeStruct((_N, 128), jnp.float32),
    )(acc3, a3, dis, b3p)

    return out[:, :40]

# --- scband reference (transcript-rebuilt; emitter-appended) ---
"""Pipeline reference for scband-gcn-36000415875141 (READ-ONLY COPY).

The authoritative reference and input builder live on the scoring server;
editing this copy changes nothing except your own understanding.
"""

import jax, jax.numpy as jnp
import numpy as np

N = 10000
E = 320000
D_IN = 128
D_H = 128
D_OUT = 40


def gcn_conv(x, edge_index, W, b):
    n = x.shape[0]
    src = edge_index[0]
    dst = edge_index[1]
    # add self loops (PyG GCNConv default add_self_loops=True)
    loop = jnp.arange(n, dtype=edge_index.dtype)
    src = jnp.concatenate([src, loop])
    dst = jnp.concatenate([dst, loop])
    ones = jnp.ones(src.shape[0], dtype=x.dtype)
    deg = jnp.zeros((n,), dtype=x.dtype).at[dst].add(ones)
    deg_inv_sqrt = jnp.where(deg > 0, jax.lax.rsqrt(jnp.maximum(deg, 1e-12)), 0.0)
    norm = deg_inv_sqrt[src] * deg_inv_sqrt[dst]
    h = x @ W
    msg = h[src] * norm[:, None]
    out = jnp.zeros((n, W.shape[1]), dtype=x.dtype).at[dst].add(msg)
    return out + b


def batch_norm(x, gamma, beta, eps=1e-5):
    mean = jnp.mean(x, axis=0)
    var = jnp.var(x, axis=0)
    return gamma * (x - mean) * jax.lax.rsqrt(var + eps) + beta


def setup_inputs(seed: int = 0) -> dict:
    key = jax.random.key(seed)
    ks = jax.random.split(key, 8)
    x = jax.random.normal(ks[0], (N, D_IN), dtype=jnp.float32)
    edge_index = jax.random.randint(ks[1], (2, E), 0, N, dtype=jnp.int64)
    W1 = jax.random.normal(ks[2], (D_IN, D_H), dtype=jnp.float32) * (1.0 / np.sqrt(D_IN))
    b1 = jnp.zeros((D_H,), dtype=jnp.float32)
    g1 = jnp.ones((D_H,), dtype=jnp.float32)
    be1 = jnp.zeros((D_H,), dtype=jnp.float32)
    W2 = jax.random.normal(ks[3], (D_H, D_H), dtype=jnp.float32) * (1.0 / np.sqrt(D_H))
    b2 = jnp.zeros((D_H,), dtype=jnp.float32)
    g2 = jnp.ones((D_H,), dtype=jnp.float32)
    be2 = jnp.zeros((D_H,), dtype=jnp.float32)
    W3 = jax.random.normal(ks[4], (D_H, D_OUT), dtype=jnp.float32) * (1.0 / np.sqrt(D_H))
    b3 = jnp.zeros((D_OUT,), dtype=jnp.float32)
    return {"x": x, "edge_index": edge_index, "W1": W1, "b1": b1, "g1": g1, "be1": be1,
            "W2": W2, "b2": b2, "g2": g2, "be2": be2, "W3": W3, "b3": b3}


def reference(x, edge_index, W1, b1, g1, be1, W2, b2, g2, be2, W3, b3):
    h = gcn_conv(x, edge_index, W1, b1)
    h = batch_norm(h, g1, be1)
    h = jax.nn.relu(h)
    # dropout is identity in eval mode
    h = gcn_conv(h, edge_index, W2, b2)
    h = batch_norm(h, g2, be2)
    h = jax.nn.relu(h)
    out = gcn_conv(h, edge_index, W3, b3)
    return out

if __name__ == "__main__":
    import jax
    _d = setup_inputs()
    print(jax.jit(kernel)(*tuple(_d.values())))

</pallas_src>

<mosaic_0001>
#map = affine_map<(d0, d1) -> (0, 0)>
#map1 = affine_map<(d0, d1) -> (0, 0, 0)>
module attributes {stable_mosaic.version = 14 : i64} {
  func.func @_deg_nogather(%arg0: i32, %arg1: i32, %arg2: memref<125x128xf32, #tpu.memory_space<hbm>>, %arg3: memref<32x128xf32, #tpu.memory_space<hbm>>, %arg4: memref<2560x125xi32, #tpu.memory_space<hbm>>, %arg5: memref<2x10240x128xf32, #tpu.memory_space<hbm>>, %arg6: memref<80x125xi32, #tpu.memory_space<vmem>>, %arg7: memref<125x128xf32, #tpu.memory_space<vmem>>, %arg8: memref<32x128xf32, #tpu.memory_space<vmem>>, %arg9: memref<10240x128xf32, #tpu.memory_space<vmem_shared>>, %arg10: memref<!tpu.dma_semaphore, #tpu.memory_space<semaphore_mem>>) attributes {dimension_semantics = [#tpu.dimension_semantics<core_parallel>, #tpu.dimension_semantics<subcore_parallel>], iteration_bounds = array<i64: 2, 16>, scalar_prefetch = 0 : i64, scratch_operands = 5 : i64, tpu.core_type = #tpu.core_type<sc_vector_subcore>, window_params = [{transform_indices = #map}, {transform_indices = #map}, {transform_indices = #map}, {transform_indices = #map1}]} {
    %mul3A = arith.constant 16 : i32
    %mul3A_0 = arith.muli %arg0, %mul3A : i32
    %add3A = arith.addi %mul3A_0, %arg1 : i32
    "tpu.region"() ({
      %run_scoped3A = tpu.sem_alloc : memref<!tpu.dma_semaphore, #tpu.memory_space<semaphore_mem>>
      tpu.enqueue_dma source(%arg2 : memref<125x128xf32, #tpu.memory_space<hbm>>) target(%arg7 : memref<125x128xf32, #tpu.memory_space<vmem>>) target_semaphore(%run_scoped3A : memref<!tpu.dma_semaphore, #tpu.memory_space<semaphore_mem>>)
      tpu.wait_dma2 semaphore(%run_scoped3A : memref<!tpu.dma_semaphore, #tpu.memory_space<semaphore_mem>>) src(%arg2 : memref<125x128xf32, #tpu.memory_space<hbm>>) dst(%arg7 : memref<125x128xf32, #tpu.memory_space<vmem>>)
      tpu.yield
    }) : () -> ()
    "tpu.region"() ({
      %run_scoped3A = tpu.sem_alloc : memref<!tpu.dma_semaphore, #tpu.memory_space<semaphore_mem>>
      tpu.enqueue_dma source(%arg3 : memref<32x128xf32, #tpu.memory_space<hbm>>) target(%arg8 : memref<32x128xf32, #tpu.memory_space<vmem>>) target_semaphore(%run_scoped3A : memref<!tpu.dma_semaphore, #tpu.memory_space<semaphore_mem>>)
      tpu.wait_dma2 semaphore(%run_scoped3A : memref<!tpu.dma_semaphore, #tpu.memory_space<semaphore_mem>>) src(%arg3 : memref<32x128xf32, #tpu.memory_space<hbm>>) dst(%arg8 : memref<32x128xf32, #tpu.memory_space<vmem>>)
      tpu.yield
    }) : () -> ()
    %scan3A = arith.constant 0 : i32
    %scan3A_1 = arith.constant 20 : i32
    %scan3A_2 = arith.addi %scan3A, %scan3A_1 : i32
    %scan3A_3 = arith.constant 1 : i32
    scf.for %scan3A_22 = %scan3A to %scan3A_2 step %scan3A_3  : i32 {
      %mul3A_23 = arith.constant 640 : i32
      %mul3A_24 = arith.muli %arg1, %mul3A_23 : i32
      %mul3A_25 = arith.constant 32 : i32
      %mul3A_26 = arith.muli %scan3A_22, %mul3A_25 : i32
      %add3A_27 = arith.addi %mul3A_24, %mul3A_26 : i32
      "tpu.region"() ({
        %run_scoped3A = tpu.sem_alloc : memref<!tpu.dma_semaphore, #tpu.memory_space<semaphore_mem>>
        %dma_start3A = arith.constant 0 : i32
        %dma_start3A_28 = tpu.memref_slice %arg9[%add3A_27, %dma_start3A] : memref<10240x128xf32, #tpu.memory_space<vmem_shared>> -> memref<32x128xf32, #tpu.memory_space<vmem_shared>>
        %dma_start3A_29 = arith.constant 0 : i32
        %dma_start3A_30 = tpu.memref_slice %arg9[%add3A_27, %dma_start3A_29] : memref<10240x128xf32, #tpu.memory_space<vmem_shared>> -> memref<32x128xf32, #tpu.memory_space<vmem_shared>>
        tpu.enqueue_dma source(%arg8 : memref<32x128xf32, #tpu.memory_space<vmem>>) target(%dma_start3A_30 : memref<32x128xf32, #tpu.memory_space<vmem_shared>>) target_semaphore(%run_scoped3A : memref<!tpu.dma_semaphore, #tpu.memory_space<semaphore_mem>>)
        %dma_wait3A = arith.constant 0 : i32
        %dma_wait3A_31 = tpu.memref_slice %arg9[%add3A_27, %dma_wait3A] : memref<10240x128xf32, #tpu.memory_space<vmem_shared>> -> memref<32x128xf32, #tpu.memory_space<vmem_shared>>
        %dma_wait3A_32 = arith.constant 0 : i32
        %dma_wait3A_33 = tpu.memref_slice %arg9[%add3A_27, %dma_wait3A_32] : memref<10240x128xf32, #tpu.memory_space<vmem_shared>> -> memref<32x128xf32, #tpu.memory_space<vmem_shared>>
        tpu.wait_dma2 semaphore(%run_scoped3A : memref<!tpu.dma_semaphore, #tpu.memory_space<semaphore_mem>>) src(%arg8 : memref<32x128xf32, #tpu.memory_space<vmem>>) dst(%dma_wait3A_33 : memref<32x128xf32, #tpu.memory_space<vmem_shared>>)
        tpu.yield
      }) : () -> ()
    }
    %scan3A_4 = arith.constant 20 : i32
    %mul3A_5 = arith.constant 80 : i32
    %mul3A_6 = arith.muli %add3A, %mul3A_5 : i32
    "tpu.region"() ({
      %run_scoped3A = tpu.sem_alloc : memref<!tpu.dma_semaphore, #tpu.memory_space<semaphore_mem>>
      %dma_start3A = arith.constant 0 : i32
      %dma_start3A_22 = tpu.memref_slice %arg4[%mul3A_6, %dma_start3A] : memref<2560x125xi32, #tpu.memory_space<hbm>> -> memref<80x125xi32, #tpu.memory_space<hbm>>
      %dma_start3A_23 = arith.constant 0 : i32
      %dma_start3A_24 = tpu.memref_slice %arg4[%mul3A_6, %dma_start3A_23] : memref<2560x125xi32, #tpu.memory_space<hbm>> -> memref<80x125xi32, #tpu.memory_space<hbm>>
      tpu.enqueue_dma source(%dma_start3A_24 : memref<80x125xi32, #tpu.memory_space<hbm>>) target(%arg6 : memref<80x125xi32, #tpu.memory_space<vmem>>) target_semaphore(%run_scoped3A : memref<!tpu.dma_semaphore, #tpu.memory_space<semaphore_mem>>)
      %dma_wait3A = arith.constant 0 : i32
      %dma_wait3A_25 = tpu.memref_slice %arg4[%mul3A_6, %dma_wait3A] : memref<2560x125xi32, #tpu.memory_space<hbm>> -> memref<80x125xi32, #tpu.memory_space<hbm>>
      %dma_wait3A_26 = arith.constant 0 : i32
      %dma_wait3A_27 = tpu.memref_slice %arg4[%mul3A_6, %dma_wait3A_26] : memref<2560x125xi32, #tpu.memory_space<hbm>> -> memref<80x125xi32, #tpu.memory_space<hbm>>
      tpu.wait_dma2 semaphore(%run_scoped3A : memref<!tpu.dma_semaphore, #tpu.memory_space<semaphore_mem>>) src(%dma_wait3A_27 : memref<80x125xi32, #tpu.memory_space<hbm>>) dst(%arg6 : memref<80x125xi32, #tpu.memory_space<vmem>>)
      tpu.yield
    }) : () -> ()
    %barrier3A = arith.constant 0 : index
    tpu.barrier barrier_id(%barrier3A)
    %scan3A_7 = arith.constant 0 : i32
    %scan3A_8 = arith.constant 80 : i32
    %scan3A_9 = arith.addi %scan3A_7, %scan3A_8 : i32
    %scan3A_10 = arith.constant 1 : i32
    scf.for %scan3A_22 = %scan3A_7 to %scan3A_9 step %scan3A_10  : i32 {
      %dma_start3A = arith.constant 0 : i32
      %dma_start3A_23 = tpu.memref_slice %arg6[%scan3A_22, %dma_start3A] : memref<80x125xi32, #tpu.memory_space<vmem>> -> memref<1x125xi32, #tpu.memory_space<vmem>>
      %dma_start3A_24 = tpu.memref_squeeze %dma_start3A_23 : memref<1x125xi32, #tpu.memory_space<vmem>> -> memref<125xi32, #tpu.memory_space<vmem>>
      %dma_start3A_25 = arith.constant 0 : i32
      %dma_start3A_26 = arith.constant 0 : i32
      %dma_start3A_27 = tpu.memref_slice %arg9[%dma_start3A_25, %dma_start3A_26] : memref<10240x128xf32, #tpu.memory_space<vmem_shared>> -> memref<10240x128xf32, #tpu.memory_space<vmem_shared>>
      tpu.enqueue_indirect_dma source(%arg7 : memref<125x128xf32, #tpu.memory_space<vmem>>) target(%dma_start3A_27 : memref<10240x128xf32, #tpu.memory_space<vmem_shared>>) offsets(%dma_start3A_24 : memref<125xi32, #tpu.memory_space<vmem>>) semaphore(%arg10 : memref<!tpu.dma_semaphore, #tpu.memory_space<semaphore_mem>>) {add = true}
    }
    %scan3A_11 = arith.constant 80 : i32
    %scan3A_12 = arith.constant 0 : i32
    %scan3A_13 = arith.constant 80 : i32
    %scan3A_14 = arith.addi %scan3A_12, %scan3A_13 : i32
    %scan3A_15 = arith.constant 1 : i32
    scf.for %scan3A_22 = %scan3A_12 to %scan3A_14 step %scan3A_15  : i32 {
      %dma_wait3A = arith.constant 0 : i32
      %dma_wait3A_23 = arith.constant 0 : i32
      %dma_wait3A_24 = tpu.memref_slice %arg6[%dma_wait3A, %dma_wait3A_23] : memref<80x125xi32, #tpu.memory_space<vmem>> -> memref<1x125xi32, #tpu.memory_space<vmem>>
      %dma_wait3A_25 = tpu.memref_squeeze %dma_wait3A_24 : memref<1x125xi32, #tpu.memory_space<vmem>> -> memref<125xi32, #tpu.memory_space<vmem>>
      %dma_wait3A_26 = arith.constant 0 : i32
      %dma_wait3A_27 = arith.constant 0 : i32
      %dma_wait3A_28 = tpu.memref_slice %arg9[%dma_wait3A_26, %dma_wait3A_27] : memref<10240x128xf32, #tpu.memory_space<vmem_shared>> -> memref<10240x128xf32, #tpu.memory_space<vmem_shared>>
      tpu.wait_indirect_dma semaphore(%arg10 : memref<!tpu.dma_semaphore, #tpu.memory_space<semaphore_mem>>) src(%arg7 : memref<125x128xf32, #tpu.memory_space<vmem>>) dst(%dma_wait3A_28 : memref<10240x128xf32, #tpu.memory_space<vmem_shared>>)
    }
    %scan3A_16 = arith.constant 80 : i32
    %barrier3A_17 = arith.constant 0 : index
    tpu.barrier barrier_id(%barrier3A_17)
    %mul3A_18 = arith.constant 640 : i32
    %mul3A_19 = arith.muli %arg1, %mul3A_18 : i32
    %mul3A_20 = arith.constant 640 : i32
    %mul3A_21 = arith.muli %arg1, %mul3A_20 : i32
    "tpu.region"() ({
      %run_scoped3A = tpu.sem_alloc : memref<!tpu.dma_semaphore, #tpu.memory_space<semaphore_mem>>
      %dma_start3A = arith.constant 0 : i32
      %dma_start3A_22 = tpu.memref_slice %arg5[%arg0, %mul3A_21, %dma_start3A] : memref<2x10240x128xf32, #tpu.memory_space<hbm>> -> memref<1x640x128xf32, #tpu.memory_space<hbm>>
      %dma_start3A_23 = tpu.memref_squeeze %dma_start3A_22 : memref<1x640x128xf32, #tpu.memory_space<hbm>> -> memref<640x128xf32, #tpu.memory_space<hbm>>
      %dma_start3A_24 = arith.constant 0 : i32
      %dma_start3A_25 = tpu.memref_slice %arg9[%mul3A_19, %dma_start3A_24] : memref<10240x128xf32, #tpu.memory_space<vmem_shared>> -> memref<640x128xf32, #tpu.memory_space<vmem_shared>>
      tpu.enqueue_dma source(%dma_start3A_25 : memref<640x128xf32, #tpu.memory_space<vmem_shared>>) target(%dma_start3A_23 : memref<640x128xf32, #tpu.memory_space<hbm>>) target_semaphore(%run_scoped3A : memref<!tpu.dma_semaphore, #tpu.memory_space<semaphore_mem>>)
      %dma_wait3A = arith.constant 0 : i32
      %dma_wait3A_26 = tpu.memref_slice %arg5[%arg0, %mul3A_21, %dma_wait3A] : memref<2x10240x128xf32, #tpu.memory_space<hbm>> -> memref<1x640x128xf32, #tpu.memory_space<hbm>>
      %dma_wait3A_27 = tpu.memref_squeeze %dma_wait3A_26 : memref<1x640x128xf32, #tpu.memory_space<hbm>> -> memref<640x128xf32, #tpu.memory_space<hbm>>
      %dma_wait3A_28 = arith.constant 0 : i32
      %dma_wait3A_29 = tpu.memref_slice %arg9[%mul3A_19, %dma_wait3A_28] : memref<10240x128xf32, #tpu.memory_space<vmem_shared>> -> memref<640x128xf32, #tpu.memory_space<vmem_shared>>
      tpu.wait_dma2 semaphore(%run_scoped3A : memref<!tpu.dma_semaphore, #tpu.memory_space<semaphore_mem>>) src(%dma_wait3A_29 : memref<640x128xf32, #tpu.memory_space<vmem_shared>>) dst(%dma_wait3A_27 : memref<640x128xf32, #tpu.memory_space<hbm>>)
      tpu.yield
    }) : () -> ()
    return
  }
}

#map = affine_map<(d0, d1) -> (0, 0)>
#map1 = affine_map<(d0, d1) -> (0, 0, 0)>
module attributes {stable_mosaic.version = 14 : i64} {
  func.func @prop(%arg0: i32, %arg1: i32, %arg2: memref<10000x128xf32, #tpu.memory_space<hbm>>, %arg3: memref<2560x125xi32, #tpu.memory_space<hbm>>, %arg4: memref<2560x125xi32, #tpu.memory_space<hbm>>, %arg5: memref<2x10240x128xf32, #tpu.memory_space<hbm>>, %arg6: memref<40x125xi32, #tpu.memory_space<vmem>>, %arg7: memref<40x125xi32, #tpu.memory_space<vmem>>, %arg8: memref<2x125x128xf32, #tpu.memory_space<vmem>>, %arg9: memref<32x128xf32, #tpu.memory_space<vmem>>, %arg10: memref<10240x128xf32, #tpu.memory_space<vmem_shared>>, %arg11: memref<!tpu.dma_semaphore, #tpu.memory_space<semaphore_mem>>, %arg12: memref<!tpu.dma_semaphore, #tpu.memory_space<semaphore_mem>>) attributes {dimension_semantics = [#tpu.dimension_semantics<core_parallel>, #tpu.dimension_semantics<subcore_parallel>], iteration_bounds = array<i64: 2, 16>, scalar_prefetch = 0 : i64, scratch_operands = 7 : i64, tpu.core_type = #tpu.core_type<sc_vector_subcore>, window_params = [{transform_indices = #map}, {transform_indices = #map}, {transform_indices = #map}, {transform_indices = #map1}]} {
    %mul3A = arith.constant 16 : i32
    %mul3A_0 = arith.muli %arg0, %mul3A : i32
    %add3A = arith.addi %mul3A_0, %arg1 : i32
    %scan3A = arith.constant 0 : i32
    %scan3A_1 = arith.constant 32 : i32
    %scan3A_2 = arith.addi %scan3A, %scan3A_1 : i32
    %scan3A_3 = arith.constant 1 : i32
    scf.for %scan3A_80 = %scan3A to %scan3A_2 step %scan3A_3  : i32 {
      %broadcast_in_dim3A = arith.constant 0.000000e+00 : f32
      %broadcast_in_dim3A_81 = vector.broadcast %broadcast_in_dim3A : f32 to vector<16xf32>
      %swap3A = arith.index_cast %scan3A_80 : i32 to index
      %swap3A_82 = arith.constant 0 : index
      %swap3A_83 = tpu.vector_load %arg9[%swap3A, %swap3A_82] {strides = array<i32>} : memref<32x128xf32, #tpu.memory_space<vmem>>, vector<1x16xf32>,
      %swap3A_84 = vector.shape_cast %swap3A_83 : vector<1x16xf32> to vector<16xf32>
      %swap3A_85 = vector.shape_cast %broadcast_in_dim3A_81 : vector<16xf32> to vector<1x16xf32>
      tpu.vector_store %arg9[%swap3A, %swap3A_82], %swap3A_85 {strides = array<i32>} : memref<32x128xf32, #tpu.memory_space<vmem>>, vector<1x16xf32>,
      %broadcast_in_dim3A_86 = arith.constant 0.000000e+00 : f32
      %broadcast_in_dim3A_87 = vector.broadcast %broadcast_in_dim3A_86 : f32 to vector<16xf32>
      %swap3A_88 = arith.index_cast %scan3A_80 : i32 to index
      %swap3A_89 = arith.constant 16 : index
      %swap3A_90 = tpu.vector_load %arg9[%swap3A_88, %swap3A_89] {strides = array<i32>} : memref<32x128xf32, #tpu.memory_space<vmem>>, vector<1x16xf32>,
      %swap3A_91 = vector.shape_cast %swap3A_90 : vector<1x16xf32> to vector<16xf32>
      %swap3A_92 = vector.shape_cast %broadcast_in_dim3A_87 : vector<16xf32> to vector<1x16xf32>
      tpu.vector_store %arg9[%swap3A_88, %swap3A_89], %swap3A_92 {strides = array<i32>} : memref<32x128xf32, #tpu.memory_space<vmem>>, vector<1x16xf32>,
      %broadcast_in_dim3A_93 = arith.constant 0.000000e+00 : f32
      %broadcast_in_dim3A_94 = vector.broadcast %broadcast_in_dim3A_93 : f32 to vector<16xf32>
      %swap3A_95 = arith.index_cast %scan3A_80 : i32 to index
      %swap3A_96 = arith.constant 32 : index
      %swap3A_97 = tpu.vector_load %arg9[%swap3A_95, %swap3A_96] {strides = array<i32>} : memref<32x128xf32, #tpu.memory_space<vmem>>, vector<1x16xf32>,
      %swap3A_98 = vector.shape_cast %swap3A_97 : vector<1x16xf32> to vector<16xf32>
      %swap3A_99 = vector.shape_cast %broadcast_in_dim3A_94 : vector<16xf32> to vector<1x16xf32>
      tpu.vector_store %arg9[%swap3A_95, %swap3A_96], %swap3A_99 {strides = array<i32>} : memref<32x128xf32, #tpu.memory_space<vmem>>, vector<1x16xf32>,
      %broadcast_in_dim3A_100 = arith.constant 0.000000e+00 : f32
      %broadcast_in_dim3A_101 = vector.broadcast %broadcast_in_dim3A_100 : f32 to vector<16xf32>
      %swap3A_102 = arith.index_cast %scan3A_80 : i32 to index
      %swap3A_103 = arith.constant 48 : index
      %swap3A_104 = tpu.vector_load %arg9[%swap3A_102, %swap3A_103] {strides = array<i32>} : memref<32x128xf32, #tpu.memory_space<vmem>>, vector<1x16xf32>,
      %swap3A_105 = vector.shape_cast %swap3A_104 : vector<1x16xf32> to vector<16xf32>
      %swap3A_106 = vector.shape_cast %broadcast_in_dim3A_101 : vector<16xf32> to vector<1x16xf32>
      tpu.vector_store %arg9[%swap3A_102, %swap3A_103], %swap3A_106 {strides = array<i32>} : memref<32x128xf32, #tpu.memory_space<vmem>>, vector<1x16xf32>,
      %broadcast_in_dim3A_107 = arith.constant 0.000000e+00 : f32
      %broadcast_in_dim3A_108 = vector.broadcast %broadcast_in_dim3A_107 : f32 to vector<16xf32>
      %swap3A_109 = arith.index_cast %scan3A_80 : i32 to index
      %swap3A_110 = arith.constant 64 : index
      %swap3A_111 = tpu.vector_load %arg9[%swap3A_109, %swap3A_110] {strides = array<i32>} : memref<32x128xf32, #tpu.memory_space<vmem>>, vector<1x16xf32>,
      %swap3A_112 = vector.shape_cast %swap3A_111 : vector<1x16xf32> to vector<16xf32>
      %swap3A_113 = vector.shape_cast %broadcast_in_dim3A_108 : vector<16xf32> to vector<1x16xf32>
      tpu.vector_store %arg9[%swap3A_109, %swap3A_110], %swap3A_113 {strides = array<i32>} : memref<32x128xf32, #tpu.memory_space<vmem>>, vector<1x16xf32>,
      %broadcast_in_dim3A_114 = arith.constant 0.000000e+00 : f32
      %broadcast_in_dim3A_115 = vector.broadcast %broadcast_in_dim3A_114 : f32 to vector<16xf32>
      %swap3A_116 = arith.index_cast %scan3A_80 : i32 to index
      %swap3A_117 = arith.constant 80 : index
      %swap3A_118 = tpu.vector_load %arg9[%swap3A_116, %swap3A_117] {strides = array<i32>} : memref<32x128xf32, #tpu.memory_space<vmem>>, vector<1x16xf32>,
      %swap3A_119 = vector.shape_cast %swap3A_118 : vector<1x16xf32> to vector<16xf32>
      %swap3A_120 = vector.shape_cast %broadcast_in_dim3A_115 : vector<16xf32> to vector<1x16xf32>
      tpu.vector_store %arg9[%swap3A_116, %swap3A_117], %swap3A_120 {strides = array<i32>} : memref<32x128xf32, #tpu.memory_space<vmem>>, vector<1x16xf32>,
      %broadcast_in_dim3A_121 = arith.constant 0.000000e+00 : f32
      %broadcast_in_dim3A_122 = vector.broadcast %broadcast_in_dim3A_121 : f32 to vector<16xf32>
      %swap3A_123 = arith.index_cast %scan3A_80 : i32 to index
      %swap3A_124 = arith.constant 96 : index
      %swap3A_125 = tpu.vector_load %arg9[%swap3A_123, %swap3A_124] {strides = array<i32>} : memref<32x128xf32, #tpu.memory_space<vmem>>, vector<1x16xf32>,
      %swap3A_126 = vector.shape_cast %swap3A_125 : vector<1x16xf32> to vector<16xf32>
      %swap3A_127 = vector.shape_cast %broadcast_in_dim3A_122 : vector<16xf32> to vector<1x16xf32>
      tpu.vector_store %arg9[%swap3A_123, %swap3A_124], %swap3A_127 {strides = array<i32>} : memref<32x128xf32, #tpu.memory_space<vmem>>, vector<1x16xf32>,
      %broadcast_in_dim3A_128 = arith.constant 0.000000e+00 : f32
      %broadcast_in_dim3A_129 = vector.broadcast %broadcast_in_dim3A_128 : f32 to vector<16xf32>
      %swap3A_130 = arith.index_cast %scan3A_80 : i32 to index
      %swap3A_131 = arith.constant 112 : index
      %swap3A_132 = tpu.vector_load %arg9[%swap3A_130, %swap3A_131] {strides = array<i32>} : memref<32x128xf32, #tpu.memory_space<vmem>>, vector<1x16xf32>,
      %swap3A_133 = vector.shape_cast %swap3A_132 : vector<1x16xf32> to vector<16xf32>
      %swap3A_134 = vector.shape_cast %broadcast_in_dim3A_129 : vector<16xf32> to vector<1x16xf32>
      tpu.vector_store %arg9[%swap3A_130, %swap3A_131], %swap3A_134 {strides = array<i32>} : memref<32x128xf32, #tpu.memory_space<vmem>>, vector<1x16xf32>,
    }
    %scan3A_4 = arith.constant 32 : i32
    %scan3A_5 = arith.constant 0 : i32
    %scan3A_6 = arith.constant 20 : i32
    %scan3A_7 = arith.addi %scan3A_5, %scan3A_6 : i32
    %scan3A_8 = arith.constant 1 : i32
    scf.for %scan3A_80 = %scan3A_5 to %scan3A_7 step %scan3A_8  : i32 {
      %mul3A_81 = arith.constant 640 : i32
      %mul3A_82 = arith.muli %arg1, %mul3A_81 : i32
      %mul3A_83 = arith.constant 32 : i32
      %mul3A_84 = arith.muli %scan3A_80, %mul3A_83 : i32
      %add3A_85 = arith.addi %mul3A_82, %mul3A_84 : i32
      "tpu.region"() ({
        %run_scoped3A = tpu.sem_alloc : memref<!tpu.dma_semaphore, #tpu.memory_space<semaphore_mem>>
        %dma_start3A_86 = arith.constant 0 : i32
        %dma_start3A_87 = tpu.memref_slice %arg10[%add3A_85, %dma_start3A_86] : memref<10240x128xf32, #tpu.memory_space<vmem_shared>> -> memref<32x128xf32, #tpu.memory_space<vmem_shared>>
        %dma_start3A_88 = arith.constant 0 : i32
        %dma_start3A_89 = tpu.memref_slice %arg10[%add3A_85, %dma_start3A_88] : memref<10240x128xf32, #tpu.memory_space<vmem_shared>> -> memref<32x128xf32, #tpu.memory_space<vmem_shared>>
        tpu.enqueue_dma source(%arg9 : memref<32x128xf32, #tpu.memory_space<vmem>>) target(%dma_start3A_89 : memref<32x128xf32, #tpu.memory_space<vmem_shared>>) target_semaphore(%run_scoped3A : memref<!tpu.dma_semaphore, #tpu.memory_space<semaphore_mem>>)
        %dma_wait3A = arith.constant 0 : i32
        %dma_wait3A_90 = tpu.memref_slice %arg10[%add3A_85, %dma_wait3A] : memref<10240x128xf32, #tpu.memory_space<vmem_shared>> -> memref<32x128xf32, #tpu.memory_space<vmem_shared>>
        %dma_wait3A_91 = arith.constant 0 : i32
        %dma_wait3A_92 = tpu.memref_slice %arg10[%add3A_85, %dma_wait3A_91] : memref<10240x128xf32, #tpu.memory_space<vmem_shared>> -> memref<32x128xf32, #tpu.memory_space<vmem_shared>>
        tpu.wait_dma2 semaphore(%run_scoped3A : memref<!tpu.dma_semaphore, #tpu.memory_space<semaphore_mem>>) src(%arg9 : memref<32x128xf32, #tpu.memory_space<vmem>>) dst(%dma_wait3A_92 : memref<32x128xf32, #tpu.memory_space<vmem_shared>>)
        tpu.yield
      }) : () -> ()
    }
    %scan3A_9 = arith.constant 20 : i32
    %barrier3A = arith.constant 0 : index
    tpu.barrier barrier_id(%barrier3A)
    %mul3A_10 = arith.constant 80 : i32
    %mul3A_11 = arith.muli %add3A, %mul3A_10 : i32
    %add3A_12 = arith.constant 0 : i32
    %add3A_13 = arith.addi %mul3A_11, %add3A_12 : i32
    "tpu.region"() ({
      %run_scoped3A = tpu.sem_alloc : memref<!tpu.dma_semaphore, #tpu.memory_space<semaphore_mem>>
      %dma_start3A_80 = arith.constant 0 : i32
      %dma_start3A_81 = tpu.memref_slice %arg3[%add3A_13, %dma_start3A_80] : memref<2560x125xi32, #tpu.memory_space<hbm>> -> memref<40x125xi32, #tpu.memory_space<hbm>>
      %dma_start3A_82 = arith.constant 0 : i32
      %dma_start3A_83 = tpu.memref_slice %arg3[%add3A_13, %dma_start3A_82] : memref<2560x125xi32, #tpu.memory_space<hbm>> -> memref<40x125xi32, #tpu.memory_space<hbm>>
      tpu.enqueue_dma source(%dma_start3A_83 : memref<40x125xi32, #tpu.memory_space<hbm>>) target(%arg6 : memref<40x125xi32, #tpu.memory_space<vmem>>) target_semaphore(%run_scoped3A : memref<!tpu.dma_semaphore, #tpu.memory_space<semaphore_mem>>)
      %dma_wait3A = arith.constant 0 : i32
      %dma_wait3A_84 = tpu.memref_slice %arg3[%add3A_13, %dma_wait3A] : memref<2560x125xi32, #tpu.memory_space<hbm>> -> memref<40x125xi32, #tpu.memory_space<hbm>>
      %dma_wait3A_85 = arith.constant 0 : i32
      %dma_wait3A_86 = tpu.memref_slice %arg3[%add3A_13, %dma_wait3A_85] : memref<2560x125xi32, #tpu.memory_space<hbm>> -> memref<40x125xi32, #tpu.memory_space<hbm>>
      tpu.wait_dma2 semaphore(%run_scoped3A : memref<!tpu.dma_semaphore, #tpu.memory_space<semaphore_mem>>) src(%dma_wait3A_86 : memref<40x125xi32, #tpu.memory_space<hbm>>) dst(%arg6 : memref<40x125xi32, #tpu.memory_space<vmem>>)
      tpu.yield
    }) : () -> ()
    "tpu.region"() ({
      %run_scoped3A = tpu.sem_alloc : memref<!tpu.dma_semaphore, #tpu.memory_space<semaphore_mem>>
      %dma_start3A_80 = arith.constant 0 : i32
      %dma_start3A_81 = tpu.memref_slice %arg4[%add3A_13, %dma_start3A_80] : memref<2560x125xi32, #tpu.memory_space<hbm>> -> memref<40x125xi32, #tpu.memory_space<hbm>>
      %dma_start3A_82 = arith.constant 0 : i32
      %dma_start3A_83 = tpu.memref_slice %arg4[%add3A_13, %dma_start3A_82] : memref<2560x125xi32, #tpu.memory_space<hbm>> -> memref<40x125xi32, #tpu.memory_space<hbm>>
      tpu.enqueue_dma source(%dma_start3A_83 : memref<40x125xi32, #tpu.memory_space<hbm>>) target(%arg7 : memref<40x125xi32, #tpu.memory_space<vmem>>) target_semaphore(%run_scoped3A : memref<!tpu.dma_semaphore, #tpu.memory_space<semaphore_mem>>)
      %dma_wait3A = arith.constant 0 : i32
      %dma_wait3A_84 = tpu.memref_slice %arg4[%add3A_13, %dma_wait3A] : memref<2560x125xi32, #tpu.memory_space<hbm>> -> memref<40x125xi32, #tpu.memory_space<hbm>>
      %dma_wait3A_85 = arith.constant 0 : i32
      %dma_wait3A_86 = tpu.memref_slice %arg4[%add3A_13, %dma_wait3A_85] : memref<2560x125xi32, #tpu.memory_space<hbm>> -> memref<40x125xi32, #tpu.memory_space<hbm>>
      tpu.wait_dma2 semaphore(%run_scoped3A : memref<!tpu.dma_semaphore, #tpu.memory_space<semaphore_mem>>) src(%dma_wait3A_86 : memref<40x125xi32, #tpu.memory_space<hbm>>) dst(%arg7 : memref<40x125xi32, #tpu.memory_space<vmem>>)
      tpu.yield
    }) : () -> ()
    %dma_start3A = arith.constant 0 : i32
    %dma_start3A_14 = arith.constant 0 : i32
    %dma_start3A_15 = arith.constant 0 : i32
    %dma_start3A_16 = arith.constant 0 : i32
    %dma_start3A_17 = tpu.memref_slice %arg8[%dma_start3A_14, %dma_start3A_15, %dma_start3A_16] : memref<2x125x128xf32, #tpu.memory_space<vmem>> -> memref<1x125x128xf32, #tpu.memory_space<vmem>>
    %dma_start3A_18 = tpu.memref_squeeze %dma_start3A_17 : memref<1x125x128xf32, #tpu.memory_space<vmem>> -> memref<125x128xf32, #tpu.memory_space<vmem>>
    %dma_start3A_19 = arith.constant 0 : i32
    %dma_start3A_20 = tpu.memref_slice %arg6[%dma_start3A, %dma_start3A_19] : memref<40x125xi32, #tpu.memory_space<vmem>> -> memref<1x125xi32, #tpu.memory_space<vmem>>
    %dma_start3A_21 = tpu.memref_squeeze %dma_start3A_20 : memref<1x125xi32, #tpu.memory_space<vmem>> -> memref<125xi32, #tpu.memory_space<vmem>>
    %dma_start3A_22 = arith.constant 0 : i32
    %dma_start3A_23 = arith.constant 0 : i32
    %dma_start3A_24 = tpu.memref_slice %arg2[%dma_start3A_22, %dma_start3A_23] : memref<10000x128xf32, #tpu.memory_space<hbm>> -> memref<10000x128xf32, #tpu.memory_space<hbm>>
    tpu.enqueue_indirect_dma source(%dma_start3A_24 : memref<10000x128xf32, #tpu.memory_space<hbm>>) target(%dma_start3A_18 : memref<125x128xf32, #tpu.memory_space<vmem>>) offsets(%dma_start3A_21 : memref<125xi32, #tpu.memory_space<vmem>>) semaphore(%arg11 : memref<!tpu.dma_semaphore, #tpu.memory_space<semaphore_mem>>)
    %dma_start3A_25 = arith.constant 1 : i32
    %dma_start3A_26 = arith.constant 1 : i32
    %dma_start3A_27 = arith.constant 0 : i32
    %dma_start3A_28 = arith.constant 0 : i32
    %dma_start3A_29 = tpu.memref_slice %arg8[%dma_start3A_26, %dma_start3A_27, %dma_start3A_28] : memref<2x125x128xf32, #tpu.memory_space<vmem>> -> memref<1x125x128xf32, #tpu.memory_space<vmem>>
    %dma_start3A_30 = tpu.memref_squeeze %dma_start3A_29 : memref<1x125x128xf32, #tpu.memory_space<vmem>> -> memref<125x128xf32, #tpu.memory_space<vmem>>
    %dma_start3A_31 = arith.constant 0 : i32
    %dma_start3A_32 = tpu.memref_slice %arg6[%dma_start3A_25, %dma_start3A_31] : memref<40x125xi32, #tpu.memory_space<vmem>> -> memref<1x125xi32, #tpu.memory_space<vmem>>
    %dma_start3A_33 = tpu.memref_squeeze %dma_start3A_32 : memref<1x125xi32, #tpu.memory_space<vmem>> -> memref<125xi32, #tpu.memory_space<vmem>>
    %dma_start3A_34 = arith.constant 0 : i32
    %dma_start3A_35 = arith.constant 0 : i32
    %dma_start3A_36 = tpu.memref_slice %arg2[%dma_start3A_34, %dma_start3A_35] : memref<10000x128xf32, #tpu.memory_space<hbm>> -> memref<10000x128xf32, #tpu.memory_space<hbm>>
    tpu.enqueue_indirect_dma source(%dma_start3A_36 : memref<10000x128xf32, #tpu.memory_space<hbm>>) target(%dma_start3A_30 : memref<125x128xf32, #tpu.memory_space<vmem>>) offsets(%dma_start3A_33 : memref<125xi32, #tpu.memory_space<vmem>>) semaphore(%arg12 : memref<!tpu.dma_semaphore, #tpu.memory_space<semaphore_mem>>)
    %scan3A_37 = arith.constant 0 : i32
    %scan3A_38 = arith.constant 40 : i32
    %scan3A_39 = arith.addi %scan3A_37, %scan3A_38 : i32
    %scan3A_40 = arith.constant 1 : i32
    scf.for %scan3A_80 = %scan3A_37 to %scan3A_39 step %scan3A_40  : i32 {
      %rem3A = arith.constant 2 : i32
      %rem3A_81 = arith.remsi %scan3A_80, %rem3A : i32
      %eq3A = arith.constant 0 : i32
      %eq3A_82 = arith.cmpi eq, %rem3A_81, %eq3A : i32
      %convert_element_type3A = arith.extui %eq3A_82 : i1 to i32
      %cond3A = arith.constant 0 : i32
      %cond3A_83 = arith.cmpi ne, %convert_element_type3A, %cond3A : i32
      scf.if %cond3A_83 {
        %dma_wait3A = arith.constant 0 : i32
        %dma_wait3A_88 = arith.constant 0 : i32
        %dma_wait3A_89 = arith.constant 0 : i32
        %dma_wait3A_90 = tpu.memref_slice %arg8[%dma_wait3A, %dma_wait3A_88, %dma_wait3A_89] : memref<2x125x128xf32, #tpu.memory_space<vmem>> -> memref<1x125x128xf32, #tpu.memory_space<vmem>>
        %dma_wait3A_91 = tpu.memref_squeeze %dma_wait3A_90 : memref<1x125x128xf32, #tpu.memory_space<vmem>> -> memref<125x128xf32, #tpu.memory_space<vmem>>
        %dma_wait3A_92 = arith.constant 0 : i32
        %dma_wait3A_93 = tpu.memref_slice %arg6[%scan3A_80, %dma_wait3A_92] : memref<40x125xi32, #tpu.memory_space<vmem>> -> memref<1x125xi32, #tpu.memory_space<vmem>>
        %dma_wait3A_94 = tpu.memref_squeeze %dma_wait3A_93 : memref<1x125xi32, #tpu.memory_space<vmem>> -> memref<125xi32, #tpu.memory_space<vmem>>
        %dma_wait3A_95 = arith.constant 0 : i32
        %dma_wait3A_96 = arith.constant 0 : i32
        %dma_wait3A_97 = tpu.memref_slice %arg2[%dma_wait3A_95, %dma_wait3A_96] : memref<10000x128xf32, #tpu.memory_space<hbm>> -> memref<10000x128xf32, #tpu.memory_space<hbm>>
        tpu.wait_indirect_dma semaphore(%arg11 : memref<!tpu.dma_semaphore, #tpu.memory_space<semaphore_mem>>) src(%dma_wait3A_97 : memref<10000x128xf32, #tpu.memory_space<hbm>>) dst(%dma_wait3A_91 : memref<125x128xf32, #tpu.memory_space<vmem>>)
        %run_scoped3A = arith.constant 0 : i32
        "tpu.region"() ({
          %run_scoped3A_104 = tpu.sem_alloc : memref<!tpu.dma_semaphore, #tpu.memory_space<semaphore_mem>>
          %dma_start3A_105 = arith.constant 0 : i32
          %dma_start3A_106 = arith.constant 0 : i32
          %dma_start3A_107 = tpu.memref_slice %arg8[%run_scoped3A, %dma_start3A_105, %dma_start3A_106] : memref<2x125x128xf32, #tpu.memory_space<vmem>> -> memref<1x125x128xf32, #tpu.memory_space<vmem>>
          %dma_start3A_108 = tpu.memref_squeeze %dma_start3A_107 : memref<1x125x128xf32, #tpu.memory_space<vmem>> -> memref<125x128xf32, #tpu.memory_space<vmem>>
          %dma_start3A_109 = arith.constant 0 : i32
          %dma_start3A_110 = tpu.memref_slice %arg7[%scan3A_80, %dma_start3A_109] : memref<40x125xi32, #tpu.memory_space<vmem>> -> memref<1x125xi32, #tpu.memory_space<vmem>>
          %dma_start3A_111 = tpu.memref_squeeze %dma_start3A_110 : memref<1x125xi32, #tpu.memory_space<vmem>> -> memref<125xi32, #tpu.memory_space<vmem>>
          %dma_start3A_112 = arith.constant 0 : i32
          %dma_start3A_113 = arith.constant 0 : i32
          %dma_start3A_114 = tpu.memref_slice %arg10[%dma_start3A_112, %dma_start3A_113] : memref<10240x128xf32, #tpu.memory_space<vmem_shared>> -> memref<10240x128xf32, #tpu.memory_space<vmem_shared>>
          tpu.enqueue_indirect_dma source(%dma_start3A_108 : memref<125x128xf32, #tpu.memory_space<vmem>>) target(%dma_start3A_114 : memref<10240x128xf32, #tpu.memory_space<vmem_shared>>) offsets(%dma_start3A_111 : memref<125xi32, #tpu.memory_space<vmem>>) semaphore(%run_scoped3A_104 : memref<!tpu.dma_semaphore, #tpu.memory_space<semaphore_mem>>) {add = true}
          %dma_wait3A_115 = arith.constant 0 : i32
          %dma_wait3A_116 = arith.constant 0 : i32
          %dma_wait3A_117 = tpu.memref_slice %arg8[%run_scoped3A, %dma_wait3A_115, %dma_wait3A_116] : memref<2x125x128xf32, #tpu.memory_space<vmem>> -> memref<1x125x128xf32, #tpu.memory_space<vmem>>
          %dma_wait3A_118 = tpu.memref_squeeze %dma_wait3A_117 : memref<1x125x128xf32, #tpu.memory_space<vmem>> -> memref<125x128xf32, #tpu.memory_space<vmem>>
          %dma_wait3A_119 = arith.constant 0 : i32
          %dma_wait3A_120 = tpu.memref_slice %arg7[%scan3A_80, %dma_wait3A_119] : memref<40x125xi32, #tpu.memory_space<vmem>> -> memref<1x125xi32, #tpu.memory_space<vmem>>
          %dma_wait3A_121 = tpu.memref_squeeze %dma_wait3A_120 : memref<1x125xi32, #tpu.memory_space<vmem>> -> memref<125xi32, #tpu.memory_space<vmem>>
          %dma_wait3A_122 = arith.constant 0 : i32
          %dma_wait3A_123 = arith.constant 0 : i32
          %dma_wait3A_124 = tpu.memref_slice %arg10[%dma_wait3A_122, %dma_wait3A_123] : memref<10240x128xf32, #tpu.memory_space<vmem_shared>> -> memref<10240x128xf32, #tpu.memory_space<vmem_shared>>
          tpu.wait_indirect_dma semaphore(%run_scoped3A_104 : memref<!tpu.dma_semaphore, #tpu.memory_space<semaphore_mem>>) src(%dma_wait3A_118 : memref<125x128xf32, #tpu.memory_space<vmem>>) dst(%dma_wait3A_124 : memref<10240x128xf32, #tpu.memory_space<vmem_shared>>)
          tpu.yield
        }) : () -> ()
        %add3A_98 = arith.constant 2 : i32
        %add3A_99 = arith.addi %scan3A_80, %add3A_98 : i32
        %lt3A = arith.constant 40 : i32
        %lt3A_100 = arith.cmpi slt, %add3A_99, %lt3A : i32
        %convert_element_type3A_101 = arith.extui %lt3A_100 : i1 to i32
        %cond3A_102 = arith.constant 0 : i32
        %cond3A_103 = arith.cmpi ne, %convert_element_type3A_101, %cond3A_102 : i32
        scf.if %cond3A_103 {
          %add3A_104 = arith.constant 2 : i32
          %add3A_105 = arith.addi %scan3A_80, %add3A_104 : i32
          %dma_start3A_106 = arith.constant 0 : i32
          %dma_start3A_107 = arith.constant 0 : i32
          %dma_start3A_108 = arith.constant 0 : i32
          %dma_start3A_109 = tpu.memref_slice %arg8[%dma_start3A_106, %dma_start3A_107, %dma_start3A_108] : memref<2x125x128xf32, #tpu.memory_space<vmem>> -> memref<1x125x128xf32, #tpu.memory_space<vmem>>
          %dma_start3A_110 = tpu.memref_squeeze %dma_start3A_109 : memref<1x125x128xf32, #tpu.memory_space<vmem>> -> memref<125x128xf32, #tpu.memory_space<vmem>>
          %dma_start3A_111 = arith.constant 0 : i32
          %dma_start3A_112 = tpu.memref_slice %arg6[%add3A_105, %dma_start3A_111] : memref<40x125xi32, #tpu.memory_space<vmem>> -> memref<1x125xi32, #tpu.memory_space<vmem>>
          %dma_start3A_113 = tpu.memref_squeeze %dma_start3A_112 : memref<1x125xi32, #tpu.memory_space<vmem>> -> memref<125xi32, #tpu.memory_space<vmem>>
          %dma_start3A_114 = arith.constant 0 : i32
          %dma_start3A_115 = arith.constant 0 : i32
          %dma_start3A_116 = tpu.memref_slice %arg2[%dma_start3A_114, %dma_start3A_115] : memref<10000x128xf32, #tpu.memory_space<hbm>> -> memref<10000x128xf32, #tpu.memory_space<hbm>>
          tpu.enqueue_indirect_dma source(%dma_start3A_116 : memref<10000x128xf32, #tpu.memory_space<hbm>>) target(%dma_start3A_110 : memref<125x128xf32, #tpu.memory_space<vmem>>) offsets(%dma_start3A_113 : memref<125xi32, #tpu.memory_space<vmem>>) semaphore(%arg11 : memref<!tpu.dma_semaphore, #tpu.memory_space<semaphore_mem>>)
        } else {
        }
      } else {
      }
      %not3A = arith.constant true
      %not3A_84 = arith.xori %eq3A_82, %not3A : i1
      %convert_element_type3A_85 = arith.extui %not3A_84 : i1 to i32
      %cond3A_86 = arith.constant 0 : i32
      %cond3A_87 = arith.cmpi ne, %convert_element_type3A_85, %cond3A_86 : i32
      scf.if %cond3A_87 {
        %dma_wait3A = arith.constant 1 : i32
        %dma_wait3A_88 = arith.constant 0 : i32
        %dma_wait3A_89 = arith.constant 0 : i32
        %dma_wait3A_90 = tpu.memref_slice %arg8[%dma_wait3A, %dma_wait3A_88, %dma_wait3A_89] : memref<2x125x128xf32, #tpu.memory_space<vmem>> -> memref<1x125x128xf32, #tpu.memory_space<vmem>>
        %dma_wait3A_91 = tpu.memref_squeeze %dma_wait3A_90 : memref<1x125x128xf32, #tpu.memory_space<vmem>> -> memref<125x128xf32, #tpu.memory_space<vmem>>
        %dma_wait3A_92 = arith.constant 0 : i32
        %dma_wait3A_93 = tpu.memref_slice %arg6[%scan3A_80, %dma_wait3A_92] : memref<40x125xi32, #tpu.memory_space<vmem>> -> memref<1x125xi32, #tpu.memory_space<vmem>>
        %dma_wait3A_94 = tpu.memref_squeeze %dma_wait3A_93 : memref<1x125xi32, #tpu.memory_space<vmem>> -> memref<125xi32, #tpu.memory_space<vmem>>
        %dma_wait3A_95 = arith.constant 0 : i32
        %dma_wait3A_96 = arith.constant 0 : i32
        %dma_wait3A_97 = tpu.memref_slice %arg2[%dma_wait3A_95, %dma_wait3A_96] : memref<10000x128xf32, #tpu.memory_space<hbm>> -> memref<10000x128xf32, #tpu.memory_space<hbm>>
        tpu.wait_indirect_dma semaphore(%arg12 : memref<!tpu.dma_semaphore, #tpu.memory_space<semaphore_mem>>) src(%dma_wait3A_97 : memref<10000x128xf32, #tpu.memory_space<hbm>>) dst(%dma_wait3A_91 : memref<125x128xf32, #tpu.memory_space<vmem>>)
        %run_scoped3A = arith.constant 1 : i32
        "tpu.region"() ({
          %run_scoped3A_104 = tpu.sem_alloc : memref<!tpu.dma_semaphore, #tpu.memory_space<semaphore_mem>>
          %dma_start3A_105 = arith.constant 0 : i32
          %dma_start3A_106 = arith.constant 0 : i32
          %dma_start3A_107 = tpu.memref_slice %arg8[%run_scoped3A, %dma_start3A_105, %dma_start3A_106] : memref<2x125x128xf32, #tpu.memory_space<vmem>> -> memref<1x125x128xf32, #tpu.memory_space<vmem>>
          %dma_start3A_108 = tpu.memref_squeeze %dma_start3A_107 : memref<1x125x128xf32, #tpu.memory_space<vmem>> -> memref<125x128xf32, #tpu.memory_space<vmem>>
          %dma_start3A_109 = arith.constant 0 : i32
          %dma_start3A_110 = tpu.memref_slice %arg7[%scan3A_80, %dma_start3A_109] : memref<40x125xi32, #tpu.memory_space<vmem>> -> memref<1x125xi32, #tpu.memory_space<vmem>>
          %dma_start3A_111 = tpu.memref_squeeze %dma_start3A_110 : memref<1x125xi32, #tpu.memory_space<vmem>> -> memref<125xi32, #tpu.memory_space<vmem>>
          %dma_start3A_112 = arith.constant 0 : i32
          %dma_start3A_113 = arith.constant 0 : i32
          %dma_start3A_114 = tpu.memref_slice %arg10[%dma_start3A_112, %dma_start3A_113] : memref<10240x128xf32, #tpu.memory_space<vmem_shared>> -> memref<10240x128xf32, #tpu.memory_space<vmem_shared>>
          tpu.enqueue_indirect_dma source(%dma_start3A_108 : memref<125x128xf32, #tpu.memory_space<vmem>>) target(%dma_start3A_114 : memref<10240x128xf32, #tpu.memory_space<vmem_shared>>) offsets(%dma_start3A_111 : memref<125xi32, #tpu.memory_space<vmem>>) semaphore(%run_scoped3A_104 : memref<!tpu.dma_semaphore, #tpu.memory_space<semaphore_mem>>) {add = true}
          %dma_wait3A_115 = arith.constant 0 : i32
          %dma_wait3A_116 = arith.constant 0 : i32
          %dma_wait3A_117 = tpu.memref_slice %arg8[%run_scoped3A, %dma_wait3A_115, %dma_wait3A_116] : memref<2x125x128xf32, #tpu.memory_space<vmem>> -> memref<1x125x128xf32, #tpu.memory_space<vmem>>
          %dma_wait3A_118 = tpu.memref_squeeze %dma_wait3A_117 : memref<1x125x128xf32, #tpu.memory_space<vmem>> -> memref<125x128xf32, #tpu.memory_space<vmem>>
          %dma_wait3A_119 = arith.constant 0 : i32
          %dma_wait3A_120 = tpu.memref_slice %arg7[%scan3A_80, %dma_wait3A_119] : memref<40x125xi32, #tpu.memory_space<vmem>> -> memref<1x125xi32, #tpu.memory_space<vmem>>
          %dma_wait3A_121 = tpu.memref_squeeze %dma_wait3A_120 : memref<1x125xi32, #tpu.memory_space<vmem>> -> memref<125xi32, #tpu.memory_space<vmem>>
          %dma_wait3A_122 = arith.constant 0 : i32
          %dma_wait3A_123 = arith.constant 0 : i32
          %dma_wait3A_124 = tpu.memref_slice %arg10[%dma_wait3A_122, %dma_wait3A_123] : memref<10240x128xf32, #tpu.memory_space<vmem_shared>> -> memref<10240x128xf32, #tpu.memory_space<vmem_shared>>
          tpu.wait_indirect_dma semaphore(%run_scoped3A_104 : memref<!tpu.dma_semaphore, #tpu.memory_space<semaphore_mem>>) src(%dma_wait3A_118 : memref<125x128xf32, #tpu.memory_space<vmem>>) dst(%dma_wait3A_124 : memref<10240x128xf32, #tpu.memory_space<vmem_shared>>)
          tpu.yield
        }) : () -> ()
        %add3A_98 = arith.constant 2 : i32
        %add3A_99 = arith.addi %scan3A_80, %add3A_98 : i32
        %lt3A = arith.constant 40 : i32
        %lt3A_100 = arith.cmpi slt, %add3A_99, %lt3A : i32
        %convert_element_type3A_101 = arith.extui %lt3A_100 : i1 to i32
        %cond3A_102 = arith.constant 0 : i32
        %cond3A_103 = arith.cmpi ne, %convert_element_type3A_101, %cond3A_102 : i32
        scf.if %cond3A_103 {
          %add3A_104 = arith.constant 2 : i32
          %add3A_105 = arith.addi %scan3A_80, %add3A_104 : i32
          %dma_start3A_106 = arith.constant 1 : i32
          %dma_start3A_107 = arith.constant 0 : i32
          %dma_start3A_108 = arith.constant 0 : i32
          %dma_start3A_109 = tpu.memref_slice %arg8[%dma_start3A_106, %dma_start3A_107, %dma_start3A_108] : memref<2x125x128xf32, #tpu.memory_space<vmem>> -> memref<1x125x128xf32, #tpu.memory_space<vmem>>
          %dma_start3A_110 = tpu.memref_squeeze %dma_start3A_109 : memref<1x125x128xf32, #tpu.memory_space<vmem>> -> memref<125x128xf32, #tpu.memory_space<vmem>>
          %dma_start3A_111 = arith.constant 0 : i32
          %dma_start3A_112 = tpu.memref_slice %arg6[%add3A_105, %dma_start3A_111] : memref<40x125xi32, #tpu.memory_space<vmem>> -> memref<1x125xi32, #tpu.memory_space<vmem>>
          %dma_start3A_113 = tpu.memref_squeeze %dma_start3A_112 : memref<1x125xi32, #tpu.memory_space<vmem>> -> memref<125xi32, #tpu.memory_space<vmem>>
          %dma_start3A_114 = arith.constant 0 : i32
          %dma_start3A_115 = arith.constant 0 : i32
          %dma_start3A_116 = tpu.memref_slice %arg2[%dma_start3A_114, %dma_start3A_115] : memref<10000x128xf32, #tpu.memory_space<hbm>> -> memref<10000x128xf32, #tpu.memory_space<hbm>>
          tpu.enqueue_indirect_dma source(%dma_start3A_116 : memref<10000x128xf32, #tpu.memory_space<hbm>>) target(%dma_start3A_110 : memref<125x128xf32, #tpu.memory_space<vmem>>) offsets(%dma_start3A_113 : memref<125xi32, #tpu.memory_space<vmem>>) semaphore(%arg12 : memref<!tpu.dma_semaphore, #tpu.memory_space<semaphore_mem>>)
        } else {
        }
      } else {
      }
    }
    %scan3A_41 = arith.constant 40 : i32
    %mul3A_42 = arith.constant 80 : i32
    %mul3A_43 = arith.muli %add3A, %mul3A_42 : i32
    %add3A_44 = arith.constant 40 : i32
    %add3A_45 = arith.addi %mul3A_43, %add3A_44 : i32
    "tpu.region"() ({
      %run_scoped3A = tpu.sem_alloc : memref<!tpu.dma_semaphore, #tpu.memory_space<semaphore_mem>>
      %dma_start3A_80 = arith.constant 0 : i32
      %dma_start3A_81 = tpu.memref_slice %arg3[%add3A_45, %dma_start3A_80] : memref<2560x125xi32, #tpu.memory_space<hbm>> -> memref<40x125xi32, #tpu.memory_space<hbm>>
      %dma_start3A_82 = arith.constant 0 : i32
      %dma_start3A_83 = tpu.memref_slice %arg3[%add3A_45, %dma_start3A_82] : memref<2560x125xi32, #tpu.memory_space<hbm>> -> memref<40x125xi32, #tpu.memory_space<hbm>>
      tpu.enqueue_dma source(%dma_start3A_83 : memref<40x125xi32, #tpu.memory_space<hbm>>) target(%arg6 : memref<40x125xi32, #tpu.memory_space<vmem>>) target_semaphore(%run_scoped3A : memref<!tpu.dma_semaphore, #tpu.memory_space<semaphore_mem>>)
      %dma_wait3A = arith.constant 0 : i32
      %dma_wait3A_84 = tpu.memref_slice %arg3[%add3A_45, %dma_wait3A] : memref<2560x125xi32, #tpu.memory_space<hbm>> -> memref<40x125xi32, #tpu.memory_space<hbm>>
      %dma_wait3A_85 = arith.constant 0 : i32
      %dma_wait3A_86 = tpu.memref_slice %arg3[%add3A_45, %dma_wait3A_85] : memref<2560x125xi32, #tpu.memory_space<hbm>> -> memref<40x125xi32, #tpu.memory_space<hbm>>
      tpu.wait_dma2 semaphore(%run_scoped3A : memref<!tpu.dma_semaphore, #tpu.memory_space<semaphore_mem>>) src(%dma_wait3A_86 : memref<40x125xi32, #tpu.memory_space<hbm>>) dst(%arg6 : memref<40x125xi32, #tpu.memory_space<vmem>>)
      tpu.yield
    }) : () -> ()
    "tpu.region"() ({
      %run_scoped3A = tpu.sem_alloc : memref<!tpu.dma_semaphore, #tpu.memory_space<semaphore_mem>>
      %dma_start3A_80 = arith.constant 0 : i32
      %dma_start3A_81 = tpu.memref_slice %arg4[%add3A_45, %dma_start3A_80] : memref<2560x125xi32, #tpu.memory_space<hbm>> -> memref<40x125xi32, #tpu.memory_space<hbm>>
      %dma_start3A_82 = arith.constant 0 : i32
      %dma_start3A_83 = tpu.memref_slice %arg4[%add3A_45, %dma_start3A_82] : memref<2560x125xi32, #tpu.memory_space<hbm>> -> memref<40x125xi32, #tpu.memory_space<hbm>>
      tpu.enqueue_dma source(%dma_start3A_83 : memref<40x125xi32, #tpu.memory_space<hbm>>) target(%arg7 : memref<40x125xi32, #tpu.memory_space<vmem>>) target_semaphore(%run_scoped3A : memref<!tpu.dma_semaphore, #tpu.memory_space<semaphore_mem>>)
      %dma_wait3A = arith.constant 0 : i32
      %dma_wait3A_84 = tpu.memref_slice %arg4[%add3A_45, %dma_wait3A] : memref<2560x125xi32, #tpu.memory_space<hbm>> -> memref<40x125xi32, #tpu.memory_space<hbm>>
      %dma_wait3A_85 = arith.constant 0 : i32
      %dma_wait3A_86 = tpu.memref_slice %arg4[%add3A_45, %dma_wait3A_85] : memref<2560x125xi32, #tpu.memory_space<hbm>> -> memref<40x125xi32, #tpu.memory_space<hbm>>
      tpu.wait_dma2 semaphore(%run_scoped3A : memref<!tpu.dma_semaphore, #tpu.memory_space<semaphore_mem>>) src(%dma_wait3A_86 : memref<40x125xi32, #tpu.memory_space<hbm>>) dst(%arg7 : memref<40x125xi32, #tpu.memory_space<vmem>>)
      tpu.yield
    }) : () -> ()
    %dma_start3A_46 = arith.constant 0 : i32
    %dma_start3A_47 = arith.constant 0 : i32
    %dma_start3A_48 = arith.constant 0 : i32
    %dma_start3A_49 = arith.constant 0 : i32
    %dma_start3A_50 = tpu.memref_slice %arg8[%dma_start3A_47, %dma_start3A_48, %dma_start3A_49] : memref<2x125x128xf32, #tpu.memory_space<vmem>> -> memref<1x125x128xf32, #tpu.memory_space<vmem>>
    %dma_start3A_51 = tpu.memref_squeeze %dma_start3A_50 : memref<1x125x128xf32, #tpu.memory_space<vmem>> -> memref<125x128xf32, #tpu.memory_space<vmem>>
    %dma_start3A_52 = arith.constant 0 : i32
    %dma_start3A_53 = tpu.memref_slice %arg6[%dma_start3A_46, %dma_start3A_52] : memref<40x125xi32, #tpu.memory_space<vmem>> -> memref<1x125xi32, #tpu.memory_space<vmem>>
    %dma_start3A_54 = tpu.memref_squeeze %dma_start3A_53 : memref<1x125xi32, #tpu.memory_space<vmem>> -> memref<125xi32, #tpu.memory_space<vmem>>
    %dma_start3A_55 = arith.constant 0 : i32
    %dma_start3A_56 = arith.constant 0 : i32
    %dma_start3A_57 = tpu.memref_slice %arg2[%dma_start3A_55, %dma_start3A_56] : memref<10000x128xf32, #tpu.memory_space<hbm>> -> memref<10000x128xf32, #tpu.memory_space<hbm>>
    tpu.enqueue_indirect_dma source(%dma_start3A_57 : memref<10000x128xf32, #tpu.memory_space<hbm>>) target(%dma_start3A_51 : memref<125x128xf32, #tpu.memory_space<vmem>>) offsets(%dma_start3A_54 : memref<125xi32, #tpu.memory_space<vmem>>) semaphore(%arg11 : memref<!tpu.dma_semaphore, #tpu.memory_space<semaphore_mem>>)
    %dma_start3A_58 = arith.constant 1 : i32
    %dma_start3A_59 = arith.constant 1 : i32
    %dma_start3A_60 = arith.constant 0 : i32
    %dma_start3A_61 = arith.constant 0 : i32
    %dma_start3A_62 = tpu.memref_slice %arg8[%dma_start3A_59, %dma_start3A_60, %dma_start3A_61] : memref<2x125x128xf32, #tpu.memory_space<vmem>> -> memref<1x125x128xf32, #tpu.memory_space<vmem>>
    %dma_start3A_63 = tpu.memref_squeeze %dma_start3A_62 : memref<1x125x128xf32, #tpu.memory_space<vmem>> -> memref<125x128xf32, #tpu.memory_space<vmem>>
    %dma_start3A_64 = arith.constant 0 : i32
    %dma_start3A_65 = tpu.memref_slice %arg6[%dma_start3A_58, %dma_start3A_64] : memref<40x125xi32, #tpu.memory_space<vmem>> -> memref<1x125xi32, #tpu.memory_space<vmem>>
    %dma_start3A_66 = tpu.memref_squeeze %dma_start3A_65 : memref<1x125xi32, #tpu.memory_space<vmem>> -> memref<125xi32, #tpu.memory_space<vmem>>
    %dma_start3A_67 = arith.constant 0 : i32
    %dma_start3A_68 = arith.constant 0 : i32
    %dma_start3A_69 = tpu.memref_slice %arg2[%dma_start3A_67, %dma_start3A_68] : memref<10000x128xf32, #tpu.memory_space<hbm>> -> memref<10000x128xf32, #tpu.memory_space<hbm>>
    tpu.enqueue_indirect_dma source(%dma_start3A_69 : memref<10000x128xf32, #tpu.memory_space<hbm>>) target(%dma_start3A_63 : memref<125x128xf32, #tpu.memory_space<vmem>>) offsets(%dma_start3A_66 : memref<125xi32, #tpu.memory_space<vmem>>) semaphore(%arg12 : memref<!tpu.dma_semaphore, #tpu.memory_space<semaphore_mem>>)
    %scan3A_70 = arith.constant 0 : i32
    %scan3A_71 = arith.constant 40 : i32
    %scan3A_72 = arith.addi %scan3A_70, %scan3A_71 : i32
    %scan3A_73 = arith.constant 1 : i32
    scf.for %scan3A_80 = %scan3A_70 to %scan3A_72 step %scan3A_73  : i32 {
      %rem3A = arith.constant 2 : i32
      %rem3A_81 = arith.remsi %scan3A_80, %rem3A : i32
      %eq3A = arith.constant 0 : i32
      %eq3A_82 = arith.cmpi eq, %rem3A_81, %eq3A : i32
      %convert_element_type3A = arith.extui %eq3A_82 : i1 to i32
      %cond3A = arith.constant 0 : i32
      %cond3A_83 = arith.cmpi ne, %convert_element_type3A, %cond3A : i32
      scf.if %cond3A_83 {
        %dma_wait3A = arith.constant 0 : i32
        %dma_wait3A_88 = arith.constant 0 : i32
        %dma_wait3A_89 = arith.constant 0 : i32
        %dma_wait3A_90 = tpu.memref_slice %arg8[%dma_wait3A, %dma_wait3A_88, %dma_wait3A_89] : memref<2x125x128xf32, #tpu.memory_space<vmem>> -> memref<1x125x128xf32, #tpu.memory_space<vmem>>
        %dma_wait3A_91 = tpu.memref_squeeze %dma_wait3A_90 : memref<1x125x128xf32, #tpu.memory_space<vmem>> -> memref<125x128xf32, #tpu.memory_space<vmem>>
        %dma_wait3A_92 = arith.constant 0 : i32
        %dma_wait3A_93 = tpu.memref_slice %arg6[%scan3A_80, %dma_wait3A_92] : memref<40x125xi32, #tpu.memory_space<vmem>> -> memref<1x125xi32, #tpu.memory_space<vmem>>
        %dma_wait3A_94 = tpu.memref_squeeze %dma_wait3A_93 : memref<1x125xi32, #tpu.memory_space<vmem>> -> memref<125xi32, #tpu.memory_space<vmem>>
        %dma_wait3A_95 = arith.constant 0 : i32
        %dma_wait3A_96 = arith.constant 0 : i32
        %dma_wait3A_97 = tpu.memref_slice %arg2[%dma_wait3A_95, %dma_wait3A_96] : memref<10000x128xf32, #tpu.memory_space<hbm>> -> memref<10000x128xf32, #tpu.memory_space<hbm>>
        tpu.wait_indirect_dma semaphore(%arg11 : memref<!tpu.dma_semaphore, #tpu.memory_space<semaphore_mem>>) src(%dma_wait3A_97 : memref<10000x128xf32, #tpu.memory_space<hbm>>) dst(%dma_wait3A_91 : memref<125x128xf32, #tpu.memory_space<vmem>>)
        %run_scoped3A = arith.constant 0 : i32
        "tpu.region"() ({
          %run_scoped3A_104 = tpu.sem_alloc : memref<!tpu.dma_semaphore, #tpu.memory_space<semaphore_mem>>
          %dma_start3A_105 = arith.constant 0 : i32
          %dma_start3A_106 = arith.constant 0 : i32
          %dma_start3A_107 = tpu.memref_slice %arg8[%run_scoped3A, %dma_start3A_105, %dma_start3A_106] : memref<2x125x128xf32, #tpu.memory_space<vmem>> -> memref<1x125x128xf32, #tpu.memory_space<vmem>>
          %dma_start3A_108 = tpu.memref_squeeze %dma_start3A_107 : memref<1x125x128xf32, #tpu.memory_space<vmem>> -> memref<125x128xf32, #tpu.memory_space<vmem>>
          %dma_start3A_109 = arith.constant 0 : i32
          %dma_start3A_110 = tpu.memref_slice %arg7[%scan3A_80, %dma_start3A_109] : memref<40x125xi32, #tpu.memory_space<vmem>> -> memref<1x125xi32, #tpu.memory_space<vmem>>
          %dma_start3A_111 = tpu.memref_squeeze %dma_start3A_110 : memref<1x125xi32, #tpu.memory_space<vmem>> -> memref<125xi32, #tpu.memory_space<vmem>>
          %dma_start3A_112 = arith.constant 0 : i32
          %dma_start3A_113 = arith.constant 0 : i32
          %dma_start3A_114 = tpu.memref_slice %arg10[%dma_start3A_112, %dma_start3A_113] : memref<10240x128xf32, #tpu.memory_space<vmem_shared>> -> memref<10240x128xf32, #tpu.memory_space<vmem_shared>>
          tpu.enqueue_indirect_dma source(%dma_start3A_108 : memref<125x128xf32, #tpu.memory_space<vmem>>) target(%dma_start3A_114 : memref<10240x128xf32, #tpu.memory_space<vmem_shared>>) offsets(%dma_start3A_111 : memref<125xi32, #tpu.memory_space<vmem>>) semaphore(%run_scoped3A_104 : memref<!tpu.dma_semaphore, #tpu.memory_space<semaphore_mem>>) {add = true}
          %dma_wait3A_115 = arith.constant 0 : i32
          %dma_wait3A_116 = arith.constant 0 : i32
          %dma_wait3A_117 = tpu.memref_slice %arg8[%run_scoped3A, %dma_wait3A_115, %dma_wait3A_116] : memref<2x125x128xf32, #tpu.memory_space<vmem>> -> memref<1x125x128xf32, #tpu.memory_space<vmem>>
          %dma_wait3A_118 = tpu.memref_squeeze %dma_wait3A_117 : memref<1x125x128xf32, #tpu.memory_space<vmem>> -> memref<125x128xf32, #tpu.memory_space<vmem>>
          %dma_wait3A_119 = arith.constant 0 : i32
          %dma_wait3A_120 = tpu.memref_slice %arg7[%scan3A_80, %dma_wait3A_119] : memref<40x125xi32, #tpu.memory_space<vmem>> -> memref<1x125xi32, #tpu.memory_space<vmem>>
          %dma_wait3A_121 = tpu.memref_squeeze %dma_wait3A_120 : memref<1x125xi32, #tpu.memory_space<vmem>> -> memref<125xi32, #tpu.memory_space<vmem>>
          %dma_wait3A_122 = arith.constant 0 : i32
          %dma_wait3A_123 = arith.constant 0 : i32
          %dma_wait3A_124 = tpu.memref_slice %arg10[%dma_wait3A_122, %dma_wait3A_123] : memref<10240x128xf32, #tpu.memory_space<vmem_shared>> -> memref<10240x128xf32, #tpu.memory_space<vmem_shared>>
          tpu.wait_indirect_dma semaphore(%run_scoped3A_104 : memref<!tpu.dma_semaphore, #tpu.memory_space<semaphore_mem>>) src(%dma_wait3A_118 : memref<125x128xf32, #tpu.memory_space<vmem>>) dst(%dma_wait3A_124 : memref<10240x128xf32, #tpu.memory_space<vmem_shared>>)
          tpu.yield
        }) : () -> ()
        %add3A_98 = arith.constant 2 : i32
        %add3A_99 = arith.addi %scan3A_80, %add3A_98 : i32
        %lt3A = arith.constant 40 : i32
        %lt3A_100 = arith.cmpi slt, %add3A_99, %lt3A : i32
        %convert_element_type3A_101 = arith.extui %lt3A_100 : i1 to i32
        %cond3A_102 = arith.constant 0 : i32
        %cond3A_103 = arith.cmpi ne, %convert_element_type3A_101, %cond3A_102 : i32
        scf.if %cond3A_103 {
          %add3A_104 = arith.constant 2 : i32
          %add3A_105 = arith.addi %scan3A_80, %add3A_104 : i32
          %dma_start3A_106 = arith.constant 0 : i32
          %dma_start3A_107 = arith.constant 0 : i32
          %dma_start3A_108 = arith.constant 0 : i32
          %dma_start3A_109 = tpu.memref_slice %arg8[%dma_start3A_106, %dma_start3A_107, %dma_start3A_108] : memref<2x125x128xf32, #tpu.memory_space<vmem>> -> memref<1x125x128xf32, #tpu.memory_space<vmem>>
          %dma_start3A_110 = tpu.memref_squeeze %dma_start3A_109 : memref<1x125x128xf32, #tpu.memory_space<vmem>> -> memref<125x128xf32, #tpu.memory_space<vmem>>
          %dma_start3A_111 = arith.constant 0 : i32
          %dma_start3A_112 = tpu.memref_slice %arg6[%add3A_105, %dma_start3A_111] : memref<40x125xi32, #tpu.memory_space<vmem>> -> memref<1x125xi32, #tpu.memory_space<vmem>>
          %dma_start3A_113 = tpu.memref_squeeze %dma_start3A_112 : memref<1x125xi32, #tpu.memory_space<vmem>> -> memref<125xi32, #tpu.memory_space<vmem>>
          %dma_start3A_114 = arith.constant 0 : i32
          %dma_start3A_115 = arith.constant 0 : i32
          %dma_start3A_116 = tpu.memref_slice %arg2[%dma_start3A_114, %dma_start3A_115] : memref<10000x128xf32, #tpu.memory_space<hbm>> -> memref<10000x128xf32, #tpu.memory_space<hbm>>
          tpu.enqueue_indirect_dma source(%dma_start3A_116 : memref<10000x128xf32, #tpu.memory_space<hbm>>) target(%dma_start3A_110 : memref<125x128xf32, #tpu.memory_space<vmem>>) offsets(%dma_start3A_113 : memref<125xi32, #tpu.memory_space<vmem>>) semaphore(%arg11 : memref<!tpu.dma_semaphore, #tpu.memory_space<semaphore_mem>>)
        } else {
        }
      } else {
      }
      %not3A = arith.constant true
      %not3A_84 = arith.xori %eq3A_82, %not3A : i1
      %convert_element_type3A_85 = arith.extui %not3A_84 : i1 to i32
      %cond3A_86 = arith.constant 0 : i32
      %cond3A_87 = arith.cmpi ne, %convert_element_type3A_85, %cond3A_86 : i32
      scf.if %cond3A_87 {
        %dma_wait3A = arith.constant 1 : i32
        %dma_wait3A_88 = arith.constant 0 : i32
        %dma_wait3A_89 = arith.constant 0 : i32
        %dma_wait3A_90 = tpu.memref_slice %arg8[%dma_wait3A, %dma_wait3A_88, %dma_wait3A_89] : memref<2x125x128xf32, #tpu.memory_space<vmem>> -> memref<1x125x128xf32, #tpu.memory_space<vmem>>
        %dma_wait3A_91 = tpu.memref_squeeze %dma_wait3A_90 : memref<1x125x128xf32, #tpu.memory_space<vmem>> -> memref<125x128xf32, #tpu.memory_space<vmem>>
        %dma_wait3A_92 = arith.constant 0 : i32
        %dma_wait3A_93 = tpu.memref_slice %arg6[%scan3A_80, %dma_wait3A_92] : memref<40x125xi32, #tpu.memory_space<vmem>> -> memref<1x125xi32, #tpu.memory_space<vmem>>
        %dma_wait3A_94 = tpu.memref_squeeze %dma_wait3A_93 : memref<1x125xi32, #tpu.memory_space<vmem>> -> memref<125xi32, #tpu.memory_space<vmem>>
        %dma_wait3A_95 = arith.constant 0 : i32
        %dma_wait3A_96 = arith.constant 0 : i32
        %dma_wait3A_97 = tpu.memref_slice %arg2[%dma_wait3A_95, %dma_wait3A_96] : memref<10000x128xf32, #tpu.memory_space<hbm>> -> memref<10000x128xf32, #tpu.memory_space<hbm>>
        tpu.wait_indirect_dma semaphore(%arg12 : memref<!tpu.dma_semaphore, #tpu.memory_space<semaphore_mem>>) src(%dma_wait3A_97 : memref<10000x128xf32, #tpu.memory_space<hbm>>) dst(%dma_wait3A_91 : memref<125x128xf32, #tpu.memory_space<vmem>>)
        %run_scoped3A = arith.constant 1 : i32
        "tpu.region"() ({
          %run_scoped3A_104 = tpu.sem_alloc : memref<!tpu.dma_semaphore, #tpu.memory_space<semaphore_mem>>
          %dma_start3A_105 = arith.constant 0 : i32
          %dma_start3A_106 = arith.constant 0 : i32
          %dma_start3A_107 = tpu.memref_slice %arg8[%run_scoped3A, %dma_start3A_105, %dma_start3A_106] : memref<2x125x128xf32, #tpu.memory_space<vmem>> -> memref<1x125x128xf32, #tpu.memory_space<vmem>>
          %dma_start3A_108 = tpu.memref_squeeze %dma_start3A_107 : memref<1x125x128xf32, #tpu.memory_space<vmem>> -> memref<125x128xf32, #tpu.memory_space<vmem>>
          %dma_start3A_109 = arith.constant 0 : i32
          %dma_start3A_110 = tpu.memref_slice %arg7[%scan3A_80, %dma_start3A_109] : memref<40x125xi32, #tpu.memory_space<vmem>> -> memref<1x125xi32, #tpu.memory_space<vmem>>
          %dma_start3A_111 = tpu.memref_squeeze %dma_start3A_110 : memref<1x125xi32, #tpu.memory_space<vmem>> -> memref<125xi32, #tpu.memory_space<vmem>>
          %dma_start3A_112 = arith.constant 0 : i32
          %dma_start3A_113 = arith.constant 0 : i32
          %dma_start3A_114 = tpu.memref_slice %arg10[%dma_start3A_112, %dma_start3A_113] : memref<10240x128xf32, #tpu.memory_space<vmem_shared>> -> memref<10240x128xf32, #tpu.memory_space<vmem_shared>>
          tpu.enqueue_indirect_dma source(%dma_start3A_108 : memref<125x128xf32, #tpu.memory_space<vmem>>) target(%dma_start3A_114 : memref<10240x128xf32, #tpu.memory_space<vmem_shared>>) offsets(%dma_start3A_111 : memref<125xi32, #tpu.memory_space<vmem>>) semaphore(%run_scoped3A_104 : memref<!tpu.dma_semaphore, #tpu.memory_space<semaphore_mem>>) {add = true}
          %dma_wait3A_115 = arith.constant 0 : i32
          %dma_wait3A_116 = arith.constant 0 : i32
          %dma_wait3A_117 = tpu.memref_slice %arg8[%run_scoped3A, %dma_wait3A_115, %dma_wait3A_116] : memref<2x125x128xf32, #tpu.memory_space<vmem>> -> memref<1x125x128xf32, #tpu.memory_space<vmem>>
          %dma_wait3A_118 = tpu.memref_squeeze %dma_wait3A_117 : memref<1x125x128xf32, #tpu.memory_space<vmem>> -> memref<125x128xf32, #tpu.memory_space<vmem>>
          %dma_wait3A_119 = arith.constant 0 : i32
          %dma_wait3A_120 = tpu.memref_slice %arg7[%scan3A_80, %dma_wait3A_119] : memref<40x125xi32, #tpu.memory_space<vmem>> -> memref<1x125xi32, #tpu.memory_space<vmem>>
          %dma_wait3A_121 = tpu.memref_squeeze %dma_wait3A_120 : memref<1x125xi32, #tpu.memory_space<vmem>> -> memref<125xi32, #tpu.memory_space<vmem>>
          %dma_wait3A_122 = arith.constant 0 : i32
          %dma_wait3A_123 = arith.constant 0 : i32
          %dma_wait3A_124 = tpu.memref_slice %arg10[%dma_wait3A_122, %dma_wait3A_123] : memref<10240x128xf32, #tpu.memory_space<vmem_shared>> -> memref<10240x128xf32, #tpu.memory_space<vmem_shared>>
          tpu.wait_indirect_dma semaphore(%run_scoped3A_104 : memref<!tpu.dma_semaphore, #tpu.memory_space<semaphore_mem>>) src(%dma_wait3A_118 : memref<125x128xf32, #tpu.memory_space<vmem>>) dst(%dma_wait3A_124 : memref<10240x128xf32, #tpu.memory_space<vmem_shared>>)
          tpu.yield
        }) : () -> ()
        %add3A_98 = arith.constant 2 : i32
        %add3A_99 = arith.addi %scan3A_80, %add3A_98 : i32
        %lt3A = arith.constant 40 : i32
        %lt3A_100 = arith.cmpi slt, %add3A_99, %lt3A : i32
        %convert_element_type3A_101 = arith.extui %lt3A_100 : i1 to i32
        %cond3A_102 = arith.constant 0 : i32
        %cond3A_103 = arith.cmpi ne, %convert_element_type3A_101, %cond3A_102 : i32
        scf.if %cond3A_103 {
          %add3A_104 = arith.constant 2 : i32
          %add3A_105 = arith.addi %scan3A_80, %add3A_104 : i32
          %dma_start3A_106 = arith.constant 1 : i32
          %dma_start3A_107 = arith.constant 0 : i32
          %dma_start3A_108 = arith.constant 0 : i32
          %dma_start3A_109 = tpu.memref_slice %arg8[%dma_start3A_106, %dma_start3A_107, %dma_start3A_108] : memref<2x125x128xf32, #tpu.memory_space<vmem>> -> memref<1x125x128xf32, #tpu.memory_space<vmem>>
          %dma_start3A_110 = tpu.memref_squeeze %dma_start3A_109 : memref<1x125x128xf32, #tpu.memory_space<vmem>> -> memref<125x128xf32, #tpu.memory_space<vmem>>
          %dma_start3A_111 = arith.constant 0 : i32
          %dma_start3A_112 = tpu.memref_slice %arg6[%add3A_105, %dma_start3A_111] : memref<40x125xi32, #tpu.memory_space<vmem>> -> memref<1x125xi32, #tpu.memory_space<vmem>>
          %dma_start3A_113 = tpu.memref_squeeze %dma_start3A_112 : memref<1x125xi32, #tpu.memory_space<vmem>> -> memref<125xi32, #tpu.memory_space<vmem>>
          %dma_start3A_114 = arith.constant 0 : i32
          %dma_start3A_115 = arith.constant 0 : i32
          %dma_start3A_116 = tpu.memref_slice %arg2[%dma_start3A_114, %dma_start3A_115] : memref<10000x128xf32, #tpu.memory_space<hbm>> -> memref<10000x128xf32, #tpu.memory_space<hbm>>
          tpu.enqueue_indirect_dma source(%dma_start3A_116 : memref<10000x128xf32, #tpu.memory_space<hbm>>) target(%dma_start3A_110 : memref<125x128xf32, #tpu.memory_space<vmem>>) offsets(%dma_start3A_113 : memref<125xi32, #tpu.memory_space<vmem>>) semaphore(%arg12 : memref<!tpu.dma_semaphore, #tpu.memory_space<semaphore_mem>>)
        } else {
        }
      } else {
      }
    }
    %scan3A_74 = arith.constant 40 : i32
    %barrier3A_75 = arith.constant 0 : index
    tpu.barrier barrier_id(%barrier3A_75)
    %mul3A_76 = arith.constant 640 : i32
    %mul3A_77 = arith.muli %arg1, %mul3A_76 : i32
    %mul3A_78 = arith.constant 640 : i32
    %mul3A_79 = arith.muli %arg1, %mul3A_78 : i32
    "tpu.region"() ({
      %run_scoped3A = tpu.sem_alloc : memref<!tpu.dma_semaphore, #tpu.memory_space<semaphore_mem>>
      %dma_start3A_80 = arith.constant 0 : i32
      %dma_start3A_81 = tpu.memref_slice %arg5[%arg0, %mul3A_79, %dma_start3A_80] : memref<2x10240x128xf32, #tpu.memory_space<hbm>> -> memref<1x640x128xf32, #tpu.memory_space<hbm>>
      %dma_start3A_82 = tpu.memref_squeeze %dma_start3A_81 : memref<1x640x128xf32, #tpu.memory_space<hbm>> -> memref<640x128xf32, #tpu.memory_space<hbm>>
      %dma_start3A_83 = arith.constant 0 : i32
      %dma_start3A_84 = tpu.memref_slice %arg10[%mul3A_77, %dma_start3A_83] : memref<10240x128xf32, #tpu.memory_space<vmem_shared>> -> memref<640x128xf32, #tpu.memory_space<vmem_shared>>
      tpu.enqueue_dma source(%dma_start3A_84 : memref<640x128xf32, #tpu.memory_space<vmem_shared>>) target(%dma_start3A_82 : memref<640x128xf32, #tpu.memory_space<hbm>>) target_semaphore(%run_scoped3A : memref<!tpu.dma_semaphore, #tpu.memory_space<semaphore_mem>>)
      %dma_wait3A = arith.constant 0 : i32
      %dma_wait3A_85 = tpu.memref_slice %arg5[%arg0, %mul3A_79, %dma_wait3A] : memref<2x10240x128xf32, #tpu.memory_space<hbm>> -> memref<1x640x128xf32, #tpu.memory_space<hbm>>
      %dma_wait3A_86 = tpu.memref_squeeze %dma_wait3A_85 : memref<1x640x128xf32, #tpu.memory_space<hbm>> -> memref<640x128xf32, #tpu.memory_space<hbm>>
      %dma_wait3A_87 = arith.constant 0 : i32
      %dma_wait3A_88 = tpu.memref_slice %arg10[%mul3A_77, %dma_wait3A_87] : memref<10240x128xf32, #tpu.memory_space<vmem_shared>> -> memref<640x128xf32, #tpu.memory_space<vmem_shared>>
      tpu.wait_dma2 semaphore(%run_scoped3A : memref<!tpu.dma_semaphore, #tpu.memory_space<semaphore_mem>>) src(%dma_wait3A_88 : memref<640x128xf32, #tpu.memory_space<vmem_shared>>) dst(%dma_wait3A_86 : memref<640x128xf32, #tpu.memory_space<hbm>>)
      tpu.yield
    }) : () -> ()
    return
  }
}

#map = affine_map<(d0, d1) -> (0, 0)>
#map1 = affine_map<(d0, d1) -> (0, 0, 0)>
module attributes {stable_mosaic.version = 14 : i64} {
  func.func @prop(%arg0: i32, %arg1: i32, %arg2: memref<10000x128xf32, #tpu.memory_space<hbm>>, %arg3: memref<2560x125xi32, #tpu.memory_space<hbm>>, %arg4: memref<2560x125xi32, #tpu.memory_space<hbm>>, %arg5: memref<2x10240x128xf32, #tpu.memory_space<hbm>>, %arg6: memref<40x125xi32, #tpu.memory_space<vmem>>, %arg7: memref<40x125xi32, #tpu.memory_space<vmem>>, %arg8: memref<2x125x128xf32, #tpu.memory_space<vmem>>, %arg9: memref<32x128xf32, #tpu.memory_space<vmem>>, %arg10: memref<10240x128xf32, #tpu.memory_space<vmem_shared>>, %arg11: memref<!tpu.dma_semaphore, #tpu.memory_space<semaphore_mem>>, %arg12: memref<!tpu.dma_semaphore, #tpu.memory_space<semaphore_mem>>) attributes {dimension_semantics = [#tpu.dimension_semantics<core_parallel>, #tpu.dimension_semantics<subcore_parallel>], iteration_bounds = array<i64: 2, 16>, scalar_prefetch = 0 : i64, scratch_operands = 7 : i64, tpu.core_type = #tpu.core_type<sc_vector_subcore>, window_params = [{transform_indices = #map}, {transform_indices = #map}, {transform_indices = #map}, {transform_indices = #map1}]} {
    %mul3A = arith.constant 16 : i32
    %mul3A_0 = arith.muli %arg0, %mul3A : i32
    %add3A = arith.addi %mul3A_0, %arg1 : i32
    %scan3A = arith.constant 0 : i32
    %scan3A_1 = arith.constant 32 : i32
    %scan3A_2 = arith.addi %scan3A, %scan3A_1 : i32
    %scan3A_3 = arith.constant 1 : i32
    scf.for %scan3A_80 = %scan3A to %scan3A_2 step %scan3A_3  : i32 {
      %broadcast_in_dim3A = arith.constant 0.000000e+00 : f32
      %broadcast_in_dim3A_81 = vector.broadcast %broadcast_in_dim3A : f32 to vector<16xf32>
      %swap3A = arith.index_cast %scan3A_80 : i32 to index
      %swap3A_82 = arith.constant 0 : index
      %swap3A_83 = tpu.vector_load %arg9[%swap3A, %swap3A_82] {strides = array<i32>} : memref<32x128xf32, #tpu.memory_space<vmem>>, vector<1x16xf32>,
      %swap3A_84 = vector.shape_cast %swap3A_83 : vector<1x16xf32> to vector<16xf32>
      %swap3A_85 = vector.shape_cast %broadcast_in_dim3A_81 : vector<16xf32> to vector<1x16xf32>
      tpu.vector_store %arg9[%swap3A, %swap3A_82], %swap3A_85 {strides = array<i32>} : memref<32x128xf32, #tpu.memory_space<vmem>>, vector<1x16xf32>,
      %broadcast_in_dim3A_86 = arith.constant 0.000000e+00 : f32
      %broadcast_in_dim3A_87 = vector.broadcast %broadcast_in_dim3A_86 : f32 to vector<16xf32>
      %swap3A_88 = arith.index_cast %scan3A_80 : i32 to index
      %swap3A_89 = arith.constant 16 : index
      %swap3A_90 = tpu.vector_load %arg9[%swap3A_88, %swap3A_89] {strides = array<i32>} : memref<32x128xf32, #tpu.memory_space<vmem>>, vector<1x16xf32>,
      %swap3A_91 = vector.shape_cast %swap3A_90 : vector<1x16xf32> to vector<16xf32>
      %swap3A_92 = vector.shape_cast %broadcast_in_dim3A_87 : vector<16xf32> to vector<1x16xf32>
      tpu.vector_store %arg9[%swap3A_88, %swap3A_89], %swap3A_92 {strides = array<i32>} : memref<32x128xf32, #tpu.memory_space<vmem>>, vector<1x16xf32>,
      %broadcast_in_dim3A_93 = arith.constant 0.000000e+00 : f32
      %broadcast_in_dim3A_94 = vector.broadcast %broadcast_in_dim3A_93 : f32 to vector<16xf32>
      %swap3A_95 = arith.index_cast %scan3A_80 : i32 to index
      %swap3A_96 = arith.constant 32 : index
      %swap3A_97 = tpu.vector_load %arg9[%swap3A_95, %swap3A_96] {strides = array<i32>} : memref<32x128xf32, #tpu.memory_space<vmem>>, vector<1x16xf32>,
      %swap3A_98 = vector.shape_cast %swap3A_97 : vector<1x16xf32> to vector<16xf32>
      %swap3A_99 = vector.shape_cast %broadcast_in_dim3A_94 : vector<16xf32> to vector<1x16xf32>
      tpu.vector_store %arg9[%swap3A_95, %swap3A_96], %swap3A_99 {strides = array<i32>} : memref<32x128xf32, #tpu.memory_space<vmem>>, vector<1x16xf32>,
      %broadcast_in_dim3A_100 = arith.constant 0.000000e+00 : f32
      %broadcast_in_dim3A_101 = vector.broadcast %broadcast_in_dim3A_100 : f32 to vector<16xf32>
      %swap3A_102 = arith.index_cast %scan3A_80 : i32 to index
      %swap3A_103 = arith.constant 48 : index
      %swap3A_104 = tpu.vector_load %arg9[%swap3A_102, %swap3A_103] {strides = array<i32>} : memref<32x128xf32, #tpu.memory_space<vmem>>, vector<1x16xf32>,
      %swap3A_105 = vector.shape_cast %swap3A_104 : vector<1x16xf32> to vector<16xf32>
      %swap3A_106 = vector.shape_cast %broadcast_in_dim3A_101 : vector<16xf32> to vector<1x16xf32>
      tpu.vector_store %arg9[%swap3A_102, %swap3A_103], %swap3A_106 {strides = array<i32>} : memref<32x128xf32, #tpu.memory_space<vmem>>, vector<1x16xf32>,
      %broadcast_in_dim3A_107 = arith.constant 0.000000e+00 : f32
      %broadcast_in_dim3A_108 = vector.broadcast %broadcast_in_dim3A_107 : f32 to vector<16xf32>
      %swap3A_109 = arith.index_cast %scan3A_80 : i32 to index
      %swap3A_110 = arith.constant 64 : index
      %swap3A_111 = tpu.vector_load %arg9[%swap3A_109, %swap3A_110] {strides = array<i32>} : memref<32x128xf32, #tpu.memory_space<vmem>>, vector<1x16xf32>,
      %swap3A_112 = vector.shape_cast %swap3A_111 : vector<1x16xf32> to vector<16xf32>
      %swap3A_113 = vector.shape_cast %broadcast_in_dim3A_108 : vector<16xf32> to vector<1x16xf32>
      tpu.vector_store %arg9[%swap3A_109, %swap3A_110], %swap3A_113 {strides = array<i32>} : memref<32x128xf32, #tpu.memory_space<vmem>>, vector<1x16xf32>,
      %broadcast_in_dim3A_114 = arith.constant 0.000000e+00 : f32
      %broadcast_in_dim3A_115 = vector.broadcast %broadcast_in_dim3A_114 : f32 to vector<16xf32>
      %swap3A_116 = arith.index_cast %scan3A_80 : i32 to index
      %swap3A_117 = arith.constant 80 : index
      %swap3A_118 = tpu.vector_load %arg9[%swap3A_116, %swap3A_117] {strides = array<i32>} : memref<32x128xf32, #tpu.memory_space<vmem>>, vector<1x16xf32>,
      %swap3A_119 = vector.shape_cast %swap3A_118 : vector<1x16xf32> to vector<16xf32>
      %swap3A_120 = vector.shape_cast %broadcast_in_dim3A_115 : vector<16xf32> to vector<1x16xf32>
      tpu.vector_store %arg9[%swap3A_116, %swap3A_117], %swap3A_120 {strides = array<i32>} : memref<32x128xf32, #tpu.memory_space<vmem>>, vector<1x16xf32>,
      %broadcast_in_dim3A_121 = arith.constant 0.000000e+00 : f32
      %broadcast_in_dim3A_122 = vector.broadcast %broadcast_in_dim3A_121 : f32 to vector<16xf32>
      %swap3A_123 = arith.index_cast %scan3A_80 : i32 to index
      %swap3A_124 = arith.constant 96 : index
      %swap3A_125 = tpu.vector_load %arg9[%swap3A_123, %swap3A_124] {strides = array<i32>} : memref<32x128xf32, #tpu.memory_space<vmem>>, vector<1x16xf32>,
      %swap3A_126 = vector.shape_cast %swap3A_125 : vector<1x16xf32> to vector<16xf32>
      %swap3A_127 = vector.shape_cast %broadcast_in_dim3A_122 : vector<16xf32> to vector<1x16xf32>
      tpu.vector_store %arg9[%swap3A_123, %swap3A_124], %swap3A_127 {strides = array<i32>} : memref<32x128xf32, #tpu.memory_space<vmem>>, vector<1x16xf32>,
      %broadcast_in_dim3A_128 = arith.constant 0.000000e+00 : f32
      %broadcast_in_dim3A_129 = vector.broadcast %broadcast_in_dim3A_128 : f32 to vector<16xf32>
      %swap3A_130 = arith.index_cast %scan3A_80 : i32 to index
      %swap3A_131 = arith.constant 112 : index
      %swap3A_132 = tpu.vector_load %arg9[%swap3A_130, %swap3A_131] {strides = array<i32>} : memref<32x128xf32, #tpu.memory_space<vmem>>, vector<1x16xf32>,
      %swap3A_133 = vector.shape_cast %swap3A_132 : vector<1x16xf32> to vector<16xf32>
      %swap3A_134 = vector.shape_cast %broadcast_in_dim3A_129 : vector<16xf32> to vector<1x16xf32>
      tpu.vector_store %arg9[%swap3A_130, %swap3A_131], %swap3A_134 {strides = array<i32>} : memref<32x128xf32, #tpu.memory_space<vmem>>, vector<1x16xf32>,
    }
    %scan3A_4 = arith.constant 32 : i32
    %scan3A_5 = arith.constant 0 : i32
    %scan3A_6 = arith.constant 20 : i32
    %scan3A_7 = arith.addi %scan3A_5, %scan3A_6 : i32
    %scan3A_8 = arith.constant 1 : i32
    scf.for %scan3A_80 = %scan3A_5 to %scan3A_7 step %scan3A_8  : i32 {
      %mul3A_81 = arith.constant 640 : i32
      %mul3A_82 = arith.muli %arg1, %mul3A_81 : i32
      %mul3A_83 = arith.constant 32 : i32
      %mul3A_84 = arith.muli %scan3A_80, %mul3A_83 : i32
      %add3A_85 = arith.addi %mul3A_82, %mul3A_84 : i32
      "tpu.region"() ({
        %run_scoped3A = tpu.sem_alloc : memref<!tpu.dma_semaphore, #tpu.memory_space<semaphore_mem>>
        %dma_start3A_86 = arith.constant 0 : i32
        %dma_start3A_87 = tpu.memref_slice %arg10[%add3A_85, %dma_start3A_86] : memref<10240x128xf32, #tpu.memory_space<vmem_shared>> -> memref<32x128xf32, #tpu.memory_space<vmem_shared>>
        %dma_start3A_88 = arith.constant 0 : i32
        %dma_start3A_89 = tpu.memref_slice %arg10[%add3A_85, %dma_start3A_88] : memref<10240x128xf32, #tpu.memory_space<vmem_shared>> -> memref<32x128xf32, #tpu.memory_space<vmem_shared>>
        tpu.enqueue_dma source(%arg9 : memref<32x128xf32, #tpu.memory_space<vmem>>) target(%dma_start3A_89 : memref<32x128xf32, #tpu.memory_space<vmem_shared>>) target_semaphore(%run_scoped3A : memref<!tpu.dma_semaphore, #tpu.memory_space<semaphore_mem>>)
        %dma_wait3A = arith.constant 0 : i32
        %dma_wait3A_90 = tpu.memref_slice %arg10[%add3A_85, %dma_wait3A] : memref<10240x128xf32, #tpu.memory_space<vmem_shared>> -> memref<32x128xf32, #tpu.memory_space<vmem_shared>>
        %dma_wait3A_91 = arith.constant 0 : i32
        %dma_wait3A_92 = tpu.memref_slice %arg10[%add3A_85, %dma_wait3A_91] : memref<10240x128xf32, #tpu.memory_space<vmem_shared>> -> memref<32x128xf32, #tpu.memory_space<vmem_shared>>
        tpu.wait_dma2 semaphore(%run_scoped3A : memref<!tpu.dma_semaphore, #tpu.memory_space<semaphore_mem>>) src(%arg9 : memref<32x128xf32, #tpu.memory_space<vmem>>) dst(%dma_wait3A_92 : memref<32x128xf32, #tpu.memory_space<vmem_shared>>)
        tpu.yield
      }) : () -> ()
    }
    %scan3A_9 = arith.constant 20 : i32
    %barrier3A = arith.constant 0 : index
    tpu.barrier barrier_id(%barrier3A)
    %mul3A_10 = arith.constant 80 : i32
    %mul3A_11 = arith.muli %add3A, %mul3A_10 : i32
    %add3A_12 = arith.constant 0 : i32
    %add3A_13 = arith.addi %mul3A_11, %add3A_12 : i32
    "tpu.region"() ({
      %run_scoped3A = tpu.sem_alloc : memref<!tpu.dma_semaphore, #tpu.memory_space<semaphore_mem>>
      %dma_start3A_80 = arith.constant 0 : i32
      %dma_start3A_81 = tpu.memref_slice %arg3[%add3A_13, %dma_start3A_80] : memref<2560x125xi32, #tpu.memory_space<hbm>> -> memref<40x125xi32, #tpu.memory_space<hbm>>
      %dma_start3A_82 = arith.constant 0 : i32
      %dma_start3A_83 = tpu.memref_slice %arg3[%add3A_13, %dma_start3A_82] : memref<2560x125xi32, #tpu.memory_space<hbm>> -> memref<40x125xi32, #tpu.memory_space<hbm>>
      tpu.enqueue_dma source(%dma_start3A_83 : memref<40x125xi32, #tpu.memory_space<hbm>>) target(%arg6 : memref<40x125xi32, #tpu.memory_space<vmem>>) target_semaphore(%run_scoped3A : memref<!tpu.dma_semaphore, #tpu.memory_space<semaphore_mem>>)
      %dma_wait3A = arith.constant 0 : i32
      %dma_wait3A_84 = tpu.memref_slice %arg3[%add3A_13, %dma_wait3A] : memref<2560x125xi32, #tpu.memory_space<hbm>> -> memref<40x125xi32, #tpu.memory_space<hbm>>
      %dma_wait3A_85 = arith.constant 0 : i32
      %dma_wait3A_86 = tpu.memref_slice %arg3[%add3A_13, %dma_wait3A_85] : memref<2560x125xi32, #tpu.memory_space<hbm>> -> memref<40x125xi32, #tpu.memory_space<hbm>>
      tpu.wait_dma2 semaphore(%run_scoped3A : memref<!tpu.dma_semaphore, #tpu.memory_space<semaphore_mem>>) src(%dma_wait3A_86 : memref<40x125xi32, #tpu.memory_space<hbm>>) dst(%arg6 : memref<40x125xi32, #tpu.memory_space<vmem>>)
      tpu.yield
    }) : () -> ()
    "tpu.region"() ({
      %run_scoped3A = tpu.sem_alloc : memref<!tpu.dma_semaphore, #tpu.memory_space<semaphore_mem>>
      %dma_start3A_80 = arith.constant 0 : i32
      %dma_start3A_81 = tpu.memref_slice %arg4[%add3A_13, %dma_start3A_80] : memref<2560x125xi32, #tpu.memory_space<hbm>> -> memref<40x125xi32, #tpu.memory_space<hbm>>
      %dma_start3A_82 = arith.constant 0 : i32
      %dma_start3A_83 = tpu.memref_slice %arg4[%add3A_13, %dma_start3A_82] : memref<2560x125xi32, #tpu.memory_space<hbm>> -> memref<40x125xi32, #tpu.memory_space<hbm>>
      tpu.enqueue_dma source(%dma_start3A_83 : memref<40x125xi32, #tpu.memory_space<hbm>>) target(%arg7 : memref<40x125xi32, #tpu.memory_space<vmem>>) target_semaphore(%run_scoped3A : memref<!tpu.dma_semaphore, #tpu.memory_space<semaphore_mem>>)
      %dma_wait3A = arith.constant 0 : i32
      %dma_wait3A_84 = tpu.memref_slice %arg4[%add3A_13, %dma_wait3A] : memref<2560x125xi32, #tpu.memory_space<hbm>> -> memref<40x125xi32, #tpu.memory_space<hbm>>
      %dma_wait3A_85 = arith.constant 0 : i32
      %dma_wait3A_86 = tpu.memref_slice %arg4[%add3A_13, %dma_wait3A_85] : memref<2560x125xi32, #tpu.memory_space<hbm>> -> memref<40x125xi32, #tpu.memory_space<hbm>>
      tpu.wait_dma2 semaphore(%run_scoped3A : memref<!tpu.dma_semaphore, #tpu.memory_space<semaphore_mem>>) src(%dma_wait3A_86 : memref<40x125xi32, #tpu.memory_space<hbm>>) dst(%arg7 : memref<40x125xi32, #tpu.memory_space<vmem>>)
      tpu.yield
    }) : () -> ()
    %dma_start3A = arith.constant 0 : i32
    %dma_start3A_14 = arith.constant 0 : i32
    %dma_start3A_15 = arith.constant 0 : i32
    %dma_start3A_16 = arith.constant 0 : i32
    %dma_start3A_17 = tpu.memref_slice %arg8[%dma_start3A_14, %dma_start3A_15, %dma_start3A_16] : memref<2x125x128xf32, #tpu.memory_space<vmem>> -> memref<1x125x128xf32, #tpu.memory_space<vmem>>
    %dma_start3A_18 = tpu.memref_squeeze %dma_start3A_17 : memref<1x125x128xf32, #tpu.memory_space<vmem>> -> memref<125x128xf32, #tpu.memory_space<vmem>>
    %dma_start3A_19 = arith.constant 0 : i32
    %dma_start3A_20 = tpu.memref_slice %arg6[%dma_start3A, %dma_start3A_19] : memref<40x125xi32, #tpu.memory_space<vmem>> -> memref<1x125xi32, #tpu.memory_space<vmem>>
    %dma_start3A_21 = tpu.memref_squeeze %dma_start3A_20 : memref<1x125xi32, #tpu.memory_space<vmem>> -> memref<125xi32, #tpu.memory_space<vmem>>
    %dma_start3A_22 = arith.constant 0 : i32
    %dma_start3A_23 = arith.constant 0 : i32
    %dma_start3A_24 = tpu.memref_slice %arg2[%dma_start3A_22, %dma_start3A_23] : memref<10000x128xf32, #tpu.memory_space<hbm>> -> memref<10000x128xf32, #tpu.memory_space<hbm>>
    tpu.enqueue_indirect_dma source(%dma_start3A_24 : memref<10000x128xf32, #tpu.memory_space<hbm>>) target(%dma_start3A_18 : memref<125x128xf32, #tpu.memory_space<vmem>>) offsets(%dma_start3A_21 : memref<125xi32, #tpu.memory_space<vmem>>) semaphore(%arg11 : memref<!tpu.dma_semaphore, #tpu.memory_space<semaphore_mem>>)
    %dma_start3A_25 = arith.constant 1 : i32
    %dma_start3A_26 = arith.constant 1 : i32
    %dma_start3A_27 = arith.constant 0 : i32
    %dma_start3A_28 = arith.constant 0 : i32
    %dma_start3A_29 = tpu.memref_slice %arg8[%dma_start3A_26, %dma_start3A_27, %dma_start3A_28] : memref<2x125x128xf32, #tpu.memory_space<vmem>> -> memref<1x125x128xf32, #tpu.memory_space<vmem>>
    %dma_start3A_30 = tpu.memref_squeeze %dma_start3A_29 : memref<1x125x128xf32, #tpu.memory_space<vmem>> -> memref<125x128xf32, #tpu.memory_space<vmem>>
    %dma_start3A_31 = arith.constant 0 : i32
    %dma_start3A_32 = tpu.memref_slice %arg6[%dma_start3A_25, %dma_start3A_31] : memref<40x125xi32, #tpu.memory_space<vmem>> -> memref<1x125xi32, #tpu.memory_space<vmem>>
    %dma_start3A_33 = tpu.memref_squeeze %dma_start3A_32 : memref<1x125xi32, #tpu.memory_space<vmem>> -> memref<125xi32, #tpu.memory_space<vmem>>
    %dma_start3A_34 = arith.constant 0 : i32
    %dma_start3A_35 = arith.constant 0 : i32
    %dma_start3A_36 = tpu.memref_slice %arg2[%dma_start3A_34, %dma_start3A_35] : memref<10000x128xf32, #tpu.memory_space<hbm>> -> memref<10000x128xf32, #tpu.memory_space<hbm>>
    tpu.enqueue_indirect_dma source(%dma_start3A_36 : memref<10000x128xf32, #tpu.memory_space<hbm>>) target(%dma_start3A_30 : memref<125x128xf32, #tpu.memory_space<vmem>>) offsets(%dma_start3A_33 : memref<125xi32, #tpu.memory_space<vmem>>) semaphore(%arg12 : memref<!tpu.dma_semaphore, #tpu.memory_space<semaphore_mem>>)
    %scan3A_37 = arith.constant 0 : i32
    %scan3A_38 = arith.constant 40 : i32
    %scan3A_39 = arith.addi %scan3A_37, %scan3A_38 : i32
    %scan3A_40 = arith.constant 1 : i32
    scf.for %scan3A_80 = %scan3A_37 to %scan3A_39 step %scan3A_40  : i32 {
      %rem3A = arith.constant 2 : i32
      %rem3A_81 = arith.remsi %scan3A_80, %rem3A : i32
      %eq3A = arith.constant 0 : i32
      %eq3A_82 = arith.cmpi eq, %rem3A_81, %eq3A : i32
      %convert_element_type3A = arith.extui %eq3A_82 : i1 to i32
      %cond3A = arith.constant 0 : i32
      %cond3A_83 = arith.cmpi ne, %convert_element_type3A, %cond3A : i32
      scf.if %cond3A_83 {
        %dma_wait3A = arith.constant 0 : i32
        %dma_wait3A_88 = arith.constant 0 : i32
        %dma_wait3A_89 = arith.constant 0 : i32
        %dma_wait3A_90 = tpu.memref_slice %arg8[%dma_wait3A, %dma_wait3A_88, %dma_wait3A_89] : memref<2x125x128xf32, #tpu.memory_space<vmem>> -> memref<1x125x128xf32, #tpu.memory_space<vmem>>
        %dma_wait3A_91 = tpu.memref_squeeze %dma_wait3A_90 : memref<1x125x128xf32, #tpu.memory_space<vmem>> -> memref<125x128xf32, #tpu.memory_space<vmem>>
        %dma_wait3A_92 = arith.constant 0 : i32
        %dma_wait3A_93 = tpu.memref_slice %arg6[%scan3A_80, %dma_wait3A_92] : memref<40x125xi32, #tpu.memory_space<vmem>> -> memref<1x125xi32, #tpu.memory_space<vmem>>
        %dma_wait3A_94 = tpu.memref_squeeze %dma_wait3A_93 : memref<1x125xi32, #tpu.memory_space<vmem>> -> memref<125xi32, #tpu.memory_space<vmem>>
        %dma_wait3A_95 = arith.constant 0 : i32
        %dma_wait3A_96 = arith.constant 0 : i32
        %dma_wait3A_97 = tpu.memref_slice %arg2[%dma_wait3A_95, %dma_wait3A_96] : memref<10000x128xf32, #tpu.memory_space<hbm>> -> memref<10000x128xf32, #tpu.memory_space<hbm>>
        tpu.wait_indirect_dma semaphore(%arg11 : memref<!tpu.dma_semaphore, #tpu.memory_space<semaphore_mem>>) src(%dma_wait3A_97 : memref<10000x128xf32, #tpu.memory_space<hbm>>) dst(%dma_wait3A_91 : memref<125x128xf32, #tpu.memory_space<vmem>>)
        %run_scoped3A = arith.constant 0 : i32
        "tpu.region"() ({
          %run_scoped3A_104 = tpu.sem_alloc : memref<!tpu.dma_semaphore, #tpu.memory_space<semaphore_mem>>
          %dma_start3A_105 = arith.constant 0 : i32
          %dma_start3A_106 = arith.constant 0 : i32
          %dma_start3A_107 = tpu.memref_slice %arg8[%run_scoped3A, %dma_start3A_105, %dma_start3A_106] : memref<2x125x128xf32, #tpu.memory_space<vmem>> -> memref<1x125x128xf32, #tpu.memory_space<vmem>>
          %dma_start3A_108 = tpu.memref_squeeze %dma_start3A_107 : memref<1x125x128xf32, #tpu.memory_space<vmem>> -> memref<125x128xf32, #tpu.memory_space<vmem>>
          %dma_start3A_109 = arith.constant 0 : i32
          %dma_start3A_110 = tpu.memref_slice %arg7[%scan3A_80, %dma_start3A_109] : memref<40x125xi32, #tpu.memory_space<vmem>> -> memref<1x125xi32, #tpu.memory_space<vmem>>
          %dma_start3A_111 = tpu.memref_squeeze %dma_start3A_110 : memref<1x125xi32, #tpu.memory_space<vmem>> -> memref<125xi32, #tpu.memory_space<vmem>>
          %dma_start3A_112 = arith.constant 0 : i32
          %dma_start3A_113 = arith.constant 0 : i32
          %dma_start3A_114 = tpu.memref_slice %arg10[%dma_start3A_112, %dma_start3A_113] : memref<10240x128xf32, #tpu.memory_space<vmem_shared>> -> memref<10240x128xf32, #tpu.memory_space<vmem_shared>>
          tpu.enqueue_indirect_dma source(%dma_start3A_108 : memref<125x128xf32, #tpu.memory_space<vmem>>) target(%dma_start3A_114 : memref<10240x128xf32, #tpu.memory_space<vmem_shared>>) offsets(%dma_start3A_111 : memref<125xi32, #tpu.memory_space<vmem>>) semaphore(%run_scoped3A_104 : memref<!tpu.dma_semaphore, #tpu.memory_space<semaphore_mem>>) {add = true}
          %dma_wait3A_115 = arith.constant 0 : i32
          %dma_wait3A_116 = arith.constant 0 : i32
          %dma_wait3A_117 = tpu.memref_slice %arg8[%run_scoped3A, %dma_wait3A_115, %dma_wait3A_116] : memref<2x125x128xf32, #tpu.memory_space<vmem>> -> memref<1x125x128xf32, #tpu.memory_space<vmem>>
          %dma_wait3A_118 = tpu.memref_squeeze %dma_wait3A_117 : memref<1x125x128xf32, #tpu.memory_space<vmem>> -> memref<125x128xf32, #tpu.memory_space<vmem>>
          %dma_wait3A_119 = arith.constant 0 : i32
          %dma_wait3A_120 = tpu.memref_slice %arg7[%scan3A_80, %dma_wait3A_119] : memref<40x125xi32, #tpu.memory_space<vmem>> -> memref<1x125xi32, #tpu.memory_space<vmem>>
          %dma_wait3A_121 = tpu.memref_squeeze %dma_wait3A_120 : memref<1x125xi32, #tpu.memory_space<vmem>> -> memref<125xi32, #tpu.memory_space<vmem>>
          %dma_wait3A_122 = arith.constant 0 : i32
          %dma_wait3A_123 = arith.constant 0 : i32
          %dma_wait3A_124 = tpu.memref_slice %arg10[%dma_wait3A_122, %dma_wait3A_123] : memref<10240x128xf32, #tpu.memory_space<vmem_shared>> -> memref<10240x128xf32, #tpu.memory_space<vmem_shared>>
          tpu.wait_indirect_dma semaphore(%run_scoped3A_104 : memref<!tpu.dma_semaphore, #tpu.memory_space<semaphore_mem>>) src(%dma_wait3A_118 : memref<125x128xf32, #tpu.memory_space<vmem>>) dst(%dma_wait3A_124 : memref<10240x128xf32, #tpu.memory_space<vmem_shared>>)
          tpu.yield
        }) : () -> ()
        %add3A_98 = arith.constant 2 : i32
        %add3A_99 = arith.addi %scan3A_80, %add3A_98 : i32
        %lt3A = arith.constant 40 : i32
        %lt3A_100 = arith.cmpi slt, %add3A_99, %lt3A : i32
        %convert_element_type3A_101 = arith.extui %lt3A_100 : i1 to i32
        %cond3A_102 = arith.constant 0 : i32
        %cond3A_103 = arith.cmpi ne, %convert_element_type3A_101, %cond3A_102 : i32
        scf.if %cond3A_103 {
          %add3A_104 = arith.constant 2 : i32
          %add3A_105 = arith.addi %scan3A_80, %add3A_104 : i32
          %dma_start3A_106 = arith.constant 0 : i32
          %dma_start3A_107 = arith.constant 0 : i32
          %dma_start3A_108 = arith.constant 0 : i32
          %dma_start3A_109 = tpu.memref_slice %arg8[%dma_start3A_106, %dma_start3A_107, %dma_start3A_108] : memref<2x125x128xf32, #tpu.memory_space<vmem>> -> memref<1x125x128xf32, #tpu.memory_space<vmem>>
          %dma_start3A_110 = tpu.memref_squeeze %dma_start3A_109 : memref<1x125x128xf32, #tpu.memory_space<vmem>> -> memref<125x128xf32, #tpu.memory_space<vmem>>
          %dma_start3A_111 = arith.constant 0 : i32
          %dma_start3A_112 = tpu.memref_slice %arg6[%add3A_105, %dma_start3A_111] : memref<40x125xi32, #tpu.memory_space<vmem>> -> memref<1x125xi32, #tpu.memory_space<vmem>>
          %dma_start3A_113 = tpu.memref_squeeze %dma_start3A_112 : memref<1x125xi32, #tpu.memory_space<vmem>> -> memref<125xi32, #tpu.memory_space<vmem>>
          %dma_start3A_114 = arith.constant 0 : i32
          %dma_start3A_115 = arith.constant 0 : i32
          %dma_start3A_116 = tpu.memref_slice %arg2[%dma_start3A_114, %dma_start3A_115] : memref<10000x128xf32, #tpu.memory_space<hbm>> -> memref<10000x128xf32, #tpu.memory_space<hbm>>
          tpu.enqueue_indirect_dma source(%dma_start3A_116 : memref<10000x128xf32, #tpu.memory_space<hbm>>) target(%dma_start3A_110 : memref<125x128xf32, #tpu.memory_space<vmem>>) offsets(%dma_start3A_113 : memref<125xi32, #tpu.memory_space<vmem>>) semaphore(%arg11 : memref<!tpu.dma_semaphore, #tpu.memory_space<semaphore_mem>>)
        } else {
        }
      } else {
      }
      %not3A = arith.constant true
      %not3A_84 = arith.xori %eq3A_82, %not3A : i1
      %convert_element_type3A_85 = arith.extui %not3A_84 : i1 to i32
      %cond3A_86 = arith.constant 0 : i32
      %cond3A_87 = arith.cmpi ne, %convert_element_type3A_85, %cond3A_86 : i32
      scf.if %cond3A_87 {
        %dma_wait3A = arith.constant 1 : i32
        %dma_wait3A_88 = arith.constant 0 : i32
        %dma_wait3A_89 = arith.constant 0 : i32
        %dma_wait3A_90 = tpu.memref_slice %arg8[%dma_wait3A, %dma_wait3A_88, %dma_wait3A_89] : memref<2x125x128xf32, #tpu.memory_space<vmem>> -> memref<1x125x128xf32, #tpu.memory_space<vmem>>
        %dma_wait3A_91 = tpu.memref_squeeze %dma_wait3A_90 : memref<1x125x128xf32, #tpu.memory_space<vmem>> -> memref<125x128xf32, #tpu.memory_space<vmem>>
        %dma_wait3A_92 = arith.constant 0 : i32
        %dma_wait3A_93 = tpu.memref_slice %arg6[%scan3A_80, %dma_wait3A_92] : memref<40x125xi32, #tpu.memory_space<vmem>> -> memref<1x125xi32, #tpu.memory_space<vmem>>
        %dma_wait3A_94 = tpu.memref_squeeze %dma_wait3A_93 : memref<1x125xi32, #tpu.memory_space<vmem>> -> memref<125xi32, #tpu.memory_space<vmem>>
        %dma_wait3A_95 = arith.constant 0 : i32
        %dma_wait3A_96 = arith.constant 0 : i32
        %dma_wait3A_97 = tpu.memref_slice %arg2[%dma_wait3A_95, %dma_wait3A_96] : memref<10000x128xf32, #tpu.memory_space<hbm>> -> memref<10000x128xf32, #tpu.memory_space<hbm>>
        tpu.wait_indirect_dma semaphore(%arg12 : memref<!tpu.dma_semaphore, #tpu.memory_space<semaphore_mem>>) src(%dma_wait3A_97 : memref<10000x128xf32, #tpu.memory_space<hbm>>) dst(%dma_wait3A_91 : memref<125x128xf32, #tpu.memory_space<vmem>>)
        %run_scoped3A = arith.constant 1 : i32
        "tpu.region"() ({
          %run_scoped3A_104 = tpu.sem_alloc : memref<!tpu.dma_semaphore, #tpu.memory_space<semaphore_mem>>
          %dma_start3A_105 = arith.constant 0 : i32
          %dma_start3A_106 = arith.constant 0 : i32
          %dma_start3A_107 = tpu.memref_slice %arg8[%run_scoped3A, %dma_start3A_105, %dma_start3A_106] : memref<2x125x128xf32, #tpu.memory_space<vmem>> -> memref<1x125x128xf32, #tpu.memory_space<vmem>>
          %dma_start3A_108 = tpu.memref_squeeze %dma_start3A_107 : memref<1x125x128xf32, #tpu.memory_space<vmem>> -> memref<125x128xf32, #tpu.memory_space<vmem>>
          %dma_start3A_109 = arith.constant 0 : i32
          %dma_start3A_110 = tpu.memref_slice %arg7[%scan3A_80, %dma_start3A_109] : memref<40x125xi32, #tpu.memory_space<vmem>> -> memref<1x125xi32, #tpu.memory_space<vmem>>
          %dma_start3A_111 = tpu.memref_squeeze %dma_start3A_110 : memref<1x125xi32, #tpu.memory_space<vmem>> -> memref<125xi32, #tpu.memory_space<vmem>>
          %dma_start3A_112 = arith.constant 0 : i32
          %dma_start3A_113 = arith.constant 0 : i32
          %dma_start3A_114 = tpu.memref_slice %arg10[%dma_start3A_112, %dma_start3A_113] : memref<10240x128xf32, #tpu.memory_space<vmem_shared>> -> memref<10240x128xf32, #tpu.memory_space<vmem_shared>>
          tpu.enqueue_indirect_dma source(%dma_start3A_108 : memref<125x128xf32, #tpu.memory_space<vmem>>) target(%dma_start3A_114 : memref<10240x128xf32, #tpu.memory_space<vmem_shared>>) offsets(%dma_start3A_111 : memref<125xi32, #tpu.memory_space<vmem>>) semaphore(%run_scoped3A_104 : memref<!tpu.dma_semaphore, #tpu.memory_space<semaphore_mem>>) {add = true}
          %dma_wait3A_115 = arith.constant 0 : i32
          %dma_wait3A_116 = arith.constant 0 : i32
          %dma_wait3A_117 = tpu.memref_slice %arg8[%run_scoped3A, %dma_wait3A_115, %dma_wait3A_116] : memref<2x125x128xf32, #tpu.memory_space<vmem>> -> memref<1x125x128xf32, #tpu.memory_space<vmem>>
          %dma_wait3A_118 = tpu.memref_squeeze %dma_wait3A_117 : memref<1x125x128xf32, #tpu.memory_space<vmem>> -> memref<125x128xf32, #tpu.memory_space<vmem>>
          %dma_wait3A_119 = arith.constant 0 : i32
          %dma_wait3A_120 = tpu.memref_slice %arg7[%scan3A_80, %dma_wait3A_119] : memref<40x125xi32, #tpu.memory_space<vmem>> -> memref<1x125xi32, #tpu.memory_space<vmem>>
          %dma_wait3A_121 = tpu.memref_squeeze %dma_wait3A_120 : memref<1x125xi32, #tpu.memory_space<vmem>> -> memref<125xi32, #tpu.memory_space<vmem>>
          %dma_wait3A_122 = arith.constant 0 : i32
          %dma_wait3A_123 = arith.constant 0 : i32
          %dma_wait3A_124 = tpu.memref_slice %arg10[%dma_wait3A_122, %dma_wait3A_123] : memref<10240x128xf32, #tpu.memory_space<vmem_shared>> -> memref<10240x128xf32, #tpu.memory_space<vmem_shared>>
          tpu.wait_indirect_dma semaphore(%run_scoped3A_104 : memref<!tpu.dma_semaphore, #tpu.memory_space<semaphore_mem>>) src(%dma_wait3A_118 : memref<125x128xf32, #tpu.memory_space<vmem>>) dst(%dma_wait3A_124 : memref<10240x128xf32, #tpu.memory_space<vmem_shared>>)
          tpu.yield
        }) : () -> ()
        %add3A_98 = arith.constant 2 : i32
        %add3A_99 = arith.addi %scan3A_80, %add3A_98 : i32
        %lt3A = arith.constant 40 : i32
        %lt3A_100 = arith.cmpi slt, %add3A_99, %lt3A : i32
        %convert_element_type3A_101 = arith.extui %lt3A_100 : i1 to i32
        %cond3A_102 = arith.constant 0 : i32
        %cond3A_103 = arith.cmpi ne, %convert_element_type3A_101, %cond3A_102 : i32
        scf.if %cond3A_103 {
          %add3A_104 = arith.constant 2 : i32
          %add3A_105 = arith.addi %scan3A_80, %add3A_104 : i32
          %dma_start3A_106 = arith.constant 1 : i32
          %dma_start3A_107 = arith.constant 0 : i32
          %dma_start3A_108 = arith.constant 0 : i32
          %dma_start3A_109 = tpu.memref_slice %arg8[%dma_start3A_106, %dma_start3A_107, %dma_start3A_108] : memref<2x125x128xf32, #tpu.memory_space<vmem>> -> memref<1x125x128xf32, #tpu.memory_space<vmem>>
          %dma_start3A_110 = tpu.memref_squeeze %dma_start3A_109 : memref<1x125x128xf32, #tpu.memory_space<vmem>> -> memref<125x128xf32, #tpu.memory_space<vmem>>
          %dma_start3A_111 = arith.constant 0 : i32
          %dma_start3A_112 = tpu.memref_slice %arg6[%add3A_105, %dma_start3A_111] : memref<40x125xi32, #tpu.memory_space<vmem>> -> memref<1x125xi32, #tpu.memory_space<vmem>>
          %dma_start3A_113 = tpu.memref_squeeze %dma_start3A_112 : memref<1x125xi32, #tpu.memory_space<vmem>> -> memref<125xi32, #tpu.memory_space<vmem>>
          %dma_start3A_114 = arith.constant 0 : i32
          %dma_start3A_115 = arith.constant 0 : i32
          %dma_start3A_116 = tpu.memref_slice %arg2[%dma_start3A_114, %dma_start3A_115] : memref<10000x128xf32, #tpu.memory_space<hbm>> -> memref<10000x128xf32, #tpu.memory_space<hbm>>
          tpu.enqueue_indirect_dma source(%dma_start3A_116 : memref<10000x128xf32, #tpu.memory_space<hbm>>) target(%dma_start3A_110 : memref<125x128xf32, #tpu.memory_space<vmem>>) offsets(%dma_start3A_113 : memref<125xi32, #tpu.memory_space<vmem>>) semaphore(%arg12 : memref<!tpu.dma_semaphore, #tpu.memory_space<semaphore_mem>>)
        } else {
        }
      } else {
      }
    }
    %scan3A_41 = arith.constant 40 : i32
    %mul3A_42 = arith.constant 80 : i32
    %mul3A_43 = arith.muli %add3A, %mul3A_42 : i32
    %add3A_44 = arith.constant 40 : i32
    %add3A_45 = arith.addi %mul3A_43, %add3A_44 : i32
    "tpu.region"() ({
      %run_scoped3A = tpu.sem_alloc : memref<!tpu.dma_semaphore, #tpu.memory_space<semaphore_mem>>
      %dma_start3A_80 = arith.constant 0 : i32
      %dma_start3A_81 = tpu.memref_slice %arg3[%add3A_45, %dma_start3A_80] : memref<2560x125xi32, #tpu.memory_space<hbm>> -> memref<40x125xi32, #tpu.memory_space<hbm>>
      %dma_start3A_82 = arith.constant 0 : i32
      %dma_start3A_83 = tpu.memref_slice %arg3[%add3A_45, %dma_start3A_82] : memref<2560x125xi32, #tpu.memory_space<hbm>> -> memref<40x125xi32, #tpu.memory_space<hbm>>
      tpu.enqueue_dma source(%dma_start3A_83 : memref<40x125xi32, #tpu.memory_space<hbm>>) target(%arg6 : memref<40x125xi32, #tpu.memory_space<vmem>>) target_semaphore(%run_scoped3A : memref<!tpu.dma_semaphore, #tpu.memory_space<semaphore_mem>>)
      %dma_wait3A = arith.constant 0 : i32
      %dma_wait3A_84 = tpu.memref_slice %arg3[%add3A_45, %dma_wait3A] : memref<2560x125xi32, #tpu.memory_space<hbm>> -> memref<40x125xi32, #tpu.memory_space<hbm>>
      %dma_wait3A_85 = arith.constant 0 : i32
      %dma_wait3A_86 = tpu.memref_slice %arg3[%add3A_45, %dma_wait3A_85] : memref<2560x125xi32, #tpu.memory_space<hbm>> -> memref<40x125xi32, #tpu.memory_space<hbm>>
      tpu.wait_dma2 semaphore(%run_scoped3A : memref<!tpu.dma_semaphore, #tpu.memory_space<semaphore_mem>>) src(%dma_wait3A_86 : memref<40x125xi32, #tpu.memory_space<hbm>>) dst(%arg6 : memref<40x125xi32, #tpu.memory_space<vmem>>)
      tpu.yield
    }) : () -> ()
    "tpu.region"() ({
      %run_scoped3A = tpu.sem_alloc : memref<!tpu.dma_semaphore, #tpu.memory_space<semaphore_mem>>
      %dma_start3A_80 = arith.constant 0 : i32
      %dma_start3A_81 = tpu.memref_slice %arg4[%add3A_45, %dma_start3A_80] : memref<2560x125xi32, #tpu.memory_space<hbm>> -> memref<40x125xi32, #tpu.memory_space<hbm>>
      %dma_start3A_82 = arith.constant 0 : i32
      %dma_start3A_83 = tpu.memref_slice %arg4[%add3A_45, %dma_start3A_82] : memref<2560x125xi32, #tpu.memory_space<hbm>> -> memref<40x125xi32, #tpu.memory_space<hbm>>
      tpu.enqueue_dma source(%dma_start3A_83 : memref<40x125xi32, #tpu.memory_space<hbm>>) target(%arg7 : memref<40x125xi32, #tpu.memory_space<vmem>>) target_semaphore(%run_scoped3A : memref<!tpu.dma_semaphore, #tpu.memory_space<semaphore_mem>>)
      %dma_wait3A = arith.constant 0 : i32
      %dma_wait3A_84 = tpu.memref_slice %arg4[%add3A_45, %dma_wait3A] : memref<2560x125xi32, #tpu.memory_space<hbm>> -> memref<40x125xi32, #tpu.memory_space<hbm>>
      %dma_wait3A_85 = arith.constant 0 : i32
      %dma_wait3A_86 = tpu.memref_slice %arg4[%add3A_45, %dma_wait3A_85] : memref<2560x125xi32, #tpu.memory_space<hbm>> -> memref<40x125xi32, #tpu.memory_space<hbm>>
      tpu.wait_dma2 semaphore(%run_scoped3A : memref<!tpu.dma_semaphore, #tpu.memory_space<semaphore_mem>>) src(%dma_wait3A_86 : memref<40x125xi32, #tpu.memory_space<hbm>>) dst(%arg7 : memref<40x125xi32, #tpu.memory_space<vmem>>)
      tpu.yield
    }) : () -> ()
    %dma_start3A_46 = arith.constant 0 : i32
    %dma_start3A_47 = arith.constant 0 : i32
    %dma_start3A_48 = arith.constant 0 : i32
    %dma_start3A_49 = arith.constant 0 : i32
    %dma_start3A_50 = tpu.memref_slice %arg8[%dma_start3A_47, %dma_start3A_48, %dma_start3A_49] : memref<2x125x128xf32, #tpu.memory_space<vmem>> -> memref<1x125x128xf32, #tpu.memory_space<vmem>>
    %dma_start3A_51 = tpu.memref_squeeze %dma_start3A_50 : memref<1x125x128xf32, #tpu.memory_space<vmem>> -> memref<125x128xf32, #tpu.memory_space<vmem>>
    %dma_start3A_52 = arith.constant 0 : i32
    %dma_start3A_53 = tpu.memref_slice %arg6[%dma_start3A_46, %dma_start3A_52] : memref<40x125xi32, #tpu.memory_space<vmem>> -> memref<1x125xi32, #tpu.memory_space<vmem>>
    %dma_start3A_54 = tpu.memref_squeeze %dma_start3A_53 : memref<1x125xi32, #tpu.memory_space<vmem>> -> memref<125xi32, #tpu.memory_space<vmem>>
    %dma_start3A_55 = arith.constant 0 : i32
    %dma_start3A_56 = arith.constant 0 : i32
    %dma_start3A_57 = tpu.memref_slice %arg2[%dma_start3A_55, %dma_start3A_56] : memref<10000x128xf32, #tpu.memory_space<hbm>> -> memref<10000x128xf32, #tpu.memory_space<hbm>>
    tpu.enqueue_indirect_dma source(%dma_start3A_57 : memref<10000x128xf32, #tpu.memory_space<hbm>>) target(%dma_start3A_51 : memref<125x128xf32, #tpu.memory_space<vmem>>) offsets(%dma_start3A_54 : memref<125xi32, #tpu.memory_space<vmem>>) semaphore(%arg11 : memref<!tpu.dma_semaphore, #tpu.memory_space<semaphore_mem>>)
    %dma_start3A_58 = arith.constant 1 : i32
    %dma_start3A_59 = arith.constant 1 : i32
    %dma_start3A_60 = arith.constant 0 : i32
    %dma_start3A_61 = arith.constant 0 : i32
    %dma_start3A_62 = tpu.memref_slice %arg8[%dma_start3A_59, %dma_start3A_60, %dma_start3A_61] : memref<2x125x128xf32, #tpu.memory_space<vmem>> -> memref<1x125x128xf32, #tpu.memory_space<vmem>>
    %dma_start3A_63 = tpu.memref_squeeze %dma_start3A_62 : memref<1x125x128xf32, #tpu.memory_space<vmem>> -> memref<125x128xf32, #tpu.memory_space<vmem>>
    %dma_start3A_64 = arith.constant 0 : i32
    %dma_start3A_65 = tpu.memref_slice %arg6[%dma_start3A_58, %dma_start3A_64] : memref<40x125xi32, #tpu.memory_space<vmem>> -> memref<1x125xi32, #tpu.memory_space<vmem>>
    %dma_start3A_66 = tpu.memref_squeeze %dma_start3A_65 : memref<1x125xi32, #tpu.memory_space<vmem>> -> memref<125xi32, #tpu.memory_space<vmem>>
    %dma_start3A_67 = arith.constant 0 : i32
    %dma_start3A_68 = arith.constant 0 : i32
    %dma_start3A_69 = tpu.memref_slice %arg2[%dma_start3A_67, %dma_start3A_68] : memref<10000x128xf32, #tpu.memory_space<hbm>> -> memref<10000x128xf32, #tpu.memory_space<hbm>>
    tpu.enqueue_indirect_dma source(%dma_start3A_69 : memref<10000x128xf32, #tpu.memory_space<hbm>>) target(%dma_start3A_63 : memref<125x128xf32, #tpu.memory_space<vmem>>) offsets(%dma_start3A_66 : memref<125xi32, #tpu.memory_space<vmem>>) semaphore(%arg12 : memref<!tpu.dma_semaphore, #tpu.memory_space<semaphore_mem>>)
    %scan3A_70 = arith.constant 0 : i32
    %scan3A_71 = arith.constant 40 : i32
    %scan3A_72 = arith.addi %scan3A_70, %scan3A_71 : i32
    %scan3A_73 = arith.constant 1 : i32
    scf.for %scan3A_80 = %scan3A_70 to %scan3A_72 step %scan3A_73  : i32 {
      %rem3A = arith.constant 2 : i32
      %rem3A_81 = arith.remsi %scan3A_80, %rem3A : i32
      %eq3A = arith.constant 0 : i32
      %eq3A_82 = arith.cmpi eq, %rem3A_81, %eq3A : i32
      %convert_element_type3A = arith.extui %eq3A_82 : i1 to i32
      %cond3A = arith.constant 0 : i32
      %cond3A_83 = arith.cmpi ne, %convert_element_type3A, %cond3A : i32
      scf.if %cond3A_83 {
        %dma_wait3A = arith.constant 0 : i32
        %dma_wait3A_88 = arith.constant 0 : i32
        %dma_wait3A_89 = arith.constant 0 : i32
        %dma_wait3A_90 = tpu.memref_slice %arg8[%dma_wait3A, %dma_wait3A_88, %dma_wait3A_89] : memref<2x125x128xf32, #tpu.memory_space<vmem>> -> memref<1x125x128xf32, #tpu.memory_space<vmem>>
        %dma_wait3A_91 = tpu.memref_squeeze %dma_wait3A_90 : memref<1x125x128xf32, #tpu.memory_space<vmem>> -> memref<125x128xf32, #tpu.memory_space<vmem>>
        %dma_wait3A_92 = arith.constant 0 : i32
        %dma_wait3A_93 = tpu.memref_slice %arg6[%scan3A_80, %dma_wait3A_92] : memref<40x125xi32, #tpu.memory_space<vmem>> -> memref<1x125xi32, #tpu.memory_space<vmem>>
        %dma_wait3A_94 = tpu.memref_squeeze %dma_wait3A_93 : memref<1x125xi32, #tpu.memory_space<vmem>> -> memref<125xi32, #tpu.memory_space<vmem>>
        %dma_wait3A_95 = arith.constant 0 : i32
        %dma_wait3A_96 = arith.constant 0 : i32
        %dma_wait3A_97 = tpu.memref_slice %arg2[%dma_wait3A_95, %dma_wait3A_96] : memref<10000x128xf32, #tpu.memory_space<hbm>> -> memref<10000x128xf32, #tpu.memory_space<hbm>>
        tpu.wait_indirect_dma semaphore(%arg11 : memref<!tpu.dma_semaphore, #tpu.memory_space<semaphore_mem>>) src(%dma_wait3A_97 : memref<10000x128xf32, #tpu.memory_space<hbm>>) dst(%dma_wait3A_91 : memref<125x128xf32, #tpu.memory_space<vmem>>)
        %run_scoped3A = arith.constant 0 : i32
        "tpu.region"() ({
          %run_scoped3A_104 = tpu.sem_alloc : memref<!tpu.dma_semaphore, #tpu.memory_space<semaphore_mem>>
          %dma_start3A_105 = arith.constant 0 : i32
          %dma_start3A_106 = arith.constant 0 : i32
          %dma_start3A_107 = tpu.memref_slice %arg8[%run_scoped3A, %dma_start3A_105, %dma_start3A_106] : memref<2x125x128xf32, #tpu.memory_space<vmem>> -> memref<1x125x128xf32, #tpu.memory_space<vmem>>
          %dma_start3A_108 = tpu.memref_squeeze %dma_start3A_107 : memref<1x125x128xf32, #tpu.memory_space<vmem>> -> memref<125x128xf32, #tpu.memory_space<vmem>>
          %dma_start3A_109 = arith.constant 0 : i32
          %dma_start3A_110 = tpu.memref_slice %arg7[%scan3A_80, %dma_start3A_109] : memref<40x125xi32, #tpu.memory_space<vmem>> -> memref<1x125xi32, #tpu.memory_space<vmem>>
          %dma_start3A_111 = tpu.memref_squeeze %dma_start3A_110 : memref<1x125xi32, #tpu.memory_space<vmem>> -> memref<125xi32, #tpu.memory_space<vmem>>
          %dma_start3A_112 = arith.constant 0 : i32
          %dma_start3A_113 = arith.constant 0 : i32
          %dma_start3A_114 = tpu.memref_slice %arg10[%dma_start3A_112, %dma_start3A_113] : memref<10240x128xf32, #tpu.memory_space<vmem_shared>> -> memref<10240x128xf32, #tpu.memory_space<vmem_shared>>
          tpu.enqueue_indirect_dma source(%dma_start3A_108 : memref<125x128xf32, #tpu.memory_space<vmem>>) target(%dma_start3A_114 : memref<10240x128xf32, #tpu.memory_space<vmem_shared>>) offsets(%dma_start3A_111 : memref<125xi32, #tpu.memory_space<vmem>>) semaphore(%run_scoped3A_104 : memref<!tpu.dma_semaphore, #tpu.memory_space<semaphore_mem>>) {add = true}
          %dma_wait3A_115 = arith.constant 0 : i32
          %dma_wait3A_116 = arith.constant 0 : i32
          %dma_wait3A_117 = tpu.memref_slice %arg8[%run_scoped3A, %dma_wait3A_115, %dma_wait3A_116] : memref<2x125x128xf32, #tpu.memory_space<vmem>> -> memref<1x125x128xf32, #tpu.memory_space<vmem>>
          %dma_wait3A_118 = tpu.memref_squeeze %dma_wait3A_117 : memref<1x125x128xf32, #tpu.memory_space<vmem>> -> memref<125x128xf32, #tpu.memory_space<vmem>>
          %dma_wait3A_119 = arith.constant 0 : i32
          %dma_wait3A_120 = tpu.memref_slice %arg7[%scan3A_80, %dma_wait3A_119] : memref<40x125xi32, #tpu.memory_space<vmem>> -> memref<1x125xi32, #tpu.memory_space<vmem>>
          %dma_wait3A_121 = tpu.memref_squeeze %dma_wait3A_120 : memref<1x125xi32, #tpu.memory_space<vmem>> -> memref<125xi32, #tpu.memory_space<vmem>>
          %dma_wait3A_122 = arith.constant 0 : i32
          %dma_wait3A_123 = arith.constant 0 : i32
          %dma_wait3A_124 = tpu.memref_slice %arg10[%dma_wait3A_122, %dma_wait3A_123] : memref<10240x128xf32, #tpu.memory_space<vmem_shared>> -> memref<10240x128xf32, #tpu.memory_space<vmem_shared>>
          tpu.wait_indirect_dma semaphore(%run_scoped3A_104 : memref<!tpu.dma_semaphore, #tpu.memory_space<semaphore_mem>>) src(%dma_wait3A_118 : memref<125x128xf32, #tpu.memory_space<vmem>>) dst(%dma_wait3A_124 : memref<10240x128xf32, #tpu.memory_space<vmem_shared>>)
          tpu.yield
        }) : () -> ()
        %add3A_98 = arith.constant 2 : i32
        %add3A_99 = arith.addi %scan3A_80, %add3A_98 : i32
        %lt3A = arith.constant 40 : i32
        %lt3A_100 = arith.cmpi slt, %add3A_99, %lt3A : i32
        %convert_element_type3A_101 = arith.extui %lt3A_100 : i1 to i32
        %cond3A_102 = arith.constant 0 : i32
        %cond3A_103 = arith.cmpi ne, %convert_element_type3A_101, %cond3A_102 : i32
        scf.if %cond3A_103 {
          %add3A_104 = arith.constant 2 : i32
          %add3A_105 = arith.addi %scan3A_80, %add3A_104 : i32
          %dma_start3A_106 = arith.constant 0 : i32
          %dma_start3A_107 = arith.constant 0 : i32
          %dma_start3A_108 = arith.constant 0 : i32
          %dma_start3A_109 = tpu.memref_slice %arg8[%dma_start3A_106, %dma_start3A_107, %dma_start3A_108] : memref<2x125x128xf32, #tpu.memory_space<vmem>> -> memref<1x125x128xf32, #tpu.memory_space<vmem>>
          %dma_start3A_110 = tpu.memref_squeeze %dma_start3A_109 : memref<1x125x128xf32, #tpu.memory_space<vmem>> -> memref<125x128xf32, #tpu.memory_space<vmem>>
          %dma_start3A_111 = arith.constant 0 : i32
          %dma_start3A_112 = tpu.memref_slice %arg6[%add3A_105, %dma_start3A_111] : memref<40x125xi32, #tpu.memory_space<vmem>> -> memref<1x125xi32, #tpu.memory_space<vmem>>
          %dma_start3A_113 = tpu.memref_squeeze %dma_start3A_112 : memref<1x125xi32, #tpu.memory_space<vmem>> -> memref<125xi32, #tpu.memory_space<vmem>>
          %dma_start3A_114 = arith.constant 0 : i32
          %dma_start3A_115 = arith.constant 0 : i32
          %dma_start3A_116 = tpu.memref_slice %arg2[%dma_start3A_114, %dma_start3A_115] : memref<10000x128xf32, #tpu.memory_space<hbm>> -> memref<10000x128xf32, #tpu.memory_space<hbm>>
          tpu.enqueue_indirect_dma source(%dma_start3A_116 : memref<10000x128xf32, #tpu.memory_space<hbm>>) target(%dma_start3A_110 : memref<125x128xf32, #tpu.memory_space<vmem>>) offsets(%dma_start3A_113 : memref<125xi32, #tpu.memory_space<vmem>>) semaphore(%arg11 : memref<!tpu.dma_semaphore, #tpu.memory_space<semaphore_mem>>)
        } else {
        }
      } else {
      }
      %not3A = arith.constant true
      %not3A_84 = arith.xori %eq3A_82, %not3A : i1
      %convert_element_type3A_85 = arith.extui %not3A_84 : i1 to i32
      %cond3A_86 = arith.constant 0 : i32
      %cond3A_87 = arith.cmpi ne, %convert_element_type3A_85, %cond3A_86 : i32
      scf.if %cond3A_87 {
        %dma_wait3A = arith.constant 1 : i32
        %dma_wait3A_88 = arith.constant 0 : i32
        %dma_wait3A_89 = arith.constant 0 : i32
        %dma_wait3A_90 = tpu.memref_slice %arg8[%dma_wait3A, %dma_wait3A_88, %dma_wait3A_89] : memref<2x125x128xf32, #tpu.memory_space<vmem>> -> memref<1x125x128xf32, #tpu.memory_space<vmem>>
        %dma_wait3A_91 = tpu.memref_squeeze %dma_wait3A_90 : memref<1x125x128xf32, #tpu.memory_space<vmem>> -> memref<125x128xf32, #tpu.memory_space<vmem>>
        %dma_wait3A_92 = arith.constant 0 : i32
        %dma_wait3A_93 = tpu.memref_slice %arg6[%scan3A_80, %dma_wait3A_92] : memref<40x125xi32, #tpu.memory_space<vmem>> -> memref<1x125xi32, #tpu.memory_space<vmem>>
        %dma_wait3A_94 = tpu.memref_squeeze %dma_wait3A_93 : memref<1x125xi32, #tpu.memory_space<vmem>> -> memref<125xi32, #tpu.memory_space<vmem>>
        %dma_wait3A_95 = arith.constant 0 : i32
        %dma_wait3A_96 = arith.constant 0 : i32
        %dma_wait3A_97 = tpu.memref_slice %arg2[%dma_wait3A_95, %dma_wait3A_96] : memref<10000x128xf32, #tpu.memory_space<hbm>> -> memref<10000x128xf32, #tpu.memory_space<hbm>>
        tpu.wait_indirect_dma semaphore(%arg12 : memref<!tpu.dma_semaphore, #tpu.memory_space<semaphore_mem>>) src(%dma_wait3A_97 : memref<10000x128xf32, #tpu.memory_space<hbm>>) dst(%dma_wait3A_91 : memref<125x128xf32, #tpu.memory_space<vmem>>)
        %run_scoped3A = arith.constant 1 : i32
        "tpu.region"() ({
          %run_scoped3A_104 = tpu.sem_alloc : memref<!tpu.dma_semaphore, #tpu.memory_space<semaphore_mem>>
          %dma_start3A_105 = arith.constant 0 : i32
          %dma_start3A_106 = arith.constant 0 : i32
          %dma_start3A_107 = tpu.memref_slice %arg8[%run_scoped3A, %dma_start3A_105, %dma_start3A_106] : memref<2x125x128xf32, #tpu.memory_space<vmem>> -> memref<1x125x128xf32, #tpu.memory_space<vmem>>
          %dma_start3A_108 = tpu.memref_squeeze %dma_start3A_107 : memref<1x125x128xf32, #tpu.memory_space<vmem>> -> memref<125x128xf32, #tpu.memory_space<vmem>>
          %dma_start3A_109 = arith.constant 0 : i32
          %dma_start3A_110 = tpu.memref_slice %arg7[%scan3A_80, %dma_start3A_109] : memref<40x125xi32, #tpu.memory_space<vmem>> -> memref<1x125xi32, #tpu.memory_space<vmem>>
          %dma_start3A_111 = tpu.memref_squeeze %dma_start3A_110 : memref<1x125xi32, #tpu.memory_space<vmem>> -> memref<125xi32, #tpu.memory_space<vmem>>
          %dma_start3A_112 = arith.constant 0 : i32
          %dma_start3A_113 = arith.constant 0 : i32
          %dma_start3A_114 = tpu.memref_slice %arg10[%dma_start3A_112, %dma_start3A_113] : memref<10240x128xf32, #tpu.memory_space<vmem_shared>> -> memref<10240x128xf32, #tpu.memory_space<vmem_shared>>
          tpu.enqueue_indirect_dma source(%dma_start3A_108 : memref<125x128xf32, #tpu.memory_space<vmem>>) target(%dma_start3A_114 : memref<10240x128xf32, #tpu.memory_space<vmem_shared>>) offsets(%dma_start3A_111 : memref<125xi32, #tpu.memory_space<vmem>>) semaphore(%run_scoped3A_104 : memref<!tpu.dma_semaphore, #tpu.memory_space<semaphore_mem>>) {add = true}
          %dma_wait3A_115 = arith.constant 0 : i32
          %dma_wait3A_116 = arith.constant 0 : i32
          %dma_wait3A_117 = tpu.memref_slice %arg8[%run_scoped3A, %dma_wait3A_115, %dma_wait3A_116] : memref<2x125x128xf32, #tpu.memory_space<vmem>> -> memref<1x125x128xf32, #tpu.memory_space<vmem>>
          %dma_wait3A_118 = tpu.memref_squeeze %dma_wait3A_117 : memref<1x125x128xf32, #tpu.memory_space<vmem>> -> memref<125x128xf32, #tpu.memory_space<vmem>>
          %dma_wait3A_119 = arith.constant 0 : i32
          %dma_wait3A_120 = tpu.memref_slice %arg7[%scan3A_80, %dma_wait3A_119] : memref<40x125xi32, #tpu.memory_space<vmem>> -> memref<1x125xi32, #tpu.memory_space<vmem>>
          %dma_wait3A_121 = tpu.memref_squeeze %dma_wait3A_120 : memref<1x125xi32, #tpu.memory_space<vmem>> -> memref<125xi32, #tpu.memory_space<vmem>>
          %dma_wait3A_122 = arith.constant 0 : i32
          %dma_wait3A_123 = arith.constant 0 : i32
          %dma_wait3A_124 = tpu.memref_slice %arg10[%dma_wait3A_122, %dma_wait3A_123] : memref<10240x128xf32, #tpu.memory_space<vmem_shared>> -> memref<10240x128xf32, #tpu.memory_space<vmem_shared>>
          tpu.wait_indirect_dma semaphore(%run_scoped3A_104 : memref<!tpu.dma_semaphore, #tpu.memory_space<semaphore_mem>>) src(%dma_wait3A_118 : memref<125x128xf32, #tpu.memory_space<vmem>>) dst(%dma_wait3A_124 : memref<10240x128xf32, #tpu.memory_space<vmem_shared>>)
          tpu.yield
        }) : () -> ()
        %add3A_98 = arith.constant 2 : i32
        %add3A_99 = arith.addi %scan3A_80, %add3A_98 : i32
        %lt3A = arith.constant 40 : i32
        %lt3A_100 = arith.cmpi slt, %add3A_99, %lt3A : i32
        %convert_element_type3A_101 = arith.extui %lt3A_100 : i1 to i32
        %cond3A_102 = arith.constant 0 : i32
        %cond3A_103 = arith.cmpi ne, %convert_element_type3A_101, %cond3A_102 : i32
        scf.if %cond3A_103 {
          %add3A_104 = arith.constant 2 : i32
          %add3A_105 = arith.addi %scan3A_80, %add3A_104 : i32
          %dma_start3A_106 = arith.constant 1 : i32
          %dma_start3A_107 = arith.constant 0 : i32
          %dma_start3A_108 = arith.constant 0 : i32
          %dma_start3A_109 = tpu.memref_slice %arg8[%dma_start3A_106, %dma_start3A_107, %dma_start3A_108] : memref<2x125x128xf32, #tpu.memory_space<vmem>> -> memref<1x125x128xf32, #tpu.memory_space<vmem>>
          %dma_start3A_110 = tpu.memref_squeeze %dma_start3A_109 : memref<1x125x128xf32, #tpu.memory_space<vmem>> -> memref<125x128xf32, #tpu.memory_space<vmem>>
          %dma_start3A_111 = arith.constant 0 : i32
          %dma_start3A_112 = tpu.memref_slice %arg6[%add3A_105, %dma_start3A_111] : memref<40x125xi32, #tpu.memory_space<vmem>> -> memref<1x125xi32, #tpu.memory_space<vmem>>
          %dma_start3A_113 = tpu.memref_squeeze %dma_start3A_112 : memref<1x125xi32, #tpu.memory_space<vmem>> -> memref<125xi32, #tpu.memory_space<vmem>>
          %dma_start3A_114 = arith.constant 0 : i32
          %dma_start3A_115 = arith.constant 0 : i32
          %dma_start3A_116 = tpu.memref_slice %arg2[%dma_start3A_114, %dma_start3A_115] : memref<10000x128xf32, #tpu.memory_space<hbm>> -> memref<10000x128xf32, #tpu.memory_space<hbm>>
          tpu.enqueue_indirect_dma source(%dma_start3A_116 : memref<10000x128xf32, #tpu.memory_space<hbm>>) target(%dma_start3A_110 : memref<125x128xf32, #tpu.memory_space<vmem>>) offsets(%dma_start3A_113 : memref<125xi32, #tpu.memory_space<vmem>>) semaphore(%arg12 : memref<!tpu.dma_semaphore, #tpu.memory_space<semaphore_mem>>)
        } else {
        }
      } else {
      }
    }
    %scan3A_74 = arith.constant 40 : i32
    %barrier3A_75 = arith.constant 0 : index
    tpu.barrier barrier_id(%barrier3A_75)
    %mul3A_76 = arith.constant 640 : i32
    %mul3A_77 = arith.muli %arg1, %mul3A_76 : i32
    %mul3A_78 = arith.constant 640 : i32
    %mul3A_79 = arith.muli %arg1, %mul3A_78 : i32
    "tpu.region"() ({
      %run_scoped3A = tpu.sem_alloc : memref<!tpu.dma_semaphore, #tpu.memory_space<semaphore_mem>>
      %dma_start3A_80 = arith.constant 0 : i32
      %dma_start3A_81 = tpu.memref_slice %arg5[%arg0, %mul3A_79, %dma_start3A_80] : memref<2x10240x128xf32, #tpu.memory_space<hbm>> -> memref<1x640x128xf32, #tpu.memory_space<hbm>>
      %dma_start3A_82 = tpu.memref_squeeze %dma_start3A_81 : memref<1x640x128xf32, #tpu.memory_space<hbm>> -> memref<640x128xf32, #tpu.memory_space<hbm>>
      %dma_start3A_83 = arith.constant 0 : i32
      %dma_start3A_84 = tpu.memref_slice %arg10[%mul3A_77, %dma_start3A_83] : memref<10240x128xf32, #tpu.memory_space<vmem_shared>> -> memref<640x128xf32, #tpu.memory_space<vmem_shared>>
      tpu.enqueue_dma source(%dma_start3A_84 : memref<640x128xf32, #tpu.memory_space<vmem_shared>>) target(%dma_start3A_82 : memref<640x128xf32, #tpu.memory_space<hbm>>) target_semaphore(%run_scoped3A : memref<!tpu.dma_semaphore, #tpu.memory_space<semaphore_mem>>)
      %dma_wait3A = arith.constant 0 : i32
      %dma_wait3A_85 = tpu.memref_slice %arg5[%arg0, %mul3A_79, %dma_wait3A] : memref<2x10240x128xf32, #tpu.memory_space<hbm>> -> memref<1x640x128xf32, #tpu.memory_space<hbm>>
      %dma_wait3A_86 = tpu.memref_squeeze %dma_wait3A_85 : memref<1x640x128xf32, #tpu.memory_space<hbm>> -> memref<640x128xf32, #tpu.memory_space<hbm>>
      %dma_wait3A_87 = arith.constant 0 : i32
      %dma_wait3A_88 = tpu.memref_slice %arg10[%mul3A_77, %dma_wait3A_87] : memref<10240x128xf32, #tpu.memory_space<vmem_shared>> -> memref<640x128xf32, #tpu.memory_space<vmem_shared>>
      tpu.wait_dma2 semaphore(%run_scoped3A : memref<!tpu.dma_semaphore, #tpu.memory_space<semaphore_mem>>) src(%dma_wait3A_88 : memref<640x128xf32, #tpu.memory_space<vmem_shared>>) dst(%dma_wait3A_86 : memref<640x128xf32, #tpu.memory_space<hbm>>)
      tpu.yield
    }) : () -> ()
    return
  }
}

#map = affine_map<(d0, d1) -> (0, 0)>
#map1 = affine_map<(d0, d1) -> (0, 0, 0)>
module attributes {stable_mosaic.version = 14 : i64} {
  func.func @prop(%arg0: i32, %arg1: i32, %arg2: memref<10000x128xf32, #tpu.memory_space<hbm>>, %arg3: memref<2560x125xi32, #tpu.memory_space<hbm>>, %arg4: memref<2560x125xi32, #tpu.memory_space<hbm>>, %arg5: memref<2x10240x128xf32, #tpu.memory_space<hbm>>, %arg6: memref<40x125xi32, #tpu.memory_space<vmem>>, %arg7: memref<40x125xi32, #tpu.memory_space<vmem>>, %arg8: memref<2x125x128xf32, #tpu.memory_space<vmem>>, %arg9: memref<32x128xf32, #tpu.memory_space<vmem>>, %arg10: memref<10240x128xf32, #tpu.memory_space<vmem_shared>>, %arg11: memref<!tpu.dma_semaphore, #tpu.memory_space<semaphore_mem>>, %arg12: memref<!tpu.dma_semaphore, #tpu.memory_space<semaphore_mem>>) attributes {dimension_semantics = [#tpu.dimension_semantics<core_parallel>, #tpu.dimension_semantics<subcore_parallel>], iteration_bounds = array<i64: 2, 16>, scalar_prefetch = 0 : i64, scratch_operands = 7 : i64, tpu.core_type = #tpu.core_type<sc_vector_subcore>, window_params = [{transform_indices = #map}, {transform_indices = #map}, {transform_indices = #map}, {transform_indices = #map1}]} {
    %mul3A = arith.constant 16 : i32
    %mul3A_0 = arith.muli %arg0, %mul3A : i32
    %add3A = arith.addi %mul3A_0, %arg1 : i32
    %scan3A = arith.constant 0 : i32
    %scan3A_1 = arith.constant 32 : i32
    %scan3A_2 = arith.addi %scan3A, %scan3A_1 : i32
    %scan3A_3 = arith.constant 1 : i32
    scf.for %scan3A_80 = %scan3A to %scan3A_2 step %scan3A_3  : i32 {
      %broadcast_in_dim3A = arith.constant 0.000000e+00 : f32
      %broadcast_in_dim3A_81 = vector.broadcast %broadcast_in_dim3A : f32 to vector<16xf32>
      %swap3A = arith.index_cast %scan3A_80 : i32 to index
      %swap3A_82 = arith.constant 0 : index
      %swap3A_83 = tpu.vector_load %arg9[%swap3A, %swap3A_82] {strides = array<i32>} : memref<32x128xf32, #tpu.memory_space<vmem>>, vector<1x16xf32>,
      %swap3A_84 = vector.shape_cast %swap3A_83 : vector<1x16xf32> to vector<16xf32>
      %swap3A_85 = vector.shape_cast %broadcast_in_dim3A_81 : vector<16xf32> to vector<1x16xf32>
      tpu.vector_store %arg9[%swap3A, %swap3A_82], %swap3A_85 {strides = array<i32>} : memref<32x128xf32, #tpu.memory_space<vmem>>, vector<1x16xf32>,
      %broadcast_in_dim3A_86 = arith.constant 0.000000e+00 : f32
      %broadcast_in_dim3A_87 = vector.broadcast %broadcast_in_dim3A_86 : f32 to vector<16xf32>
      %swap3A_88 = arith.index_cast %scan3A_80 : i32 to index
      %swap3A_89 = arith.constant 16 : index
      %swap3A_90 = tpu.vector_load %arg9[%swap3A_88, %swap3A_89] {strides = array<i32>} : memref<32x128xf32, #tpu.memory_space<vmem>>, vector<1x16xf32>,
      %swap3A_91 = vector.shape_cast %swap3A_90 : vector<1x16xf32> to vector<16xf32>
      %swap3A_92 = vector.shape_cast %broadcast_in_dim3A_87 : vector<16xf32> to vector<1x16xf32>
      tpu.vector_store %arg9[%swap3A_88, %swap3A_89], %swap3A_92 {strides = array<i32>} : memref<32x128xf32, #tpu.memory_space<vmem>>, vector<1x16xf32>,
      %broadcast_in_dim3A_93 = arith.constant 0.000000e+00 : f32
      %broadcast_in_dim3A_94 = vector.broadcast %broadcast_in_dim3A_93 : f32 to vector<16xf32>
      %swap3A_95 = arith.index_cast %scan3A_80 : i32 to index
      %swap3A_96 = arith.constant 32 : index
      %swap3A_97 = tpu.vector_load %arg9[%swap3A_95, %swap3A_96] {strides = array<i32>} : memref<32x128xf32, #tpu.memory_space<vmem>>, vector<1x16xf32>,
      %swap3A_98 = vector.shape_cast %swap3A_97 : vector<1x16xf32> to vector<16xf32>
      %swap3A_99 = vector.shape_cast %broadcast_in_dim3A_94 : vector<16xf32> to vector<1x16xf32>
      tpu.vector_store %arg9[%swap3A_95, %swap3A_96], %swap3A_99 {strides = array<i32>} : memref<32x128xf32, #tpu.memory_space<vmem>>, vector<1x16xf32>,
      %broadcast_in_dim3A_100 = arith.constant 0.000000e+00 : f32
      %broadcast_in_dim3A_101 = vector.broadcast %broadcast_in_dim3A_100 : f32 to vector<16xf32>
      %swap3A_102 = arith.index_cast %scan3A_80 : i32 to index
      %swap3A_103 = arith.constant 48 : index
      %swap3A_104 = tpu.vector_load %arg9[%swap3A_102, %swap3A_103] {strides = array<i32>} : memref<32x128xf32, #tpu.memory_space<vmem>>, vector<1x16xf32>,
      %swap3A_105 = vector.shape_cast %swap3A_104 : vector<1x16xf32> to vector<16xf32>
      %swap3A_106 = vector.shape_cast %broadcast_in_dim3A_101 : vector<16xf32> to vector<1x16xf32>
      tpu.vector_store %arg9[%swap3A_102, %swap3A_103], %swap3A_106 {strides = array<i32>} : memref<32x128xf32, #tpu.memory_space<vmem>>, vector<1x16xf32>,
      %broadcast_in_dim3A_107 = arith.constant 0.000000e+00 : f32
      %broadcast_in_dim3A_108 = vector.broadcast %broadcast_in_dim3A_107 : f32 to vector<16xf32>
      %swap3A_109 = arith.index_cast %scan3A_80 : i32 to index
      %swap3A_110 = arith.constant 64 : index
      %swap3A_111 = tpu.vector_load %arg9[%swap3A_109, %swap3A_110] {strides = array<i32>} : memref<32x128xf32, #tpu.memory_space<vmem>>, vector<1x16xf32>,
      %swap3A_112 = vector.shape_cast %swap3A_111 : vector<1x16xf32> to vector<16xf32>
      %swap3A_113 = vector.shape_cast %broadcast_in_dim3A_108 : vector<16xf32> to vector<1x16xf32>
      tpu.vector_store %arg9[%swap3A_109, %swap3A_110], %swap3A_113 {strides = array<i32>} : memref<32x128xf32, #tpu.memory_space<vmem>>, vector<1x16xf32>,
      %broadcast_in_dim3A_114 = arith.constant 0.000000e+00 : f32
      %broadcast_in_dim3A_115 = vector.broadcast %broadcast_in_dim3A_114 : f32 to vector<16xf32>
      %swap3A_116 = arith.index_cast %scan3A_80 : i32 to index
      %swap3A_117 = arith.constant 80 : index
      %swap3A_118 = tpu.vector_load %arg9[%swap3A_116, %swap3A_117] {strides = array<i32>} : memref<32x128xf32, #tpu.memory_space<vmem>>, vector<1x16xf32>,
      %swap3A_119 = vector.shape_cast %swap3A_118 : vector<1x16xf32> to vector<16xf32>
      %swap3A_120 = vector.shape_cast %broadcast_in_dim3A_115 : vector<16xf32> to vector<1x16xf32>
      tpu.vector_store %arg9[%swap3A_116, %swap3A_117], %swap3A_120 {strides = array<i32>} : memref<32x128xf32, #tpu.memory_space<vmem>>, vector<1x16xf32>,
      %broadcast_in_dim3A_121 = arith.constant 0.000000e+00 : f32
      %broadcast_in_dim3A_122 = vector.broadcast %broadcast_in_dim3A_121 : f32 to vector<16xf32>
      %swap3A_123 = arith.index_cast %scan3A_80 : i32 to index
      %swap3A_124 = arith.constant 96 : index
      %swap3A_125 = tpu.vector_load %arg9[%swap3A_123, %swap3A_124] {strides = array<i32>} : memref<32x128xf32, #tpu.memory_space<vmem>>, vector<1x16xf32>,
      %swap3A_126 = vector.shape_cast %swap3A_125 : vector<1x16xf32> to vector<16xf32>
      %swap3A_127 = vector.shape_cast %broadcast_in_dim3A_122 : vector<16xf32> to vector<1x16xf32>
      tpu.vector_store %arg9[%swap3A_123, %swap3A_124], %swap3A_127 {strides = array<i32>} : memref<32x128xf32, #tpu.memory_space<vmem>>, vector<1x16xf32>,
      %broadcast_in_dim3A_128 = arith.constant 0.000000e+00 : f32
      %broadcast_in_dim3A_129 = vector.broadcast %broadcast_in_dim3A_128 : f32 to vector<16xf32>
      %swap3A_130 = arith.index_cast %scan3A_80 : i32 to index
      %swap3A_131 = arith.constant 112 : index
      %swap3A_132 = tpu.vector_load %arg9[%swap3A_130, %swap3A_131] {strides = array<i32>} : memref<32x128xf32, #tpu.memory_space<vmem>>, vector<1x16xf32>,
      %swap3A_133 = vector.shape_cast %swap3A_132 : vector<1x16xf32> to vector<16xf32>
      %swap3A_134 = vector.shape_cast %broadcast_in_dim3A_129 : vector<16xf32> to vector<1x16xf32>
      tpu.vector_store %arg9[%swap3A_130, %swap3A_131], %swap3A_134 {strides = array<i32>} : memref<32x128xf32, #tpu.memory_space<vmem>>, vector<1x16xf32>,
    }
    %scan3A_4 = arith.constant 32 : i32
    %scan3A_5 = arith.constant 0 : i32
    %scan3A_6 = arith.constant 20 : i32
    %scan3A_7 = arith.addi %scan3A_5, %scan3A_6 : i32
    %scan3A_8 = arith.constant 1 : i32
    scf.for %scan3A_80 = %scan3A_5 to %scan3A_7 step %scan3A_8  : i32 {
      %mul3A_81 = arith.constant 640 : i32
      %mul3A_82 = arith.muli %arg1, %mul3A_81 : i32
      %mul3A_83 = arith.constant 32 : i32
      %mul3A_84 = arith.muli %scan3A_80, %mul3A_83 : i32
      %add3A_85 = arith.addi %mul3A_82, %mul3A_84 : i32
      "tpu.region"() ({
        %run_scoped3A = tpu.sem_alloc : memref<!tpu.dma_semaphore, #tpu.memory_space<semaphore_mem>>
        %dma_start3A_86 = arith.constant 0 : i32
        %dma_start3A_87 = tpu.memref_slice %arg10[%add3A_85, %dma_start3A_86] : memref<10240x128xf32, #tpu.memory_space<vmem_shared>> -> memref<32x128xf32, #tpu.memory_space<vmem_shared>>
        %dma_start3A_88 = arith.constant 0 : i32
        %dma_start3A_89 = tpu.memref_slice %arg10[%add3A_85, %dma_start3A_88] : memref<10240x128xf32, #tpu.memory_space<vmem_shared>> -> memref<32x128xf32, #tpu.memory_space<vmem_shared>>
        tpu.enqueue_dma source(%arg9 : memref<32x128xf32, #tpu.memory_space<vmem>>) target(%dma_start3A_89 : memref<32x128xf32, #tpu.memory_space<vmem_shared>>) target_semaphore(%run_scoped3A : memref<!tpu.dma_semaphore, #tpu.memory_space<semaphore_mem>>)
        %dma_wait3A = arith.constant 0 : i32
        %dma_wait3A_90 = tpu.memref_slice %arg10[%add3A_85, %dma_wait3A] : memref<10240x128xf32, #tpu.memory_space<vmem_shared>> -> memref<32x128xf32, #tpu.memory_space<vmem_shared>>
        %dma_wait3A_91 = arith.constant 0 : i32
        %dma_wait3A_92 = tpu.memref_slice %arg10[%add3A_85, %dma_wait3A_91] : memref<10240x128xf32, #tpu.memory_space<vmem_shared>> -> memref<32x128xf32, #tpu.memory_space<vmem_shared>>
        tpu.wait_dma2 semaphore(%run_scoped3A : memref<!tpu.dma_semaphore, #tpu.memory_space<semaphore_mem>>) src(%arg9 : memref<32x128xf32, #tpu.memory_space<vmem>>) dst(%dma_wait3A_92 : memref<32x128xf32, #tpu.memory_space<vmem_shared>>)
        tpu.yield
      }) : () -> ()
    }
    %scan3A_9 = arith.constant 20 : i32
    %barrier3A = arith.constant 0 : index
    tpu.barrier barrier_id(%barrier3A)
    %mul3A_10 = arith.constant 80 : i32
    %mul3A_11 = arith.muli %add3A, %mul3A_10 : i32
    %add3A_12 = arith.constant 0 : i32
    %add3A_13 = arith.addi %mul3A_11, %add3A_12 : i32
    "tpu.region"() ({
      %run_scoped3A = tpu.sem_alloc : memref<!tpu.dma_semaphore, #tpu.memory_space<semaphore_mem>>
      %dma_start3A_80 = arith.constant 0 : i32
      %dma_start3A_81 = tpu.memref_slice %arg3[%add3A_13, %dma_start3A_80] : memref<2560x125xi32, #tpu.memory_space<hbm>> -> memref<40x125xi32, #tpu.memory_space<hbm>>
      %dma_start3A_82 = arith.constant 0 : i32
      %dma_start3A_83 = tpu.memref_slice %arg3[%add3A_13, %dma_start3A_82] : memref<2560x125xi32, #tpu.memory_space<hbm>> -> memref<40x125xi32, #tpu.memory_space<hbm>>
      tpu.enqueue_dma source(%dma_start3A_83 : memref<40x125xi32, #tpu.memory_space<hbm>>) target(%arg6 : memref<40x125xi32, #tpu.memory_space<vmem>>) target_semaphore(%run_scoped3A : memref<!tpu.dma_semaphore, #tpu.memory_space<semaphore_mem>>)
      %dma_wait3A = arith.constant 0 : i32
      %dma_wait3A_84 = tpu.memref_slice %arg3[%add3A_13, %dma_wait3A] : memref<2560x125xi32, #tpu.memory_space<hbm>> -> memref<40x125xi32, #tpu.memory_space<hbm>>
      %dma_wait3A_85 = arith.constant 0 : i32
      %dma_wait3A_86 = tpu.memref_slice %arg3[%add3A_13, %dma_wait3A_85] : memref<2560x125xi32, #tpu.memory_space<hbm>> -> memref<40x125xi32, #tpu.memory_space<hbm>>
      tpu.wait_dma2 semaphore(%run_scoped3A : memref<!tpu.dma_semaphore, #tpu.memory_space<semaphore_mem>>) src(%dma_wait3A_86 : memref<40x125xi32, #tpu.memory_space<hbm>>) dst(%arg6 : memref<40x125xi32, #tpu.memory_space<vmem>>)
      tpu.yield
    }) : () -> ()
    "tpu.region"() ({
      %run_scoped3A = tpu.sem_alloc : memref<!tpu.dma_semaphore, #tpu.memory_space<semaphore_mem>>
      %dma_start3A_80 = arith.constant 0 : i32
      %dma_start3A_81 = tpu.memref_slice %arg4[%add3A_13, %dma_start3A_80] : memref<2560x125xi32, #tpu.memory_space<hbm>> -> memref<40x125xi32, #tpu.memory_space<hbm>>
      %dma_start3A_82 = arith.constant 0 : i32
      %dma_start3A_83 = tpu.memref_slice %arg4[%add3A_13, %dma_start3A_82] : memref<2560x125xi32, #tpu.memory_space<hbm>> -> memref<40x125xi32, #tpu.memory_space<hbm>>
      tpu.enqueue_dma source(%dma_start3A_83 : memref<40x125xi32, #tpu.memory_space<hbm>>) target(%arg7 : memref<40x125xi32, #tpu.memory_space<vmem>>) target_semaphore(%run_scoped3A : memref<!tpu.dma_semaphore, #tpu.memory_space<semaphore_mem>>)
      %dma_wait3A = arith.constant 0 : i32
      %dma_wait3A_84 = tpu.memref_slice %arg4[%add3A_13, %dma_wait3A] : memref<2560x125xi32, #tpu.memory_space<hbm>> -> memref<40x125xi32, #tpu.memory_space<hbm>>
      %dma_wait3A_85 = arith.constant 0 : i32
      %dma_wait3A_86 = tpu.memref_slice %arg4[%add3A_13, %dma_wait3A_85] : memref<2560x125xi32, #tpu.memory_space<hbm>> -> memref<40x125xi32, #tpu.memory_space<hbm>>
      tpu.wait_dma2 semaphore(%run_scoped3A : memref<!tpu.dma_semaphore, #tpu.memory_space<semaphore_mem>>) src(%dma_wait3A_86 : memref<40x125xi32, #tpu.memory_space<hbm>>) dst(%arg7 : memref<40x125xi32, #tpu.memory_space<vmem>>)
      tpu.yield
    }) : () -> ()
    %dma_start3A = arith.constant 0 : i32
    %dma_start3A_14 = arith.constant 0 : i32
    %dma_start3A_15 = arith.constant 0 : i32
    %dma_start3A_16 = arith.constant 0 : i32
    %dma_start3A_17 = tpu.memref_slice %arg8[%dma_start3A_14, %dma_start3A_15, %dma_start3A_16] : memref<2x125x128xf32, #tpu.memory_space<vmem>> -> memref<1x125x128xf32, #tpu.memory_space<vmem>>
    %dma_start3A_18 = tpu.memref_squeeze %dma_start3A_17 : memref<1x125x128xf32, #tpu.memory_space<vmem>> -> memref<125x128xf32, #tpu.memory_space<vmem>>
    %dma_start3A_19 = arith.constant 0 : i32
    %dma_start3A_20 = tpu.memref_slice %arg6[%dma_start3A, %dma_start3A_19] : memref<40x125xi32, #tpu.memory_space<vmem>> -> memref<1x125xi32, #tpu.memory_space<vmem>>
    %dma_start3A_21 = tpu.memref_squeeze %dma_start3A_20 : memref<1x125xi32, #tpu.memory_space<vmem>> -> memref<125xi32, #tpu.memory_space<vmem>>
    %dma_start3A_22 = arith.constant 0 : i32
    %dma_start3A_23 = arith.constant 0 : i32
    %dma_start3A_24 = tpu.memref_slice %arg2[%dma_start3A_22, %dma_start3A_23] : memref<10000x128xf32, #tpu.memory_space<hbm>> -> memref<10000x128xf32, #tpu.memory_space<hbm>>
    tpu.enqueue_indirect_dma source(%dma_start3A_24 : memref<10000x128xf32, #tpu.memory_space<hbm>>) target(%dma_start3A_18 : memref<125x128xf32, #tpu.memory_space<vmem>>) offsets(%dma_start3A_21 : memref<125xi32, #tpu.memory_space<vmem>>) semaphore(%arg11 : memref<!tpu.dma_semaphore, #tpu.memory_space<semaphore_mem>>)
    %dma_start3A_25 = arith.constant 1 : i32
    %dma_start3A_26 = arith.constant 1 : i32
    %dma_start3A_27 = arith.constant 0 : i32
    %dma_start3A_28 = arith.constant 0 : i32
    %dma_start3A_29 = tpu.memref_slice %arg8[%dma_start3A_26, %dma_start3A_27, %dma_start3A_28] : memref<2x125x128xf32, #tpu.memory_space<vmem>> -> memref<1x125x128xf32, #tpu.memory_space<vmem>>
    %dma_start3A_30 = tpu.memref_squeeze %dma_start3A_29 : memref<1x125x128xf32, #tpu.memory_space<vmem>> -> memref<125x128xf32, #tpu.memory_space<vmem>>
    %dma_start3A_31 = arith.constant 0 : i32
    %dma_start3A_32 = tpu.memref_slice %arg6[%dma_start3A_25, %dma_start3A_31] : memref<40x125xi32, #tpu.memory_space<vmem>> -> memref<1x125xi32, #tpu.memory_space<vmem>>
    %dma_start3A_33 = tpu.memref_squeeze %dma_start3A_32 : memref<1x125xi32, #tpu.memory_space<vmem>> -> memref<125xi32, #tpu.memory_space<vmem>>
    %dma_start3A_34 = arith.constant 0 : i32
    %dma_start3A_35 = arith.constant 0 : i32
    %dma_start3A_36 = tpu.memref_slice %arg2[%dma_start3A_34, %dma_start3A_35] : memref<10000x128xf32, #tpu.memory_space<hbm>> -> memref<10000x128xf32, #tpu.memory_space<hbm>>
    tpu.enqueue_indirect_dma source(%dma_start3A_36 : memref<10000x128xf32, #tpu.memory_space<hbm>>) target(%dma_start3A_30 : memref<125x128xf32, #tpu.memory_space<vmem>>) offsets(%dma_start3A_33 : memref<125xi32, #tpu.memory_space<vmem>>) semaphore(%arg12 : memref<!tpu.dma_semaphore, #tpu.memory_space<semaphore_mem>>)
    %scan3A_37 = arith.constant 0 : i32
    %scan3A_38 = arith.constant 40 : i32
    %scan3A_39 = arith.addi %scan3A_37, %scan3A_38 : i32
    %scan3A_40 = arith.constant 1 : i32
    scf.for %scan3A_80 = %scan3A_37 to %scan3A_39 step %scan3A_40  : i32 {
      %rem3A = arith.constant 2 : i32
      %rem3A_81 = arith.remsi %scan3A_80, %rem3A : i32
      %eq3A = arith.constant 0 : i32
      %eq3A_82 = arith.cmpi eq, %rem3A_81, %eq3A : i32
      %convert_element_type3A = arith.extui %eq3A_82 : i1 to i32
      %cond3A = arith.constant 0 : i32
      %cond3A_83 = arith.cmpi ne, %convert_element_type3A, %cond3A : i32
      scf.if %cond3A_83 {
        %dma_wait3A = arith.constant 0 : i32
        %dma_wait3A_88 = arith.constant 0 : i32
        %dma_wait3A_89 = arith.constant 0 : i32
        %dma_wait3A_90 = tpu.memref_slice %arg8[%dma_wait3A, %dma_wait3A_88, %dma_wait3A_89] : memref<2x125x128xf32, #tpu.memory_space<vmem>> -> memref<1x125x128xf32, #tpu.memory_space<vmem>>
        %dma_wait3A_91 = tpu.memref_squeeze %dma_wait3A_90 : memref<1x125x128xf32, #tpu.memory_space<vmem>> -> memref<125x128xf32, #tpu.memory_space<vmem>>
        %dma_wait3A_92 = arith.constant 0 : i32
        %dma_wait3A_93 = tpu.memref_slice %arg6[%scan3A_80, %dma_wait3A_92] : memref<40x125xi32, #tpu.memory_space<vmem>> -> memref<1x125xi32, #tpu.memory_space<vmem>>
        %dma_wait3A_94 = tpu.memref_squeeze %dma_wait3A_93 : memref<1x125xi32, #tpu.memory_space<vmem>> -> memref<125xi32, #tpu.memory_space<vmem>>
        %dma_wait3A_95 = arith.constant 0 : i32
        %dma_wait3A_96 = arith.constant 0 : i32
        %dma_wait3A_97 = tpu.memref_slice %arg2[%dma_wait3A_95, %dma_wait3A_96] : memref<10000x128xf32, #tpu.memory_space<hbm>> -> memref<10000x128xf32, #tpu.memory_space<hbm>>
        tpu.wait_indirect_dma semaphore(%arg11 : memref<!tpu.dma_semaphore, #tpu.memory_space<semaphore_mem>>) src(%dma_wait3A_97 : memref<10000x128xf32, #tpu.memory_space<hbm>>) dst(%dma_wait3A_91 : memref<125x128xf32, #tpu.memory_space<vmem>>)
        %run_scoped3A = arith.constant 0 : i32
        "tpu.region"() ({
          %run_scoped3A_104 = tpu.sem_alloc : memref<!tpu.dma_semaphore, #tpu.memory_space<semaphore_mem>>
          %dma_start3A_105 = arith.constant 0 : i32
          %dma_start3A_106 = arith.constant 0 : i32
          %dma_start3A_107 = tpu.memref_slice %arg8[%run_scoped3A, %dma_start3A_105, %dma_start3A_106] : memref<2x125x128xf32, #tpu.memory_space<vmem>> -> memref<1x125x128xf32, #tpu.memory_space<vmem>>
          %dma_start3A_108 = tpu.memref_squeeze %dma_start3A_107 : memref<1x125x128xf32, #tpu.memory_space<vmem>> -> memref<125x128xf32, #tpu.memory_space<vmem>>
          %dma_start3A_109 = arith.constant 0 : i32
          %dma_start3A_110 = tpu.memref_slice %arg7[%scan3A_80, %dma_start3A_109] : memref<40x125xi32, #tpu.memory_space<vmem>> -> memref<1x125xi32, #tpu.memory_space<vmem>>
          %dma_start3A_111 = tpu.memref_squeeze %dma_start3A_110 : memref<1x125xi32, #tpu.memory_space<vmem>> -> memref<125xi32, #tpu.memory_space<vmem>>
          %dma_start3A_112 = arith.constant 0 : i32
          %dma_start3A_113 = arith.constant 0 : i32
          %dma_start3A_114 = tpu.memref_slice %arg10[%dma_start3A_112, %dma_start3A_113] : memref<10240x128xf32, #tpu.memory_space<vmem_shared>> -> memref<10240x128xf32, #tpu.memory_space<vmem_shared>>
          tpu.enqueue_indirect_dma source(%dma_start3A_108 : memref<125x128xf32, #tpu.memory_space<vmem>>) target(%dma_start3A_114 : memref<10240x128xf32, #tpu.memory_space<vmem_shared>>) offsets(%dma_start3A_111 : memref<125xi32, #tpu.memory_space<vmem>>) semaphore(%run_scoped3A_104 : memref<!tpu.dma_semaphore, #tpu.memory_space<semaphore_mem>>) {add = true}
          %dma_wait3A_115 = arith.constant 0 : i32
          %dma_wait3A_116 = arith.constant 0 : i32
          %dma_wait3A_117 = tpu.memref_slice %arg8[%run_scoped3A, %dma_wait3A_115, %dma_wait3A_116] : memref<2x125x128xf32, #tpu.memory_space<vmem>> -> memref<1x125x128xf32, #tpu.memory_space<vmem>>
          %dma_wait3A_118 = tpu.memref_squeeze %dma_wait3A_117 : memref<1x125x128xf32, #tpu.memory_space<vmem>> -> memref<125x128xf32, #tpu.memory_space<vmem>>
          %dma_wait3A_119 = arith.constant 0 : i32
          %dma_wait3A_120 = tpu.memref_slice %arg7[%scan3A_80, %dma_wait3A_119] : memref<40x125xi32, #tpu.memory_space<vmem>> -> memref<1x125xi32, #tpu.memory_space<vmem>>
          %dma_wait3A_121 = tpu.memref_squeeze %dma_wait3A_120 : memref<1x125xi32, #tpu.memory_space<vmem>> -> memref<125xi32, #tpu.memory_space<vmem>>
          %dma_wait3A_122 = arith.constant 0 : i32
          %dma_wait3A_123 = arith.constant 0 : i32
          %dma_wait3A_124 = tpu.memref_slice %arg10[%dma_wait3A_122, %dma_wait3A_123] : memref<10240x128xf32, #tpu.memory_space<vmem_shared>> -> memref<10240x128xf32, #tpu.memory_space<vmem_shared>>
          tpu.wait_indirect_dma semaphore(%run_scoped3A_104 : memref<!tpu.dma_semaphore, #tpu.memory_space<semaphore_mem>>) src(%dma_wait3A_118 : memref<125x128xf32, #tpu.memory_space<vmem>>) dst(%dma_wait3A_124 : memref<10240x128xf32, #tpu.memory_space<vmem_shared>>)
          tpu.yield
        }) : () -> ()
        %add3A_98 = arith.constant 2 : i32
        %add3A_99 = arith.addi %scan3A_80, %add3A_98 : i32
        %lt3A = arith.constant 40 : i32
        %lt3A_100 = arith.cmpi slt, %add3A_99, %lt3A : i32
        %convert_element_type3A_101 = arith.extui %lt3A_100 : i1 to i32
        %cond3A_102 = arith.constant 0 : i32
        %cond3A_103 = arith.cmpi ne, %convert_element_type3A_101, %cond3A_102 : i32
        scf.if %cond3A_103 {
          %add3A_104 = arith.constant 2 : i32
          %add3A_105 = arith.addi %scan3A_80, %add3A_104 : i32
          %dma_start3A_106 = arith.constant 0 : i32
          %dma_start3A_107 = arith.constant 0 : i32
          %dma_start3A_108 = arith.constant 0 : i32
          %dma_start3A_109 = tpu.memref_slice %arg8[%dma_start3A_106, %dma_start3A_107, %dma_start3A_108] : memref<2x125x128xf32, #tpu.memory_space<vmem>> -> memref<1x125x128xf32, #tpu.memory_space<vmem>>
          %dma_start3A_110 = tpu.memref_squeeze %dma_start3A_109 : memref<1x125x128xf32, #tpu.memory_space<vmem>> -> memref<125x128xf32, #tpu.memory_space<vmem>>
          %dma_start3A_111 = arith.constant 0 : i32
          %dma_start3A_112 = tpu.memref_slice %arg6[%add3A_105, %dma_start3A_111] : memref<40x125xi32, #tpu.memory_space<vmem>> -> memref<1x125xi32, #tpu.memory_space<vmem>>
          %dma_start3A_113 = tpu.memref_squeeze %dma_start3A_112 : memref<1x125xi32, #tpu.memory_space<vmem>> -> memref<125xi32, #tpu.memory_space<vmem>>
          %dma_start3A_114 = arith.constant 0 : i32
          %dma_start3A_115 = arith.constant 0 : i32
          %dma_start3A_116 = tpu.memref_slice %arg2[%dma_start3A_114, %dma_start3A_115] : memref<10000x128xf32, #tpu.memory_space<hbm>> -> memref<10000x128xf32, #tpu.memory_space<hbm>>
          tpu.enqueue_indirect_dma source(%dma_start3A_116 : memref<10000x128xf32, #tpu.memory_space<hbm>>) target(%dma_start3A_110 : memref<125x128xf32, #tpu.memory_space<vmem>>) offsets(%dma_start3A_113 : memref<125xi32, #tpu.memory_space<vmem>>) semaphore(%arg11 : memref<!tpu.dma_semaphore, #tpu.memory_space<semaphore_mem>>)
        } else {
        }
      } else {
      }
      %not3A = arith.constant true
      %not3A_84 = arith.xori %eq3A_82, %not3A : i1
      %convert_element_type3A_85 = arith.extui %not3A_84 : i1 to i32
      %cond3A_86 = arith.constant 0 : i32
      %cond3A_87 = arith.cmpi ne, %convert_element_type3A_85, %cond3A_86 : i32
      scf.if %cond3A_87 {
        %dma_wait3A = arith.constant 1 : i32
        %dma_wait3A_88 = arith.constant 0 : i32
        %dma_wait3A_89 = arith.constant 0 : i32
        %dma_wait3A_90 = tpu.memref_slice %arg8[%dma_wait3A, %dma_wait3A_88, %dma_wait3A_89] : memref<2x125x128xf32, #tpu.memory_space<vmem>> -> memref<1x125x128xf32, #tpu.memory_space<vmem>>
        %dma_wait3A_91 = tpu.memref_squeeze %dma_wait3A_90 : memref<1x125x128xf32, #tpu.memory_space<vmem>> -> memref<125x128xf32, #tpu.memory_space<vmem>>
        %dma_wait3A_92 = arith.constant 0 : i32
        %dma_wait3A_93 = tpu.memref_slice %arg6[%scan3A_80, %dma_wait3A_92] : memref<40x125xi32, #tpu.memory_space<vmem>> -> memref<1x125xi32, #tpu.memory_space<vmem>>
        %dma_wait3A_94 = tpu.memref_squeeze %dma_wait3A_93 : memref<1x125xi32, #tpu.memory_space<vmem>> -> memref<125xi32, #tpu.memory_space<vmem>>
        %dma_wait3A_95 = arith.constant 0 : i32
        %dma_wait3A_96 = arith.constant 0 : i32
        %dma_wait3A_97 = tpu.memref_slice %arg2[%dma_wait3A_95, %dma_wait3A_96] : memref<10000x128xf32, #tpu.memory_space<hbm>> -> memref<10000x128xf32, #tpu.memory_space<hbm>>
        tpu.wait_indirect_dma semaphore(%arg12 : memref<!tpu.dma_semaphore, #tpu.memory_space<semaphore_mem>>) src(%dma_wait3A_97 : memref<10000x128xf32, #tpu.memory_space<hbm>>) dst(%dma_wait3A_91 : memref<125x128xf32, #tpu.memory_space<vmem>>)
        %run_scoped3A = arith.constant 1 : i32
        "tpu.region"() ({
          %run_scoped3A_104 = tpu.sem_alloc : memref<!tpu.dma_semaphore, #tpu.memory_space<semaphore_mem>>
          %dma_start3A_105 = arith.constant 0 : i32
          %dma_start3A_106 = arith.constant 0 : i32
          %dma_start3A_107 = tpu.memref_slice %arg8[%run_scoped3A, %dma_start3A_105, %dma_start3A_106] : memref<2x125x128xf32, #tpu.memory_space<vmem>> -> memref<1x125x128xf32, #tpu.memory_space<vmem>>
          %dma_start3A_108 = tpu.memref_squeeze %dma_start3A_107 : memref<1x125x128xf32, #tpu.memory_space<vmem>> -> memref<125x128xf32, #tpu.memory_space<vmem>>
          %dma_start3A_109 = arith.constant 0 : i32
          %dma_start3A_110 = tpu.memref_slice %arg7[%scan3A_80, %dma_start3A_109] : memref<40x125xi32, #tpu.memory_space<vmem>> -> memref<1x125xi32, #tpu.memory_space<vmem>>
          %dma_start3A_111 = tpu.memref_squeeze %dma_start3A_110 : memref<1x125xi32, #tpu.memory_space<vmem>> -> memref<125xi32, #tpu.memory_space<vmem>>
          %dma_start3A_112 = arith.constant 0 : i32
          %dma_start3A_113 = arith.constant 0 : i32
          %dma_start3A_114 = tpu.memref_slice %arg10[%dma_start3A_112, %dma_start3A_113] : memref<10240x128xf32, #tpu.memory_space<vmem_shared>> -> memref<10240x128xf32, #tpu.memory_space<vmem_shared>>
          tpu.enqueue_indirect_dma source(%dma_start3A_108 : memref<125x128xf32, #tpu.memory_space<vmem>>) target(%dma_start3A_114 : memref<10240x128xf32, #tpu.memory_space<vmem_shared>>) offsets(%dma_start3A_111 : memref<125xi32, #tpu.memory_space<vmem>>) semaphore(%run_scoped3A_104 : memref<!tpu.dma_semaphore, #tpu.memory_space<semaphore_mem>>) {add = true}
          %dma_wait3A_115 = arith.constant 0 : i32
          %dma_wait3A_116 = arith.constant 0 : i32
          %dma_wait3A_117 = tpu.memref_slice %arg8[%run_scoped3A, %dma_wait3A_115, %dma_wait3A_116] : memref<2x125x128xf32, #tpu.memory_space<vmem>> -> memref<1x125x128xf32, #tpu.memory_space<vmem>>
          %dma_wait3A_118 = tpu.memref_squeeze %dma_wait3A_117 : memref<1x125x128xf32, #tpu.memory_space<vmem>> -> memref<125x128xf32, #tpu.memory_space<vmem>>
          %dma_wait3A_119 = arith.constant 0 : i32
          %dma_wait3A_120 = tpu.memref_slice %arg7[%scan3A_80, %dma_wait3A_119] : memref<40x125xi32, #tpu.memory_space<vmem>> -> memref<1x125xi32, #tpu.memory_space<vmem>>
          %dma_wait3A_121 = tpu.memref_squeeze %dma_wait3A_120 : memref<1x125xi32, #tpu.memory_space<vmem>> -> memref<125xi32, #tpu.memory_space<vmem>>
          %dma_wait3A_122 = arith.constant 0 : i32
          %dma_wait3A_123 = arith.constant 0 : i32
          %dma_wait3A_124 = tpu.memref_slice %arg10[%dma_wait3A_122, %dma_wait3A_123] : memref<10240x128xf32, #tpu.memory_space<vmem_shared>> -> memref<10240x128xf32, #tpu.memory_space<vmem_shared>>
          tpu.wait_indirect_dma semaphore(%run_scoped3A_104 : memref<!tpu.dma_semaphore, #tpu.memory_space<semaphore_mem>>) src(%dma_wait3A_118 : memref<125x128xf32, #tpu.memory_space<vmem>>) dst(%dma_wait3A_124 : memref<10240x128xf32, #tpu.memory_space<vmem_shared>>)
          tpu.yield
        }) : () -> ()
        %add3A_98 = arith.constant 2 : i32
        %add3A_99 = arith.addi %scan3A_80, %add3A_98 : i32
        %lt3A = arith.constant 40 : i32
        %lt3A_100 = arith.cmpi slt, %add3A_99, %lt3A : i32
        %convert_element_type3A_101 = arith.extui %lt3A_100 : i1 to i32
        %cond3A_102 = arith.constant 0 : i32
        %cond3A_103 = arith.cmpi ne, %convert_element_type3A_101, %cond3A_102 : i32
        scf.if %cond3A_103 {
          %add3A_104 = arith.constant 2 : i32
          %add3A_105 = arith.addi %scan3A_80, %add3A_104 : i32
          %dma_start3A_106 = arith.constant 1 : i32
          %dma_start3A_107 = arith.constant 0 : i32
          %dma_start3A_108 = arith.constant 0 : i32
          %dma_start3A_109 = tpu.memref_slice %arg8[%dma_start3A_106, %dma_start3A_107, %dma_start3A_108] : memref<2x125x128xf32, #tpu.memory_space<vmem>> -> memref<1x125x128xf32, #tpu.memory_space<vmem>>
          %dma_start3A_110 = tpu.memref_squeeze %dma_start3A_109 : memref<1x125x128xf32, #tpu.memory_space<vmem>> -> memref<125x128xf32, #tpu.memory_space<vmem>>
          %dma_start3A_111 = arith.constant 0 : i32
          %dma_start3A_112 = tpu.memref_slice %arg6[%add3A_105, %dma_start3A_111] : memref<40x125xi32, #tpu.memory_space<vmem>> -> memref<1x125xi32, #tpu.memory_space<vmem>>
          %dma_start3A_113 = tpu.memref_squeeze %dma_start3A_112 : memref<1x125xi32, #tpu.memory_space<vmem>> -> memref<125xi32, #tpu.memory_space<vmem>>
          %dma_start3A_114 = arith.constant 0 : i32
          %dma_start3A_115 = arith.constant 0 : i32
          %dma_start3A_116 = tpu.memref_slice %arg2[%dma_start3A_114, %dma_start3A_115] : memref<10000x128xf32, #tpu.memory_space<hbm>> -> memref<10000x128xf32, #tpu.memory_space<hbm>>
          tpu.enqueue_indirect_dma source(%dma_start3A_116 : memref<10000x128xf32, #tpu.memory_space<hbm>>) target(%dma_start3A_110 : memref<125x128xf32, #tpu.memory_space<vmem>>) offsets(%dma_start3A_113 : memref<125xi32, #tpu.memory_space<vmem>>) semaphore(%arg12 : memref<!tpu.dma_semaphore, #tpu.memory_space<semaphore_mem>>)
        } else {
        }
      } else {
      }
    }
    %scan3A_41 = arith.constant 40 : i32
    %mul3A_42 = arith.constant 80 : i32
    %mul3A_43 = arith.muli %add3A, %mul3A_42 : i32
    %add3A_44 = arith.constant 40 : i32
    %add3A_45 = arith.addi %mul3A_43, %add3A_44 : i32
    "tpu.region"() ({
      %run_scoped3A = tpu.sem_alloc : memref<!tpu.dma_semaphore, #tpu.memory_space<semaphore_mem>>
      %dma_start3A_80 = arith.constant 0 : i32
      %dma_start3A_81 = tpu.memref_slice %arg3[%add3A_45, %dma_start3A_80] : memref<2560x125xi32, #tpu.memory_space<hbm>> -> memref<40x125xi32, #tpu.memory_space<hbm>>
      %dma_start3A_82 = arith.constant 0 : i32
      %dma_start3A_83 = tpu.memref_slice %arg3[%add3A_45, %dma_start3A_82] : memref<2560x125xi32, #tpu.memory_space<hbm>> -> memref<40x125xi32, #tpu.memory_space<hbm>>
      tpu.enqueue_dma source(%dma_start3A_83 : memref<40x125xi32, #tpu.memory_space<hbm>>) target(%arg6 : memref<40x125xi32, #tpu.memory_space<vmem>>) target_semaphore(%run_scoped3A : memref<!tpu.dma_semaphore, #tpu.memory_space<semaphore_mem>>)
      %dma_wait3A = arith.constant 0 : i32
      %dma_wait3A_84 = tpu.memref_slice %arg3[%add3A_45, %dma_wait3A] : memref<2560x125xi32, #tpu.memory_space<hbm>> -> memref<40x125xi32, #tpu.memory_space<hbm>>
      %dma_wait3A_85 = arith.constant 0 : i32
      %dma_wait3A_86 = tpu.memref_slice %arg3[%add3A_45, %dma_wait3A_85] : memref<2560x125xi32, #tpu.memory_space<hbm>> -> memref<40x125xi32, #tpu.memory_space<hbm>>
      tpu.wait_dma2 semaphore(%run_scoped3A : memref<!tpu.dma_semaphore, #tpu.memory_space<semaphore_mem>>) src(%dma_wait3A_86 : memref<40x125xi32, #tpu.memory_space<hbm>>) dst(%arg6 : memref<40x125xi32, #tpu.memory_space<vmem>>)
      tpu.yield
    }) : () -> ()
    "tpu.region"() ({
      %run_scoped3A = tpu.sem_alloc : memref<!tpu.dma_semaphore, #tpu.memory_space<semaphore_mem>>
      %dma_start3A_80 = arith.constant 0 : i32
      %dma_start3A_81 = tpu.memref_slice %arg4[%add3A_45, %dma_start3A_80] : memref<2560x125xi32, #tpu.memory_space<hbm>> -> memref<40x125xi32, #tpu.memory_space<hbm>>
      %dma_start3A_82 = arith.constant 0 : i32
      %dma_start3A_83 = tpu.memref_slice %arg4[%add3A_45, %dma_start3A_82] : memref<2560x125xi32, #tpu.memory_space<hbm>> -> memref<40x125xi32, #tpu.memory_space<hbm>>
      tpu.enqueue_dma source(%dma_start3A_83 : memref<40x125xi32, #tpu.memory_space<hbm>>) target(%arg7 : memref<40x125xi32, #tpu.memory_space<vmem>>) target_semaphore(%run_scoped3A : memref<!tpu.dma_semaphore, #tpu.memory_space<semaphore_mem>>)
      %dma_wait3A = arith.constant 0 : i32
      %dma_wait3A_84 = tpu.memref_slice %arg4[%add3A_45, %dma_wait3A] : memref<2560x125xi32, #tpu.memory_space<hbm>> -> memref<40x125xi32, #tpu.memory_space<hbm>>
      %dma_wait3A_85 = arith.constant 0 : i32
      %dma_wait3A_86 = tpu.memref_slice %arg4[%add3A_45, %dma_wait3A_85] : memref<2560x125xi32, #tpu.memory_space<hbm>> -> memref<40x125xi32, #tpu.memory_space<hbm>>
      tpu.wait_dma2 semaphore(%run_scoped3A : memref<!tpu.dma_semaphore, #tpu.memory_space<semaphore_mem>>) src(%dma_wait3A_86 : memref<40x125xi32, #tpu.memory_space<hbm>>) dst(%arg7 : memref<40x125xi32, #tpu.memory_space<vmem>>)
      tpu.yield
    }) : () -> ()
    %dma_start3A_46 = arith.constant 0 : i32
    %dma_start3A_47 = arith.constant 0 : i32
    %dma_start3A_48 = arith.constant 0 : i32
    %dma_start3A_49 = arith.constant 0 : i32
    %dma_start3A_50 = tpu.memref_slice %arg8[%dma_start3A_47, %dma_start3A_48, %dma_start3A_49] : memref<2x125x128xf32, #tpu.memory_space<vmem>> -> memref<1x125x128xf32, #tpu.memory_space<vmem>>
    %dma_start3A_51 = tpu.memref_squeeze %dma_start3A_50 : memref<1x125x128xf32, #tpu.memory_space<vmem>> -> memref<125x128xf32, #tpu.memory_space<vmem>>
    %dma_start3A_52 = arith.constant 0 : i32
    %dma_start3A_53 = tpu.memref_slice %arg6[%dma_start3A_46, %dma_start3A_52] : memref<40x125xi32, #tpu.memory_space<vmem>> -> memref<1x125xi32, #tpu.memory_space<vmem>>
    %dma_start3A_54 = tpu.memref_squeeze %dma_start3A_53 : memref<1x125xi32, #tpu.memory_space<vmem>> -> memref<125xi32, #tpu.memory_space<vmem>>
    %dma_start3A_55 = arith.constant 0 : i32
    %dma_start3A_56 = arith.constant 0 : i32
    %dma_start3A_57 = tpu.memref_slice %arg2[%dma_start3A_55, %dma_start3A_56] : memref<10000x128xf32, #tpu.memory_space<hbm>> -> memref<10000x128xf32, #tpu.memory_space<hbm>>
    tpu.enqueue_indirect_dma source(%dma_start3A_57 : memref<10000x128xf32, #tpu.memory_space<hbm>>) target(%dma_start3A_51 : memref<125x128xf32, #tpu.memory_space<vmem>>) offsets(%dma_start3A_54 : memref<125xi32, #tpu.memory_space<vmem>>) semaphore(%arg11 : memref<!tpu.dma_semaphore, #tpu.memory_space<semaphore_mem>>)
    %dma_start3A_58 = arith.constant 1 : i32
    %dma_start3A_59 = arith.constant 1 : i32
    %dma_start3A_60 = arith.constant 0 : i32
    %dma_start3A_61 = arith.constant 0 : i32
    %dma_start3A_62 = tpu.memref_slice %arg8[%dma_start3A_59, %dma_start3A_60, %dma_start3A_61] : memref<2x125x128xf32, #tpu.memory_space<vmem>> -> memref<1x125x128xf32, #tpu.memory_space<vmem>>
    %dma_start3A_63 = tpu.memref_squeeze %dma_start3A_62 : memref<1x125x128xf32, #tpu.memory_space<vmem>> -> memref<125x128xf32, #tpu.memory_space<vmem>>
    %dma_start3A_64 = arith.constant 0 : i32
    %dma_start3A_65 = tpu.memref_slice %arg6[%dma_start3A_58, %dma_start3A_64] : memref<40x125xi32, #tpu.memory_space<vmem>> -> memref<1x125xi32, #tpu.memory_space<vmem>>
    %dma_start3A_66 = tpu.memref_squeeze %dma_start3A_65 : memref<1x125xi32, #tpu.memory_space<vmem>> -> memref<125xi32, #tpu.memory_space<vmem>>
    %dma_start3A_67 = arith.constant 0 : i32
    %dma_start3A_68 = arith.constant 0 : i32
    %dma_start3A_69 = tpu.memref_slice %arg2[%dma_start3A_67, %dma_start3A_68] : memref<10000x128xf32, #tpu.memory_space<hbm>> -> memref<10000x128xf32, #tpu.memory_space<hbm>>
    tpu.enqueue_indirect_dma source(%dma_start3A_69 : memref<10000x128xf32, #tpu.memory_space<hbm>>) target(%dma_start3A_63 : memref<125x128xf32, #tpu.memory_space<vmem>>) offsets(%dma_start3A_66 : memref<125xi32, #tpu.memory_space<vmem>>) semaphore(%arg12 : memref<!tpu.dma_semaphore, #tpu.memory_space<semaphore_mem>>)
    %scan3A_70 = arith.constant 0 : i32
    %scan3A_71 = arith.constant 40 : i32
    %scan3A_72 = arith.addi %scan3A_70, %scan3A_71 : i32
    %scan3A_73 = arith.constant 1 : i32
    scf.for %scan3A_80 = %scan3A_70 to %scan3A_72 step %scan3A_73  : i32 {
      %rem3A = arith.constant 2 : i32
      %rem3A_81 = arith.remsi %scan3A_80, %rem3A : i32
      %eq3A = arith.constant 0 : i32
      %eq3A_82 = arith.cmpi eq, %rem3A_81, %eq3A : i32
      %convert_element_type3A = arith.extui %eq3A_82 : i1 to i32
      %cond3A = arith.constant 0 : i32
      %cond3A_83 = arith.cmpi ne, %convert_element_type3A, %cond3A : i32
      scf.if %cond3A_83 {
        %dma_wait3A = arith.constant 0 : i32
        %dma_wait3A_88 = arith.constant 0 : i32
        %dma_wait3A_89 = arith.constant 0 : i32
        %dma_wait3A_90 = tpu.memref_slice %arg8[%dma_wait3A, %dma_wait3A_88, %dma_wait3A_89] : memref<2x125x128xf32, #tpu.memory_space<vmem>> -> memref<1x125x128xf32, #tpu.memory_space<vmem>>
        %dma_wait3A_91 = tpu.memref_squeeze %dma_wait3A_90 : memref<1x125x128xf32, #tpu.memory_space<vmem>> -> memref<125x128xf32, #tpu.memory_space<vmem>>
        %dma_wait3A_92 = arith.constant 0 : i32
        %dma_wait3A_93 = tpu.memref_slice %arg6[%scan3A_80, %dma_wait3A_92] : memref<40x125xi32, #tpu.memory_space<vmem>> -> memref<1x125xi32, #tpu.memory_space<vmem>>
        %dma_wait3A_94 = tpu.memref_squeeze %dma_wait3A_93 : memref<1x125xi32, #tpu.memory_space<vmem>> -> memref<125xi32, #tpu.memory_space<vmem>>
        %dma_wait3A_95 = arith.constant 0 : i32
        %dma_wait3A_96 = arith.constant 0 : i32
        %dma_wait3A_97 = tpu.memref_slice %arg2[%dma_wait3A_95, %dma_wait3A_96] : memref<10000x128xf32, #tpu.memory_space<hbm>> -> memref<10000x128xf32, #tpu.memory_space<hbm>>
        tpu.wait_indirect_dma semaphore(%arg11 : memref<!tpu.dma_semaphore, #tpu.memory_space<semaphore_mem>>) src(%dma_wait3A_97 : memref<10000x128xf32, #tpu.memory_space<hbm>>) dst(%dma_wait3A_91 : memref<125x128xf32, #tpu.memory_space<vmem>>)
        %run_scoped3A = arith.constant 0 : i32
        "tpu.region"() ({
          %run_scoped3A_104 = tpu.sem_alloc : memref<!tpu.dma_semaphore, #tpu.memory_space<semaphore_mem>>
          %dma_start3A_105 = arith.constant 0 : i32
          %dma_start3A_106 = arith.constant 0 : i32
          %dma_start3A_107 = tpu.memref_slice %arg8[%run_scoped3A, %dma_start3A_105, %dma_start3A_106] : memref<2x125x128xf32, #tpu.memory_space<vmem>> -> memref<1x125x128xf32, #tpu.memory_space<vmem>>
          %dma_start3A_108 = tpu.memref_squeeze %dma_start3A_107 : memref<1x125x128xf32, #tpu.memory_space<vmem>> -> memref<125x128xf32, #tpu.memory_space<vmem>>
          %dma_start3A_109 = arith.constant 0 : i32
          %dma_start3A_110 = tpu.memref_slice %arg7[%scan3A_80, %dma_start3A_109] : memref<40x125xi32, #tpu.memory_space<vmem>> -> memref<1x125xi32, #tpu.memory_space<vmem>>
          %dma_start3A_111 = tpu.memref_squeeze %dma_start3A_110 : memref<1x125xi32, #tpu.memory_space<vmem>> -> memref<125xi32, #tpu.memory_space<vmem>>
          %dma_start3A_112 = arith.constant 0 : i32
          %dma_start3A_113 = arith.constant 0 : i32
          %dma_start3A_114 = tpu.memref_slice %arg10[%dma_start3A_112, %dma_start3A_113] : memref<10240x128xf32, #tpu.memory_space<vmem_shared>> -> memref<10240x128xf32, #tpu.memory_space<vmem_shared>>
          tpu.enqueue_indirect_dma source(%dma_start3A_108 : memref<125x128xf32, #tpu.memory_space<vmem>>) target(%dma_start3A_114 : memref<10240x128xf32, #tpu.memory_space<vmem_shared>>) offsets(%dma_start3A_111 : memref<125xi32, #tpu.memory_space<vmem>>) semaphore(%run_scoped3A_104 : memref<!tpu.dma_semaphore, #tpu.memory_space<semaphore_mem>>) {add = true}
          %dma_wait3A_115 = arith.constant 0 : i32
          %dma_wait3A_116 = arith.constant 0 : i32
          %dma_wait3A_117 = tpu.memref_slice %arg8[%run_scoped3A, %dma_wait3A_115, %dma_wait3A_116] : memref<2x125x128xf32, #tpu.memory_space<vmem>> -> memref<1x125x128xf32, #tpu.memory_space<vmem>>
          %dma_wait3A_118 = tpu.memref_squeeze %dma_wait3A_117 : memref<1x125x128xf32, #tpu.memory_space<vmem>> -> memref<125x128xf32, #tpu.memory_space<vmem>>
          %dma_wait3A_119 = arith.constant 0 : i32
          %dma_wait3A_120 = tpu.memref_slice %arg7[%scan3A_80, %dma_wait3A_119] : memref<40x125xi32, #tpu.memory_space<vmem>> -> memref<1x125xi32, #tpu.memory_space<vmem>>
          %dma_wait3A_121 = tpu.memref_squeeze %dma_wait3A_120 : memref<1x125xi32, #tpu.memory_space<vmem>> -> memref<125xi32, #tpu.memory_space<vmem>>
          %dma_wait3A_122 = arith.constant 0 : i32
          %dma_wait3A_123 = arith.constant 0 : i32
          %dma_wait3A_124 = tpu.memref_slice %arg10[%dma_wait3A_122, %dma_wait3A_123] : memref<10240x128xf32, #tpu.memory_space<vmem_shared>> -> memref<10240x128xf32, #tpu.memory_space<vmem_shared>>
          tpu.wait_indirect_dma semaphore(%run_scoped3A_104 : memref<!tpu.dma_semaphore, #tpu.memory_space<semaphore_mem>>) src(%dma_wait3A_118 : memref<125x128xf32, #tpu.memory_space<vmem>>) dst(%dma_wait3A_124 : memref<10240x128xf32, #tpu.memory_space<vmem_shared>>)
          tpu.yield
        }) : () -> ()
        %add3A_98 = arith.constant 2 : i32
        %add3A_99 = arith.addi %scan3A_80, %add3A_98 : i32
        %lt3A = arith.constant 40 : i32
        %lt3A_100 = arith.cmpi slt, %add3A_99, %lt3A : i32
        %convert_element_type3A_101 = arith.extui %lt3A_100 : i1 to i32
        %cond3A_102 = arith.constant 0 : i32
        %cond3A_103 = arith.cmpi ne, %convert_element_type3A_101, %cond3A_102 : i32
        scf.if %cond3A_103 {
          %add3A_104 = arith.constant 2 : i32
          %add3A_105 = arith.addi %scan3A_80, %add3A_104 : i32
          %dma_start3A_106 = arith.constant 0 : i32
          %dma_start3A_107 = arith.constant 0 : i32
          %dma_start3A_108 = arith.constant 0 : i32
          %dma_start3A_109 = tpu.memref_slice %arg8[%dma_start3A_106, %dma_start3A_107, %dma_start3A_108] : memref<2x125x128xf32, #tpu.memory_space<vmem>> -> memref<1x125x128xf32, #tpu.memory_space<vmem>>
          %dma_start3A_110 = tpu.memref_squeeze %dma_start3A_109 : memref<1x125x128xf32, #tpu.memory_space<vmem>> -> memref<125x128xf32, #tpu.memory_space<vmem>>
          %dma_start3A_111 = arith.constant 0 : i32
          %dma_start3A_112 = tpu.memref_slice %arg6[%add3A_105, %dma_start3A_111] : memref<40x125xi32, #tpu.memory_space<vmem>> -> memref<1x125xi32, #tpu.memory_space<vmem>>
          %dma_start3A_113 = tpu.memref_squeeze %dma_start3A_112 : memref<1x125xi32, #tpu.memory_space<vmem>> -> memref<125xi32, #tpu.memory_space<vmem>>
          %dma_start3A_114 = arith.constant 0 : i32
          %dma_start3A_115 = arith.constant 0 : i32
          %dma_start3A_116 = tpu.memref_slice %arg2[%dma_start3A_114, %dma_start3A_115] : memref<10000x128xf32, #tpu.memory_space<hbm>> -> memref<10000x128xf32, #tpu.memory_space<hbm>>
          tpu.enqueue_indirect_dma source(%dma_start3A_116 : memref<10000x128xf32, #tpu.memory_space<hbm>>) target(%dma_start3A_110 : memref<125x128xf32, #tpu.memory_space<vmem>>) offsets(%dma_start3A_113 : memref<125xi32, #tpu.memory_space<vmem>>) semaphore(%arg11 : memref<!tpu.dma_semaphore, #tpu.memory_space<semaphore_mem>>)
        } else {
        }
      } else {
      }
      %not3A = arith.constant true
      %not3A_84 = arith.xori %eq3A_82, %not3A : i1
      %convert_element_type3A_85 = arith.extui %not3A_84 : i1 to i32
      %cond3A_86 = arith.constant 0 : i32
      %cond3A_87 = arith.cmpi ne, %convert_element_type3A_85, %cond3A_86 : i32
      scf.if %cond3A_87 {
        %dma_wait3A = arith.constant 1 : i32
        %dma_wait3A_88 = arith.constant 0 : i32
        %dma_wait3A_89 = arith.constant 0 : i32
        %dma_wait3A_90 = tpu.memref_slice %arg8[%dma_wait3A, %dma_wait3A_88, %dma_wait3A_89] : memref<2x125x128xf32, #tpu.memory_space<vmem>> -> memref<1x125x128xf32, #tpu.memory_space<vmem>>
        %dma_wait3A_91 = tpu.memref_squeeze %dma_wait3A_90 : memref<1x125x128xf32, #tpu.memory_space<vmem>> -> memref<125x128xf32, #tpu.memory_space<vmem>>
        %dma_wait3A_92 = arith.constant 0 : i32
        %dma_wait3A_93 = tpu.memref_slice %arg6[%scan3A_80, %dma_wait3A_92] : memref<40x125xi32, #tpu.memory_space<vmem>> -> memref<1x125xi32, #tpu.memory_space<vmem>>
        %dma_wait3A_94 = tpu.memref_squeeze %dma_wait3A_93 : memref<1x125xi32, #tpu.memory_space<vmem>> -> memref<125xi32, #tpu.memory_space<vmem>>
        %dma_wait3A_95 = arith.constant 0 : i32
        %dma_wait3A_96 = arith.constant 0 : i32
        %dma_wait3A_97 = tpu.memref_slice %arg2[%dma_wait3A_95, %dma_wait3A_96] : memref<10000x128xf32, #tpu.memory_space<hbm>> -> memref<10000x128xf32, #tpu.memory_space<hbm>>
        tpu.wait_indirect_dma semaphore(%arg12 : memref<!tpu.dma_semaphore, #tpu.memory_space<semaphore_mem>>) src(%dma_wait3A_97 : memref<10000x128xf32, #tpu.memory_space<hbm>>) dst(%dma_wait3A_91 : memref<125x128xf32, #tpu.memory_space<vmem>>)
        %run_scoped3A = arith.constant 1 : i32
        "tpu.region"() ({
          %run_scoped3A_104 = tpu.sem_alloc : memref<!tpu.dma_semaphore, #tpu.memory_space<semaphore_mem>>
          %dma_start3A_105 = arith.constant 0 : i32
          %dma_start3A_106 = arith.constant 0 : i32
          %dma_start3A_107 = tpu.memref_slice %arg8[%run_scoped3A, %dma_start3A_105, %dma_start3A_106] : memref<2x125x128xf32, #tpu.memory_space<vmem>> -> memref<1x125x128xf32, #tpu.memory_space<vmem>>
          %dma_start3A_108 = tpu.memref_squeeze %dma_start3A_107 : memref<1x125x128xf32, #tpu.memory_space<vmem>> -> memref<125x128xf32, #tpu.memory_space<vmem>>
          %dma_start3A_109 = arith.constant 0 : i32
          %dma_start3A_110 = tpu.memref_slice %arg7[%scan3A_80, %dma_start3A_109] : memref<40x125xi32, #tpu.memory_space<vmem>> -> memref<1x125xi32, #tpu.memory_space<vmem>>
          %dma_start3A_111 = tpu.memref_squeeze %dma_start3A_110 : memref<1x125xi32, #tpu.memory_space<vmem>> -> memref<125xi32, #tpu.memory_space<vmem>>
          %dma_start3A_112 = arith.constant 0 : i32
          %dma_start3A_113 = arith.constant 0 : i32
          %dma_start3A_114 = tpu.memref_slice %arg10[%dma_start3A_112, %dma_start3A_113] : memref<10240x128xf32, #tpu.memory_space<vmem_shared>> -> memref<10240x128xf32, #tpu.memory_space<vmem_shared>>
          tpu.enqueue_indirect_dma source(%dma_start3A_108 : memref<125x128xf32, #tpu.memory_space<vmem>>) target(%dma_start3A_114 : memref<10240x128xf32, #tpu.memory_space<vmem_shared>>) offsets(%dma_start3A_111 : memref<125xi32, #tpu.memory_space<vmem>>) semaphore(%run_scoped3A_104 : memref<!tpu.dma_semaphore, #tpu.memory_space<semaphore_mem>>) {add = true}
          %dma_wait3A_115 = arith.constant 0 : i32
          %dma_wait3A_116 = arith.constant 0 : i32
          %dma_wait3A_117 = tpu.memref_slice %arg8[%run_scoped3A, %dma_wait3A_115, %dma_wait3A_116] : memref<2x125x128xf32, #tpu.memory_space<vmem>> -> memref<1x125x128xf32, #tpu.memory_space<vmem>>
          %dma_wait3A_118 = tpu.memref_squeeze %dma_wait3A_117 : memref<1x125x128xf32, #tpu.memory_space<vmem>> -> memref<125x128xf32, #tpu.memory_space<vmem>>
          %dma_wait3A_119 = arith.constant 0 : i32
          %dma_wait3A_120 = tpu.memref_slice %arg7[%scan3A_80, %dma_wait3A_119] : memref<40x125xi32, #tpu.memory_space<vmem>> -> memref<1x125xi32, #tpu.memory_space<vmem>>
          %dma_wait3A_121 = tpu.memref_squeeze %dma_wait3A_120 : memref<1x125xi32, #tpu.memory_space<vmem>> -> memref<125xi32, #tpu.memory_space<vmem>>
          %dma_wait3A_122 = arith.constant 0 : i32
          %dma_wait3A_123 = arith.constant 0 : i32
          %dma_wait3A_124 = tpu.memref_slice %arg10[%dma_wait3A_122, %dma_wait3A_123] : memref<10240x128xf32, #tpu.memory_space<vmem_shared>> -> memref<10240x128xf32, #tpu.memory_space<vmem_shared>>
          tpu.wait_indirect_dma semaphore(%run_scoped3A_104 : memref<!tpu.dma_semaphore, #tpu.memory_space<semaphore_mem>>) src(%dma_wait3A_118 : memref<125x128xf32, #tpu.memory_space<vmem>>) dst(%dma_wait3A_124 : memref<10240x128xf32, #tpu.memory_space<vmem_shared>>)
          tpu.yield
        }) : () -> ()
        %add3A_98 = arith.constant 2 : i32
        %add3A_99 = arith.addi %scan3A_80, %add3A_98 : i32
        %lt3A = arith.constant 40 : i32
        %lt3A_100 = arith.cmpi slt, %add3A_99, %lt3A : i32
        %convert_element_type3A_101 = arith.extui %lt3A_100 : i1 to i32
        %cond3A_102 = arith.constant 0 : i32
        %cond3A_103 = arith.cmpi ne, %convert_element_type3A_101, %cond3A_102 : i32
        scf.if %cond3A_103 {
          %add3A_104 = arith.constant 2 : i32
          %add3A_105 = arith.addi %scan3A_80, %add3A_104 : i32
          %dma_start3A_106 = arith.constant 1 : i32
          %dma_start3A_107 = arith.constant 0 : i32
          %dma_start3A_108 = arith.constant 0 : i32
          %dma_start3A_109 = tpu.memref_slice %arg8[%dma_start3A_106, %dma_start3A_107, %dma_start3A_108] : memref<2x125x128xf32, #tpu.memory_space<vmem>> -> memref<1x125x128xf32, #tpu.memory_space<vmem>>
          %dma_start3A_110 = tpu.memref_squeeze %dma_start3A_109 : memref<1x125x128xf32, #tpu.memory_space<vmem>> -> memref<125x128xf32, #tpu.memory_space<vmem>>
          %dma_start3A_111 = arith.constant 0 : i32
          %dma_start3A_112 = tpu.memref_slice %arg6[%add3A_105, %dma_start3A_111] : memref<40x125xi32, #tpu.memory_space<vmem>> -> memref<1x125xi32, #tpu.memory_space<vmem>>
          %dma_start3A_113 = tpu.memref_squeeze %dma_start3A_112 : memref<1x125xi32, #tpu.memory_space<vmem>> -> memref<125xi32, #tpu.memory_space<vmem>>
          %dma_start3A_114 = arith.constant 0 : i32
          %dma_start3A_115 = arith.constant 0 : i32
          %dma_start3A_116 = tpu.memref_slice %arg2[%dma_start3A_114, %dma_start3A_115] : memref<10000x128xf32, #tpu.memory_space<hbm>> -> memref<10000x128xf32, #tpu.memory_space<hbm>>
          tpu.enqueue_indirect_dma source(%dma_start3A_116 : memref<10000x128xf32, #tpu.memory_space<hbm>>) target(%dma_start3A_110 : memref<125x128xf32, #tpu.memory_space<vmem>>) offsets(%dma_start3A_113 : memref<125xi32, #tpu.memory_space<vmem>>) semaphore(%arg12 : memref<!tpu.dma_semaphore, #tpu.memory_space<semaphore_mem>>)
        } else {
        }
      } else {
      }
    }
    %scan3A_74 = arith.constant 40 : i32
    %barrier3A_75 = arith.constant 0 : index
    tpu.barrier barrier_id(%barrier3A_75)
    %mul3A_76 = arith.constant 640 : i32
    %mul3A_77 = arith.muli %arg1, %mul3A_76 : i32
    %mul3A_78 = arith.constant 640 : i32
    %mul3A_79 = arith.muli %arg1, %mul3A_78 : i32
    "tpu.region"() ({
      %run_scoped3A = tpu.sem_alloc : memref<!tpu.dma_semaphore, #tpu.memory_space<semaphore_mem>>
      %dma_start3A_80 = arith.constant 0 : i32
      %dma_start3A_81 = tpu.memref_slice %arg5[%arg0, %mul3A_79, %dma_start3A_80] : memref<2x10240x128xf32, #tpu.memory_space<hbm>> -> memref<1x640x128xf32, #tpu.memory_space<hbm>>
      %dma_start3A_82 = tpu.memref_squeeze %dma_start3A_81 : memref<1x640x128xf32, #tpu.memory_space<hbm>> -> memref<640x128xf32, #tpu.memory_space<hbm>>
      %dma_start3A_83 = arith.constant 0 : i32
      %dma_start3A_84 = tpu.memref_slice %arg10[%mul3A_77, %dma_start3A_83] : memref<10240x128xf32, #tpu.memory_space<vmem_shared>> -> memref<640x128xf32, #tpu.memory_space<vmem_shared>>
      tpu.enqueue_dma source(%dma_start3A_84 : memref<640x128xf32, #tpu.memory_space<vmem_shared>>) target(%dma_start3A_82 : memref<640x128xf32, #tpu.memory_space<hbm>>) target_semaphore(%run_scoped3A : memref<!tpu.dma_semaphore, #tpu.memory_space<semaphore_mem>>)
      %dma_wait3A = arith.constant 0 : i32
      %dma_wait3A_85 = tpu.memref_slice %arg5[%arg0, %mul3A_79, %dma_wait3A] : memref<2x10240x128xf32, #tpu.memory_space<hbm>> -> memref<1x640x128xf32, #tpu.memory_space<hbm>>
      %dma_wait3A_86 = tpu.memref_squeeze %dma_wait3A_85 : memref<1x640x128xf32, #tpu.memory_space<hbm>> -> memref<640x128xf32, #tpu.memory_space<hbm>>
      %dma_wait3A_87 = arith.constant 0 : i32
      %dma_wait3A_88 = tpu.memref_slice %arg10[%mul3A_77, %dma_wait3A_87] : memref<10240x128xf32, #tpu.memory_space<vmem_shared>> -> memref<640x128xf32, #tpu.memory_space<vmem_shared>>
      tpu.wait_dma2 semaphore(%run_scoped3A : memref<!tpu.dma_semaphore, #tpu.memory_space<semaphore_mem>>) src(%dma_wait3A_88 : memref<640x128xf32, #tpu.memory_space<vmem_shared>>) dst(%dma_wait3A_86 : memref<640x128xf32, #tpu.memory_space<hbm>>)
      tpu.yield
    }) : () -> ()
    return
  }
}

module attributes {stable_mosaic.version = 14 : i64} {
  func.func @_tc_first_body(%arg0: memref<2x10240x128xf32, #tpu.memory_space<vmem>>, %arg1: memref<10000x128xf32, #tpu.memory_space<vmem>>, %arg2: memref<128x128xf32, #tpu.memory_space<vmem>>, %arg3: memref<10000x128xf32, #tpu.memory_space<vmem>>, %arg4: memref<10000x1xf32, #tpu.memory_space<vmem>>) attributes {dimension_semantics = [], scalar_prefetch = 0 : i64, scratch_operands = 0 : i64, tpu.core_type = #tpu.core_type<tc>} {
    %get3A = arith.constant 0 : index
    %get3A_0 = arith.constant 0 : index
    %get3A_1 = arith.constant 0 : index
    %get3A_2 = vector.load %arg0[%get3A, %get3A_0, %get3A_1] : memref<2x10240x128xf32, #tpu.memory_space<vmem>>, vector<1x10000x1xf32>
    %get3A_3 = vector.shape_cast %get3A_2 : vector<1x10000x1xf32> to vector<10000x1xf32>
    %get3A_4 = arith.constant 1 : index
    %get3A_5 = arith.constant 0 : index
    %get3A_6 = arith.constant 0 : index
    %get3A_7 = vector.load %arg0[%get3A_4, %get3A_5, %get3A_6] : memref<2x10240x128xf32, #tpu.memory_space<vmem>>, vector<1x10000x1xf32>
    %get3A_8 = vector.shape_cast %get3A_7 : vector<1x10000x1xf32> to vector<10000x1xf32>
    %add3A = arith.addf %get3A_3, %get3A_8 : vector<10000x1xf32>
    %add3A_9 = arith.constant 1.000000e+00 : f32
    %add3A_10 = vector.broadcast %add3A_9 : f32 to vector<10000x1xf32>
    %add3A_11 = arith.addf %add3A, %add3A_10 : vector<10000x1xf32>
    %rsqrt3A = math.rsqrt %add3A_11 : vector<10000x1xf32>
    %get3A_12 = arith.constant 0 : index
    %get3A_13 = arith.constant 0 : index
    %get3A_14 = vector.load %arg1[%get3A_12, %get3A_13] : memref<10000x128xf32, #tpu.memory_space<vmem>>, vector<10000x128xf32>
    %get3A_15 = arith.constant 0 : index
    %get3A_16 = arith.constant 0 : index
    %get3A_17 = vector.load %arg2[%get3A_15, %get3A_16] : memref<128x128xf32, #tpu.memory_space<vmem>>, vector<128x128xf32>
    %dot_general3A = arith.constant dense<0.000000e+00> : vector<10000x128xf32>
    %dot_general3A_18 = tpu.matmul %get3A_14, %get3A_17, %dot_general3A {dimension_numbers = #tpu.dot_dimension_numbers<[1], [0], [0], [1], [0, 0, 1, 1], [], []>, transpose_lhs_hint = false} : vector<10000x128xf32>, vector<128x128xf32>, vector<10000x128xf32> -> vector<10000x128xf32>
    %mul3A = vector.broadcast %rsqrt3A : vector<10000x1xf32> to vector<10000x128xf32>
    %mul3A_19 = arith.mulf %mul3A, %dot_general3A_18 : vector<10000x128xf32>
    %swap3A = arith.constant 0 : index
    %swap3A_20 = arith.constant 0 : index
    %swap3A_21 = vector.load %arg3[%swap3A, %swap3A_20] : memref<10000x128xf32, #tpu.memory_space<vmem>>, vector<10000x128xf32>
    tpu.vector_store %arg3[%swap3A, %swap3A_20], %mul3A_19 {strides = array<i32>} : memref<10000x128xf32, #tpu.memory_space<vmem>>, vector<10000x128xf32>,
    %swap3A_22 = arith.constant 0 : index
    %swap3A_23 = arith.constant 0 : index
    %swap3A_24 = vector.load %arg4[%swap3A_22, %swap3A_23] : memref<10000x1xf32, #tpu.memory_space<vmem>>, vector<10000x1xf32>
    tpu.vector_store %arg4[%swap3A_22, %swap3A_23], %rsqrt3A {strides = array<i32>} : memref<10000x1xf32, #tpu.memory_space<vmem>>, vector<10000x1xf32>,
    return
  }
}

module attributes {stable_mosaic.version = 14 : i64} {
  func.func @_tc_mid_body(%arg0: memref<2x10240x128xf32, #tpu.memory_space<vmem>>, %arg1: memref<10000x128xf32, #tpu.memory_space<vmem>>, %arg2: memref<10000x1xf32, #tpu.memory_space<vmem>>, %arg3: memref<1x128xf32, #tpu.memory_space<vmem>>, %arg4: memref<1x128xf32, #tpu.memory_space<vmem>>, %arg5: memref<1x128xf32, #tpu.memory_space<vmem>>, %arg6: memref<128x128xf32, #tpu.memory_space<vmem>>, %arg7: memref<10000x128xf32, #tpu.memory_space<vmem>>) attributes {dimension_semantics = [], scalar_prefetch = 0 : i64, scratch_operands = 0 : i64, tpu.core_type = #tpu.core_type<tc>} {
    %get3A = arith.constant 0 : index
    %get3A_0 = arith.constant 0 : index
    %get3A_1 = vector.load %arg2[%get3A, %get3A_0] : memref<10000x1xf32, #tpu.memory_space<vmem>>, vector<10000x1xf32>
    %get3A_2 = arith.constant 0 : index
    %get3A_3 = arith.constant 0 : index
    %get3A_4 = arith.constant 0 : index
    %get3A_5 = vector.load %arg0[%get3A_2, %get3A_3, %get3A_4] : memref<2x10240x128xf32, #tpu.memory_space<vmem>>, vector<1x10000x128xf32>
    %get3A_6 = vector.shape_cast %get3A_5 : vector<1x10000x128xf32> to vector<10000x128xf32>
    %get3A_7 = arith.constant 1 : index
    %get3A_8 = arith.constant 0 : index
    %get3A_9 = arith.constant 0 : index
    %get3A_10 = vector.load %arg0[%get3A_7, %get3A_8, %get3A_9] : memref<2x10240x128xf32, #tpu.memory_space<vmem>>, vector<1x10000x128xf32>
    %get3A_11 = vector.shape_cast %get3A_10 : vector<1x10000x128xf32> to vector<10000x128xf32>
    %add3A = arith.addf %get3A_6, %get3A_11 : vector<10000x128xf32>
    %get3A_12 = arith.constant 0 : index
    %get3A_13 = arith.constant 0 : index
    %get3A_14 = vector.load %arg1[%get3A_12, %get3A_13] : memref<10000x128xf32, #tpu.memory_space<vmem>>, vector<10000x128xf32>
    %add3A_15 = arith.addf %add3A, %get3A_14 : vector<10000x128xf32>
    %mul3A = vector.broadcast %get3A_1 : vector<10000x1xf32> to vector<10000x128xf32>
    %mul3A_16 = arith.mulf %mul3A, %add3A_15 : vector<10000x128xf32>
    %get3A_17 = arith.constant 0 : index
    %get3A_18 = arith.constant 0 : index
    %get3A_19 = vector.load %arg3[%get3A_17, %get3A_18] : memref<1x128xf32, #tpu.memory_space<vmem>>, vector<1x128xf32>
    %add3A_20 = vector.broadcast %get3A_19 : vector<1x128xf32> to vector<10000x128xf32>
    %add3A_21 = arith.addf %mul3A_16, %add3A_20 : vector<10000x128xf32>
    %reduce_sum3A = arith.constant dense<0.000000e+00> : vector<128xf32>
    %reduce_sum3A_22 = vector.multi_reduction <add>, %add3A_21, %reduce_sum3A [0] : vector<10000x128xf32> to vector<128xf32>
    %broadcast_in_dim3A = vector.shape_cast %reduce_sum3A_22 : vector<128xf32> to vector<1x128xf32>
    %div3A = arith.constant 1.000000e+04 : f32
    %div3A_23 = vector.broadcast %div3A : f32 to vector<1x128xf32>
    %div3A_24 = arith.divf %broadcast_in_dim3A, %div3A_23 : vector<1x128xf32>
    %sub3A = vector.broadcast %div3A_24 : vector<1x128xf32> to vector<10000x128xf32>
    %sub3A_25 = arith.subf %add3A_21, %sub3A : vector<10000x128xf32>
    %sub3A_26 = vector.broadcast %div3A_24 : vector<1x128xf32> to vector<10000x128xf32>
    %sub3A_27 = arith.subf %add3A_21, %sub3A_26 : vector<10000x128xf32>
    %mul3A_28 = arith.mulf %sub3A_25, %sub3A_27 : vector<10000x128xf32>
    %reduce_sum3A_29 = arith.constant dense<0.000000e+00> : vector<128xf32>
    %reduce_sum3A_30 = vector.multi_reduction <add>, %mul3A_28, %reduce_sum3A_29 [0] : vector<10000x128xf32> to vector<128xf32>
    %broadcast_in_dim3A_31 = vector.shape_cast %reduce_sum3A_30 : vector<128xf32> to vector<1x128xf32>
    %div3A_32 = arith.constant 1.000000e+04 : f32
    %div3A_33 = vector.broadcast %div3A_32 : f32 to vector<1x128xf32>
    %div3A_34 = arith.divf %broadcast_in_dim3A_31, %div3A_33 : vector<1x128xf32>
    %get3A_35 = arith.constant 0 : index
    %get3A_36 = arith.constant 0 : index
    %get3A_37 = vector.load %arg4[%get3A_35, %get3A_36] : memref<1x128xf32, #tpu.memory_space<vmem>>, vector<1x128xf32>
    %sub3A_38 = vector.broadcast %div3A_24 : vector<1x128xf32> to vector<10000x128xf32>
    %sub3A_39 = arith.subf %add3A_21, %sub3A_38 : vector<10000x128xf32>
    %mul3A_40 = vector.broadcast %get3A_37 : vector<1x128xf32> to vector<10000x128xf32>
    %mul3A_41 = arith.mulf %mul3A_40, %sub3A_39 : vector<10000x128xf32>
    %add3A_42 = arith.constant 9.99999974E-6 : f32
    %add3A_43 = vector.broadcast %add3A_42 : f32 to vector<1x128xf32>
    %add3A_44 = arith.addf %div3A_34, %add3A_43 : vector<1x128xf32>
    %rsqrt3A = math.rsqrt %add3A_44 : vector<1x128xf32>
    %mul3A_45 = vector.broadcast %rsqrt3A : vector<1x128xf32> to vector<10000x128xf32>
    %mul3A_46 = arith.mulf %mul3A_41, %mul3A_45 : vector<10000x128xf32>
    %get3A_47 = arith.constant 0 : index
    %get3A_48 = arith.constant 0 : index
    %get3A_49 = vector.load %arg5[%get3A_47, %get3A_48] : memref<1x128xf32, #tpu.memory_space<vmem>>, vector<1x128xf32>
    %add3A_50 = vector.broadcast %get3A_49 : vector<1x128xf32> to vector<10000x128xf32>
    %add3A_51 = arith.addf %mul3A_46, %add3A_50 : vector<10000x128xf32>
    %max3A = arith.constant 0.000000e+00 : f32
    %max3A_52 = vector.broadcast %max3A : f32 to vector<10000x128xf32>
    %max3A_53 = arith.maximumf %add3A_51, %max3A_52 : vector<10000x128xf32>
    %get3A_54 = arith.constant 0 : index
    %get3A_55 = arith.constant 0 : index
    %get3A_56 = vector.load %arg6[%get3A_54, %get3A_55] : memref<128x128xf32, #tpu.memory_space<vmem>>, vector<128x128xf32>
    %dot_general3A = arith.constant dense<0.000000e+00> : vector<10000x128xf32>
    %dot_general3A_57 = tpu.matmul %max3A_53, %get3A_56, %dot_general3A {dimension_numbers = #tpu.dot_dimension_numbers<[1], [0], [0], [1], [0, 0, 1, 1], [], []>, transpose_lhs_hint = false} : vector<10000x128xf32>, vector<128x128xf32>, vector<10000x128xf32> -> vector<10000x128xf32>
    %mul3A_58 = vector.broadcast %get3A_1 : vector<10000x1xf32> to vector<10000x128xf32>
    %mul3A_59 = arith.mulf %mul3A_58, %dot_general3A_57 : vector<10000x128xf32>
    %swap3A = arith.constant 0 : index
    %swap3A_60 = arith.constant 0 : index
    %swap3A_61 = vector.load %arg7[%swap3A, %swap3A_60] : memref<10000x128xf32, #tpu.memory_space<vmem>>, vector<10000x128xf32>
    tpu.vector_store %arg7[%swap3A, %swap3A_60], %mul3A_59 {strides = array<i32>} : memref<10000x128xf32, #tpu.memory_space<vmem>>, vector<10000x128xf32>,
    return
  }
}

module attributes {stable_mosaic.version = 14 : i64} {
  func.func @_tc_final_body(%arg0: memref<2x10240x128xf32, #tpu.memory_space<vmem>>, %arg1: memref<10000x128xf32, #tpu.memory_space<vmem>>, %arg2: memref<10000x1xf32, #tpu.memory_space<vmem>>, %arg3: memref<1x128xf32, #tpu.memory_space<vmem>>, %arg4: memref<10000x128xf32, #tpu.memory_space<vmem>>) attributes {dimension_semantics = [], scalar_prefetch = 0 : i64, scratch_operands = 0 : i64, tpu.core_type = #tpu.core_type<tc>} {
    %get3A = arith.constant 0 : index
    %get3A_0 = arith.constant 0 : index
    %get3A_1 = vector.load %arg2[%get3A, %get3A_0] : memref<10000x1xf32, #tpu.memory_space<vmem>>, vector<10000x1xf32>
    %get3A_2 = arith.constant 0 : index
    %get3A_3 = arith.constant 0 : index
    %get3A_4 = arith.constant 0 : index
    %get3A_5 = vector.load %arg0[%get3A_2, %get3A_3, %get3A_4] : memref<2x10240x128xf32, #tpu.memory_space<vmem>>, vector<1x10000x128xf32>
    %get3A_6 = vector.shape_cast %get3A_5 : vector<1x10000x128xf32> to vector<10000x128xf32>
    %get3A_7 = arith.constant 1 : index
    %get3A_8 = arith.constant 0 : index
    %get3A_9 = arith.constant 0 : index
    %get3A_10 = vector.load %arg0[%get3A_7, %get3A_8, %get3A_9] : memref<2x10240x128xf32, #tpu.memory_space<vmem>>, vector<1x10000x128xf32>
    %get3A_11 = vector.shape_cast %get3A_10 : vector<1x10000x128xf32> to vector<10000x128xf32>
    %add3A = arith.addf %get3A_6, %get3A_11 : vector<10000x128xf32>
    %get3A_12 = arith.constant 0 : index
    %get3A_13 = arith.constant 0 : index
    %get3A_14 = vector.load %arg1[%get3A_12, %get3A_13] : memref<10000x128xf32, #tpu.memory_space<vmem>>, vector<10000x128xf32>
    %add3A_15 = arith.addf %add3A, %get3A_14 : vector<10000x128xf32>
    %mul3A = vector.broadcast %get3A_1 : vector<10000x1xf32> to vector<10000x128xf32>
    %mul3A_16 = arith.mulf %mul3A, %add3A_15 : vector<10000x128xf32>
    %get3A_17 = arith.constant 0 : index
    %get3A_18 = arith.constant 0 : index
    %get3A_19 = vector.load %arg3[%get3A_17, %get3A_18] : memref<1x128xf32, #tpu.memory_space<vmem>>, vector<1x128xf32>
    %add3A_20 = vector.broadcast %get3A_19 : vector<1x128xf32> to vector<10000x128xf32>
    %add3A_21 = arith.addf %mul3A_16, %add3A_20 : vector<10000x128xf32>
    %swap3A = arith.constant 0 : index
    %swap3A_22 = arith.constant 0 : index
    %swap3A_23 = vector.load %arg4[%swap3A, %swap3A_22] : memref<10000x128xf32, #tpu.memory_space<vmem>>, vector<10000x128xf32>
    tpu.vector_store %arg4[%swap3A, %swap3A_22], %add3A_21 {strides = array<i32>} : memref<10000x128xf32, #tpu.memory_space<vmem>>, vector<10000x128xf32>,
    return
  }
}

</mosaic_0001>

<sc_bundles>
// kernel: kernel.10.cloned.1.call-start
scs
__scs_entry_jumppad:
0x0: {  	(pc) =	sbr.rel $0x88, $3  }
0x1: {  	(tag) =	ssettag $0x0;
	lr =	simm.s32 $0x1  }
0x2: {  	[smem:$0x3F95] =	sst lr;
	_ =	strace $0xD0000000  }
0x3: {  	_ = 	snop  }
0x4: {  	_ = 	snop  }
0x5: {  	_ = 	snop  }
0x6: {  	_ = 	snop  }
0x7: {  	_ = 	snop  }
__scs_overlays_trampoline_lowered:
0x8: {  	[smem:$0x3FA4] =	sst s0  }
0x9: {  	[smem:$0x3FA5] =	sst s1  }
0xa: {  	[smem:$0x3FA6] =	sst s2  }
0xb: {  	[smem:$0x3FA7] =	sst s3  }
0xc: {  	[smem:$0x3FA8] =	sst s4  }
0xd: {  	[smem:$0x3FA9] =	sst s5  }
0xe: {  	[smem:$0x3FAA] =	sst s6  }
0xf: {  	[smem:$0x3FAB] =	sst s7  }
0x10: {  	[smem:$0x3FAC] =	sst s8  }
0x11: {  	[smem:$0x3FAD] =	sst s9;
	s0 =	simm.s32 @!p0 $0x0  }
0x12: {  	s1 =	sld [smem:$0x3F93];
	s0 =	simm.s32 @p0 $0x1  }
0x13: {  	[smem:$0x3FAE] =	sst s0;
	s0 =	simm.s32 @!p1 $0x0  }
0x14: {  	s2 =	sld [smem:$0x3F92];
	s0 =	simm.s32 @p1 $0x1  }
0x15: {  	[smem:$0x3FAF] =	sst s0;
	s0 =	simm.s32 @!p2 $0x0  }
0x16: {  	s3 =	sld [smem:$0x3FDB];
	s0 =	simm.s32 @p2 $0x1  }
0x17: {  	s4 =	simm.s32 $0x1BF5;
	[smem:$0x3FB1] =	sst s0  }
0x18: {  	s0 =	sld [smem:$0x3F94];
	_ =	swait.ge [sflag:s4], $0x0  }
0x19: {  	s7 =	sld [smem:$0x3F95]  }
0x1a: {  	s8 =	sadd.s32 $0xFFFFE003, lr  }
0x1b: {  	s9 =	sadd.s32 $0xFFFFFEF7, lr;
	s5 =	simm.s32 $0xFFFFFFFF;
	p2 =	slt.u32 s8, $0xFFFFF086  }
0x1c: {  	p1 =	slt.u32 s9, $0xF7A;
	s5 =	simm.s32 @!p2 $0x0  }
0x1d: {  	s5 =	simm.s32 @p1 $0x1;
	p0 =	seq.s32 s7, s2  }
0x1e: {  	s7 =	smul.u32 @!p0 $0xF7A, s2;
	p2 =	seq.s32 @!p0 s5, $0x0  }
0x1f: {  	s9 =	smul.u32 $0xF7A, s1;
	s8 =	simm.s32 @!p0 $0x1BF5;
	p2 =	por !p2, p0  }
0x20: {  	[sflag:s8] =	ssyncset.s32 @!p0 $0xFFFFF086;
	s6 =	sadd.s32 @!p0 s3, s7;
	s7 =	simm.s32 @!p0 $0x108  }
0x21: {  	s3 =	sadd.s32 s3, s9;
	s6 =	sadd.s32 @!p0 $0x88, s6;
	s7 =	simm.s32 @p2 $0x1082  }
0x22: {  	[simem:s7], [sflag:s8] =	dma.local @!p0 [hbm:s6], $0xF7A  }
0x23: {  	s9 =	sor.u32 $0xD0000000, s2;
	s6 =	simm.s32 $0x108;
	_ =	swait.ge @!p0 [sflag:s8], $0x0  }
0x24: {  	s3 =	sadd.s32 $0x88, s3;
	s6 =	simm.s32 @!p1 $0x1082;
	[sflag:s4] =	ssyncset.s32 $0xFFFFF086  }
0x25: {  	[simem:s6], [sflag:s4] =	dma.local [hbm:s3], $0xF7A  }
0x26: {  	[smem:$0x3F95] =	sst s1;
	(tag) =	ssettag s2;
	_ =	strace s9  }
0x27: {  	s1 =	sld [smem:$0x3FA5]  }
0x28: {  	s2 =	sld [smem:$0x3FA6]  }
0x29: {  	s4 =	sld [smem:$0x3FA8]  }
0x2a: {  	p0 =	seq.s32 s5, $0x0;
	s5 =	sld [smem:$0x3FA9]  }
0x2b: {  	s6 =	sld [smem:$0x3FAA]  }
0x2c: {  	s7 =	sld [smem:$0x3FAB]  }
0x2d: {  	s3 =	simm.s32 $0x108;
	s8 =	sld [smem:$0x3FAC]  }
0x2e: {  	s3 =	simm.s32 @!p0 $0x1082;
	s9 =	sld [smem:$0x3FAD]  }
0x2f: {  	lr =	sadd.s32 s0, s3;
	s0 =	sld [smem:$0x3FA4]  }
0x30: {  	s3 =	sld [smem:$0x3FA7]  }
0x31: {  	[smem:$0x3FB0] =	sst s10  }
0x32: {  	s10 =	sld [smem:$0x3FAE];
	_ =	sdelay $0x3  }
0x33: {  	p0 =	seq.s32 s10, $0x1;
	s10 =	sld [smem:$0x3FB0];
	_ =	sdelay $0x3  }
0x34: {  	[smem:$0x3FB0] =	sst s10  }
0x35: {  	s10 =	sld [smem:$0x3FAF];
	_ =	sdelay $0x3  }
0x36: {  	p1 =	seq.s32 s10, $0x1;
	s10 =	sld [smem:$0x3FB0];
	_ =	sdelay $0x3  }
0x37: {  	[smem:$0x3FB0] =	sst s10  }
0x38: {  	s10 =	sld [smem:$0x3FB1]  }
0x39: {  	_ = 	snop;
	(pc) =	sbr.ind lr, $3  }
0x3a: {  	_ = 	snop  }
0x3b: {  	_ = 	snop  }
0x3c: {  	p2 =	seq.s32 s10, $0x1;
	s10 =	sld [smem:$0x3FB0]  }
0x3d: {  	_ =	shalt  }
0x3e: {  	_ =	shalt  }
0x3f: {  	_ =	shalt  }
0x40: {  	_ =	shalt  }
0x41: {  	_ =	shalt  }
0x42: {  	_ =	shalt  }
0x43: {  	_ =	shalt  }
0x44: {  	_ =	shalt  }
0x45: {  	_ =	shalt  }
0x46: {  	_ =	shalt  }
0x47: {  	_ =	shalt  }
0x48: {  	_ =	shalt  }
0x49: {  	_ =	shalt  }
0x4a: {  	_ =	shalt  }
0x4b: {  	_ =	shalt  }
0x4c: {  	_ =	shalt  }
0x4d: {  	_ =	shalt  }
0x4e: {  	_ =	shalt  }
0x4f: {  	_ =	shalt  }
0x50: {  	_ =	shalt  }
0x51: {  	_ =	shalt  }
0x52: {  	_ =	shalt  }
0x53: {  	_ =	shalt  }
0x54: {  	_ =	shalt  }
0x55: {  	_ =	shalt  }
0x56: {  	_ =	shalt  }
0x57: {  	_ =	shalt  }
0x58: {  	_ =	shalt  }
0x59: {  	_ =	shalt  }
0x5a: {  	_ =	shalt  }
0x5b: {  	_ =	shalt  }
0x5c: {  	_ =	shalt  }
0x5d: {  	_ =	shalt  }
0x5e: {  	_ =	shalt  }
0x5f: {  	_ =	shalt  }
0x60: {  	_ =	shalt  }
0x61: {  	_ =	shalt  }
0x62: {  	_ =	shalt  }
0x63: {  	_ =	shalt  }
0x64: {  	_ =	shalt  }
0x65: {  	_ =	shalt  }
0x66: {  	_ =	shalt  }
0x67: {  	_ =	shalt  }
0x68: {  	_ =	shalt  }
0x69: {  	_ =	shalt  }
0x6a: {  	_ =	shalt  }
0x6b: {  	_ =	shalt  }
0x6c: {  	_ =	shalt  }
0x6d: {  	_ =	shalt  }
0x6e: {  	_ =	shalt  }
0x6f: {  	_ =	shalt  }
0x70: {  	_ =	shalt  }
0x71: {  	_ =	shalt  }
0x72: {  	_ =	shalt  }
0x73: {  	_ =	shalt  }
0x74: {  	_ =	shalt  }
0x75: {  	_ =	shalt  }
0x76: {  	_ =	shalt  }
0x77: {  	_ =	shalt  }
0x78: {  	_ =	shalt  }
0x79: {  	_ =	shalt  }
0x7a: {  	_ =	shalt  }
0x7b: {  	_ =	shalt  }
0x7c: {  	_ =	shalt  }
0x7d: {  	_ =	shalt  }
0x7e: {  	_ =	shalt  }
0x7f: {  	_ =	shalt  }
0x80: {  	_ =	shalt  }
0x81: {  	_ =	shalt  }
0x82: {  	_ =	shalt  }
0x83: {  	_ =	shalt  }
0x84: {  	_ =	shalt  }
0x85: {  	_ =	shalt  }
0x86: {  	_ =	shalt  }
0x87: {  	_ =	shalt  }
.Lfunc_end0:
.L_simem_size_0:
called_computation_lowered:
.L_overlay_start_0:
0x88: {  	s2 =	sld [smem:$0x3FD9]  }
0x89: {  	s3 =	sld [smem:$0x3FFE];
	_ =	sdelay $0x1  }
0x8a: {  	s1 =	srdreg.scid  }
0x8b: {  	s0 =	sand.u32 $0x1, s1  }
0x8c: {  	s17 =	sshll.u32 s0, $0xA;
	s2 =	sadd.s32 s3, s2  }
0x8d: {  	s2 =	sadd.s32 s2, s17  }
0x8e: {  	[smem:$0x3FBC] =	sst s2  }
0x8f: {  	_ = 	snop  }
0x90: {  	s2 =	sld [smem:$0x3FD0];
	(tm) =	ssettm $0x1  }
0x91: {  	s18 =	sld [smem:$0x3FFB];
	_ =	sdelay $0x3  }
0x92: {  	_ =	strace s18  }
0x93: {  	s3 =	sld [smem:$0x3FFC];
	_ =	sdelay $0x3  }
0x94: {  	_ =	strace s3  }
0x95: {  	s3 =	sld [smem:$0x3FFD];
	_ =	sdelay $0x3  }
0x96: {  	_ =	strace s3  }
0x97: {  	_ =	strace $0x8FFFFFFF  }
0x98: {  	s19 =	sld [smem:$0x3FDB];
	_ =	sdelay $0x1  }
0x99: {  	s4 =	simm.s32 $_scs_section_size  }
0x9a: {  	s5 =	simm.s32 $_size__tile_overlayer_lowered;
	s6 =	simm.s32 $_tile_overlayer_lowered  }
0x9b: {  	s22 =	simm.s32 $0x1BFF;
	s21 =	sshll.u32 s6, $0x1;
	s3 =	sadd.s32 s4, s19  }
0x9c: {  	s7 =	simm.s32 $0x0;
	s20 =	sshll.u32 s5, $0x1;
	s5 =	sadd.s32 s21, s3  }
0x9d: {  	[timem:s7], [sflag:s22] =	dma.local [hbm:s5], s20  }
0x9e: {  	_ =	swait.ge [sflag:s22], s20  }
0x9f: {  	s4 =	ssub.s32 $0x0, s20;
	[sflag:s22] =	ssyncset.done $0x0  }
0xa0: {  	[sflag:s22] =	ssyncadd.s32 s4;
	_ =	sdelay $0x1  }
0xa1: {  	s23 =	simm.s32 $0x1B8B  }
0xa2: {  	_ =	swait.ge [sflag:s23], $0x1  }
0xa3: {  	[sflag:s23] =	ssyncset.done $0x0  }
0xa4: {  	s25 =	simm.s32 $0x1B8E;
	s24 =	sld [smem:$0x3FFE];
	[sflag:s23] =	ssyncadd.s32 $0xFFFFFFFF  }
0xa5: {  	s26 =	simm.s32 $execute0_lowered;
	[smem:$0x3FD2] =	sst s25  }
0xa6: {  	s5 =	sshll.u32 s26, $0x1;
	_ =	strace $0x80000046;
	[dreg:$0x1] =	wrdreg $0xFFFFFFFF  }
0xa7: {  	s28 =	simm.s32 $_size_execute0_lowered;
	s3 =	sadd.s32 s3, s5;
	[dreg:$0x0] =	wrdreg $0x0  }
0xa8: {  	s5 =	sshll.u32 s28, $0x1;
	[dreg:$0x2] =	wrdreg s3  }
0xa9: {  	[dreg:$0x3] =	wrdreg s5  }
0xaa: {  	[dreg:$0x4] =	wrdreg $0xC0  }
0xab: {  	_ =	task [dreg:s7], $0x5FFFF  }
0xac: {  	[dreg:$0x1] =	wrdreg $0xFFFFFFFF  }
0xad: {  	[dreg:$0x0] =	wrdreg $0x60  }
0xae: {  	[dreg:$0x2] =	wrdreg s24  }
0xaf: {  	[dreg:$0x3] =	wrdreg s2  }
0xb0: {  	[dreg:$0x4] =	wrdreg $0x78000  }
0xb1: {  	[dreg:$0x5] =	wrdreg $0x9  }
0xb2: {  	_ =	task.clear_ibuf [dreg:s7], $0x6FFFF;
	_ =	strace $0x90000046  }
0xb3: {  	s29 =	simm.s32 $0x9;
	_ =	strace $0x80000048  }
0xb4: {  	_ =	swait.ge [sflag:s29], $0x1  }
0xb5: {  	[sflag:s29] =	ssyncadd.s32 $0xFFFFFFFF  }
0xb6: {  	_ =	strace $0x90000048  }
0xb7: {  	_ =	sfence  }
0xb8: {  	s30 =	sld [smem:$0x0];
	_ =	sdelay $0x2  }
0xb9: {  	s31 =	sshll.u32 s1, $0xD;
	s1 =	sshrl.u32 s1, $0x2  }
0xba: {  	s3 =	sand.u32 $0x4000, s31;
	s1 =	sadd.s32 s1, s30  }
0xbb: {  	s0 =	sor.u32 s3, s0;
	s1 =	sshll.u32 s1, $0x11  }
0xbc: {  	s0 =	sor.u32 s1, s0  }
0xbd: {  	s0 =	sadd.s32 $0x8F2B, s0  }
0xbe: {  	[sflag:s0] =	ssyncadd.remote.s32 $0x1  }
0xbf: {  	_ =	sfence.sel $0xFFFF  }
0xc0: {  	[dreg:$0x0] =	wrdreg $0xFFFFFFFF;
	(pc) =	sbr.abs _section_cstart, $3  }
0xc1: {  	[dreg:$0x1] =	wrdreg $0xFFFFFFFF  }
0xc2: {  	_ =	task.clear_ibuf [dreg:s7], $0x2FFFF;
	_ =	strace $0x9FFFFFFF  }
0xc3: {  	(tm) =	ssettm $0x7FFFFFFF  }
tec
execute0_lowered:
.L_overlay_start_1:
0x0: {  	(tag) =	ssettag $0x1  }
0x1: {  	s0 =	rddreg [dreg:$0x0]  }
0x2: {  	s2 =	rddreg [dreg:$0x1]  }
0x3: {  	s1 =	rddreg [dreg:$0x2];
	s3 =	simm.s32 $0x0  }
0x4: {  	s4 =	srdreg.scid;
	s8 =	stileid.u32;
	s30 =	simm.s32 $0x2800  }
0x5: {  	s31 =	simm.s32 $0x2;
	[smem:$0x7FF] =	sst s3;
	s6 =	smul.u32 $0x14000, s8  }
0x6: {  	s4 =	sand.u32 $0x1, s4;
	s7 =	sadd.s32 $0x3800, s0;
	s22 =	smul.u32 $0x50000, s8  }
0x7: {  	s19 =	sadd.s32 $0x4000, s0;
	s5 =	smul.u32 $0x140000, s4;
	_ =	strace $0x80000047  }
0x8: {  	[dreg:$0x4] =	wrdreg s7;
	s20 =	sshll.u32 s4, $0x4;
	s4 =	ssub.s32 $0x2, s4  }
0x9: {  	[dreg:$0x5] =	wrdreg s19;
	s21 =	sor.u32 s8, s20;
	s24 =	sshrl.u32 s4, $0x1  }
0xa: {  	s25 =	sshrl.u32 s22, $0x2;
	s5 =	sadd.s32 s6, s5;
	s23 =	smul.u32 $0x500, s21  }
0xb: {  	s4 =	ssub.s32 s4, s24;
	s6 =	sadd.s32 s25, s1;
	s5 =	sshrl.u32 s5, $0x3  }
0xc: {  	s26 =	smax.u32 s4, $0x1;
	s10 =	sadd.s32 $0x1000, s6;
	s11 =	sadd.s32 $0x2000, s6  }
0xd: {  	s12 =	sadd.s32 $0x3000, s6;
	s13 =	sadd.s32 $0x4000, s6;
	s14 =	sadd.s32 $0x5000, s6  }
0xe: {  	s15 =	sadd.s32 $0x6000, s6;
	s16 =	sadd.s32 $0x7000, s6;
	s17 =	sadd.s32 $0x8000, s6  }
0xf: {  	s18 =	sadd.s32 $0x9000, s6;
	s19 =	sadd.s32 $0xA000, s6;
	s20 =	sadd.s32 $0xB000, s6  }
0x10: {  	s21 =	sadd.s32 $0xC000, s6;
	s22 =	sadd.s32 $0xD000, s6;
	s24 =	sadd.s32 $0xF000, s6  }
0x11: {  	s25 =	sadd.s32 $0x10000, s6;
	s28 =	sadd.s32 $0x12000, s6;
	s29 =	sadd.s32 $0x13000, s6  }
0x12: {  	s4 =	simm.s32 $0x1;
	s0 =	sadd.s32 s5, s0;
	s2 =	sadd.s32 s2, s23  }
0x13: {  	[dreg:$0x8] =	wrdreg s26;
	s23 =	sadd.s32 $0xE000, s6;
	s26 =	sadd.s32 $0x11000, s6  }
0x14: {  	s5 =	simm.s32 $0x0;
	[dreg:$0x6] =	wrdreg s2;
	s0 =	sadd.s32 $0x4200, s0  }
0x15: {  	s2 =	simm.s32 $0x7D;
	[dreg:$0x7] =	wrdreg s0;
	s0 =	simm.s32 $0x6800  }
.LBB2_1:
0x16: {  	s7 =	rddreg [dreg:$0x4]  }
0x17: {  	[tilespmem:s30], [sflag:$0x2] =	stream.linear.gather [hbm4b:s7+s3], $0x3E80, $0x38;
	[tilespmem:$0x1B800] =	vst v63  }
0x18: {  	_ =	swait.ge [sflag:s31], $0x3E80  }
0x19: {  	[sflag:s31] =	ssyncset.done $0x0  }
0x1a: {  	s8 =	rddreg [dreg:$0x5];
	[sflag:s31] =	ssyncadd.s32 $0xFFFFC180  }
0x1b: {  	[tilespmem:s0], [sflag:$0x2] =	stream.linear.gather [hbm4b:s8+s3], $0x1000, $0x38;
	[tilespmem:$0x1B800] =	vst v63  }
0x1c: {  	_ =	swait.ge [sflag:s31], $0x1000  }
0x1d: {  	[sflag:s31] =	ssyncset.done $0x0  }
0x1e: {  	[sflag:s31] =	ssyncadd.s32 $0xFFFFF000  }
0x1f: {  	[spmem:s6] =	stream.linear.scatter [tilespmem:s0], [sflag:$0x2], $0x1000, $0x38;
	[tilespmem:$0x1B800] =	vst v63  }
0x20: {  	_ =	swait.ge [sflag:s31], $0x1000  }
0x21: {  	[sflag:s31] =	ssyncset.done $0x0  }
0x22: {  	[sflag:s31] =	ssyncadd.s32 $0xFFFFF000  }
0x23: {  	[spmem:s10] =	stream.linear.scatter [tilespmem:s0], [sflag:$0x2], $0x1000, $0x38;
	[tilespmem:$0x1B800] =	vst v63  }
0x24: {  	_ =	swait.ge [sflag:s31], $0x1000  }
0x25: {  	[sflag:s31] =	ssyncset.done $0x0  }
0x26: {  	[sflag:s31] =	ssyncadd.s32 $0xFFFFF000  }
0x27: {  	[spmem:s11] =	stream.linear.scatter [tilespmem:s0], [sflag:$0x2], $0x1000, $0x38;
	[tilespmem:$0x1B800] =	vst v63  }
0x28: {  	_ =	swait.ge [sflag:s31], $0x1000  }
0x29: {  	[sflag:s31] =	ssyncset.done $0x0  }
0x2a: {  	[sflag:s31] =	ssyncadd.s32 $0xFFFFF000  }
0x2b: {  	[spmem:s12] =	stream.linear.scatter [tilespmem:s0], [sflag:$0x2], $0x1000, $0x38;
	[tilespmem:$0x1B800] =	vst v63  }
0x2c: {  	_ =	swait.ge [sflag:s31], $0x1000  }
0x2d: {  	[sflag:s31] =	ssyncset.done $0x0  }
0x2e: {  	[sflag:s31] =	ssyncadd.s32 $0xFFFFF000  }
0x2f: {  	[spmem:s13] =	stream.linear.scatter [tilespmem:s0], [sflag:$0x2], $0x1000, $0x38;
	[tilespmem:$0x1B800] =	vst v63  }
0x30: {  	_ =	swait.ge [sflag:s31], $0x1000  }
0x31: {  	[sflag:s31] =	ssyncset.done $0x0  }
0x32: {  	[sflag:s31] =	ssyncadd.s32 $0xFFFFF000  }
0x33: {  	[spmem:s14] =	stream.linear.scatter [tilespmem:s0], [sflag:$0x2], $0x1000, $0x38;
	[tilespmem:$0x1B800] =	vst v63  }
0x34: {  	_ =	swait.ge [sflag:s31], $0x1000  }
0x35: {  	[sflag:s31] =	ssyncset.done $0x0  }
0x36: {  	[sflag:s31] =	ssyncadd.s32 $0xFFFFF000  }
0x37: {  	[spmem:s15] =	stream.linear.scatter [tilespmem:s0], [sflag:$0x2], $0x1000, $0x38;
	[tilespmem:$0x1B800] =	vst v63  }
0x38: {  	_ =	swait.ge [sflag:s31], $0x1000  }
0x39: {  	[sflag:s31] =	ssyncset.done $0x0  }
0x3a: {  	[sflag:s31] =	ssyncadd.s32 $0xFFFFF000  }
0x3b: {  	[spmem:s16] =	stream.linear.scatter [tilespmem:s0], [sflag:$0x2], $0x1000, $0x38;
	[tilespmem:$0x1B800] =	vst v63  }
0x3c: {  	_ =	swait.ge [sflag:s31], $0x1000  }
0x3d: {  	[sflag:s31] =	ssyncset.done $0x0  }
0x3e: {  	[sflag:s31] =	ssyncadd.s32 $0xFFFFF000  }
0x3f: {  	[spmem:s17] =	stream.linear.scatter [tilespmem:s0], [sflag:$0x2], $0x1000, $0x38;
	[tilespmem:$0x1B800] =	vst v63  }
0x40: {  	_ =	swait.ge [sflag:s31], $0x1000  }
0x41: {  	[sflag:s31] =	ssyncset.done $0x0  }
0x42: {  	[sflag:s31] =	ssyncadd.s32 $0xFFFFF000  }
0x43: {  	[spmem:s18] =	stream.linear.scatter [tilespmem:s0], [sflag:$0x2], $0x1000, $0x38;
	[tilespmem:$0x1B800] =	vst v63  }
0x44: {  	_ =	swait.ge [sflag:s31], $0x1000  }
0x45: {  	[sflag:s31] =	ssyncset.done $0x0  }
0x46: {  	[sflag:s31] =	ssyncadd.s32 $0xFFFFF000  }
0x47: {  	[spmem:s19] =	stream.linear.scatter [tilespmem:s0], [sflag:$0x2], $0x1000, $0x38;
	[tilespmem:$0x1B800] =	vst v63  }
0x48: {  	_ =	swait.ge [sflag:s31], $0x1000  }
0x49: {  	[sflag:s31] =	ssyncset.done $0x0  }
0x4a: {  	[sflag:s31] =	ssyncadd.s32 $0xFFFFF000  }
0x4b: {  	[spmem:s20] =	stream.linear.scatter [tilespmem:s0], [sflag:$0x2], $0x1000, $0x38;
	[tilespmem:$0x1B800] =	vst v63  }
0x4c: {  	_ =	swait.ge [sflag:s31], $0x1000  }
0x4d: {  	[sflag:s31] =	ssyncset.done $0x0  }
0x4e: {  	[sflag:s31] =	ssyncadd.s32 $0xFFFFF000  }
0x4f: {  	[spmem:s21] =	stream.linear.scatter [tilespmem:s0], [sflag:$0x2], $0x1000, $0x38;
	[tilespmem:$0x1B800] =	vst v63  }
0x50: {  	_ =	swait.ge [sflag:s31], $0x1000  }
0x51: {  	[sflag:s31] =	ssyncset.done $0x0  }
0x52: {  	[sflag:s31] =	ssyncadd.s32 $0xFFFFF000  }
0x53: {  	[spmem:s22] =	stream.linear.scatter [tilespmem:s0], [sflag:$0x2], $0x1000, $0x38;
	[tilespmem:$0x1B800] =	vst v63  }
0x54: {  	_ =	swait.ge [sflag:s31], $0x1000  }
0x55: {  	[sflag:s31] =	ssyncset.done $0x0  }
0x56: {  	[sflag:s31] =	ssyncadd.s32 $0xFFFFF000  }
0x57: {  	[spmem:s23] =	stream.linear.scatter [tilespmem:s0], [sflag:$0x2], $0x1000, $0x38;
	[tilespmem:$0x1B800] =	vst v63  }
0x58: {  	_ =	swait.ge [sflag:s31], $0x1000  }
0x59: {  	[sflag:s31] =	ssyncset.done $0x0  }
0x5a: {  	[sflag:s31] =	ssyncadd.s32 $0xFFFFF000  }
0x5b: {  	[spmem:s24] =	stream.linear.scatter [tilespmem:s0], [sflag:$0x2], $0x1000, $0x38;
	[tilespmem:$0x1B800] =	vst v63  }
0x5c: {  	_ =	swait.ge [sflag:s31], $0x1000  }
0x5d: {  	[sflag:s31] =	ssyncset.done $0x0  }
0x5e: {  	[sflag:s31] =	ssyncadd.s32 $0xFFFFF000  }
0x5f: {  	[spmem:s25] =	stream.linear.scatter [tilespmem:s0], [sflag:$0x2], $0x1000, $0x38;
	[tilespmem:$0x1B800] =	vst v63  }
0x60: {  	_ =	swait.ge [sflag:s31], $0x1000  }
0x61: {  	[sflag:s31] =	ssyncset.done $0x0  }
0x62: {  	[sflag:s31] =	ssyncadd.s32 $0xFFFFF000  }
0x63: {  	[spmem:s26] =	stream.linear.scatter [tilespmem:s0], [sflag:$0x2], $0x1000, $0x38;
	[tilespmem:$0x1B800] =	vst v63  }
0x64: {  	_ =	swait.ge [sflag:s31], $0x1000  }
0x65: {  	[sflag:s31] =	ssyncset.done $0x0  }
0x66: {  	[sflag:s31] =	ssyncadd.s32 $0xFFFFF000  }
0x67: {  	[spmem:s28] =	stream.linear.scatter [tilespmem:s0], [sflag:$0x2], $0x1000, $0x38;
	[tilespmem:$0x1B800] =	vst v63  }
0x68: {  	_ =	swait.ge [sflag:s31], $0x1000  }
0x69: {  	[sflag:s31] =	ssyncset.done $0x0  }
0x6a: {  	[sflag:s31] =	ssyncadd.s32 $0xFFFFF000  }
0x6b: {  	[spmem:s29] =	stream.linear.scatter [tilespmem:s0], [sflag:$0x2], $0x1000, $0x38;
	[tilespmem:$0x1B800] =	vst v63  }
0x6c: {  	_ =	swait.ge [sflag:s31], $0x1000  }
0x6d: {  	[sflag:s31] =	ssyncset.done $0x0  }
0x6e: {  	s9 =	rddreg [dreg:$0x6];
	[sflag:s31] =	ssyncadd.s32 $0xFFFFF000  }
0x6f: {  	[tilespmem:s3], [sflag:$0x2] =	stream.linear.gather [hbm4b:s9+s3], $0x2800, $0x38;
	[tilespmem:$0x1B800] =	vst v63  }
0x70: {  	_ =	swait.ge [sflag:s31], $0x2800  }
0x71: {  	[sflag:s31] =	ssyncset.done $0x0  }
0x72: {  	[sflag:s31] =	ssyncadd.s32 $0xFFFFD800  }
0x73: {  	s7 =	simm.s32 $0x0;
	[bflag:$0x0] =	sbarrier.arrive $0xFFFF  }
.LBB2_2:
0x74: {  	p0 =	sne.s32 s7, $0x9E00  }
.Ltmp0:
0x75: {  	_ = 	snop;
	(pc) =	sbr.rel @p0 .LBB2_2-.Ltmp0, $3  }
0x76: {  	_ =	sdelay $0x1  }
0x77: {  	s8 =	sshra.s32 s7, $0x2;
	s7 =	sadd.s32 $0x200, s7  }
0x78: {  	[spmem:s1] =	stream.indirect.scatter.add.f32 [tilespmem:s30], [sflag:$0x1], $0x80, s8, s2, $0xb8;
	[tilespmem:$0x1B800] =	vst v63  }
0x79: {  	_ =	swait.ge [sflag:s4], $0x3E80  }
0x7a: {  	s7 =	simm.s32 $0x4F;
	[sflag:s4] =	ssyncset.done $0x0  }
.LBB2_4:
0x7b: {  	p0 =	sne.s32 s7, $0x1;
	s7 =	sadd.s32 $0xFFFFFFFF, s7;
	[sflag:s4] =	ssyncadd.s32 $0xFFFFC180  }
.Ltmp1:
0x7c: {  	(pc) =	sbr.rel @p0 .LBB2_4-.Ltmp1, $3  }
0x7d: {  	_ =	sdelay $0x1  }
0x7e: {  	_ =	swait.ge [sflag:s4], $0x3E80  }
0x7f: {  	[sflag:s4] =	ssyncset.done $0x0  }
0x80: {  	[sflag:s4] =	ssyncadd.s32 $0xFFFFC180;
	s7 =	stileid.u32  }
0x81: {  	s7 =	sshll.u32 s7, $0x6;
	[bflag:$0x0] =	sbarrier.arrive $0xFFFF  }
0x82: {  	s8 =	sshrl.u32 s6, $0x3;
	s7 =	sor.u32 $0x1C02, s7;
	s9 =	rddreg [dreg:$0x7]  }
0x83: {  	[hbm:s9], [sflag:s7] =	dma.local [spmem:s8], $0x2800  }
0x84: {  	_ =	swait.ge [sflag:s31], $0x2800  }
0x85: {  	s5 =	sadd.s32 $0x1, s5;
	s9 =	rddreg [dreg:$0x8]  }
0x86: {  	p0 =	sne.s32 s5, s9  }
.Ltmp2:
0x87: {  	_ = 	snop;
	(pc) =	sbr.rel @p0 .LBB2_1-.Ltmp2, $3  }
0x88: {  	_ =	sdelay $0x1  }
0x89: {  	[sflag:s31] =	ssyncset.done $0x0  }
0x8a: {  	[sflag:s31] =	ssyncadd.s32 $0xFFFFD800  }
0x8b: {  	_ =	sfence.sel $0x180000  }
0x8c: {  	[bflag:$0x0] =	sbarrier.arrive $0xFFFF  }
0x8d: {  	_ =	strace $0x90000047  }
0x8e: {  	s0 =	stileid.u32;
	[bflag:$0x2] =	sbarrier.arrive $0xFFFF  }
0x8f: {  	p0 =	sne.s32 s0, $0x0;
	s0 =	rddreg [dreg:$0x3]  }
0x90: {  	s0 =	sadd.s32 @!p0 $0x100000, s0  }
0x91: {  	[sflag:s0] =	ssyncadd.tile.s32 @!p0 $0x1;
	_ =	shalt  }
.Lfunc_end2:
_tile_overlayer_lowered:
.L_overlay_start_2:
0x92: {  	(tag) =	ssettag $0x2  }
0x93: {  	s0 =	rddreg [dreg:$0x0];
	s2 =	stileid.u32  }
0x94: {  	s1 =	rddreg [dreg:$0x1];
	p0 =	sne.s32 s2, $0x0  }
0x95: {  	s3 =	rddreg [dreg:$0x2];
	[bflag:$0x3] =	sbarrier.arrive $0xFFFF;
	s2 =	simm.s32 @!p0 $0x1C02  }
0x96: {  	[timem:s3], [sflag:s2] =	dma.local @!p0 [hbm:s0], s1  }
0x97: {  	s0 =	simm.s32 @!p0 $0x2  }
0x98: {  	_ =	swait.ge @!p0 [sflag:s0], s1  }
0x99: {  	s1 =	ssub.s32 @!p0 $0x0, s1;
	[sflag:s0] =	ssyncset.done @!p0 $0x0  }
0x9a: {  	[sflag:s0] =	ssyncadd.s32 @!p0 s1  }
0x9b: {  	[bflag:$0x3] =	sbarrier.arrive $0xFFFF  }
0x9c: {  	_ =	shalt  }

// kernel: kernel.13.cloned.1.call-start
scs
__scs_entry_jumppad:
0x0: {  	(pc) =	sbr.rel $0x88, $3  }
0x1: {  	(tag) =	ssettag $0x0;
	lr =	simm.s32 $0x1  }
0x2: {  	[smem:$0x3F95] =	sst lr;
	_ =	strace $0xD0000000  }
0x3: {  	_ = 	snop  }
0x4: {  	_ = 	snop  }
0x5: {  	_ = 	snop  }
0x6: {  	_ = 	snop  }
0x7: {  	_ = 	snop  }
__scs_overlays_trampoline_lowered:
0x8: {  	[smem:$0x3FA4] =	sst s0  }
0x9: {  	[smem:$0x3FA5] =	sst s1  }
0xa: {  	[smem:$0x3FA6] =	sst s2  }
0xb: {  	[smem:$0x3FA7] =	sst s3  }
0xc: {  	[smem:$0x3FA8] =	sst s4  }
0xd: {  	[smem:$0x3FA9] =	sst s5  }
0xe: {  	[smem:$0x3FAA] =	sst s6  }
0xf: {  	[smem:$0x3FAB] =	sst s7  }
0x10: {  	[smem:$0x3FAC] =	sst s8  }
0x11: {  	[smem:$0x3FAD] =	sst s9;
	s0 =	simm.s32 @!p0 $0x0  }
0x12: {  	s1 =	sld [smem:$0x3F93];
	s0 =	simm.s32 @p0 $0x1  }
0x13: {  	[smem:$0x3FAE] =	sst s0;
	s0 =	simm.s32 @!p1 $0x0  }
0x14: {  	s2 =	sld [smem:$0x3F92];
	s0 =	simm.s32 @p1 $0x1  }
0x15: {  	[smem:$0x3FAF] =	sst s0;
	s0 =	simm.s32 @!p2 $0x0  }
0x16: {  	s3 =	sld [smem:$0x3FDB];
	s0 =	simm.s32 @p2 $0x1  }
0x17: {  	s4 =	simm.s32 $0x1BF5;
	[smem:$0x3FB1] =	sst s0  }
0x18: {  	s0 =	sld [smem:$0x3F94];
	_ =	swait.ge [sflag:s4], $0x0  }
0x19: {  	s7 =	sld [smem:$0x3F95]  }
0x1a: {  	s8 =	sadd.s32 $0xFFFFE003, lr  }
0x1b: {  	s9 =	sadd.s32 $0xFFFFFEF7, lr;
	s5 =	simm.s32 $0xFFFFFFFF;
	p2 =	slt.u32 s8, $0xFFFFF086  }
0x1c: {  	p1 =	slt.u32 s9, $0xF7A;
	s5 =	simm.s32 @!p2 $0x0  }
0x1d: {  	s5 =	simm.s32 @p1 $0x1;
	p0 =	seq.s32 s7, s2  }
0x1e: {  	s7 =	smul.u32 @!p0 $0xF7A, s2;
	p2 =	seq.s32 @!p0 s5, $0x0  }
0x1f: {  	s9 =	smul.u32 $0xF7A, s1;
	s8 =	simm.s32 @!p0 $0x1BF5;
	p2 =	por !p2, p0  }
0x20: {  	[sflag:s8] =	ssyncset.s32 @!p0 $0xFFFFF086;
	s6 =	sadd.s32 @!p0 s3, s7;
	s7 =	simm.s32 @!p0 $0x108  }
0x21: {  	s3 =	sadd.s32 s3, s9;
	s6 =	sadd.s32 @!p0 $0x88, s6;
	s7 =	simm.s32 @p2 $0x1082  }
0x22: {  	[simem:s7], [sflag:s8] =	dma.local @!p0 [hbm:s6], $0xF7A  }
0x23: {  	s9 =	sor.u32 $0xD0000000, s2;
	s6 =	simm.s32 $0x108;
	_ =	swait.ge @!p0 [sflag:s8], $0x0  }
0x24: {  	s3 =	sadd.s32 $0x88, s3;
	s6 =	simm.s32 @!p1 $0x1082;
	[sflag:s4] =	ssyncset.s32 $0xFFFFF086  }
0x25: {  	[simem:s6], [sflag:s4] =	dma.local [hbm:s3], $0xF7A  }
0x26: {  	[smem:$0x3F95] =	sst s1;
	(tag) =	ssettag s2;
	_ =	strace s9  }
0x27: {  	s1 =	sld [smem:$0x3FA5]  }
0x28: {  	s2 =	sld [smem:$0x3FA6]  }
0x29: {  	s4 =	sld [smem:$0x3FA8]  }
0x2a: {  	p0 =	seq.s32 s5, $0x0;
	s5 =	sld [smem:$0x3FA9]  }
0x2b: {  	s6 =	sld [smem:$0x3FAA]  }
0x2c: {  	s7 =	sld [smem:$0x3FAB]  }
0x2d: {  	s3 =	simm.s32 $0x108;
	s8 =	sld [smem:$0x3FAC]  }
0x2e: {  	s3 =	simm.s32 @!p0 $0x1082;
	s9 =	sld [smem:$0x3FAD]  }
0x2f: {  	lr =	sadd.s32 s0, s3;
	s0 =	sld [smem:$0x3FA4]  }
0x30: {  	s3 =	sld [smem:$0x3FA7]  }
0x31: {  	[smem:$0x3FB0] =	sst s10  }
0x32: {  	s10 =	sld [smem:$0x3FAE];
	_ =	sdelay $0x3  }
0x33: {  	p0 =	seq.s32 s10, $0x1;
	s10 =	sld [smem:$0x3FB0];
	_ =	sdelay $0x3  }
0x34: {  	[smem:$0x3FB0] =	sst s10  }
0x35: {  	s10 =	sld [smem:$0x3FAF];
	_ =	sdelay $0x3  }
0x36: {  	p1 =	seq.s32 s10, $0x1;
	s10 =	sld [smem:$0x3FB0];
	_ =	sdelay $0x3  }
0x37: {  	[smem:$0x3FB0] =	sst s10  }
0x38: {  	s10 =	sld [smem:$0x3FB1]  }
0x39: {  	_ = 	snop;
	(pc) =	sbr.ind lr, $3  }
0x3a: {  	_ = 	snop  }
0x3b: {  	_ = 	snop  }
0x3c: {  	p2 =	seq.s32 s10, $0x1;
	s10 =	sld [smem:$0x3FB0]  }
0x3d: {  	_ =	shalt  }
0x3e: {  	_ =	shalt  }
0x3f: {  	_ =	shalt  }
0x40: {  	_ =	shalt  }
0x41: {  	_ =	shalt  }
0x42: {  	_ =	shalt  }
0x43: {  	_ =	shalt  }
0x44: {  	_ =	shalt  }
0x45: {  	_ =	shalt  }
0x46: {  	_ =	shalt  }
0x47: {  	_ =	shalt  }
0x48: {  	_ =	shalt  }
0x49: {  	_ =	shalt  }
0x4a: {  	_ =	shalt  }
0x4b: {  	_ =	shalt  }
0x4c: {  	_ =	shalt  }
0x4d: {  	_ =	shalt  }
0x4e: {  	_ =	shalt  }
0x4f: {  	_ =	shalt  }
0x50: {  	_ =	shalt  }
0x51: {  	_ =	shalt  }
0x52: {  	_ =	shalt  }
0x53: {  	_ =	shalt  }
0x54: {  	_ =	shalt  }
0x55: {  	_ =	shalt  }
0x56: {  	_ =	shalt  }
0x57: {  	_ =	shalt  }
0x58: {  	_ =	shalt  }
0x59: {  	_ =	shalt  }
0x5a: {  	_ =	shalt  }
0x5b: {  	_ =	shalt  }
0x5c: {  	_ =	shalt  }
0x5d: {  	_ =	shalt  }
0x5e: {  	_ =	shalt  }
0x5f: {  	_ =	shalt  }
0x60: {  	_ =	shalt  }
0x61: {  	_ =	shalt  }
0x62: {  	_ =	shalt  }
0x63: {  	_ =	shalt  }
0x64: {  	_ =	shalt  }
0x65: {  	_ =	shalt  }
0x66: {  	_ =	shalt  }
0x67: {  	_ =	shalt  }
0x68: {  	_ =	shalt  }
0x69: {  	_ =	shalt  }
0x6a: {  	_ =	shalt  }
0x6b: {  	_ =	shalt  }
0x6c: {  	_ =	shalt  }
0x6d: {  	_ =	shalt  }
0x6e: {  	_ =	shalt  }
0x6f: {  	_ =	shalt  }
0x70: {  	_ =	shalt  }
0x71: {  	_ =	shalt  }
0x72: {  	_ =	shalt  }
0x73: {  	_ =	shalt  }
0x74: {  	_ =	shalt  }
0x75: {  	_ =	shalt  }
0x76: {  	_ =	shalt  }
0x77: {  	_ =	shalt  }
0x78: {  	_ =	shalt  }
0x79: {  	_ =	shalt  }
0x7a: {  	_ =	shalt  }
0x7b: {  	_ =	shalt  }
0x7c: {  	_ =	shalt  }
0x7d: {  	_ =	shalt  }
0x7e: {  	_ =	shalt  }
0x7f: {  	_ =	shalt  }
0x80: {  	_ =	shalt  }
0x81: {  	_ =	shalt  }
0x82: {  	_ =	shalt  }
0x83: {  	_ =	shalt  }
0x84: {  	_ =	shalt  }
0x85: {  	_ =	shalt  }
0x86: {  	_ =	shalt  }
0x87: {  	_ =	shalt  }
.Lfunc_end0:
.L_simem_size_0:
called_computation.1_lowered:
.L_overlay_start_0:
0x88: {  	s2 =	sld [smem:$0x3FD9]  }
0x89: {  	s3 =	sld [smem:$0x3FFE];
	_ =	sdelay $0x1  }
0x8a: {  	s1 =	srdreg.scid  }
0x8b: {  	s0 =	sand.u32 $0x1, s1  }
0x8c: {  	s17 =	sshll.u32 s0, $0xA;
	s2 =	sadd.s32 s3, s2  }
0x8d: {  	s2 =	sadd.s32 s2, s17  }
0x8e: {  	[smem:$0x3FBC] =	sst s2  }
0x8f: {  	_ = 	snop  }
0x90: {  	s2 =	sld [smem:$0x3FD0];
	(tm) =	ssettm $0x1  }
0x91: {  	s18 =	sld [smem:$0x3FFB];
	_ =	sdelay $0x3  }
0x92: {  	_ =	strace s18  }
0x93: {  	s3 =	sld [smem:$0x3FFC];
	_ =	sdelay $0x3  }
0x94: {  	_ =	strace s3  }
0x95: {  	s3 =	sld [smem:$0x3FFD];
	_ =	sdelay $0x3  }
0x96: {  	_ =	strace s3  }
0x97: {  	_ =	strace $0x8FFFFFFF  }
0x98: {  	s19 =	sld [smem:$0x3FDB];
	_ =	sdelay $0x1  }
0x99: {  	s4 =	simm.s32 $_scs_section_size  }
0x9a: {  	s5 =	simm.s32 $_size__tile_overlayer_lowered;
	s6 =	simm.s32 $_tile_overlayer_lowered  }
0x9b: {  	s22 =	simm.s32 $0x1BFF;
	s21 =	sshll.u32 s6, $0x1;
	s3 =	sadd.s32 s4, s19  }
0x9c: {  	s7 =	simm.s32 $0x0;
	s20 =	sshll.u32 s5, $0x1;
	s5 =	sadd.s32 s21, s3  }
0x9d: {  	[timem:s7], [sflag:s22] =	dma.local [hbm:s5], s20  }
0x9e: {  	_ =	swait.ge [sflag:s22], s20  }
0x9f: {  	s4 =	ssub.s32 $0x0, s20;
	[sflag:s22] =	ssyncset.done $0x0  }
0xa0: {  	[sflag:s22] =	ssyncadd.s32 s4;
	_ =	sdelay $0x1  }
0xa1: {  	s23 =	simm.s32 $0x1B8B  }
0xa2: {  	_ =	swait.ge [sflag:s23], $0x1  }
0xa3: {  	[sflag:s23] =	ssyncset.done $0x0  }
0xa4: {  	s25 =	simm.s32 $0x1B8E;
	s24 =	sld [smem:$0x3FFE];
	[sflag:s23] =	ssyncadd.s32 $0xFFFFFFFF  }
0xa5: {  	s26 =	simm.s32 $execute0_lowered;
	[smem:$0x3FD2] =	sst s25  }
0xa6: {  	s5 =	sshll.u32 s26, $0x1;
	_ =	strace $0x80000049;
	[dreg:$0x1] =	wrdreg $0xFFFFFFFF  }
0xa7: {  	s28 =	simm.s32 $_size_execute0_lowered;
	s3 =	sadd.s32 s3, s5;
	[dreg:$0x0] =	wrdreg $0x0  }
0xa8: {  	s5 =	sshll.u32 s28, $0x1;
	[dreg:$0x2] =	wrdreg s3  }
0xa9: {  	[dreg:$0x3] =	wrdreg s5  }
0xaa: {  	[dreg:$0x4] =	wrdreg $0xC0  }
0xab: {  	_ =	task [dreg:s7], $0x5FFFF  }
0xac: {  	[dreg:$0x1] =	wrdreg $0xFFFFFFFF  }
0xad: {  	[dreg:$0x0] =	wrdreg $0x60  }
0xae: {  	[dreg:$0x2] =	wrdreg s24  }
0xaf: {  	[dreg:$0x3] =	wrdreg s2  }
0xb0: {  	[dreg:$0x4] =	wrdreg $0xB8000  }
0xb1: {  	[dreg:$0x5] =	wrdreg $0x9  }
0xb2: {  	_ =	task.clear_ibuf [dreg:s7], $0x6FFFF;
	_ =	strace $0x90000049  }
0xb3: {  	s29 =	simm.s32 $0x9;
	_ =	strace $0x8000004B  }
0xb4: {  	_ =	swait.ge [sflag:s29], $0x1  }
0xb5: {  	[sflag:s29] =	ssyncadd.s32 $0xFFFFFFFF  }
0xb6: {  	_ =	strace $0x9000004B  }
0xb7: {  	_ =	sfence  }
0xb8: {  	s30 =	sld [smem:$0x0];
	_ =	sdelay $0x2  }
0xb9: {  	s31 =	sshll.u32 s1, $0xD;
	s1 =	sshrl.u32 s1, $0x2  }
0xba: {  	s3 =	sand.u32 $0x4000, s31;
	s1 =	sadd.s32 s1, s30  }
0xbb: {  	s0 =	sor.u32 s3, s0;
	s1 =	sshll.u32 s1, $0x11  }
0xbc: {  	s0 =	sor.u32 s1, s0  }
0xbd: {  	s0 =	sadd.s32 $0x8F2B, s0  }
0xbe: {  	[sflag:s0] =	ssyncadd.remote.s32 $0x1  }
0xbf: {  	_ =	sfence.sel $0xFFFF  }
0xc0: {  	[dreg:$0x0] =	wrdreg $0xFFFFFFFF;
	(pc) =	sbr.abs _section_cstart, $3  }
0xc1: {  	[dreg:$0x1] =	wrdreg $0xFFFFFFFF  }
0xc2: {  	_ =	task.clear_ibuf [dreg:s7], $0x2FFFF;
	_ =	strace $0x9FFFFFFF  }
0xc3: {  	(tm) =	ssettm $0x7FFFFFFF  }
tec
execute0_lowered:
.L_overlay_start_1:
0x0: {  	(tag) =	ssettag $0x1  }
0x1: {  	s0 =	rddreg [dreg:$0x0]  }
0x2: {  	s2 =	rddreg [dreg:$0x1]  }
0x3: {  	s1 =	rddreg [dreg:$0x2]  }
0x4: {  	s3 =	simm.s32 $0x0;
	s4 =	srdreg.scid;
	s10 =	stileid.u32  }
0x5: {  	[smem:$0x7FF] =	sst s3;
	s5 =	sand.u32 $0x1, s4;
	s7 =	smul.u32 $0x14000, s10  }
0x6: {  	s4 =	sadd.s32 $0x3800, s0;
	s6 =	smul.u32 $0x140000, s5;
	s9 =	sshll.u32 s5, $0x4  }
0x7: {  	s8 =	sadd.s32 $0x54200, s0;
	s9 =	sor.u32 s10, s9;
	s10 =	smul.u32 $0x50000, s10  }
0x8: {  	s5 =	ssub.s32 $0x2, s5;
	s6 =	sadd.s32 s7, s6;
	s7 =	smul.u32 $0x500, s9  }
0x9: {  	_ =	strace $0x8000004A;
	s12 =	sshrl.u32 s5, $0x1;
	s11 =	smul.u32 $0x2800, s9  }
0xa: {  	s6 =	sshrl.u32 s6, $0x3;
	s13 =	sshrl.u32 s10, $0x2;
	s15 =	sadd.s32 s8, s7  }
0xb: {  	s0 =	sadd.s32 s6, s0;
	s7 =	sadd.s32 s2, s7;
	[dreg:$0x4] =	wrdreg s15  }
0xc: {  	s6 =	ssub.s32 s5, s12;
	[dreg:$0x5] =	wrdreg s7;
	s0 =	sadd.s32 $0x5E200, s0  }
0xd: {  	s5 =	sadd.s32 s13, s1;
	s17 =	smax.u32 s6, $0x1;
	[dreg:$0x8] =	wrdreg s0  }
0xe: {  	s18 =	sadd.s32 $0x1000, s5;
	[dreg:$0x9] =	wrdreg s17  }
0xf: {  	s14 =	sshrl.u32 s11, $0x3;
	s19 =	sadd.s32 $0x2000, s5;
	[dreg:$0xa] =	wrdreg s18  }
0x10: {  	s9 =	sadd.s32 $0x280, s14;
	s20 =	sadd.s32 $0x3000, s5;
	[dreg:$0xb] =	wrdreg s19  }
0x11: {  	s21 =	sadd.s32 $0x4000, s5;
	s22 =	sadd.s32 $0x5000, s5;
	[dreg:$0xc] =	wrdreg s20  }
0x12: {  	s23 =	sadd.s32 $0x6000, s5;
	s24 =	sadd.s32 $0x7000, s5;
	[dreg:$0xd] =	wrdreg s21  }
0x13: {  	s25 =	sadd.s32 $0x8000, s5;
	s26 =	sadd.s32 $0x9000, s5;
	[dreg:$0xe] =	wrdreg s22  }
0x14: {  	s28 =	sadd.s32 $0x10000, s5;
	s29 =	sadd.s32 $0x11000, s5;
	[dreg:$0xf] =	wrdreg s23  }
0x15: {  	s30 =	sadd.s32 $0x12000, s5;
	s31 =	sadd.s32 $0x13000, s5;
	[dreg:$0x10] =	wrdreg s24  }
0x16: {  	s6 =	simm.s32 $0x7D;
	s7 =	simm.s32 $0x2800;
	[dreg:$0x11] =	wrdreg s25  }
0x17: {  	s16 =	sadd.s32 s8, s9;
	s2 =	sadd.s32 s2, s9;
	[dreg:$0x12] =	wrdreg s26  }
0x18: {  	s21 =	sadd.s32 $0xA000, s5;
	s22 =	sadd.s32 $0xB000, s5;
	s23 =	sadd.s32 $0xC000, s5  }
0x19: {  	s24 =	sadd.s32 $0xD000, s5;
	s25 =	sadd.s32 $0xE000, s5;
	s26 =	sadd.s32 $0xF000, s5  }
0x1a: {  	s0 =	simm.s32 $0xA800;
	s8 =	simm.s32 $0x80;
	[dreg:$0x6] =	wrdreg s16  }
0x1b: {  	v0 =	vimm.f32 $0.0e+00;
	s9 =	simm.s32 $0x6800;
	[dreg:$0x7] =	wrdreg s2;
	s2 =	simm.s32 $0x3  }
.LBB2_1:
0x1c: {  	s10 =	simm.s32 $0x0;
	s11 =	simm.s32 $0x200  }
.LBB2_2:
0x1d: {  	p0 =	sne.s32 s11, $0x3E00;
	[tilespmem:s10+$0xA870] =	vst v0  }
0x1e: {  	[tilespmem:s10+$0xA800] =	vst v0  }
0x1f: {  	[tilespmem:s10+$0xA810] =	vst v0  }
.Ltmp0:
0x20: {  	[tilespmem:s10+$0xA820] =	vst v0;
	(pc) =	sbr.rel @p0 .LBB2_2-.Ltmp0, $4  }
0x21: {  	[tilespmem:s10+$0xA830] =	vst v0  }
0x22: {  	[tilespmem:s10+$0xA840] =	vst v0  }
0x23: {  	[tilespmem:s10+$0xA850] =	vst v0  }
0x24: {  	[tilespmem:s10+$0xA860] =	vst v0;
	s10 =	sshra.s32 s11, $0x2;
	s11 =	sadd.s32 $0x200, s11  }
0x25: {  	[tilespmem:s10+$0xA870] =	vst v0  }
0x26: {  	[tilespmem:s10+$0xA800] =	vst v0  }
0x27: {  	[tilespmem:s10+$0xA810] =	vst v0  }
0x28: {  	[tilespmem:s10+$0xA820] =	vst v0  }
0x29: {  	[tilespmem:s10+$0xA830] =	vst v0  }
0x2a: {  	[tilespmem:s10+$0xA840] =	vst v0  }
0x2b: {  	[tilespmem:s10+$0xA850] =	vst v0  }
0x2c: {  	[tilespmem:s10+$0xA860] =	vst v0  }
0x2d: {  	[spmem:s5] =	stream.linear.scatter [tilespmem:s0], [sflag:$0x3], $0x1000, $0x38;
	[tilespmem:$0x1F800] =	vst v63  }
0x2e: {  	_ =	swait.ge [sflag:s2], $0x1000  }
0x2f: {  	[sflag:s2] =	ssyncset.done $0x0  }
0x30: {  	s11 =	rddreg [dreg:$0xa];
	[sflag:s2] =	ssyncadd.s32 $0xFFFFF000  }
0x31: {  	[spmem:s11] =	stream.linear.scatter [tilespmem:s0], [sflag:$0x3], $0x1000, $0x38;
	[tilespmem:$0x1F800] =	vst v63  }
0x32: {  	_ =	swait.ge [sflag:s2], $0x1000  }
0x33: {  	[sflag:s2] =	ssyncset.done $0x0  }
0x34: {  	s12 =	rddreg [dreg:$0xb];
	[sflag:s2] =	ssyncadd.s32 $0xFFFFF000  }
0x35: {  	[spmem:s12] =	stream.linear.scatter [tilespmem:s0], [sflag:$0x3], $0x1000, $0x38;
	[tilespmem:$0x1F800] =	vst v63  }
0x36: {  	_ =	swait.ge [sflag:s2], $0x1000  }
0x37: {  	[sflag:s2] =	ssyncset.done $0x0  }
0x38: {  	s13 =	rddreg [dreg:$0xc];
	[sflag:s2] =	ssyncadd.s32 $0xFFFFF000  }
0x39: {  	[spmem:s13] =	stream.linear.scatter [tilespmem:s0], [sflag:$0x3], $0x1000, $0x38;
	[tilespmem:$0x1F800] =	vst v63  }
0x3a: {  	_ =	swait.ge [sflag:s2], $0x1000  }
0x3b: {  	[sflag:s2] =	ssyncset.done $0x0  }
0x3c: {  	s14 =	rddreg [dreg:$0xd];
	[sflag:s2] =	ssyncadd.s32 $0xFFFFF000  }
0x3d: {  	[spmem:s14] =	stream.linear.scatter [tilespmem:s0], [sflag:$0x3], $0x1000, $0x38;
	[tilespmem:$0x1F800] =	vst v63  }
0x3e: {  	_ =	swait.ge [sflag:s2], $0x1000  }
0x3f: {  	[sflag:s2] =	ssyncset.done $0x0  }
0x40: {  	s15 =	rddreg [dreg:$0xe];
	[sflag:s2] =	ssyncadd.s32 $0xFFFFF000  }
0x41: {  	[spmem:s15] =	stream.linear.scatter [tilespmem:s0], [sflag:$0x3], $0x1000, $0x38;
	[tilespmem:$0x1F800] =	vst v63  }
0x42: {  	_ =	swait.ge [sflag:s2], $0x1000  }
0x43: {  	[sflag:s2] =	ssyncset.done $0x0  }
0x44: {  	s16 =	rddreg [dreg:$0xf];
	[sflag:s2] =	ssyncadd.s32 $0xFFFFF000  }
0x45: {  	[spmem:s16] =	stream.linear.scatter [tilespmem:s0], [sflag:$0x3], $0x1000, $0x38;
	[tilespmem:$0x1F800] =	vst v63  }
0x46: {  	_ =	swait.ge [sflag:s2], $0x1000  }
0x47: {  	[sflag:s2] =	ssyncset.done $0x0  }
0x48: {  	s17 =	rddreg [dreg:$0x10];
	[sflag:s2] =	ssyncadd.s32 $0xFFFFF000  }
0x49: {  	[spmem:s17] =	stream.linear.scatter [tilespmem:s0], [sflag:$0x3], $0x1000, $0x38;
	[tilespmem:$0x1F800] =	vst v63  }
0x4a: {  	_ =	swait.ge [sflag:s2], $0x1000  }
0x4b: {  	[sflag:s2] =	ssyncset.done $0x0  }
0x4c: {  	s18 =	rddreg [dreg:$0x11];
	[sflag:s2] =	ssyncadd.s32 $0xFFFFF000  }
0x4d: {  	[spmem:s18] =	stream.linear.scatter [tilespmem:s0], [sflag:$0x3], $0x1000, $0x38;
	[tilespmem:$0x1F800] =	vst v63  }
0x4e: {  	_ =	swait.ge [sflag:s2], $0x1000  }
0x4f: {  	[sflag:s2] =	ssyncset.done $0x0  }
0x50: {  	s19 =	rddreg [dreg:$0x12];
	[sflag:s2] =	ssyncadd.s32 $0xFFFFF000  }
0x51: {  	[spmem:s19] =	stream.linear.scatter [tilespmem:s0], [sflag:$0x3], $0x1000, $0x38;
	[tilespmem:$0x1F800] =	vst v63  }
0x52: {  	_ =	swait.ge [sflag:s2], $0x1000  }
0x53: {  	[sflag:s2] =	ssyncset.done $0x0  }
0x54: {  	[sflag:s2] =	ssyncadd.s32 $0xFFFFF000  }
0x55: {  	[spmem:s21] =	stream.linear.scatter [tilespmem:s0], [sflag:$0x3], $0x1000, $0x38;
	[tilespmem:$0x1F800] =	vst v63  }
0x56: {  	_ =	swait.ge [sflag:s2], $0x1000  }
0x57: {  	[sflag:s2] =	ssyncset.done $0x0  }
0x58: {  	[sflag:s2] =	ssyncadd.s32 $0xFFFFF000  }
0x59: {  	[spmem:s22] =	stream.linear.scatter [tilespmem:s0], [sflag:$0x3], $0x1000, $0x38;
	[tilespmem:$0x1F800] =	vst v63  }
0x5a: {  	_ =	swait.ge [sflag:s2], $0x1000  }
0x5b: {  	[sflag:s2] =	ssyncset.done $0x0  }
0x5c: {  	[sflag:s2] =	ssyncadd.s32 $0xFFFFF000  }
0x5d: {  	[spmem:s23] =	stream.linear.scatter [tilespmem:s0], [sflag:$0x3], $0x1000, $0x38;
	[tilespmem:$0x1F800] =	vst v63  }
0x5e: {  	_ =	swait.ge [sflag:s2], $0x1000  }
0x5f: {  	[sflag:s2] =	ssyncset.done $0x0  }
0x60: {  	[sflag:s2] =	ssyncadd.s32 $0xFFFFF000  }
0x61: {  	[spmem:s24] =	stream.linear.scatter [tilespmem:s0], [sflag:$0x3], $0x1000, $0x38;
	[tilespmem:$0x1F800] =	vst v63  }
0x62: {  	_ =	swait.ge [sflag:s2], $0x1000  }
0x63: {  	[sflag:s2] =	ssyncset.done $0x0  }
0x64: {  	[sflag:s2] =	ssyncadd.s32 $0xFFFFF000  }
0x65: {  	[spmem:s25] =	stream.linear.scatter [tilespmem:s0], [sflag:$0x3], $0x1000, $0x38;
	[tilespmem:$0x1F800] =	vst v63  }
0x66: {  	_ =	swait.ge [sflag:s2], $0x1000  }
0x67: {  	[sflag:s2] =	ssyncset.done $0x0  }
0x68: {  	[sflag:s2] =	ssyncadd.s32 $0xFFFFF000  }
0x69: {  	[spmem:s26] =	stream.linear.scatter [tilespmem:s0], [sflag:$0x3], $0x1000, $0x38;
	[tilespmem:$0x1F800] =	vst v63  }
0x6a: {  	_ =	swait.ge [sflag:s2], $0x1000  }
0x6b: {  	[sflag:s2] =	ssyncset.done $0x0  }
0x6c: {  	[sflag:s2] =	ssyncadd.s32 $0xFFFFF000  }
0x6d: {  	[spmem:s28] =	stream.linear.scatter [tilespmem:s0], [sflag:$0x3], $0x1000, $0x38;
	[tilespmem:$0x1F800] =	vst v63  }
0x6e: {  	_ =	swait.ge [sflag:s2], $0x1000  }
0x6f: {  	[sflag:s2] =	ssyncset.done $0x0  }
0x70: {  	[sflag:s2] =	ssyncadd.s32 $0xFFFFF000  }
0x71: {  	[spmem:s29] =	stream.linear.scatter [tilespmem:s0], [sflag:$0x3], $0x1000, $0x38;
	[tilespmem:$0x1F800] =	vst v63  }
0x72: {  	_ =	swait.ge [sflag:s2], $0x1000  }
0x73: {  	[sflag:s2] =	ssyncset.done $0x0  }
0x74: {  	[sflag:s2] =	ssyncadd.s32 $0xFFFFF000  }
0x75: {  	[spmem:s30] =	stream.linear.scatter [tilespmem:s0], [sflag:$0x3], $0x1000, $0x38;
	[tilespmem:$0x1F800] =	vst v63  }
0x76: {  	_ =	swait.ge [sflag:s2], $0x1000  }
0x77: {  	[sflag:s2] =	ssyncset.done $0x0  }
0x78: {  	[sflag:s2] =	ssyncadd.s32 $0xFFFFF000  }
0x79: {  	[spmem:s31] =	stream.linear.scatter [tilespmem:s0], [sflag:$0x3], $0x1000, $0x38;
	[tilespmem:$0x1F800] =	vst v63  }
0x7a: {  	_ =	swait.ge [sflag:s2], $0x1000  }
0x7b: {  	[sflag:s2] =	ssyncset.done $0x0  }
0x7c: {  	[sflag:s2] =	ssyncadd.s32 $0xFFFFF000  }
0x7d: {  	[bflag:$0x0] =	sbarrier.arrive $0xFFFF  }
0x7e: {  	s20 =	simm.s32 $0x0;
	s11 =	rddreg [dreg:$0x4]  }
0x7f: {  	[tilespmem:s20], [sflag:$0x3] =	stream.linear.gather [hbm4b:s11+s20], $0x1400, $0x38;
	[tilespmem:$0x1F800] =	vst v63  }
0x80: {  	_ =	swait.ge [sflag:s2], $0x1400  }
0x81: {  	[sflag:s2] =	ssyncset.done $0x0  }
0x82: {  	s11 =	simm.s32 $0x1400;
	s12 =	rddreg [dreg:$0x5];
	[sflag:s2] =	ssyncadd.s32 $0xFFFFEC00  }
0x83: {  	[tilespmem:s11], [sflag:$0x3] =	stream.linear.gather [hbm4b:s12+s20], $0x1400, $0x38;
	[tilespmem:$0x1F800] =	vst v63  }
0x84: {  	_ =	swait.ge [sflag:s2], $0x1400  }
0x85: {  	s10 =	sand.u32 $0x1, s20;
	[sflag:s2] =	ssyncset.done $0x0  }
0x86: {  	p0 =	seq.s32 s10, $0x1;
	[sflag:s2] =	ssyncadd.s32 $0xFFFFEC00  }
0x87: {  	[tilespmem:s7], [sflag:$0x1] =	stream.indirect.gather [hbm4b:s4+s6], $0x80, s20, s6, $0xb8;
	[tilespmem:$0x1F800] =	vst v63  }
0x88: {  	s10 =	simm.s32 @p0 $0x2;
	p0 =	por p0, p0  }
0x89: {  	[tilespmem:s9], [sflag:$0x2] =	stream.indirect.gather [hbm4b:s4+s6], $0x80, s8, s6, $0xb8;
	[tilespmem:$0x1F800] =	vst v63  }
0x8a: {  	_ =	swait.ge @p0 [sflag:s10], $0x3E80  }
0x8b: {  	p1 =	por @p0 $0x0, $0x0;
	s13 =	simm.s32 @p0 $0x6800;
	[sflag:s10] =	ssyncset.done @p0 $0x0  }
0x8c: {  	s12 =	simm.s32 @p0 $0x3;
	[sflag:s10] =	ssyncadd.s32 @p0 $0xFFFFC180;
	s10 =	simm.s32 @p0 $0x7D  }
0x8d: {  	[spmem:s1] =	stream.indirect.scatter.add.f32 @p0 [tilespmem:s13], [sflag:$0x3], $0x80, s11, s10, $0xb8;
	[tilespmem:$0x1F800] =	vst v63  }
0x8e: {  	p1 =	por p1, !p0;
	_ =	swait.ge @p0 [sflag:s12], $0x3E80  }
0x8f: {  	s15 =	simm.s32 @!p0 $0x1;
	s13 =	simm.s32 $0x100;
	[sflag:s12] =	ssyncset.done @p0 $0x0  }
0x90: {  	s10 =	simm.s32 @!p1 $0x7D;
	[sflag:s12] =	ssyncadd.s32 @p0 $0xFFFFC180;
	s12 =	simm.s32 @!p1 $0x6800  }
0x91: {  	[tilespmem:s12], [sflag:$0x2] =	stream.indirect.gather @!p1 [hbm4b:s4+s10], $0x80, s13, s10, $0xb8;
	[tilespmem:$0x1F800] =	vst v63  }
0x92: {  	s14 =	simm.s32 $0x2;
	s16 =	simm.s32 @!p0 $0x2800;
	_ =	swait.ge @!p0 [sflag:s15], $0x3E80  }
0x93: {  	s10 =	simm.s32 $0x1;
	s12 =	simm.s32 $0x1480;
	[sflag:s15] =	ssyncset.done @!p0 $0x0  }
0x94: {  	p1 =	por @!p0 $0x0, $0x0;
	[sflag:s15] =	ssyncadd.s32 @!p0 $0xFFFFC180;
	s15 =	simm.s32 @!p0 $0x7D  }
0x95: {  	[spmem:s1] =	stream.indirect.scatter.add.f32 @!p0 [tilespmem:s16], [sflag:$0x3], $0x80, s11, s15, $0xb8;
	[tilespmem:$0x1F800] =	vst v63  }
0x96: {  	p2 =	por p1, p0;
	s17 =	sand.u32 $0x1, s10;
	s15 =	simm.s32 @!p0 $0x3  }
0x97: {  	p3 =	seq.s32 s17, $0x1;
	s17 =	simm.s32 @!p2 $0x7D;
	_ =	swait.ge @!p0 [sflag:s15], $0x3E80  }
0x98: {  	s11 =	simm.s32 $0x180;
	s16 =	simm.s32 @!p2 $0x2800;
	[sflag:s15] =	ssyncset.done @!p0 $0x0  }
.LBB2_4:
0x99: {  	s18 =	simm.s32 @p3 $0x2  }
0x9a: {  	[sflag:s15] =	ssyncadd.s32 @!p0 $0xFFFFC180;
	s19 =	smov.u32 s10;
	s10 =	smov.u32 s14  }
0x9b: {  	s14 =	sadd.s32 $0x1, s14;
	s20 =	smov.u32 s12;
	p0 =	por p3, p3  }
0x9c: {  	[tilespmem:s16], [sflag:$0x1] =	stream.indirect.gather @!p2 [hbm4b:s4+s17], $0x80, s13, s17, $0xb8;
	[tilespmem:$0x1F800] =	vst v63  }
0x9d: {  	p1 =	sne.s32 s14, $0x28;
	s13 =	smov.u32 s11;
	_ =	swait.ge @p0 [sflag:s18], $0x3E80  }
0x9e: {  	s12 =	sadd.s32 $0x80, s12;
	s15 =	simm.s32 @p0 $0x3;
	[sflag:s18] =	ssyncset.done @p0 $0x0  }
0x9f: {  	s16 =	simm.s32 @p0 $0x7D;
	s17 =	simm.s32 @p0 $0x6800;
	[sflag:s18] =	ssyncadd.s32 @p0 $0xFFFFC180  }
0xa0: {  	[spmem:s1] =	stream.indirect.scatter.add.f32 @p0 [tilespmem:s17], [sflag:$0x3], $0x80, s20, s16, $0xb8;
	[tilespmem:$0x1F800] =	vst v63  }
0xa1: {  	p2 =	sgt.u32 @p0 s19, $0x25;
	s11 =	sadd.s32 $0x80, s11;
	_ =	swait.ge @p0 [sflag:s15], $0x3E80  }
0xa2: {  	p2 =	por p2, !p0;
	s16 =	simm.s32 @!p0 $0x1;
	[sflag:s15] =	ssyncset.done @p0 $0x0  }
0xa3: {  	s17 =	simm.s32 @!p2 $0x6800;
	[sflag:s15] =	ssyncadd.s32 @p0 $0xFFFFC180;
	s15 =	simm.s32 @!p2 $0x7D  }
0xa4: {  	[tilespmem:s17], [sflag:$0x2] =	stream.indirect.gather @!p2 [hbm4b:s4+s15], $0x80, s13, s15, $0xb8;
	[tilespmem:$0x1F800] =	vst v63  }
0xa5: {  	s17 =	simm.s32 @!p0 $0x2800;
	s15 =	simm.s32 @!p0 $0x3;
	_ =	swait.ge @!p0 [sflag:s16], $0x3E80  }
.Ltmp1:
0xa6: {  	p2 =	sgt.u32 @!p0 s19, $0x25;
	[sflag:s16] =	ssyncset.done @!p0 $0x0;
	(pc) =	sbr.rel @p1 .LBB2_4-.Ltmp1, $4  }
0xa7: {  	p2 =	por p2, p0;
	[sflag:s16] =	ssyncadd.s32 @!p0 $0xFFFFC180;
	s16 =	simm.s32 @!p0 $0x7D  }
0xa8: {  	[spmem:s1] =	stream.indirect.scatter.add.f32 @!p0 [tilespmem:s17], [sflag:$0x3], $0x80, s20, s16, $0xb8;
	[tilespmem:$0x1F800] =	vst v63  }
0xa9: {  	s17 =	sand.u32 $0x1, s10;
	s16 =	simm.s32 @!p2 $0x2800;
	_ =	swait.ge @!p0 [sflag:s15], $0x3E80  }
0xaa: {  	p3 =	seq.s32 s17, $0x1;
	s17 =	simm.s32 @!p2 $0x7D;
	[sflag:s15] =	ssyncset.done @!p0 $0x0  }
0xab: {  	s14 =	simm.s32 @p3 $0x2;
	[sflag:s15] =	ssyncadd.s32 @!p0 $0xFFFFC180;
	p0 =	por p3, p3  }
0xac: {  	[tilespmem:s16], [sflag:$0x1] =	stream.indirect.gather @!p2 [hbm4b:s4+s17], $0x80, s13, s17, $0xb8;
	[tilespmem:$0x1F800] =	vst v63  }
0xad: {  	_ =	swait.ge @p0 [sflag:s14], $0x3E80  }
0xae: {  	s13 =	simm.s32 @p0 $0x3;
	[sflag:s14] =	ssyncset.done @p0 $0x0  }
0xaf: {  	s15 =	simm.s32 @p0 $0x6800;
	[sflag:s14] =	ssyncadd.s32 @p0 $0xFFFFC180;
	s14 =	simm.s32 @p0 $0x7D  }
0xb0: {  	[spmem:s1] =	stream.indirect.scatter.add.f32 @p0 [tilespmem:s15], [sflag:$0x3], $0x80, s12, s14, $0xb8;
	[tilespmem:$0x1F800] =	vst v63  }
0xb1: {  	p1 =	sgt.u32 @p0 s10, $0x25;
	_ =	swait.ge @p0 [sflag:s13], $0x3E80  }
0xb2: {  	p1 =	por p1, !p0;
	s14 =	simm.s32 @!p0 $0x1;
	[sflag:s13] =	ssyncset.done @p0 $0x0  }
0xb3: {  	s15 =	simm.s32 @!p1 $0x6800;
	[sflag:s13] =	ssyncadd.s32 @p0 $0xFFFFC180;
	s13 =	simm.s32 @!p1 $0x7D  }
0xb4: {  	[tilespmem:s15], [sflag:$0x2] =	stream.indirect.gather @!p1 [hbm4b:s4+s13], $0x80, s11, s13, $0xb8;
	[tilespmem:$0x1F800] =	vst v63  }
0xb5: {  	_ =	swait.ge @!p0 [sflag:s14], $0x3E80  }
0xb6: {  	s13 =	simm.s32 @!p0 $0x2800;
	[sflag:s14] =	ssyncset.done @!p0 $0x0  }
0xb7: {  	s15 =	simm.s32 @!p0 $0x3;
	[sflag:s14] =	ssyncadd.s32 @!p0 $0xFFFFC180;
	s14 =	simm.s32 @!p0 $0x7D  }
0xb8: {  	[spmem:s1] =	stream.indirect.scatter.add.f32 @!p0 [tilespmem:s13], [sflag:$0x3], $0x80, s12, s14, $0xb8;
	[tilespmem:$0x1F800] =	vst v63  }
0xb9: {  	p1 =	sgt.u32 @!p0 s10, $0x25;
	_ =	swait.ge @!p0 [sflag:s15], $0x3E80  }
0xba: {  	p1 =	por p1, p0;
	[sflag:s15] =	ssyncset.done @!p0 $0x0  }
0xbb: {  	s10 =	simm.s32 @!p1 $0x2800;
	s12 =	simm.s32 @!p1 $0x7D;
	[sflag:s15] =	ssyncadd.s32 @!p0 $0xFFFFC180  }
0xbc: {  	[tilespmem:s10], [sflag:$0x1] =	stream.indirect.gather @!p1 [hbm4b:s4+s12], $0x80, s11, s12, $0xb8;
	[tilespmem:$0x1F800] =	vst v63  }
0xbd: {  	s17 =	simm.s32 $0x0;
	s18 =	rddreg [dreg:$0x6]  }
0xbe: {  	[tilespmem:s17], [sflag:$0x3] =	stream.linear.gather [hbm4b:s18+s17], $0x1400, $0x38;
	[tilespmem:$0x1F800] =	vst v63  }
0xbf: {  	_ =	swait.ge [sflag:s2], $0x1400  }
0xc0: {  	[sflag:s2] =	ssyncset.done $0x0  }
0xc1: {  	s16 =	simm.s32 $0x1400;
	s19 =	rddreg [dreg:$0x7];
	[sflag:s2] =	ssyncadd.s32 $0xFFFFEC00  }
0xc2: {  	[tilespmem:s16], [sflag:$0x3] =	stream.linear.gather [hbm4b:s19+s17], $0x1400, $0x38;
	[tilespmem:$0x1F800] =	vst v63  }
0xc3: {  	_ =	swait.ge [sflag:s2], $0x1400  }
0xc4: {  	s10 =	sand.u32 $0x1, s17;
	[sflag:s2] =	ssyncset.done $0x0  }
0xc5: {  	p0 =	seq.s32 s10, $0x1;
	[sflag:s2] =	ssyncadd.s32 $0xFFFFEC00  }
0xc6: {  	[tilespmem:s7], [sflag:$0x1] =	stream.indirect.gather [hbm4b:s4+s6], $0x80, s17, s6, $0xb8;
	[tilespmem:$0x1F800] =	vst v63  }
0xc7: {  	s11 =	simm.s32 @p0 $0x2;
	p0 =	por p0, p0  }
0xc8: {  	[tilespmem:s9], [sflag:$0x2] =	stream.indirect.gather [hbm4b:s4+s6], $0x80, s8, s6, $0xb8;
	[tilespmem:$0x1F800] =	vst v63  }
0xc9: {  	s13 =	simm.s32 $0x100;
	s14 =	simm.s32 $0x2;
	_ =	swait.ge @p0 [sflag:s11], $0x3E80  }
0xca: {  	s10 =	simm.s32 $0x1;
	s12 =	simm.s32 @p0 $0x3;
	[sflag:s11] =	ssyncset.done @p0 $0x0  }
0xcb: {  	s15 =	simm.s32 @p0 $0x6800;
	[sflag:s11] =	ssyncadd.s32 @p0 $0xFFFFC180;
	s11 =	simm.s32 @p0 $0x7D  }
0xcc: {  	[spmem:s1] =	stream.indirect.scatter.add.f32 @p0 [tilespmem:s15], [sflag:$0x3], $0x80, s16, s11, $0xb8;
	[tilespmem:$0x1F800] =	vst v63  }
0xcd: {  	s20 =	sand.u32 $0x1, s10;
	p1 =	por @p0 $0x0, $0x0;
	_ =	swait.ge @p0 [sflag:s12], $0x3E80  }
0xce: {  	p1 =	por p1, !p0;
	s17 =	simm.s32 @!p0 $0x1;
	[sflag:s12] =	ssyncset.done @p0 $0x0  }
0xcf: {  	s15 =	simm.s32 @!p1 $0x6800;
	[sflag:s12] =	ssyncadd.s32 @p0 $0xFFFFC180;
	s12 =	simm.s32 @!p1 $0x7D  }
0xd0: {  	[tilespmem:s15], [sflag:$0x2] =	stream.indirect.gather @!p1 [hbm4b:s4+s12], $0x80, s13, s12, $0xb8;
	[tilespmem:$0x1F800] =	vst v63  }
0xd1: {  	s18 =	simm.s32 @!p0 $0x2800;
	p3 =	seq.s32 s20, $0x1;
	_ =	swait.ge @!p0 [sflag:s17], $0x3E80  }
0xd2: {  	s11 =	simm.s32 $0x1480;
	s15 =	simm.s32 @!p0 $0x3;
	[sflag:s17] =	ssyncset.done @!p0 $0x0  }
0xd3: {  	p1 =	por @!p0 $0x0, $0x0;
	[sflag:s17] =	ssyncadd.s32 @!p0 $0xFFFFC180;
	s17 =	simm.s32 @!p0 $0x7D  }
0xd4: {  	[spmem:s1] =	stream.indirect.scatter.add.f32 @!p0 [tilespmem:s18], [sflag:$0x3], $0x80, s16, s17, $0xb8;
	[tilespmem:$0x1F800] =	vst v63  }
0xd5: {  	s12 =	simm.s32 $0x180;
	p2 =	por p1, p0;
	_ =	swait.ge @!p0 [sflag:s15], $0x3E80  }
0xd6: {  	s16 =	simm.s32 @!p2 $0x2800;
	s17 =	simm.s32 @!p2 $0x7D;
	[sflag:s15] =	ssyncset.done @!p0 $0x0  }
.LBB2_6:
0xd7: {  	s18 =	simm.s32 @p3 $0x2  }
0xd8: {  	[sflag:s15] =	ssyncadd.s32 @!p0 $0xFFFFC180;
	s19 =	smov.u32 s10;
	s10 =	smov.u32 s14  }
0xd9: {  	s14 =	sadd.s32 $0x1, s14;
	s20 =	smov.u32 s11;
	p0 =	por p3, p3  }
0xda: {  	[tilespmem:s16], [sflag:$0x1] =	stream.indirect.gather @!p2 [hbm4b:s4+s17], $0x80, s13, s17, $0xb8;
	[tilespmem:$0x1F800] =	vst v63  }
0xdb: {  	p1 =	sne.s32 s14, $0x28;
	s13 =	smov.u32 s12;
	_ =	swait.ge @p0 [sflag:s18], $0x3E80  }
0xdc: {  	s11 =	sadd.s32 $0x80, s11;
	s15 =	simm.s32 @p0 $0x3;
	[sflag:s18] =	ssyncset.done @p0 $0x0  }
0xdd: {  	s16 =	simm.s32 @p0 $0x7D;
	s17 =	simm.s32 @p0 $0x6800;
	[sflag:s18] =	ssyncadd.s32 @p0 $0xFFFFC180  }
0xde: {  	[spmem:s1] =	stream.indirect.scatter.add.f32 @p0 [tilespmem:s17], [sflag:$0x3], $0x80, s20, s16, $0xb8;
	[tilespmem:$0x1F800] =	vst v63  }
0xdf: {  	p2 =	sgt.u32 @p0 s19, $0x25;
	s12 =	sadd.s32 $0x80, s12;
	_ =	swait.ge @p0 [sflag:s15], $0x3E80  }
0xe0: {  	p2 =	por p2, !p0;
	s16 =	simm.s32 @!p0 $0x1;
	[sflag:s15] =	ssyncset.done @p0 $0x0  }
0xe1: {  	s17 =	simm.s32 @!p2 $0x6800;
	[sflag:s15] =	ssyncadd.s32 @p0 $0xFFFFC180;
	s15 =	simm.s32 @!p2 $0x7D  }
0xe2: {  	[tilespmem:s17], [sflag:$0x2] =	stream.indirect.gather @!p2 [hbm4b:s4+s15], $0x80, s13, s15, $0xb8;
	[tilespmem:$0x1F800] =	vst v63  }
0xe3: {  	s17 =	simm.s32 @!p0 $0x2800;
	s15 =	simm.s32 @!p0 $0x3;
	_ =	swait.ge @!p0 [sflag:s16], $0x3E80  }
.Ltmp2:
0xe4: {  	p2 =	sgt.u32 @!p0 s19, $0x25;
	[sflag:s16] =	ssyncset.done @!p0 $0x0;
	(pc) =	sbr.rel @p1 .LBB2_6-.Ltmp2, $4  }
0xe5: {  	p2 =	por p2, p0;
	[sflag:s16] =	ssyncadd.s32 @!p0 $0xFFFFC180;
	s16 =	simm.s32 @!p0 $0x7D  }
0xe6: {  	[spmem:s1] =	stream.indirect.scatter.add.f32 @!p0 [tilespmem:s17], [sflag:$0x3], $0x80, s20, s16, $0xb8;
	[tilespmem:$0x1F800] =	vst v63  }
0xe7: {  	s17 =	sand.u32 $0x1, s10;
	s16 =	simm.s32 @!p2 $0x2800;
	_ =	swait.ge @!p0 [sflag:s15], $0x3E80  }
0xe8: {  	p3 =	seq.s32 s17, $0x1;
	s17 =	simm.s32 @!p2 $0x7D;
	[sflag:s15] =	ssyncset.done @!p0 $0x0  }
0xe9: {  	s14 =	simm.s32 @p3 $0x2;
	[sflag:s15] =	ssyncadd.s32 @!p0 $0xFFFFC180;
	p0 =	por p3, p3  }
0xea: {  	[tilespmem:s16], [sflag:$0x1] =	stream.indirect.gather @!p2 [hbm4b:s4+s17], $0x80, s13, s17, $0xb8;
	[tilespmem:$0x1F800] =	vst v63  }
0xeb: {  	_ =	swait.ge @p0 [sflag:s14], $0x3E80  }
0xec: {  	s13 =	simm.s32 @p0 $0x3;
	[sflag:s14] =	ssyncset.done @p0 $0x0  }
0xed: {  	s15 =	simm.s32 @p0 $0x6800;
	[sflag:s14] =	ssyncadd.s32 @p0 $0xFFFFC180;
	s14 =	simm.s32 @p0 $0x7D  }
0xee: {  	[spmem:s1] =	stream.indirect.scatter.add.f32 @p0 [tilespmem:s15], [sflag:$0x3], $0x80, s11, s14, $0xb8;
	[tilespmem:$0x1F800] =	vst v63  }
0xef: {  	p1 =	sgt.u32 @p0 s10, $0x25;
	_ =	swait.ge @p0 [sflag:s13], $0x3E80  }
0xf0: {  	p1 =	por p1, !p0;
	s14 =	simm.s32 @!p0 $0x1;
	[sflag:s13] =	ssyncset.done @p0 $0x0  }
0xf1: {  	s15 =	simm.s32 @!p1 $0x6800;
	[sflag:s13] =	ssyncadd.s32 @p0 $0xFFFFC180;
	s13 =	simm.s32 @!p1 $0x7D  }
0xf2: {  	[tilespmem:s15], [sflag:$0x2] =	stream.indirect.gather @!p1 [hbm4b:s4+s13], $0x80, s12, s13, $0xb8;
	[tilespmem:$0x1F800] =	vst v63  }
0xf3: {  	_ =	swait.ge @!p0 [sflag:s14], $0x3E80  }
0xf4: {  	s13 =	simm.s32 @!p0 $0x2800;
	[sflag:s14] =	ssyncset.done @!p0 $0x0  }
0xf5: {  	s15 =	simm.s32 @!p0 $0x3;
	[sflag:s14] =	ssyncadd.s32 @!p0 $0xFFFFC180;
	s14 =	simm.s32 @!p0 $0x7D  }
0xf6: {  	[spmem:s1] =	stream.indirect.scatter.add.f32 @!p0 [tilespmem:s13], [sflag:$0x3], $0x80, s11, s14, $0xb8;
	[tilespmem:$0x1F800] =	vst v63  }
0xf7: {  	p1 =	sgt.u32 @!p0 s10, $0x25;
	_ =	swait.ge @!p0 [sflag:s15], $0x3E80  }
0xf8: {  	s17 =	stileid.u32;
	p1 =	por p1, p0;
	[sflag:s15] =	ssyncset.done @!p0 $0x0  }
0xf9: {  	s10 =	simm.s32 @!p1 $0x2800;
	s11 =	simm.s32 @!p1 $0x7D;
	[sflag:s15] =	ssyncadd.s32 @!p0 $0xFFFFC180  }
0xfa: {  	[tilespmem:s10], [sflag:$0x1] =	stream.indirect.gather @!p1 [hbm4b:s4+s11], $0x80, s12, s11, $0xb8;
	[tilespmem:$0x1F800] =	vst v63  }
0xfb: {  	s10 =	sshll.u32 s17, $0x6;
	[bflag:$0x0] =	sbarrier.arrive $0xFFFF  }
0xfc: {  	s18 =	sshrl.u32 s5, $0x3;
	s10 =	sor.u32 $0x1C03, s10;
	s19 =	rddreg [dreg:$0x8]  }
0xfd: {  	[hbm:s19], [sflag:s10] =	dma.local [spmem:s18], $0x2800  }
0xfe: {  	_ =	swait.ge [sflag:s2], $0x2800  }
0xff: {  	s3 =	sadd.s32 $0x1, s3;
	s20 =	rddreg [dreg:$0x9]  }
0x100: {  	p0 =	sne.s32 s3, s20  }
.Ltmp3:
0x101: {  	_ = 	snop;
	(pc) =	sbr.rel @p0 .LBB2_1-.Ltmp3, $3  }
0x102: {  	_ =	sdelay $0x1  }
0x103: {  	[sflag:s2] =	ssyncset.done $0x0  }
0x104: {  	[sflag:s2] =	ssyncadd.s32 $0xFFFFD800  }
0x105: {  	_ =	sfence.sel $0x180000  }
0x106: {  	[bflag:$0x0] =	sbarrier.arrive $0xFFFF  }
0x107: {  	_ =	strace $0x9000004A  }
0x108: {  	s0 =	stileid.u32;
	[bflag:$0x2] =	sbarrier.arrive $0xFFFF  }
0x109: {  	p0 =	sne.s32 s0, $0x0;
	s0 =	rddreg [dreg:$0x3]  }
0x10a: {  	s0 =	sadd.s32 @!p0 $0x100000, s0  }
0x10b: {  	[sflag:s0] =	ssyncadd.tile.s32 @!p0 $0x1;
	_ =	shalt  }
.Lfunc_end2:
_tile_overlayer_lowered:
.L_overlay_start_2:
0x10c: {  	(tag) =	ssettag $0x2  }
0x10d: {  	s0 =	rddreg [dreg:$0x0];
	s2 =	stileid.u32  }
0x10e: {  	s1 =	rddreg [dreg:$0x1];
	p0 =	sne.s32 s2, $0x0  }
0x10f: {  	s3 =	rddreg [dreg:$0x2];
	[bflag:$0x3] =	sbarrier.arrive $0xFFFF;
	s2 =	simm.s32 @!p0 $0x1C03  }
0x110: {  	[timem:s3], [sflag:s2] =	dma.local @!p0 [hbm:s0], s1  }
0x111: {  	s0 =	simm.s32 @!p0 $0x3  }
0x112: {  	_ =	swait.ge @!p0 [sflag:s0], s1  }
0x113: {  	s1 =	ssub.s32 @!p0 $0x0, s1;
	[sflag:s0] =	ssyncset.done @!p0 $0x0  }
0x114: {  	[sflag:s0] =	ssyncadd.s32 @!p0 s1  }
0x115: {  	[bflag:$0x3] =	sbarrier.arrive $0xFFFF  }
0x116: {  	_ =	shalt  }

// kernel: kernel.16.cloned.1.call-start
scs
__scs_entry_jumppad:
0x0: {  	(pc) =	sbr.rel $0x88, $3  }
0x1: {  	(tag) =	ssettag $0x0;
	lr =	simm.s32 $0x1  }
0x2: {  	[smem:$0x3F95] =	sst lr;
	_ =	strace $0xD0000000  }
0x3: {  	_ = 	snop  }
0x4: {  	_ = 	snop  }
0x5: {  	_ = 	snop  }
0x6: {  	_ = 	snop  }
0x7: {  	_ = 	snop  }
__scs_overlays_trampoline_lowered:
0x8: {  	[smem:$0x3FA4] =	sst s0  }
0x9: {  	[smem:$0x3FA5] =	sst s1  }
0xa: {  	[smem:$0x3FA6] =	sst s2  }
0xb: {  	[smem:$0x3FA7] =	sst s3  }
0xc: {  	[smem:$0x3FA8] =	sst s4  }
0xd: {  	[smem:$0x3FA9] =	sst s5  }
0xe: {  	[smem:$0x3FAA] =	sst s6  }
0xf: {  	[smem:$0x3FAB] =	sst s7  }
0x10: {  	[smem:$0x3FAC] =	sst s8  }
0x11: {  	[smem:$0x3FAD] =	sst s9;
	s0 =	simm.s32 @!p0 $0x0  }
0x12: {  	s1 =	sld [smem:$0x3F93];
	s0 =	simm.s32 @p0 $0x1  }
0x13: {  	[smem:$0x3FAE] =	sst s0;
	s0 =	simm.s32 @!p1 $0x0  }
0x14: {  	s2 =	sld [smem:$0x3F92];
	s0 =	simm.s32 @p1 $0x1  }
0x15: {  	[smem:$0x3FAF] =	sst s0;
	s0 =	simm.s32 @!p2 $0x0  }
0x16: {  	s3 =	sld [smem:$0x3FDB];
	s0 =	simm.s32 @p2 $0x1  }
0x17: {  	s4 =	simm.s32 $0x1BF5;
	[smem:$0x3FB1] =	sst s0  }
0x18: {  	s0 =	sld [smem:$0x3F94];
	_ =	swait.ge [sflag:s4], $0x0  }
0x19: {  	s7 =	sld [smem:$0x3F95]  }
0x1a: {  	s8 =	sadd.s32 $0xFFFFE003, lr  }
0x1b: {  	s9 =	sadd.s32 $0xFFFFFEF7, lr;
	s5 =	simm.s32 $0xFFFFFFFF;
	p2 =	slt.u32 s8, $0xFFFFF086  }
0x1c: {  	p1 =	slt.u32 s9, $0xF7A;
	s5 =	simm.s32 @!p2 $0x0  }
0x1d: {  	s5 =	simm.s32 @p1 $0x1;
	p0 =	seq.s32 s7, s2  }
0x1e: {  	s7 =	smul.u32 @!p0 $0xF7A, s2;
	p2 =	seq.s32 @!p0 s5, $0x0  }
0x1f: {  	s9 =	smul.u32 $0xF7A, s1;
	s8 =	simm.s32 @!p0 $0x1BF5;
	p2 =	por !p2, p0  }
0x20: {  	[sflag:s8] =	ssyncset.s32 @!p0 $0xFFFFF086;
	s6 =	sadd.s32 @!p0 s3, s7;
	s7 =	simm.s32 @!p0 $0x108  }
0x21: {  	s3 =	sadd.s32 s3, s9;
	s6 =	sadd.s32 @!p0 $0x88, s6;
	s7 =	simm.s32 @p2 $0x1082  }
0x22: {  	[simem:s7], [sflag:s8] =	dma.local @!p0 [hbm:s6], $0xF7A  }
0x23: {  	s9 =	sor.u32 $0xD0000000, s2;
	s6 =	simm.s32 $0x108;
	_ =	swait.ge @!p0 [sflag:s8], $0x0  }
0x24: {  	s3 =	sadd.s32 $0x88, s3;
	s6 =	simm.s32 @!p1 $0x1082;
	[sflag:s4] =	ssyncset.s32 $0xFFFFF086  }
0x25: {  	[simem:s6], [sflag:s4] =	dma.local [hbm:s3], $0xF7A  }
0x26: {  	[smem:$0x3F95] =	sst s1;
	(tag) =	ssettag s2;
	_ =	strace s9  }
0x27: {  	s1 =	sld [smem:$0x3FA5]  }
0x28: {  	s2 =	sld [smem:$0x3FA6]  }
0x29: {  	s4 =	sld [smem:$0x3FA8]  }
0x2a: {  	p0 =	seq.s32 s5, $0x0;
	s5 =	sld [smem:$0x3FA9]  }
0x2b: {  	s6 =	sld [smem:$0x3FAA]  }
0x2c: {  	s7 =	sld [smem:$0x3FAB]  }
0x2d: {  	s3 =	simm.s32 $0x108;
	s8 =	sld [smem:$0x3FAC]  }
0x2e: {  	s3 =	simm.s32 @!p0 $0x1082;
	s9 =	sld [smem:$0x3FAD]  }
0x2f: {  	lr =	sadd.s32 s0, s3;
	s0 =	sld [smem:$0x3FA4]  }
0x30: {  	s3 =	sld [smem:$0x3FA7]  }
0x31: {  	[smem:$0x3FB0] =	sst s10  }
0x32: {  	s10 =	sld [smem:$0x3FAE];
	_ =	sdelay $0x3  }
0x33: {  	p0 =	seq.s32 s10, $0x1;
	s10 =	sld [smem:$0x3FB0];
	_ =	sdelay $0x3  }
0x34: {  	[smem:$0x3FB0] =	sst s10  }
0x35: {  	s10 =	sld [smem:$0x3FAF];
	_ =	sdelay $0x3  }
0x36: {  	p1 =	seq.s32 s10, $0x1;
	s10 =	sld [smem:$0x3FB0];
	_ =	sdelay $0x3  }
0x37: {  	[smem:$0x3FB0] =	sst s10  }
0x38: {  	s10 =	sld [smem:$0x3FB1]  }
0x39: {  	_ = 	snop;
	(pc) =	sbr.ind lr, $3  }
0x3a: {  	_ = 	snop  }
0x3b: {  	_ = 	snop  }
0x3c: {  	p2 =	seq.s32 s10, $0x1;
	s10 =	sld [smem:$0x3FB0]  }
0x3d: {  	_ =	shalt  }
0x3e: {  	_ =	shalt  }
0x3f: {  	_ =	shalt  }
0x40: {  	_ =	shalt  }
0x41: {  	_ =	shalt  }
0x42: {  	_ =	shalt  }
0x43: {  	_ =	shalt  }
0x44: {  	_ =	shalt  }
0x45: {  	_ =	shalt  }
0x46: {  	_ =	shalt  }
0x47: {  	_ =	shalt  }
0x48: {  	_ =	shalt  }
0x49: {  	_ =	shalt  }
0x4a: {  	_ =	shalt  }
0x4b: {  	_ =	shalt  }
0x4c: {  	_ =	shalt  }
0x4d: {  	_ =	shalt  }
0x4e: {  	_ =	shalt  }
0x4f: {  	_ =	shalt  }
0x50: {  	_ =	shalt  }
0x51: {  	_ =	shalt  }
0x52: {  	_ =	shalt  }
0x53: {  	_ =	shalt  }
0x54: {  	_ =	shalt  }
0x55: {  	_ =	shalt  }
0x56: {  	_ =	shalt  }
0x57: {  	_ =	shalt  }
0x58: {  	_ =	shalt  }
0x59: {  	_ =	shalt  }
0x5a: {  	_ =	shalt  }
0x5b: {  	_ =	shalt  }
0x5c: {  	_ =	shalt  }
0x5d: {  	_ =	shalt  }
0x5e: {  	_ =	shalt  }
0x5f: {  	_ =	shalt  }
0x60: {  	_ =	shalt  }
0x61: {  	_ =	shalt  }
0x62: {  	_ =	shalt  }
0x63: {  	_ =	shalt  }
0x64: {  	_ =	shalt  }
0x65: {  	_ =	shalt  }
0x66: {  	_ =	shalt  }
0x67: {  	_ =	shalt  }
0x68: {  	_ =	shalt  }
0x69: {  	_ =	shalt  }
0x6a: {  	_ =	shalt  }
0x6b: {  	_ =	shalt  }
0x6c: {  	_ =	shalt  }
0x6d: {  	_ =	shalt  }
0x6e: {  	_ =	shalt  }
0x6f: {  	_ =	shalt  }
0x70: {  	_ =	shalt  }
0x71: {  	_ =	shalt  }
0x72: {  	_ =	shalt  }
0x73: {  	_ =	shalt  }
0x74: {  	_ =	shalt  }
0x75: {  	_ =	shalt  }
0x76: {  	_ =	shalt  }
0x77: {  	_ =	shalt  }
0x78: {  	_ =	shalt  }
0x79: {  	_ =	shalt  }
0x7a: {  	_ =	shalt  }
0x7b: {  	_ =	shalt  }
0x7c: {  	_ =	shalt  }
0x7d: {  	_ =	shalt  }
0x7e: {  	_ =	shalt  }
0x7f: {  	_ =	shalt  }
0x80: {  	_ =	shalt  }
0x81: {  	_ =	shalt  }
0x82: {  	_ =	shalt  }
0x83: {  	_ =	shalt  }
0x84: {  	_ =	shalt  }
0x85: {  	_ =	shalt  }
0x86: {  	_ =	shalt  }
0x87: {  	_ =	shalt  }
.Lfunc_end0:
.L_simem_size_0:
called_computation.2_lowered:
.L_overlay_start_0:
0x88: {  	s2 =	sld [smem:$0x3FD9]  }
0x89: {  	s3 =	sld [smem:$0x3FFE];
	_ =	sdelay $0x1  }
0x8a: {  	s1 =	srdreg.scid  }
0x8b: {  	s0 =	sand.u32 $0x1, s1  }
0x8c: {  	s17 =	sshll.u32 s0, $0xA;
	s2 =	sadd.s32 s3, s2  }
0x8d: {  	s2 =	sadd.s32 s2, s17  }
0x8e: {  	[smem:$0x3FBC] =	sst s2  }
0x8f: {  	_ = 	snop  }
0x90: {  	s2 =	sld [smem:$0x3FD0];
	(tm) =	ssettm $0x1  }
0x91: {  	s18 =	sld [smem:$0x3FFB];
	_ =	sdelay $0x3  }
0x92: {  	_ =	strace s18  }
0x93: {  	s3 =	sld [smem:$0x3FFC];
	_ =	sdelay $0x3  }
0x94: {  	_ =	strace s3  }
0x95: {  	s3 =	sld [smem:$0x3FFD];
	_ =	sdelay $0x3  }
0x96: {  	_ =	strace s3  }
0x97: {  	_ =	strace $0x8FFFFFFF  }
0x98: {  	s19 =	sld [smem:$0x3FDB];
	_ =	sdelay $0x1  }
0x99: {  	s4 =	simm.s32 $_scs_section_size  }
0x9a: {  	s5 =	simm.s32 $_size__tile_overlayer_lowered;
	s6 =	simm.s32 $_tile_overlayer_lowered  }
0x9b: {  	s22 =	simm.s32 $0x1BFF;
	s21 =	sshll.u32 s6, $0x1;
	s3 =	sadd.s32 s4, s19  }
0x9c: {  	s7 =	simm.s32 $0x0;
	s20 =	sshll.u32 s5, $0x1;
	s5 =	sadd.s32 s21, s3  }
0x9d: {  	[timem:s7], [sflag:s22] =	dma.local [hbm:s5], s20  }
0x9e: {  	_ =	swait.ge [sflag:s22], s20  }
0x9f: {  	s4 =	ssub.s32 $0x0, s20;
	[sflag:s22] =	ssyncset.done $0x0  }
0xa0: {  	[sflag:s22] =	ssyncadd.s32 s4;
	_ =	sdelay $0x1  }
0xa1: {  	s23 =	simm.s32 $0x1B8B  }
0xa2: {  	_ =	swait.ge [sflag:s23], $0x1  }
0xa3: {  	[sflag:s23] =	ssyncset.done $0x0  }
0xa4: {  	s25 =	simm.s32 $0x1B8E;
	s24 =	sld [smem:$0x3FFE];
	[sflag:s23] =	ssyncadd.s32 $0xFFFFFFFF  }
0xa5: {  	s26 =	simm.s32 $execute0_lowered;
	[smem:$0x3FD2] =	sst s25  }
0xa6: {  	s5 =	sshll.u32 s26, $0x1;
	_ =	strace $0x8000004C;
	[dreg:$0x1] =	wrdreg $0xFFFFFFFF  }
0xa7: {  	s28 =	simm.s32 $_size_execute0_lowered;
	s3 =	sadd.s32 s3, s5;
	[dreg:$0x0] =	wrdreg $0x0  }
0xa8: {  	s5 =	sshll.u32 s28, $0x1;
	[dreg:$0x2] =	wrdreg s3  }
0xa9: {  	[dreg:$0x3] =	wrdreg s5  }
0xaa: {  	[dreg:$0x4] =	wrdreg $0xC0  }
0xab: {  	_ =	task [dreg:s7], $0x5FFFF  }
0xac: {  	[dreg:$0x1] =	wrdreg $0xFFFFFFFF  }
0xad: {  	[dreg:$0x0] =	wrdreg $0x60  }
0xae: {  	[dreg:$0x2] =	wrdreg s24  }
0xaf: {  	[dreg:$0x3] =	wrdreg s2  }
0xb0: {  	[dreg:$0x4] =	wrdreg $0xB8000  }
0xb1: {  	[dreg:$0x5] =	wrdreg $0x9  }
0xb2: {  	_ =	task.clear_ibuf [dreg:s7], $0x6FFFF;
	_ =	strace $0x9000004C  }
0xb3: {  	s29 =	simm.s32 $0x9;
	_ =	strace $0x8000004E  }
0xb4: {  	_ =	swait.ge [sflag:s29], $0x1  }
0xb5: {  	[sflag:s29] =	ssyncadd.s32 $0xFFFFFFFF  }
0xb6: {  	_ =	strace $0x9000004E  }
0xb7: {  	_ =	sfence  }
0xb8: {  	s30 =	sld [smem:$0x0];
	_ =	sdelay $0x2  }
0xb9: {  	s31 =	sshll.u32 s1, $0xD;
	s1 =	sshrl.u32 s1, $0x2  }
0xba: {  	s3 =	sand.u32 $0x4000, s31;
	s1 =	sadd.s32 s1, s30  }
0xbb: {  	s0 =	sor.u32 s3, s0;
	s1 =	sshll.u32 s1, $0x11  }
0xbc: {  	s0 =	sor.u32 s1, s0  }
0xbd: {  	s0 =	sadd.s32 $0x8F2B, s0  }
0xbe: {  	[sflag:s0] =	ssyncadd.remote.s32 $0x1  }
0xbf: {  	_ =	sfence.sel $0xFFFF  }
0xc0: {  	[dreg:$0x0] =	wrdreg $0xFFFFFFFF;
	(pc) =	sbr.abs _section_cstart, $3  }
0xc1: {  	[dreg:$0x1] =	wrdreg $0xFFFFFFFF  }
0xc2: {  	_ =	task.clear_ibuf [dreg:s7], $0x2FFFF;
	_ =	strace $0x9FFFFFFF  }
0xc3: {  	(tm) =	ssettm $0x7FFFFFFF  }
tec
execute0_lowered:
.L_overlay_start_1:
0x0: {  	(tag) =	ssettag $0x1  }
0x1: {  	s0 =	rddreg [dreg:$0x0]  }
0x2: {  	s2 =	rddreg [dreg:$0x1]  }
0x3: {  	s1 =	rddreg [dreg:$0x2]  }
0x4: {  	s3 =	simm.s32 $0x0;
	s4 =	srdreg.scid;
	s10 =	stileid.u32  }
0x5: {  	[smem:$0x7FF] =	sst s3;
	s5 =	sand.u32 $0x1, s4;
	s7 =	smul.u32 $0x14000, s10  }
0x6: {  	s4 =	sadd.s32 $0x3800, s0;
	s6 =	smul.u32 $0x140000, s5;
	s9 =	sshll.u32 s5, $0x4  }
0x7: {  	s8 =	sadd.s32 $0x54200, s0;
	s9 =	sor.u32 s10, s9;
	s10 =	smul.u32 $0x50000, s10  }
0x8: {  	s5 =	ssub.s32 $0x2, s5;
	s6 =	sadd.s32 s7, s6;
	s7 =	smul.u32 $0x500, s9  }
0x9: {  	_ =	strace $0x8000004D;
	s12 =	sshrl.u32 s5, $0x1;
	s11 =	smul.u32 $0x2800, s9  }
0xa: {  	s6 =	sshrl.u32 s6, $0x3;
	s13 =	sshrl.u32 s10, $0x2;
	s15 =	sadd.s32 s8, s7  }
0xb: {  	s0 =	sadd.s32 s6, s0;
	s7 =	sadd.s32 s2, s7;
	[dreg:$0x4] =	wrdreg s15  }
0xc: {  	s6 =	ssub.s32 s5, s12;
	[dreg:$0x5] =	wrdreg s7;
	s0 =	sadd.s32 $0x5E200, s0  }
0xd: {  	s5 =	sadd.s32 s13, s1;
	s17 =	smax.u32 s6, $0x1;
	[dreg:$0x8] =	wrdreg s0  }
0xe: {  	s18 =	sadd.s32 $0x1000, s5;
	[dreg:$0x9] =	wrdreg s17  }
0xf: {  	s14 =	sshrl.u32 s11, $0x3;
	s19 =	sadd.s32 $0x2000, s5;
	[dreg:$0xa] =	wrdreg s18  }
0x10: {  	s9 =	sadd.s32 $0x280, s14;
	s20 =	sadd.s32 $0x3000, s5;
	[dreg:$0xb] =	wrdreg s19  }
0x11: {  	s21 =	sadd.s32 $0x4000, s5;
	s22 =	sadd.s32 $0x5000, s5;
	[dreg:$0xc] =	wrdreg s20  }
0x12: {  	s23 =	sadd.s32 $0x6000, s5;
	s24 =	sadd.s32 $0x7000, s5;
	[dreg:$0xd] =	wrdreg s21  }
0x13: {  	s25 =	sadd.s32 $0x8000, s5;
	s26 =	sadd.s32 $0x9000, s5;
	[dreg:$0xe] =	wrdreg s22  }
0x14: {  	s28 =	sadd.s32 $0x10000, s5;
	s29 =	sadd.s32 $0x11000, s5;
	[dreg:$0xf] =	wrdreg s23  }
0x15: {  	s30 =	sadd.s32 $0x12000, s5;
	s31 =	sadd.s32 $0x13000, s5;
	[dreg:$0x10] =	wrdreg s24  }
0x16: {  	s6 =	simm.s32 $0x7D;
	s7 =	simm.s32 $0x2800;
	[dreg:$0x11] =	wrdreg s25  }
0x17: {  	s16 =	sadd.s32 s8, s9;
	s2 =	sadd.s32 s2, s9;
	[dreg:$0x12] =	wrdreg s26  }
0x18: {  	s21 =	sadd.s32 $0xA000, s5;
	s22 =	sadd.s32 $0xB000, s5;
	s23 =	sadd.s32 $0xC000, s5  }
0x19: {  	s24 =	sadd.s32 $0xD000, s5;
	s25 =	sadd.s32 $0xE000, s5;
	s26 =	sadd.s32 $0xF000, s5  }
0x1a: {  	s0 =	simm.s32 $0xA800;
	s8 =	simm.s32 $0x80;
	[dreg:$0x6] =	wrdreg s16  }
0x1b: {  	v0 =	vimm.f32 $0.0e+00;
	s9 =	simm.s32 $0x6800;
	[dreg:$0x7] =	wrdreg s2;
	s2 =	simm.s32 $0x3  }
.LBB2_1:
0x1c: {  	s10 =	simm.s32 $0x0;
	s11 =	simm.s32 $0x200  }
.LBB2_2:
0x1d: {  	p0 =	sne.s32 s11, $0x3E00;
	[tilespmem:s10+$0xA870] =	vst v0  }
0x1e: {  	[tilespmem:s10+$0xA800] =	vst v0  }
0x1f: {  	[tilespmem:s10+$0xA810] =	vst v0  }
.Ltmp0:
0x20: {  	[tilespmem:s10+$0xA820] =	vst v0;
	(pc) =	sbr.rel @p0 .LBB2_2-.Ltmp0, $4  }
0x21: {  	[tilespmem:s10+$0xA830] =	vst v0  }
0x22: {  	[tilespmem:s10+$0xA840] =	vst v0  }
0x23: {  	[tilespmem:s10+$0xA850] =	vst v0  }
0x24: {  	[tilespmem:s10+$0xA860] =	vst v0;
	s10 =	sshra.s32 s11, $0x2;
	s11 =	sadd.s32 $0x200, s11  }
0x25: {  	[tilespmem:s10+$0xA870] =	vst v0  }
0x26: {  	[tilespmem:s10+$0xA800] =	vst v0  }
0x27: {  	[tilespmem:s10+$0xA810] =	vst v0  }
0x28: {  	[tilespmem:s10+$0xA820] =	vst v0  }
0x29: {  	[tilespmem:s10+$0xA830] =	vst v0  }
0x2a: {  	[tilespmem:s10+$0xA840] =	vst v0  }
0x2b: {  	[tilespmem:s10+$0xA850] =	vst v0  }
0x2c: {  	[tilespmem:s10+$0xA860] =	vst v0  }
0x2d: {  	[spmem:s5] =	stream.linear.scatter [tilespmem:s0], [sflag:$0x3], $0x1000, $0x38;
	[tilespmem:$0x1F800] =	vst v63  }
0x2e: {  	_ =	swait.ge [sflag:s2], $0x1000  }
0x2f: {  	[sflag:s2] =	ssyncset.done $0x0  }
0x30: {  	s11 =	rddreg [dreg:$0xa];
	[sflag:s2] =	ssyncadd.s32 $0xFFFFF000  }
0x31: {  	[spmem:s11] =	stream.linear.scatter [tilespmem:s0], [sflag:$0x3], $0x1000, $0x38;
	[tilespmem:$0x1F800] =	vst v63  }
0x32: {  	_ =	swait.ge [sflag:s2], $0x1000  }
0x33: {  	[sflag:s2] =	ssyncset.done $0x0  }
0x34: {  	s12 =	rddreg [dreg:$0xb];
	[sflag:s2] =	ssyncadd.s32 $0xFFFFF000  }
0x35: {  	[spmem:s12] =	stream.linear.scatter [tilespmem:s0], [sflag:$0x3], $0x1000, $0x38;
	[tilespmem:$0x1F800] =	vst v63  }
0x36: {  	_ =	swait.ge [sflag:s2], $0x1000  }
0x37: {  	[sflag:s2] =	ssyncset.done $0x0  }
0x38: {  	s13 =	rddreg [dreg:$0xc];
	[sflag:s2] =	ssyncadd.s32 $0xFFFFF000  }
0x39: {  	[spmem:s13] =	stream.linear.scatter [tilespmem:s0], [sflag:$0x3], $0x1000, $0x38;
	[tilespmem:$0x1F800] =	vst v63  }
0x3a: {  	_ =	swait.ge [sflag:s2], $0x1000  }
0x3b: {  	[sflag:s2] =	ssyncset.done $0x0  }
0x3c: {  	s14 =	rddreg [dreg:$0xd];
	[sflag:s2] =	ssyncadd.s32 $0xFFFFF000  }
0x3d: {  	[spmem:s14] =	stream.linear.scatter [tilespmem:s0], [sflag:$0x3], $0x1000, $0x38;
	[tilespmem:$0x1F800] =	vst v63  }
0x3e: {  	_ =	swait.ge [sflag:s2], $0x1000  }
0x3f: {  	[sflag:s2] =	ssyncset.done $0x0  }
0x40: {  	s15 =	rddreg [dreg:$0xe];
	[sflag:s2] =	ssyncadd.s32 $0xFFFFF000  }
0x41: {  	[spmem:s15] =	stream.linear.scatter [tilespmem:s0], [sflag:$0x3], $0x1000, $0x38;
	[tilespmem:$0x1F800] =	vst v63  }
0x42: {  	_ =	swait.ge [sflag:s2], $0x1000  }
0x43: {  	[sflag:s2] =	ssyncset.done $0x0  }
0x44: {  	s16 =	rddreg [dreg:$0xf];
	[sflag:s2] =	ssyncadd.s32 $0xFFFFF000  }
0x45: {  	[spmem:s16] =	stream.linear.scatter [tilespmem:s0], [sflag:$0x3], $0x1000, $0x38;
	[tilespmem:$0x1F800] =	vst v63  }
0x46: {  	_ =	swait.ge [sflag:s2], $0x1000  }
0x47: {  	[sflag:s2] =	ssyncset.done $0x0  }
0x48: {  	s17 =	rddreg [dreg:$0x10];
	[sflag:s2] =	ssyncadd.s32 $0xFFFFF000  }
0x49: {  	[spmem:s17] =	stream.linear.scatter [tilespmem:s0], [sflag:$0x3], $0x1000, $0x38;
	[tilespmem:$0x1F800] =	vst v63  }
0x4a: {  	_ =	swait.ge [sflag:s2], $0x1000  }
0x4b: {  	[sflag:s2] =	ssyncset.done $0x0  }
0x4c: {  	s18 =	rddreg [dreg:$0x11];
	[sflag:s2] =	ssyncadd.s32 $0xFFFFF000  }
0x4d: {  	[spmem:s18] =	stream.linear.scatter [tilespmem:s0], [sflag:$0x3], $0x1000, $0x38;
	[tilespmem:$0x1F800] =	vst v63  }
0x4e: {  	_ =	swait.ge [sflag:s2], $0x1000  }
0x4f: {  	[sflag:s2] =	ssyncset.done $0x0  }
0x50: {  	s19 =	rddreg [dreg:$0x12];
	[sflag:s2] =	ssyncadd.s32 $0xFFFFF000  }
0x51: {  	[spmem:s19] =	stream.linear.scatter [tilespmem:s0], [sflag:$0x3], $0x1000, $0x38;
	[tilespmem:$0x1F800] =	vst v63  }
0x52: {  	_ =	swait.ge [sflag:s2], $0x1000  }
0x53: {  	[sflag:s2] =	ssyncset.done $0x0  }
0x54: {  	[sflag:s2] =	ssyncadd.s32 $0xFFFFF000  }
0x55: {  	[spmem:s21] =	stream.linear.scatter [tilespmem:s0], [sflag:$0x3], $0x1000, $0x38;
	[tilespmem:$0x1F800] =	vst v63  }
0x56: {  	_ =	swait.ge [sflag:s2], $0x1000  }
0x57: {  	[sflag:s2] =	ssyncset.done $0x0  }
0x58: {  	[sflag:s2] =	ssyncadd.s32 $0xFFFFF000  }
0x59: {  	[spmem:s22] =	stream.linear.scatter [tilespmem:s0], [sflag:$0x3], $0x1000, $0x38;
	[tilespmem:$0x1F800] =	vst v63  }
0x5a: {  	_ =	swait.ge [sflag:s2], $0x1000  }
0x5b: {  	[sflag:s2] =	ssyncset.done $0x0  }
0x5c: {  	[sflag:s2] =	ssyncadd.s32 $0xFFFFF000  }
0x5d: {  	[spmem:s23] =	stream.linear.scatter [tilespmem:s0], [sflag:$0x3], $0x1000, $0x38;
	[tilespmem:$0x1F800] =	vst v63  }
0x5e: {  	_ =	swait.ge [sflag:s2], $0x1000  }
0x5f: {  	[sflag:s2] =	ssyncset.done $0x0  }
0x60: {  	[sflag:s2] =	ssyncadd.s32 $0xFFFFF000  }
0x61: {  	[spmem:s24] =	stream.linear.scatter [tilespmem:s0], [sflag:$0x3], $0x1000, $0x38;
	[tilespmem:$0x1F800] =	vst v63  }
0x62: {  	_ =	swait.ge [sflag:s2], $0x1000  }
0x63: {  	[sflag:s2] =	ssyncset.done $0x0  }
0x64: {  	[sflag:s2] =	ssyncadd.s32 $0xFFFFF000  }
0x65: {  	[spmem:s25] =	stream.linear.scatter [tilespmem:s0], [sflag:$0x3], $0x1000, $0x38;
	[tilespmem:$0x1F800] =	vst v63  }
0x66: {  	_ =	swait.ge [sflag:s2], $0x1000  }
0x67: {  	[sflag:s2] =	ssyncset.done $0x0  }
0x68: {  	[sflag:s2] =	ssyncadd.s32 $0xFFFFF000  }
0x69: {  	[spmem:s26] =	stream.linear.scatter [tilespmem:s0], [sflag:$0x3], $0x1000, $0x38;
	[tilespmem:$0x1F800] =	vst v63  }
0x6a: {  	_ =	swait.ge [sflag:s2], $0x1000  }
0x6b: {  	[sflag:s2] =	ssyncset.done $0x0  }
0x6c: {  	[sflag:s2] =	ssyncadd.s32 $0xFFFFF000  }
0x6d: {  	[spmem:s28] =	stream.linear.scatter [tilespmem:s0], [sflag:$0x3], $0x1000, $0x38;
	[tilespmem:$0x1F800] =	vst v63  }
0x6e: {  	_ =	swait.ge [sflag:s2], $0x1000  }
0x6f: {  	[sflag:s2] =	ssyncset.done $0x0  }
0x70: {  	[sflag:s2] =	ssyncadd.s32 $0xFFFFF000  }
0x71: {  	[spmem:s29] =	stream.linear.scatter [tilespmem:s0], [sflag:$0x3], $0x1000, $0x38;
	[tilespmem:$0x1F800] =	vst v63  }
0x72: {  	_ =	swait.ge [sflag:s2], $0x1000  }
0x73: {  	[sflag:s2] =	ssyncset.done $0x0  }
0x74: {  	[sflag:s2] =	ssyncadd.s32 $0xFFFFF000  }
0x75: {  	[spmem:s30] =	stream.linear.scatter [tilespmem:s0], [sflag:$0x3], $0x1000, $0x38;
	[tilespmem:$0x1F800] =	vst v63  }
0x76: {  	_ =	swait.ge [sflag:s2], $0x1000  }
0x77: {  	[sflag:s2] =	ssyncset.done $0x0  }
0x78: {  	[sflag:s2] =	ssyncadd.s32 $0xFFFFF000  }
0x79: {  	[spmem:s31] =	stream.linear.scatter [tilespmem:s0], [sflag:$0x3], $0x1000, $0x38;
	[tilespmem:$0x1F800] =	vst v63  }
0x7a: {  	_ =	swait.ge [sflag:s2], $0x1000  }
0x7b: {  	[sflag:s2] =	ssyncset.done $0x0  }
0x7c: {  	[sflag:s2] =	ssyncadd.s32 $0xFFFFF000  }
0x7d: {  	[bflag:$0x0] =	sbarrier.arrive $0xFFFF  }
0x7e: {  	s20 =	simm.s32 $0x0;
	s11 =	rddreg [dreg:$0x4]  }
0x7f: {  	[tilespmem:s20], [sflag:$0x3] =	stream.linear.gather [hbm4b:s11+s20], $0x1400, $0x38;
	[tilespmem:$0x1F800] =	vst v63  }
0x80: {  	_ =	swait.ge [sflag:s2], $0x1400  }
0x81: {  	[sflag:s2] =	ssyncset.done $0x0  }
0x82: {  	s11 =	simm.s32 $0x1400;
	s12 =	rddreg [dreg:$0x5];
	[sflag:s2] =	ssyncadd.s32 $0xFFFFEC00  }
0x83: {  	[tilespmem:s11], [sflag:$0x3] =	stream.linear.gather [hbm4b:s12+s20], $0x1400, $0x38;
	[tilespmem:$0x1F800] =	vst v63  }
0x84: {  	_ =	swait.ge [sflag:s2], $0x1400  }
0x85: {  	s10 =	sand.u32 $0x1, s20;
	[sflag:s2] =	ssyncset.done $0x0  }
0x86: {  	p0 =	seq.s32 s10, $0x1;
	[sflag:s2] =	ssyncadd.s32 $0xFFFFEC00  }
0x87: {  	[tilespmem:s7], [sflag:$0x1] =	stream.indirect.gather [hbm4b:s4+s6], $0x80, s20, s6, $0xb8;
	[tilespmem:$0x1F800] =	vst v63  }
0x88: {  	s10 =	simm.s32 @p0 $0x2;
	p0 =	por p0, p0  }
0x89: {  	[tilespmem:s9], [sflag:$0x2] =	stream.indirect.gather [hbm4b:s4+s6], $0x80, s8, s6, $0xb8;
	[tilespmem:$0x1F800] =	vst v63  }
0x8a: {  	_ =	swait.ge @p0 [sflag:s10], $0x3E80  }
0x8b: {  	p1 =	por @p0 $0x0, $0x0;
	s13 =	simm.s32 @p0 $0x6800;
	[sflag:s10] =	ssyncset.done @p0 $0x0  }
0x8c: {  	s12 =	simm.s32 @p0 $0x3;
	[sflag:s10] =	ssyncadd.s32 @p0 $0xFFFFC180;
	s10 =	simm.s32 @p0 $0x7D  }
0x8d: {  	[spmem:s1] =	stream.indirect.scatter.add.f32 @p0 [tilespmem:s13], [sflag:$0x3], $0x80, s11, s10, $0xb8;
	[tilespmem:$0x1F800] =	vst v63  }
0x8e: {  	p1 =	por p1, !p0;
	_ =	swait.ge @p0 [sflag:s12], $0x3E80  }
0x8f: {  	s15 =	simm.s32 @!p0 $0x1;
	s13 =	simm.s32 $0x100;
	[sflag:s12] =	ssyncset.done @p0 $0x0  }
0x90: {  	s10 =	simm.s32 @!p1 $0x7D;
	[sflag:s12] =	ssyncadd.s32 @p0 $0xFFFFC180;
	s12 =	simm.s32 @!p1 $0x6800  }
0x91: {  	[tilespmem:s12], [sflag:$0x2] =	stream.indirect.gather @!p1 [hbm4b:s4+s10], $0x80, s13, s10, $0xb8;
	[tilespmem:$0x1F800] =	vst v63  }
0x92: {  	s14 =	simm.s32 $0x2;
	s16 =	simm.s32 @!p0 $0x2800;
	_ =	swait.ge @!p0 [sflag:s15], $0x3E80  }
0x93: {  	s10 =	simm.s32 $0x1;
	s12 =	simm.s32 $0x1480;
	[sflag:s15] =	ssyncset.done @!p0 $0x0  }
0x94: {  	p1 =	por @!p0 $0x0, $0x0;
	[sflag:s15] =	ssyncadd.s32 @!p0 $0xFFFFC180;
	s15 =	simm.s32 @!p0 $0x7D  }
0x95: {  	[spmem:s1] =	stream.indirect.scatter.add.f32 @!p0 [tilespmem:s16], [sflag:$0x3], $0x80, s11, s15, $0xb8;
	[tilespmem:$0x1F800] =	vst v63  }
0x96: {  	p2 =	por p1, p0;
	s17 =	sand.u32 $0x1, s10;
	s15 =	simm.s32 @!p0 $0x3  }
0x97: {  	p3 =	seq.s32 s17, $0x1;
	s17 =	simm.s32 @!p2 $0x7D;
	_ =	swait.ge @!p0 [sflag:s15], $0x3E80  }
0x98: {  	s11 =	simm.s32 $0x180;
	s16 =	simm.s32 @!p2 $0x2800;
	[sflag:s15] =	ssyncset.done @!p0 $0x0  }
.LBB2_4:
0x99: {  	s18 =	simm.s32 @p3 $0x2  }
0x9a: {  	[sflag:s15] =	ssyncadd.s32 @!p0 $0xFFFFC180;
	s19 =	smov.u32 s10;
	s10 =	smov.u32 s14  }
0x9b: {  	s14 =	sadd.s32 $0x1, s14;
	s20 =	smov.u32 s12;
	p0 =	por p3, p3  }
0x9c: {  	[tilespmem:s16], [sflag:$0x1] =	stream.indirect.gather @!p2 [hbm4b:s4+s17], $0x80, s13, s17, $0xb8;
	[tilespmem:$0x1F800] =	vst v63  }
0x9d: {  	p1 =	sne.s32 s14, $0x28;
	s13 =	smov.u32 s11;
	_ =	swait.ge @p0 [sflag:s18], $0x3E80  }
0x9e: {  	s12 =	sadd.s32 $0x80, s12;
	s15 =	simm.s32 @p0 $0x3;
	[sflag:s18] =	ssyncset.done @p0 $0x0  }
0x9f: {  	s16 =	simm.s32 @p0 $0x7D;
	s17 =	simm.s32 @p0 $0x6800;
	[sflag:s18] =	ssyncadd.s32 @p0 $0xFFFFC180  }
0xa0: {  	[spmem:s1] =	stream.indirect.scatter.add.f32 @p0 [tilespmem:s17], [sflag:$0x3], $0x80, s20, s16, $0xb8;
	[tilespmem:$0x1F800] =	vst v63  }
0xa1: {  	p2 =	sgt.u32 @p0 s19, $0x25;
	s11 =	sadd.s32 $0x80, s11;
	_ =	swait.ge @p0 [sflag:s15], $0x3E80  }
0xa2: {  	p2 =	por p2, !p0;
	s16 =	simm.s32 @!p0 $0x1;
	[sflag:s15] =	ssyncset.done @p0 $0x0  }
0xa3: {  	s17 =	simm.s32 @!p2 $0x6800;
	[sflag:s15] =	ssyncadd.s32 @p0 $0xFFFFC180;
	s15 =	simm.s32 @!p2 $0x7D  }
0xa4: {  	[tilespmem:s17], [sflag:$0x2] =	stream.indirect.gather @!p2 [hbm4b:s4+s15], $0x80, s13, s15, $0xb8;
	[tilespmem:$0x1F800] =	vst v63  }
0xa5: {  	s17 =	simm.s32 @!p0 $0x2800;
	s15 =	simm.s32 @!p0 $0x3;
	_ =	swait.ge @!p0 [sflag:s16], $0x3E80  }
.Ltmp1:
0xa6: {  	p2 =	sgt.u32 @!p0 s19, $0x25;
	[sflag:s16] =	ssyncset.done @!p0 $0x0;
	(pc) =	sbr.rel @p1 .LBB2_4-.Ltmp1, $4  }
0xa7: {  	p2 =	por p2, p0;
	[sflag:s16] =	ssyncadd.s32 @!p0 $0xFFFFC180;
	s16 =	simm.s32 @!p0 $0x7D  }
0xa8: {  	[spmem:s1] =	stream.indirect.scatter.add.f32 @!p0 [tilespmem:s17], [sflag:$0x3], $0x80, s20, s16, $0xb8;
	[tilespmem:$0x1F800] =	vst v63  }
0xa9: {  	s17 =	sand.u32 $0x1, s10;
	s16 =	simm.s32 @!p2 $0x2800;
	_ =	swait.ge @!p0 [sflag:s15], $0x3E80  }
0xaa: {  	p3 =	seq.s32 s17, $0x1;
	s17 =	simm.s32 @!p2 $0x7D;
	[sflag:s15] =	ssyncset.done @!p0 $0x0  }
0xab: {  	s14 =	simm.s32 @p3 $0x2;
	[sflag:s15] =	ssyncadd.s32 @!p0 $0xFFFFC180;
	p0 =	por p3, p3  }
0xac: {  	[tilespmem:s16], [sflag:$0x1] =	stream.indirect.gather @!p2 [hbm4b:s4+s17], $0x80, s13, s17, $0xb8;
	[tilespmem:$0x1F800] =	vst v63  }
0xad: {  	_ =	swait.ge @p0 [sflag:s14], $0x3E80  }
0xae: {  	s13 =	simm.s32 @p0 $0x3;
	[sflag:s14] =	ssyncset.done @p0 $0x0  }
0xaf: {  	s15 =	simm.s32 @p0 $0x6800;
	[sflag:s14] =	ssyncadd.s32 @p0 $0xFFFFC180;
	s14 =	simm.s32 @p0 $0x7D  }
0xb0: {  	[spmem:s1] =	stream.indirect.scatter.add.f32 @p0 [tilespmem:s15], [sflag:$0x3], $0x80, s12, s14, $0xb8;
	[tilespmem:$0x1F800] =	vst v63  }
0xb1: {  	p1 =	sgt.u32 @p0 s10, $0x25;
	_ =	swait.ge @p0 [sflag:s13], $0x3E80  }
0xb2: {  	p1 =	por p1, !p0;
	s14 =	simm.s32 @!p0 $0x1;
	[sflag:s13] =	ssyncset.done @p0 $0x0  }
0xb3: {  	s15 =	simm.s32 @!p1 $0x6800;
	[sflag:s13] =	ssyncadd.s32 @p0 $0xFFFFC180;
	s13 =	simm.s32 @!p1 $0x7D  }
0xb4: {  	[tilespmem:s15], [sflag:$0x2] =	stream.indirect.gather @!p1 [hbm4b:s4+s13], $0x80, s11, s13, $0xb8;
	[tilespmem:$0x1F800] =	vst v63  }
0xb5: {  	_ =	swait.ge @!p0 [sflag:s14], $0x3E80  }
0xb6: {  	s13 =	simm.s32 @!p0 $0x2800;
	[sflag:s14] =	ssyncset.done @!p0 $0x0  }
0xb7: {  	s15 =	simm.s32 @!p0 $0x3;
	[sflag:s14] =	ssyncadd.s32 @!p0 $0xFFFFC180;
	s14 =	simm.s32 @!p0 $0x7D  }
0xb8: {  	[spmem:s1] =	stream.indirect.scatter.add.f32 @!p0 [tilespmem:s13], [sflag:$0x3], $0x80, s12, s14, $0xb8;
	[tilespmem:$0x1F800] =	vst v63  }
0xb9: {  	p1 =	sgt.u32 @!p0 s10, $0x25;
	_ =	swait.ge @!p0 [sflag:s15], $0x3E80  }
0xba: {  	p1 =	por p1, p0;
	[sflag:s15] =	ssyncset.done @!p0 $0x0  }
0xbb: {  	s10 =	simm.s32 @!p1 $0x2800;
	s12 =	simm.s32 @!p1 $0x7D;
	[sflag:s15] =	ssyncadd.s32 @!p0 $0xFFFFC180  }
0xbc: {  	[tilespmem:s10], [sflag:$0x1] =	stream.indirect.gather @!p1 [hbm4b:s4+s12], $0x80, s11, s12, $0xb8;
	[tilespmem:$0x1F800] =	vst v63  }
0xbd: {  	s17 =	simm.s32 $0x0;
	s18 =	rddreg [dreg:$0x6]  }
0xbe: {  	[tilespmem:s17], [sflag:$0x3] =	stream.linear.gather [hbm4b:s18+s17], $0x1400, $0x38;
	[tilespmem:$0x1F800] =	vst v63  }
0xbf: {  	_ =	swait.ge [sflag:s2], $0x1400  }
0xc0: {  	[sflag:s2] =	ssyncset.done $0x0  }
0xc1: {  	s16 =	simm.s32 $0x1400;
	s19 =	rddreg [dreg:$0x7];
	[sflag:s2] =	ssyncadd.s32 $0xFFFFEC00  }
0xc2: {  	[tilespmem:s16], [sflag:$0x3] =	stream.linear.gather [hbm4b:s19+s17], $0x1400, $0x38;
	[tilespmem:$0x1F800] =	vst v63  }
0xc3: {  	_ =	swait.ge [sflag:s2], $0x1400  }
0xc4: {  	s10 =	sand.u32 $0x1, s17;
	[sflag:s2] =	ssyncset.done $0x0  }
0xc5: {  	p0 =	seq.s32 s10, $0x1;
	[sflag:s2] =	ssyncadd.s32 $0xFFFFEC00  }
0xc6: {  	[tilespmem:s7], [sflag:$0x1] =	stream.indirect.gather [hbm4b:s4+s6], $0x80, s17, s6, $0xb8;
	[tilespmem:$0x1F800] =	vst v63  }
0xc7: {  	s11 =	simm.s32 @p0 $0x2;
	p0 =	por p0, p0  }
0xc8: {  	[tilespmem:s9], [sflag:$0x2] =	stream.indirect.gather [hbm4b:s4+s6], $0x80, s8, s6, $0xb8;
	[tilespmem:$0x1F800] =	vst v63  }
0xc9: {  	s13 =	simm.s32 $0x100;
	s14 =	simm.s32 $0x2;
	_ =	swait.ge @p0 [sflag:s11], $0x3E80  }
0xca: {  	s10 =	simm.s32 $0x1;
	s12 =	simm.s32 @p0 $0x3;
	[sflag:s11] =	ssyncset.done @p0 $0x0  }
0xcb: {  	s15 =	simm.s32 @p0 $0x6800;
	[sflag:s11] =	ssyncadd.s32 @p0 $0xFFFFC180;
	s11 =	simm.s32 @p0 $0x7D  }
0xcc: {  	[spmem:s1] =	stream.indirect.scatter.add.f32 @p0 [tilespmem:s15], [sflag:$0x3], $0x80, s16, s11, $0xb8;
	[tilespmem:$0x1F800] =	vst v63  }
0xcd: {  	s20 =	sand.u32 $0x1, s10;
	p1 =	por @p0 $0x0, $0x0;
	_ =	swait.ge @p0 [sflag:s12], $0x3E80  }
0xce: {  	p1 =	por p1, !p0;
	s17 =	simm.s32 @!p0 $0x1;
	[sflag:s12] =	ssyncset.done @p0 $0x0  }
0xcf: {  	s15 =	simm.s32 @!p1 $0x6800;
	[sflag:s12] =	ssyncadd.s32 @p0 $0xFFFFC180;
	s12 =	simm.s32 @!p1 $0x7D  }
0xd0: {  	[tilespmem:s15], [sflag:$0x2] =	stream.indirect.gather @!p1 [hbm4b:s4+s12], $0x80, s13, s12, $0xb8;
	[tilespmem:$0x1F800] =	vst v63  }
0xd1: {  	s18 =	simm.s32 @!p0 $0x2800;
	p3 =	seq.s32 s20, $0x1;
	_ =	swait.ge @!p0 [sflag:s17], $0x3E80  }
0xd2: {  	s11 =	simm.s32 $0x1480;
	s15 =	simm.s32 @!p0 $0x3;
	[sflag:s17] =	ssyncset.done @!p0 $0x0  }
0xd3: {  	p1 =	por @!p0 $0x0, $0x0;
	[sflag:s17] =	ssyncadd.s32 @!p0 $0xFFFFC180;
	s17 =	simm.s32 @!p0 $0x7D  }
0xd4: {  	[spmem:s1] =	stream.indirect.scatter.add.f32 @!p0 [tilespmem:s18], [sflag:$0x3], $0x80, s16, s17, $0xb8;
	[tilespmem:$0x1F800] =	vst v63  }
0xd5: {  	s12 =	simm.s32 $0x180;
	p2 =	por p1, p0;
	_ =	swait.ge @!p0 [sflag:s15], $0x3E80  }
0xd6: {  	s16 =	simm.s32 @!p2 $0x2800;
	s17 =	simm.s32 @!p2 $0x7D;
	[sflag:s15] =	ssyncset.done @!p0 $0x0  }
.LBB2_6:
0xd7: {  	s18 =	simm.s32 @p3 $0x2  }
0xd8: {  	[sflag:s15] =	ssyncadd.s32 @!p0 $0xFFFFC180;
	s19 =	smov.u32 s10;
	s10 =	smov.u32 s14  }
0xd9: {  	s14 =	sadd.s32 $0x1, s14;
	s20 =	smov.u32 s11;
	p0 =	por p3, p3  }
0xda: {  	[tilespmem:s16], [sflag:$0x1] =	stream.indirect.gather @!p2 [hbm4b:s4+s17], $0x80, s13, s17, $0xb8;
	[tilespmem:$0x1F800] =	vst v63  }
0xdb: {  	p1 =	sne.s32 s14, $0x28;
	s13 =	smov.u32 s12;
	_ =	swait.ge @p0 [sflag:s18], $0x3E80  }
0xdc: {  	s11 =	sadd.s32 $0x80, s11;
	s15 =	simm.s32 @p0 $0x3;
	[sflag:s18] =	ssyncset.done @p0 $0x0  }
0xdd: {  	s16 =	simm.s32 @p0 $0x7D;
	s17 =	simm.s32 @p0 $0x6800;
	[sflag:s18] =	ssyncadd.s32 @p0 $0xFFFFC180  }
0xde: {  	[spmem:s1] =	stream.indirect.scatter.add.f32 @p0 [tilespmem:s17], [sflag:$0x3], $0x80, s20, s16, $0xb8;
	[tilespmem:$0x1F800] =	vst v63  }
0xdf: {  	p2 =	sgt.u32 @p0 s19, $0x25;
	s12 =	sadd.s32 $0x80, s12;
	_ =	swait.ge @p0 [sflag:s15], $0x3E80  }
0xe0: {  	p2 =	por p2, !p0;
	s16 =	simm.s32 @!p0 $0x1;
	[sflag:s15] =	ssyncset.done @p0 $0x0  }
0xe1: {  	s17 =	simm.s32 @!p2 $0x6800;
	[sflag:s15] =	ssyncadd.s32 @p0 $0xFFFFC180;
	s15 =	simm.s32 @!p2 $0x7D  }
0xe2: {  	[tilespmem:s17], [sflag:$0x2] =	stream.indirect.gather @!p2 [hbm4b:s4+s15], $0x80, s13, s15, $0xb8;
	[tilespmem:$0x1F800] =	vst v63  }
0xe3: {  	s17 =	simm.s32 @!p0 $0x2800;
	s15 =	simm.s32 @!p0 $0x3;
	_ =	swait.ge @!p0 [sflag:s16], $0x3E80  }
.Ltmp2:
0xe4: {  	p2 =	sgt.u32 @!p0 s19, $0x25;
	[sflag:s16] =	ssyncset.done @!p0 $0x0;
	(pc) =	sbr.rel @p1 .LBB2_6-.Ltmp2, $4  }
0xe5: {  	p2 =	por p2, p0;
	[sflag:s16] =	ssyncadd.s32 @!p0 $0xFFFFC180;
	s16 =	simm.s32 @!p0 $0x7D  }
0xe6: {  	[spmem:s1] =	stream.indirect.scatter.add.f32 @!p0 [tilespmem:s17], [sflag:$0x3], $0x80, s20, s16, $0xb8;
	[tilespmem:$0x1F800] =	vst v63  }
0xe7: {  	s17 =	sand.u32 $0x1, s10;
	s16 =	simm.s32 @!p2 $0x2800;
	_ =	swait.ge @!p0 [sflag:s15], $0x3E80  }
0xe8: {  	p3 =	seq.s32 s17, $0x1;
	s17 =	simm.s32 @!p2 $0x7D;
	[sflag:s15] =	ssyncset.done @!p0 $0x0  }
0xe9: {  	s14 =	simm.s32 @p3 $0x2;
	[sflag:s15] =	ssyncadd.s32 @!p0 $0xFFFFC180;
	p0 =	por p3, p3  }
0xea: {  	[tilespmem:s16], [sflag:$0x1] =	stream.indirect.gather @!p2 [hbm4b:s4+s17], $0x80, s13, s17, $0xb8;
	[tilespmem:$0x1F800] =	vst v63  }
0xeb: {  	_ =	swait.ge @p0 [sflag:s14], $0x3E80  }
0xec: {  	s13 =	simm.s32 @p0 $0x3;
	[sflag:s14] =	ssyncset.done @p0 $0x0  }
0xed: {  	s15 =	simm.s32 @p0 $0x6800;
	[sflag:s14] =	ssyncadd.s32 @p0 $0xFFFFC180;
	s14 =	simm.s32 @p0 $0x7D  }
0xee: {  	[spmem:s1] =	stream.indirect.scatter.add.f32 @p0 [tilespmem:s15], [sflag:$0x3], $0x80, s11, s14, $0xb8;
	[tilespmem:$0x1F800] =	vst v63  }
0xef: {  	p1 =	sgt.u32 @p0 s10, $0x25;
	_ =	swait.ge @p0 [sflag:s13], $0x3E80  }
0xf0: {  	p1 =	por p1, !p0;
	s14 =	simm.s32 @!p0 $0x1;
	[sflag:s13] =	ssyncset.done @p0 $0x0  }
0xf1: {  	s15 =	simm.s32 @!p1 $0x6800;
	[sflag:s13] =	ssyncadd.s32 @p0 $0xFFFFC180;
	s13 =	simm.s32 @!p1 $0x7D  }
0xf2: {  	[tilespmem:s15], [sflag:$0x2] =	stream.indirect.gather @!p1 [hbm4b:s4+s13], $0x80, s12, s13, $0xb8;
	[tilespmem:$0x1F800] =	vst v63  }
0xf3: {  	_ =	swait.ge @!p0 [sflag:s14], $0x3E80  }
0xf4: {  	s13 =	simm.s32 @!p0 $0x2800;
	[sflag:s14] =	ssyncset.done @!p0 $0x0  }
0xf5: {  	s15 =	simm.s32 @!p0 $0x3;
	[sflag:s14] =	ssyncadd.s32 @!p0 $0xFFFFC180;
	s14 =	simm.s32 @!p0 $0x7D  }
0xf6: {  	[spmem:s1] =	stream.indirect.scatter.add.f32 @!p0 [tilespmem:s13], [sflag:$0x3], $0x80, s11, s14, $0xb8;
	[tilespmem:$0x1F800] =	vst v63  }
0xf7: {  	p1 =	sgt.u32 @!p0 s10, $0x25;
	_ =	swait.ge @!p0 [sflag:s15], $0x3E80  }
0xf8: {  	s17 =	stileid.u32;
	p1 =	por p1, p0;
	[sflag:s15] =	ssyncset.done @!p0 $0x0  }
0xf9: {  	s10 =	simm.s32 @!p1 $0x2800;
	s11 =	simm.s32 @!p1 $0x7D;
	[sflag:s15] =	ssyncadd.s32 @!p0 $0xFFFFC180  }
0xfa: {  	[tilespmem:s10], [sflag:$0x1] =	stream.indirect.gather @!p1 [hbm4b:s4+s11], $0x80, s12, s11, $0xb8;
	[tilespmem:$0x1F800] =	vst v63  }
0xfb: {  	s10 =	sshll.u32 s17, $0x6;
	[bflag:$0x0] =	sbarrier.arrive $0xFFFF  }
0xfc: {  	s18 =	sshrl.u32 s5, $0x3;
	s10 =	sor.u32 $0x1C03, s10;
	s19 =	rddreg [dreg:$0x8]  }
0xfd: {  	[hbm:s19], [sflag:s10] =	dma.local [spmem:s18], $0x2800  }
0xfe: {  	_ =	swait.ge [sflag:s2], $0x2800  }
0xff: {  	s3 =	sadd.s32 $0x1, s3;
	s20 =	rddreg [dreg:$0x9]  }
0x100: {  	p0 =	sne.s32 s3, s20  }
.Ltmp3:
0x101: {  	_ = 	snop;
	(pc) =	sbr.rel @p0 .LBB2_1-.Ltmp3, $3  }
0x102: {  	_ =	sdelay $0x1  }
0x103: {  	[sflag:s2] =	ssyncset.done $0x0  }
0x104: {  	[sflag:s2] =	ssyncadd.s32 $0xFFFFD800  }
0x105: {  	_ =	sfence.sel $0x180000  }
0x106: {  	[bflag:$0x0] =	sbarrier.arrive $0xFFFF  }
0x107: {  	_ =	strace $0x9000004D  }
0x108: {  	s0 =	stileid.u32;
	[bflag:$0x2] =	sbarrier.arrive $0xFFFF  }
0x109: {  	p0 =	sne.s32 s0, $0x0;
	s0 =	rddreg [dreg:$0x3]  }
0x10a: {  	s0 =	sadd.s32 @!p0 $0x100000, s0  }
0x10b: {  	[sflag:s0] =	ssyncadd.tile.s32 @!p0 $0x1;
	_ =	shalt  }
.Lfunc_end2:
_tile_overlayer_lowered:
.L_overlay_start_2:
0x10c: {  	(tag) =	ssettag $0x2  }
0x10d: {  	s0 =	rddreg [dreg:$0x0];
	s2 =	stileid.u32  }
0x10e: {  	s1 =	rddreg [dreg:$0x1];
	p0 =	sne.s32 s2, $0x0  }
0x10f: {  	s3 =	rddreg [dreg:$0x2];
	[bflag:$0x3] =	sbarrier.arrive $0xFFFF;
	s2 =	simm.s32 @!p0 $0x1C03  }
0x110: {  	[timem:s3], [sflag:s2] =	dma.local @!p0 [hbm:s0], s1  }
0x111: {  	s0 =	simm.s32 @!p0 $0x3  }
0x112: {  	_ =	swait.ge @!p0 [sflag:s0], s1  }
0x113: {  	s1 =	ssub.s32 @!p0 $0x0, s1;
	[sflag:s0] =	ssyncset.done @!p0 $0x0  }
0x114: {  	[sflag:s0] =	ssyncadd.s32 @!p0 s1  }
0x115: {  	[bflag:$0x3] =	sbarrier.arrive $0xFFFF  }
0x116: {  	_ =	shalt  }

// kernel: kernel.19.cloned.1.call-start
scs
__scs_entry_jumppad:
0x0: {  	(pc) =	sbr.rel $0x88, $3  }
0x1: {  	(tag) =	ssettag $0x0;
	lr =	simm.s32 $0x1  }
0x2: {  	[smem:$0x3F95] =	sst lr;
	_ =	strace $0xD0000000  }
0x3: {  	_ = 	snop  }
0x4: {  	_ = 	snop  }
0x5: {  	_ = 	snop  }
0x6: {  	_ = 	snop  }
0x7: {  	_ = 	snop  }
__scs_overlays_trampoline_lowered:
0x8: {  	[smem:$0x3FA4] =	sst s0  }
0x9: {  	[smem:$0x3FA5] =	sst s1  }
0xa: {  	[smem:$0x3FA6] =	sst s2  }
0xb: {  	[smem:$0x3FA7] =	sst s3  }
0xc: {  	[smem:$0x3FA8] =	sst s4  }
0xd: {  	[smem:$0x3FA9] =	sst s5  }
0xe: {  	[smem:$0x3FAA] =	sst s6  }
0xf: {  	[smem:$0x3FAB] =	sst s7  }
0x10: {  	[smem:$0x3FAC] =	sst s8  }
0x11: {  	[smem:$0x3FAD] =	sst s9;
	s0 =	simm.s32 @!p0 $0x0  }
0x12: {  	s1 =	sld [smem:$0x3F93];
	s0 =	simm.s32 @p0 $0x1  }
0x13: {  	[smem:$0x3FAE] =	sst s0;
	s0 =	simm.s32 @!p1 $0x0  }
0x14: {  	s2 =	sld [smem:$0x3F92];
	s0 =	simm.s32 @p1 $0x1  }
0x15: {  	[smem:$0x3FAF] =	sst s0;
	s0 =	simm.s32 @!p2 $0x0  }
0x16: {  	s3 =	sld [smem:$0x3FDB];
	s0 =	simm.s32 @p2 $0x1  }
0x17: {  	s4 =	simm.s32 $0x1BF5;
	[smem:$0x3FB1] =	sst s0  }
0x18: {  	s0 =	sld [smem:$0x3F94];
	_ =	swait.ge [sflag:s4], $0x0  }
0x19: {  	s7 =	sld [smem:$0x3F95]  }
0x1a: {  	s8 =	sadd.s32 $0xFFFFE003, lr  }
0x1b: {  	s9 =	sadd.s32 $0xFFFFFEF7, lr;
	s5 =	simm.s32 $0xFFFFFFFF;
	p2 =	slt.u32 s8, $0xFFFFF086  }
0x1c: {  	p1 =	slt.u32 s9, $0xF7A;
	s5 =	simm.s32 @!p2 $0x0  }
0x1d: {  	s5 =	simm.s32 @p1 $0x1;
	p0 =	seq.s32 s7, s2  }
0x1e: {  	s7 =	smul.u32 @!p0 $0xF7A, s2;
	p2 =	seq.s32 @!p0 s5, $0x0  }
0x1f: {  	s9 =	smul.u32 $0xF7A, s1;
	s8 =	simm.s32 @!p0 $0x1BF5;
	p2 =	por !p2, p0  }
0x20: {  	[sflag:s8] =	ssyncset.s32 @!p0 $0xFFFFF086;
	s6 =	sadd.s32 @!p0 s3, s7;
	s7 =	simm.s32 @!p0 $0x108  }
0x21: {  	s3 =	sadd.s32 s3, s9;
	s6 =	sadd.s32 @!p0 $0x88, s6;
	s7 =	simm.s32 @p2 $0x1082  }
0x22: {  	[simem:s7], [sflag:s8] =	dma.local @!p0 [hbm:s6], $0xF7A  }
0x23: {  	s9 =	sor.u32 $0xD0000000, s2;
	s6 =	simm.s32 $0x108;
	_ =	swait.ge @!p0 [sflag:s8], $0x0  }
0x24: {  	s3 =	sadd.s32 $0x88, s3;
	s6 =	simm.s32 @!p1 $0x1082;
	[sflag:s4] =	ssyncset.s32 $0xFFFFF086  }
0x25: {  	[simem:s6], [sflag:s4] =	dma.local [hbm:s3], $0xF7A  }
0x26: {  	[smem:$0x3F95] =	sst s1;
	(tag) =	ssettag s2;
	_ =	strace s9  }
0x27: {  	s1 =	sld [smem:$0x3FA5]  }
0x28: {  	s2 =	sld [smem:$0x3FA6]  }
0x29: {  	s4 =	sld [smem:$0x3FA8]  }
0x2a: {  	p0 =	seq.s32 s5, $0x0;
	s5 =	sld [smem:$0x3FA9]  }
0x2b: {  	s6 =	sld [smem:$0x3FAA]  }
0x2c: {  	s7 =	sld [smem:$0x3FAB]  }
0x2d: {  	s3 =	simm.s32 $0x108;
	s8 =	sld [smem:$0x3FAC]  }
0x2e: {  	s3 =	simm.s32 @!p0 $0x1082;
	s9 =	sld [smem:$0x3FAD]  }
0x2f: {  	lr =	sadd.s32 s0, s3;
	s0 =	sld [smem:$0x3FA4]  }
0x30: {  	s3 =	sld [smem:$0x3FA7]  }
0x31: {  	[smem:$0x3FB0] =	sst s10  }
0x32: {  	s10 =	sld [smem:$0x3FAE];
	_ =	sdelay $0x3  }
0x33: {  	p0 =	seq.s32 s10, $0x1;
	s10 =	sld [smem:$0x3FB0];
	_ =	sdelay $0x3  }
0x34: {  	[smem:$0x3FB0] =	sst s10  }
0x35: {  	s10 =	sld [smem:$0x3FAF];
	_ =	sdelay $0x3  }
0x36: {  	p1 =	seq.s32 s10, $0x1;
	s10 =	sld [smem:$0x3FB0];
	_ =	sdelay $0x3  }
0x37: {  	[smem:$0x3FB0] =	sst s10  }
0x38: {  	s10 =	sld [smem:$0x3FB1]  }
0x39: {  	_ = 	snop;
	(pc) =	sbr.ind lr, $3  }
0x3a: {  	_ = 	snop  }
0x3b: {  	_ = 	snop  }
0x3c: {  	p2 =	seq.s32 s10, $0x1;
	s10 =	sld [smem:$0x3FB0]  }
0x3d: {  	_ =	shalt  }
0x3e: {  	_ =	shalt  }
0x3f: {  	_ =	shalt  }
0x40: {  	_ =	shalt  }
0x41: {  	_ =	shalt  }
0x42: {  	_ =	shalt  }
0x43: {  	_ =	shalt  }
0x44: {  	_ =	shalt  }
0x45: {  	_ =	shalt  }
0x46: {  	_ =	shalt  }
0x47: {  	_ =	shalt  }
0x48: {  	_ =	shalt  }
0x49: {  	_ =	shalt  }
0x4a: {  	_ =	shalt  }
0x4b: {  	_ =	shalt  }
0x4c: {  	_ =	shalt  }
0x4d: {  	_ =	shalt  }
0x4e: {  	_ =	shalt  }
0x4f: {  	_ =	shalt  }
0x50: {  	_ =	shalt  }
0x51: {  	_ =	shalt  }
0x52: {  	_ =	shalt  }
0x53: {  	_ =	shalt  }
0x54: {  	_ =	shalt  }
0x55: {  	_ =	shalt  }
0x56: {  	_ =	shalt  }
0x57: {  	_ =	shalt  }
0x58: {  	_ =	shalt  }
0x59: {  	_ =	shalt  }
0x5a: {  	_ =	shalt  }
0x5b: {  	_ =	shalt  }
0x5c: {  	_ =	shalt  }
0x5d: {  	_ =	shalt  }
0x5e: {  	_ =	shalt  }
0x5f: {  	_ =	shalt  }
0x60: {  	_ =	shalt  }
0x61: {  	_ =	shalt  }
0x62: {  	_ =	shalt  }
0x63: {  	_ =	shalt  }
0x64: {  	_ =	shalt  }
0x65: {  	_ =	shalt  }
0x66: {  	_ =	shalt  }
0x67: {  	_ =	shalt  }
0x68: {  	_ =	shalt  }
0x69: {  	_ =	shalt  }
0x6a: {  	_ =	shalt  }
0x6b: {  	_ =	shalt  }
0x6c: {  	_ =	shalt  }
0x6d: {  	_ =	shalt  }
0x6e: {  	_ =	shalt  }
0x6f: {  	_ =	shalt  }
0x70: {  	_ =	shalt  }
0x71: {  	_ =	shalt  }
0x72: {  	_ =	shalt  }
0x73: {  	_ =	shalt  }
0x74: {  	_ =	shalt  }
0x75: {  	_ =	shalt  }
0x76: {  	_ =	shalt  }
0x77: {  	_ =	shalt  }
0x78: {  	_ =	shalt  }
0x79: {  	_ =	shalt  }
0x7a: {  	_ =	shalt  }
0x7b: {  	_ =	shalt  }
0x7c: {  	_ =	shalt  }
0x7d: {  	_ =	shalt  }
0x7e: {  	_ =	shalt  }
0x7f: {  	_ =	shalt  }
0x80: {  	_ =	shalt  }
0x81: {  	_ =	shalt  }
0x82: {  	_ =	shalt  }
0x83: {  	_ =	shalt  }
0x84: {  	_ =	shalt  }
0x85: {  	_ =	shalt  }
0x86: {  	_ =	shalt  }
0x87: {  	_ =	shalt  }
.Lfunc_end0:
.L_simem_size_0:
called_computation.3_lowered:
.L_overlay_start_0:
0x88: {  	s2 =	sld [smem:$0x3FD9]  }
0x89: {  	s3 =	sld [smem:$0x3FFE];
	_ =	sdelay $0x1  }
0x8a: {  	s1 =	srdreg.scid  }
0x8b: {  	s0 =	sand.u32 $0x1, s1  }
0x8c: {  	s17 =	sshll.u32 s0, $0xA;
	s2 =	sadd.s32 s3, s2  }
0x8d: {  	s2 =	sadd.s32 s2, s17  }
0x8e: {  	[smem:$0x3FBC] =	sst s2  }
0x8f: {  	_ = 	snop  }
0x90: {  	s2 =	sld [smem:$0x3FD0];
	(tm) =	ssettm $0x1  }
0x91: {  	s18 =	sld [smem:$0x3FFB];
	_ =	sdelay $0x3  }
0x92: {  	_ =	strace s18  }
0x93: {  	s3 =	sld [smem:$0x3FFC];
	_ =	sdelay $0x3  }
0x94: {  	_ =	strace s3  }
0x95: {  	s3 =	sld [smem:$0x3FFD];
	_ =	sdelay $0x3  }
0x96: {  	_ =	strace s3  }
0x97: {  	_ =	strace $0x8FFFFFFF  }
0x98: {  	s19 =	sld [smem:$0x3FDB];
	_ =	sdelay $0x1  }
0x99: {  	s4 =	simm.s32 $_scs_section_size  }
0x9a: {  	s5 =	simm.s32 $_size__tile_overlayer_lowered;
	s6 =	simm.s32 $_tile_overlayer_lowered  }
0x9b: {  	s22 =	simm.s32 $0x1BFF;
	s21 =	sshll.u32 s6, $0x1;
	s3 =	sadd.s32 s4, s19  }
0x9c: {  	s7 =	simm.s32 $0x0;
	s20 =	sshll.u32 s5, $0x1;
	s5 =	sadd.s32 s21, s3  }
0x9d: {  	[timem:s7], [sflag:s22] =	dma.local [hbm:s5], s20  }
0x9e: {  	_ =	swait.ge [sflag:s22], s20  }
0x9f: {  	s4 =	ssub.s32 $0x0, s20;
	[sflag:s22] =	ssyncset.done $0x0  }
0xa0: {  	[sflag:s22] =	ssyncadd.s32 s4;
	_ =	sdelay $0x1  }
0xa1: {  	s23 =	simm.s32 $0x1B8B  }
0xa2: {  	_ =	swait.ge [sflag:s23], $0x1  }
0xa3: {  	[sflag:s23] =	ssyncset.done $0x0  }
0xa4: {  	s25 =	simm.s32 $0x1B8E;
	s24 =	sld [smem:$0x3FFE];
	[sflag:s23] =	ssyncadd.s32 $0xFFFFFFFF  }
0xa5: {  	s26 =	simm.s32 $execute0_lowered;
	[smem:$0x3FD2] =	sst s25  }
0xa6: {  	s5 =	sshll.u32 s26, $0x1;
	_ =	strace $0x8000004F;
	[dreg:$0x1] =	wrdreg $0xFFFFFFFF  }
0xa7: {  	s28 =	simm.s32 $_size_execute0_lowered;
	s3 =	sadd.s32 s3, s5;
	[dreg:$0x0] =	wrdreg $0x0  }
0xa8: {  	s5 =	sshll.u32 s28, $0x1;
	[dreg:$0x2] =	wrdreg s3  }
0xa9: {  	[dreg:$0x3] =	wrdreg s5  }
0xaa: {  	[dreg:$0x4] =	wrdreg $0xC0  }
0xab: {  	_ =	task [dreg:s7], $0x5FFFF  }
0xac: {  	[dreg:$0x1] =	wrdreg $0xFFFFFFFF  }
0xad: {  	[dreg:$0x0] =	wrdreg $0x60  }
0xae: {  	[dreg:$0x2] =	wrdreg s24  }
0xaf: {  	[dreg:$0x3] =	wrdreg s2  }
0xb0: {  	[dreg:$0x4] =	wrdreg $0xB8000  }
0xb1: {  	[dreg:$0x5] =	wrdreg $0x9  }
0xb2: {  	_ =	task.clear_ibuf [dreg:s7], $0x6FFFF;
	_ =	strace $0x9000004F  }
0xb3: {  	s29 =	simm.s32 $0x9;
	_ =	strace $0x80000051  }
0xb4: {  	_ =	swait.ge [sflag:s29], $0x1  }
0xb5: {  	[sflag:s29] =	ssyncadd.s32 $0xFFFFFFFF  }
0xb6: {  	_ =	strace $0x90000051  }
0xb7: {  	_ =	sfence  }
0xb8: {  	s30 =	sld [smem:$0x0];
	_ =	sdelay $0x2  }
0xb9: {  	s31 =	sshll.u32 s1, $0xD;
	s1 =	sshrl.u32 s1, $0x2  }
0xba: {  	s3 =	sand.u32 $0x4000, s31;
	s1 =	sadd.s32 s1, s30  }
0xbb: {  	s0 =	sor.u32 s3, s0;
	s1 =	sshll.u32 s1, $0x11  }
0xbc: {  	s0 =	sor.u32 s1, s0  }
0xbd: {  	s0 =	sadd.s32 $0x8F2B, s0  }
0xbe: {  	[sflag:s0] =	ssyncadd.remote.s32 $0x1  }
0xbf: {  	_ =	sfence.sel $0xFFFF  }
0xc0: {  	[dreg:$0x0] =	wrdreg $0xFFFFFFFF;
	(pc) =	sbr.abs _section_cstart, $3  }
0xc1: {  	[dreg:$0x1] =	wrdreg $0xFFFFFFFF  }
0xc2: {  	_ =	task.clear_ibuf [dreg:s7], $0x2FFFF;
	_ =	strace $0x9FFFFFFF  }
0xc3: {  	(tm) =	ssettm $0x7FFFFFFF  }
tec
execute0_lowered:
.L_overlay_start_1:
0x0: {  	(tag) =	ssettag $0x1  }
0x1: {  	s0 =	rddreg [dreg:$0x0]  }
0x2: {  	s2 =	rddreg [dreg:$0x1]  }
0x3: {  	s1 =	rddreg [dreg:$0x2]  }
0x4: {  	s3 =	simm.s32 $0x0;
	s4 =	srdreg.scid;
	s10 =	stileid.u32  }
0x5: {  	[smem:$0x7FF] =	sst s3;
	s5 =	sand.u32 $0x1, s4;
	s7 =	smul.u32 $0x14000, s10  }
0x6: {  	s4 =	sadd.s32 $0x3800, s0;
	s6 =	smul.u32 $0x140000, s5;
	s9 =	sshll.u32 s5, $0x4  }
0x7: {  	s8 =	sadd.s32 $0x54200, s0;
	s9 =	sor.u32 s10, s9;
	s10 =	smul.u32 $0x50000, s10  }
0x8: {  	s5 =	ssub.s32 $0x2, s5;
	s6 =	sadd.s32 s7, s6;
	s7 =	smul.u32 $0x500, s9  }
0x9: {  	_ =	strace $0x80000050;
	s12 =	sshrl.u32 s5, $0x1;
	s11 =	smul.u32 $0x2800, s9  }
0xa: {  	s6 =	sshrl.u32 s6, $0x3;
	s13 =	sshrl.u32 s10, $0x2;
	s15 =	sadd.s32 s8, s7  }
0xb: {  	s0 =	sadd.s32 s6, s0;
	s7 =	sadd.s32 s2, s7;
	[dreg:$0x4] =	wrdreg s15  }
0xc: {  	s6 =	ssub.s32 s5, s12;
	[dreg:$0x5] =	wrdreg s7;
	s0 =	sadd.s32 $0x5E200, s0  }
0xd: {  	s5 =	sadd.s32 s13, s1;
	s17 =	smax.u32 s6, $0x1;
	[dreg:$0x8] =	wrdreg s0  }
0xe: {  	s18 =	sadd.s32 $0x1000, s5;
	[dreg:$0x9] =	wrdreg s17  }
0xf: {  	s14 =	sshrl.u32 s11, $0x3;
	s19 =	sadd.s32 $0x2000, s5;
	[dreg:$0xa] =	wrdreg s18  }
0x10: {  	s9 =	sadd.s32 $0x280, s14;
	s20 =	sadd.s32 $0x3000, s5;
	[dreg:$0xb] =	wrdreg s19  }
0x11: {  	s21 =	sadd.s32 $0x4000, s5;
	s22 =	sadd.s32 $0x5000, s5;
	[dreg:$0xc] =	wrdreg s20  }
0x12: {  	s23 =	sadd.s32 $0x6000, s5;
	s24 =	sadd.s32 $0x7000, s5;
	[dreg:$0xd] =	wrdreg s21  }
0x13: {  	s25 =	sadd.s32 $0x8000, s5;
	s26 =	sadd.s32 $0x9000, s5;
	[dreg:$0xe] =	wrdreg s22  }
0x14: {  	s28 =	sadd.s32 $0x10000, s5;
	s29 =	sadd.s32 $0x11000, s5;
	[dreg:$0xf] =	wrdreg s23  }
0x15: {  	s30 =	sadd.s32 $0x12000, s5;
	s31 =	sadd.s32 $0x13000, s5;
	[dreg:$0x10] =	wrdreg s24  }
0x16: {  	s6 =	simm.s32 $0x7D;
	s7 =	simm.s32 $0x2800;
	[dreg:$0x11] =	wrdreg s25  }
0x17: {  	s16 =	sadd.s32 s8, s9;
	s2 =	sadd.s32 s2, s9;
	[dreg:$0x12] =	wrdreg s26  }
0x18: {  	s21 =	sadd.s32 $0xA000, s5;
	s22 =	sadd.s32 $0xB000, s5;
	s23 =	sadd.s32 $0xC000, s5  }
0x19: {  	s24 =	sadd.s32 $0xD000, s5;
	s25 =	sadd.s32 $0xE000, s5;
	s26 =	sadd.s32 $0xF000, s5  }
0x1a: {  	s0 =	simm.s32 $0xA800;
	s8 =	simm.s32 $0x80;
	[dreg:$0x6] =	wrdreg s16  }
0x1b: {  	v0 =	vimm.f32 $0.0e+00;
	s9 =	simm.s32 $0x6800;
	[dreg:$0x7] =	wrdreg s2;
	s2 =	simm.s32 $0x3  }
.LBB2_1:
0x1c: {  	s10 =	simm.s32 $0x0;
	s11 =	simm.s32 $0x200  }
.LBB2_2:
0x1d: {  	p0 =	sne.s32 s11, $0x3E00;
	[tilespmem:s10+$0xA870] =	vst v0  }
0x1e: {  	[tilespmem:s10+$0xA800] =	vst v0  }
0x1f: {  	[tilespmem:s10+$0xA810] =	vst v0  }
.Ltmp0:
0x20: {  	[tilespmem:s10+$0xA820] =	vst v0;
	(pc) =	sbr.rel @p0 .LBB2_2-.Ltmp0, $4  }
0x21: {  	[tilespmem:s10+$0xA830] =	vst v0  }
0x22: {  	[tilespmem:s10+$0xA840] =	vst v0  }
0x23: {  	[tilespmem:s10+$0xA850] =	vst v0  }
0x24: {  	[tilespmem:s10+$0xA860] =	vst v0;
	s10 =	sshra.s32 s11, $0x2;
	s11 =	sadd.s32 $0x200, s11  }
0x25: {  	[tilespmem:s10+$0xA870] =	vst v0  }
0x26: {  	[tilespmem:s10+$0xA800] =	vst v0  }
0x27: {  	[tilespmem:s10+$0xA810] =	vst v0  }
0x28: {  	[tilespmem:s10+$0xA820] =	vst v0  }
0x29: {  	[tilespmem:s10+$0xA830] =	vst v0  }
0x2a: {  	[tilespmem:s10+$0xA840] =	vst v0  }
0x2b: {  	[tilespmem:s10+$0xA850] =	vst v0  }
0x2c: {  	[tilespmem:s10+$0xA860] =	vst v0  }
0x2d: {  	[spmem:s5] =	stream.linear.scatter [tilespmem:s0], [sflag:$0x3], $0x1000, $0x38;
	[tilespmem:$0x1F800] =	vst v63  }
0x2e: {  	_ =	swait.ge [sflag:s2], $0x1000  }
0x2f: {  	[sflag:s2] =	ssyncset.done $0x0  }
0x30: {  	s11 =	rddreg [dreg:$0xa];
	[sflag:s2] =	ssyncadd.s32 $0xFFFFF000  }
0x31: {  	[spmem:s11] =	stream.linear.scatter [tilespmem:s0], [sflag:$0x3], $0x1000, $0x38;
	[tilespmem:$0x1F800] =	vst v63  }
0x32: {  	_ =	swait.ge [sflag:s2], $0x1000  }
0x33: {  	[sflag:s2] =	ssyncset.done $0x0  }
0x34: {  	s12 =	rddreg [dreg:$0xb];
	[sflag:s2] =	ssyncadd.s32 $0xFFFFF000  }
0x35: {  	[spmem:s12] =	stream.linear.scatter [tilespmem:s0], [sflag:$0x3], $0x1000, $0x38;
	[tilespmem:$0x1F800] =	vst v63  }
0x36: {  	_ =	swait.ge [sflag:s2], $0x1000  }
0x37: {  	[sflag:s2] =	ssyncset.done $0x0  }
0x38: {  	s13 =	rddreg [dreg:$0xc];
	[sflag:s2] =	ssyncadd.s32 $0xFFFFF000  }
0x39: {  	[spmem:s13] =	stream.linear.scatter [tilespmem:s0], [sflag:$0x3], $0x1000, $0x38;
	[tilespmem:$0x1F800] =	vst v63  }
0x3a: {  	_ =	swait.ge [sflag:s2], $0x1000  }
0x3b: {  	[sflag:s2] =	ssyncset.done $0x0  }
0x3c: {  	s14 =	rddreg [dreg:$0xd];
	[sflag:s2] =	ssyncadd.s32 $0xFFFFF000  }
0x3d: {  	[spmem:s14] =	stream.linear.scatter [tilespmem:s0], [sflag:$0x3], $0x1000, $0x38;
	[tilespmem:$0x1F800] =	vst v63  }
0x3e: {  	_ =	swait.ge [sflag:s2], $0x1000  }
0x3f: {  	[sflag:s2] =	ssyncset.done $0x0  }
0x40: {  	s15 =	rddreg [dreg:$0xe];
	[sflag:s2] =	ssyncadd.s32 $0xFFFFF000  }
0x41: {  	[spmem:s15] =	stream.linear.scatter [tilespmem:s0], [sflag:$0x3], $0x1000, $0x38;
	[tilespmem:$0x1F800] =	vst v63  }
0x42: {  	_ =	swait.ge [sflag:s2], $0x1000  }
0x43: {  	[sflag:s2] =	ssyncset.done $0x0  }
0x44: {  	s16 =	rddreg [dreg:$0xf];
	[sflag:s2] =	ssyncadd.s32 $0xFFFFF000  }
0x45: {  	[spmem:s16] =	stream.linear.scatter [tilespmem:s0], [sflag:$0x3], $0x1000, $0x38;
	[tilespmem:$0x1F800] =	vst v63  }
0x46: {  	_ =	swait.ge [sflag:s2], $0x1000  }
0x47: {  	[sflag:s2] =	ssyncset.done $0x0  }
0x48: {  	s17 =	rddreg [dreg:$0x10];
	[sflag:s2] =	ssyncadd.s32 $0xFFFFF000  }
0x49: {  	[spmem:s17] =	stream.linear.scatter [tilespmem:s0], [sflag:$0x3], $0x1000, $0x38;
	[tilespmem:$0x1F800] =	vst v63  }
0x4a: {  	_ =	swait.ge [sflag:s2], $0x1000  }
0x4b: {  	[sflag:s2] =	ssyncset.done $0x0  }
0x4c: {  	s18 =	rddreg [dreg:$0x11];
	[sflag:s2] =	ssyncadd.s32 $0xFFFFF000  }
0x4d: {  	[spmem:s18] =	stream.linear.scatter [tilespmem:s0], [sflag:$0x3], $0x1000, $0x38;
	[tilespmem:$0x1F800] =	vst v63  }
0x4e: {  	_ =	swait.ge [sflag:s2], $0x1000  }
0x4f: {  	[sflag:s2] =	ssyncset.done $0x0  }
0x50: {  	s19 =	rddreg [dreg:$0x12];
	[sflag:s2] =	ssyncadd.s32 $0xFFFFF000  }
0x51: {  	[spmem:s19] =	stream.linear.scatter [tilespmem:s0], [sflag:$0x3], $0x1000, $0x38;
	[tilespmem:$0x1F800] =	vst v63  }
0x52: {  	_ =	swait.ge [sflag:s2], $0x1000  }
0x53: {  	[sflag:s2] =	ssyncset.done $0x0  }
0x54: {  	[sflag:s2] =	ssyncadd.s32 $0xFFFFF000  }
0x55: {  	[spmem:s21] =	stream.linear.scatter [tilespmem:s0], [sflag:$0x3], $0x1000, $0x38;
	[tilespmem:$0x1F800] =	vst v63  }
0x56: {  	_ =	swait.ge [sflag:s2], $0x1000  }
0x57: {  	[sflag:s2] =	ssyncset.done $0x0  }
0x58: {  	[sflag:s2] =	ssyncadd.s32 $0xFFFFF000  }
0x59: {  	[spmem:s22] =	stream.linear.scatter [tilespmem:s0], [sflag:$0x3], $0x1000, $0x38;
	[tilespmem:$0x1F800] =	vst v63  }
0x5a: {  	_ =	swait.ge [sflag:s2], $0x1000  }
0x5b: {  	[sflag:s2] =	ssyncset.done $0x0  }
0x5c: {  	[sflag:s2] =	ssyncadd.s32 $0xFFFFF000  }
0x5d: {  	[spmem:s23] =	stream.linear.scatter [tilespmem:s0], [sflag:$0x3], $0x1000, $0x38;
	[tilespmem:$0x1F800] =	vst v63  }
0x5e: {  	_ =	swait.ge [sflag:s2], $0x1000  }
0x5f: {  	[sflag:s2] =	ssyncset.done $0x0  }
0x60: {  	[sflag:s2] =	ssyncadd.s32 $0xFFFFF000  }
0x61: {  	[spmem:s24] =	stream.linear.scatter [tilespmem:s0], [sflag:$0x3], $0x1000, $0x38;
	[tilespmem:$0x1F800] =	vst v63  }
0x62: {  	_ =	swait.ge [sflag:s2], $0x1000  }
0x63: {  	[sflag:s2] =	ssyncset.done $0x0  }
0x64: {  	[sflag:s2] =	ssyncadd.s32 $0xFFFFF000  }
0x65: {  	[spmem:s25] =	stream.linear.scatter [tilespmem:s0], [sflag:$0x3], $0x1000, $0x38;
	[tilespmem:$0x1F800] =	vst v63  }
0x66: {  	_ =	swait.ge [sflag:s2], $0x1000  }
0x67: {  	[sflag:s2] =	ssyncset.done $0x0  }
0x68: {  	[sflag:s2] =	ssyncadd.s32 $0xFFFFF000  }
0x69: {  	[spmem:s26] =	stream.linear.scatter [tilespmem:s0], [sflag:$0x3], $0x1000, $0x38;
	[tilespmem:$0x1F800] =	vst v63  }
0x6a: {  	_ =	swait.ge [sflag:s2], $0x1000  }
0x6b: {  	[sflag:s2] =	ssyncset.done $0x0  }
0x6c: {  	[sflag:s2] =	ssyncadd.s32 $0xFFFFF000  }
0x6d: {  	[spmem:s28] =	stream.linear.scatter [tilespmem:s0], [sflag:$0x3], $0x1000, $0x38;
	[tilespmem:$0x1F800] =	vst v63  }
0x6e: {  	_ =	swait.ge [sflag:s2], $0x1000  }
0x6f: {  	[sflag:s2] =	ssyncset.done $0x0  }
0x70: {  	[sflag:s2] =	ssyncadd.s32 $0xFFFFF000  }
0x71: {  	[spmem:s29] =	stream.linear.scatter [tilespmem:s0], [sflag:$0x3], $0x1000, $0x38;
	[tilespmem:$0x1F800] =	vst v63  }
0x72: {  	_ =	swait.ge [sflag:s2], $0x1000  }
0x73: {  	[sflag:s2] =	ssyncset.done $0x0  }
0x74: {  	[sflag:s2] =	ssyncadd.s32 $0xFFFFF000  }
0x75: {  	[spmem:s30] =	stream.linear.scatter [tilespmem:s0], [sflag:$0x3], $0x1000, $0x38;
	[tilespmem:$0x1F800] =	vst v63  }
0x76: {  	_ =	swait.ge [sflag:s2], $0x1000  }
0x77: {  	[sflag:s2] =	ssyncset.done $0x0  }
0x78: {  	[sflag:s2] =	ssyncadd.s32 $0xFFFFF000  }
0x79: {  	[spmem:s31] =	stream.linear.scatter [tilespmem:s0], [sflag:$0x3], $0x1000, $0x38;
	[tilespmem:$0x1F800] =	vst v63  }
0x7a: {  	_ =	swait.ge [sflag:s2], $0x1000  }
0x7b: {  	[sflag:s2] =	ssyncset.done $0x0  }
0x7c: {  	[sflag:s2] =	ssyncadd.s32 $0xFFFFF000  }
0x7d: {  	[bflag:$0x0] =	sbarrier.arrive $0xFFFF  }
0x7e: {  	s20 =	simm.s32 $0x0;
	s11 =	rddreg [dreg:$0x4]  }
0x7f: {  	[tilespmem:s20], [sflag:$0x3] =	stream.linear.gather [hbm4b:s11+s20], $0x1400, $0x38;
	[tilespmem:$0x1F800] =	vst v63  }
0x80: {  	_ =	swait.ge [sflag:s2], $0x1400  }
0x81: {  	[sflag:s2] =	ssyncset.done $0x0  }
0x82: {  	s11 =	simm.s32 $0x1400;
	s12 =	rddreg [dreg:$0x5];
	[sflag:s2] =	ssyncadd.s32 $0xFFFFEC00  }
0x83: {  	[tilespmem:s11], [sflag:$0x3] =	stream.linear.gather [hbm4b:s12+s20], $0x1400, $0x38;
	[tilespmem:$0x1F800] =	vst v63  }
0x84: {  	_ =	swait.ge [sflag:s2], $0x1400  }
0x85: {  	s10 =	sand.u32 $0x1, s20;
	[sflag:s2] =	ssyncset.done $0x0  }
0x86: {  	p0 =	seq.s32 s10, $0x1;
	[sflag:s2] =	ssyncadd.s32 $0xFFFFEC00  }
0x87: {  	[tilespmem:s7], [sflag:$0x1] =	stream.indirect.gather [hbm4b:s4+s6], $0x80, s20, s6, $0xb8;
	[tilespmem:$0x1F800] =	vst v63  }
0x88: {  	s10 =	simm.s32 @p0 $0x2;
	p0 =	por p0, p0  }
0x89: {  	[tilespmem:s9], [sflag:$0x2] =	stream.indirect.gather [hbm4b:s4+s6], $0x80, s8, s6, $0xb8;
	[tilespmem:$0x1F800] =	vst v63  }
0x8a: {  	_ =	swait.ge @p0 [sflag:s10], $0x3E80  }
0x8b: {  	p1 =	por @p0 $0x0, $0x0;
	s13 =	simm.s32 @p0 $0x6800;
	[sflag:s10] =	ssyncset.done @p0 $0x0  }
0x8c: {  	s12 =	simm.s32 @p0 $0x3;
	[sflag:s10] =	ssyncadd.s32 @p0 $0xFFFFC180;
	s10 =	simm.s32 @p0 $0x7D  }
0x8d: {  	[spmem:s1] =	stream.indirect.scatter.add.f32 @p0 [tilespmem:s13], [sflag:$0x3], $0x80, s11, s10, $0xb8;
	[tilespmem:$0x1F800] =	vst v63  }
0x8e: {  	p1 =	por p1, !p0;
	_ =	swait.ge @p0 [sflag:s12], $0x3E80  }
0x8f: {  	s15 =	simm.s32 @!p0 $0x1;
	s13 =	simm.s32 $0x100;
	[sflag:s12] =	ssyncset.done @p0 $0x0  }
0x90: {  	s10 =	simm.s32 @!p1 $0x7D;
	[sflag:s12] =	ssyncadd.s32 @p0 $0xFFFFC180;
	s12 =	simm.s32 @!p1 $0x6800  }
0x91: {  	[tilespmem:s12], [sflag:$0x2] =	stream.indirect.gather @!p1 [hbm4b:s4+s10], $0x80, s13, s10, $0xb8;
	[tilespmem:$0x1F800] =	vst v63  }
0x92: {  	s14 =	simm.s32 $0x2;
	s16 =	simm.s32 @!p0 $0x2800;
	_ =	swait.ge @!p0 [sflag:s15], $0x3E80  }
0x93: {  	s10 =	simm.s32 $0x1;
	s12 =	simm.s32 $0x1480;
	[sflag:s15] =	ssyncset.done @!p0 $0x0  }
0x94: {  	p1 =	por @!p0 $0x0, $0x0;
	[sflag:s15] =	ssyncadd.s32 @!p0 $0xFFFFC180;
	s15 =	simm.s32 @!p0 $0x7D  }
0x95: {  	[spmem:s1] =	stream.indirect.scatter.add.f32 @!p0 [tilespmem:s16], [sflag:$0x3], $0x80, s11, s15, $0xb8;
	[tilespmem:$0x1F800] =	vst v63  }
0x96: {  	p2 =	por p1, p0;
	s17 =	sand.u32 $0x1, s10;
	s15 =	simm.s32 @!p0 $0x3  }
0x97: {  	p3 =	seq.s32 s17, $0x1;
	s17 =	simm.s32 @!p2 $0x7D;
	_ =	swait.ge @!p0 [sflag:s15], $0x3E80  }
0x98: {  	s11 =	simm.s32 $0x180;
	s16 =	simm.s32 @!p2 $0x2800;
	[sflag:s15] =	ssyncset.done @!p0 $0x0  }
.LBB2_4:
0x99: {  	s18 =	simm.s32 @p3 $0x2  }
0x9a: {  	[sflag:s15] =	ssyncadd.s32 @!p0 $0xFFFFC180;
	s19 =	smov.u32 s10;
	s10 =	smov.u32 s14  }
0x9b: {  	s14 =	sadd.s32 $0x1, s14;
	s20 =	smov.u32 s12;
	p0 =	por p3, p3  }
0x9c: {  	[tilespmem:s16], [sflag:$0x1] =	stream.indirect.gather @!p2 [hbm4b:s4+s17], $0x80, s13, s17, $0xb8;
	[tilespmem:$0x1F800] =	vst v63  }
0x9d: {  	p1 =	sne.s32 s14, $0x28;
	s13 =	smov.u32 s11;
	_ =	swait.ge @p0 [sflag:s18], $0x3E80  }
0x9e: {  	s12 =	sadd.s32 $0x80, s12;
	s15 =	simm.s32 @p0 $0x3;
	[sflag:s18] =	ssyncset.done @p0 $0x0  }
0x9f: {  	s16 =	simm.s32 @p0 $0x7D;
	s17 =	simm.s32 @p0 $0x6800;
	[sflag:s18] =	ssyncadd.s32 @p0 $0xFFFFC180  }
0xa0: {  	[spmem:s1] =	stream.indirect.scatter.add.f32 @p0 [tilespmem:s17], [sflag:$0x3], $0x80, s20, s16, $0xb8;
	[tilespmem:$0x1F800] =	vst v63  }
0xa1: {  	p2 =	sgt.u32 @p0 s19, $0x25;
	s11 =	sadd.s32 $0x80, s11;
	_ =	swait.ge @p0 [sflag:s15], $0x3E80  }
0xa2: {  	p2 =	por p2, !p0;
	s16 =	simm.s32 @!p0 $0x1;
	[sflag:s15] =	ssyncset.done @p0 $0x0  }
0xa3: {  	s17 =	simm.s32 @!p2 $0x6800;
	[sflag:s15] =	ssyncadd.s32 @p0 $0xFFFFC180;
	s15 =	simm.s32 @!p2 $0x7D  }
0xa4: {  	[tilespmem:s17], [sflag:$0x2] =	stream.indirect.gather @!p2 [hbm4b:s4+s15], $0x80, s13, s15, $0xb8;
	[tilespmem:$0x1F800] =	vst v63  }
0xa5: {  	s17 =	simm.s32 @!p0 $0x2800;
	s15 =	simm.s32 @!p0 $0x3;
	_ =	swait.ge @!p0 [sflag:s16], $0x3E80  }
.Ltmp1:
0xa6: {  	p2 =	sgt.u32 @!p0 s19, $0x25;
	[sflag:s16] =	ssyncset.done @!p0 $0x0;
	(pc) =	sbr.rel @p1 .LBB2_4-.Ltmp1, $4  }
0xa7: {  	p2 =	por p2, p0;
	[sflag:s16] =	ssyncadd.s32 @!p0 $0xFFFFC180;
	s16 =	simm.s32 @!p0 $0x7D  }
0xa8: {  	[spmem:s1] =	stream.indirect.scatter.add.f32 @!p0 [tilespmem:s17], [sflag:$0x3], $0x80, s20, s16, $0xb8;
	[tilespmem:$0x1F800] =	vst v63  }
0xa9: {  	s17 =	sand.u32 $0x1, s10;
	s16 =	simm.s32 @!p2 $0x2800;
	_ =	swait.ge @!p0 [sflag:s15], $0x3E80  }
0xaa: {  	p3 =	seq.s32 s17, $0x1;
	s17 =	simm.s32 @!p2 $0x7D;
	[sflag:s15] =	ssyncset.done @!p0 $0x0  }
0xab: {  	s14 =	simm.s32 @p3 $0x2;
	[sflag:s15] =	ssyncadd.s32 @!p0 $0xFFFFC180;
	p0 =	por p3, p3  }
0xac: {  	[tilespmem:s16], [sflag:$0x1] =	stream.indirect.gather @!p2 [hbm4b:s4+s17], $0x80, s13, s17, $0xb8;
	[tilespmem:$0x1F800] =	vst v63  }
0xad: {  	_ =	swait.ge @p0 [sflag:s14], $0x3E80  }
0xae: {  	s13 =	simm.s32 @p0 $0x3;
	[sflag:s14] =	ssyncset.done @p0 $0x0  }
0xaf: {  	s15 =	simm.s32 @p0 $0x6800;
	[sflag:s14] =	ssyncadd.s32 @p0 $0xFFFFC180;
	s14 =	simm.s32 @p0 $0x7D  }
0xb0: {  	[spmem:s1] =	stream.indirect.scatter.add.f32 @p0 [tilespmem:s15], [sflag:$0x3], $0x80, s12, s14, $0xb8;
	[tilespmem:$0x1F800] =	vst v63  }
0xb1: {  	p1 =	sgt.u32 @p0 s10, $0x25;
	_ =	swait.ge @p0 [sflag:s13], $0x3E80  }
0xb2: {  	p1 =	por p1, !p0;
	s14 =	simm.s32 @!p0 $0x1;
	[sflag:s13] =	ssyncset.done @p0 $0x0  }
0xb3: {  	s15 =	simm.s32 @!p1 $0x6800;
	[sflag:s13] =	ssyncadd.s32 @p0 $0xFFFFC180;
	s13 =	simm.s32 @!p1 $0x7D  }
0xb4: {  	[tilespmem:s15], [sflag:$0x2] =	stream.indirect.gather @!p1 [hbm4b:s4+s13], $0x80, s11, s13, $0xb8;
	[tilespmem:$0x1F800] =	vst v63  }
0xb5: {  	_ =	swait.ge @!p0 [sflag:s14], $0x3E80  }
0xb6: {  	s13 =	simm.s32 @!p0 $0x2800;
	[sflag:s14] =	ssyncset.done @!p0 $0x0  }
0xb7: {  	s15 =	simm.s32 @!p0 $0x3;
	[sflag:s14] =	ssyncadd.s32 @!p0 $0xFFFFC180;
	s14 =	simm.s32 @!p0 $0x7D  }
0xb8: {  	[spmem:s1] =	stream.indirect.scatter.add.f32 @!p0 [tilespmem:s13], [sflag:$0x3], $0x80, s12, s14, $0xb8;
	[tilespmem:$0x1F800] =	vst v63  }
0xb9: {  	p1 =	sgt.u32 @!p0 s10, $0x25;
	_ =	swait.ge @!p0 [sflag:s15], $0x3E80  }
0xba: {  	p1 =	por p1, p0;
	[sflag:s15] =	ssyncset.done @!p0 $0x0  }
0xbb: {  	s10 =	simm.s32 @!p1 $0x2800;
	s12 =	simm.s32 @!p1 $0x7D;
	[sflag:s15] =	ssyncadd.s32 @!p0 $0xFFFFC180  }
0xbc: {  	[tilespmem:s10], [sflag:$0x1] =	stream.indirect.gather @!p1 [hbm4b:s4+s12], $0x80, s11, s12, $0xb8;
	[tilespmem:$0x1F800] =	vst v63  }
0xbd: {  	s17 =	simm.s32 $0x0;
	s18 =	rddreg [dreg:$0x6]  }
0xbe: {  	[tilespmem:s17], [sflag:$0x3] =	stream.linear.gather [hbm4b:s18+s17], $0x1400, $0x38;
	[tilespmem:$0x1F800] =	vst v63  }
0xbf: {  	_ =	swait.ge [sflag:s2], $0x1400  }
0xc0: {  	[sflag:s2] =	ssyncset.done $0x0  }
0xc1: {  	s16 =	simm.s32 $0x1400;
	s19 =	rddreg [dreg:$0x7];
	[sflag:s2] =	ssyncadd.s32 $0xFFFFEC00  }
0xc2: {  	[tilespmem:s16], [sflag:$0x3] =	stream.linear.gather [hbm4b:s19+s17], $0x1400, $0x38;
	[tilespmem:$0x1F800] =	vst v63  }
0xc3: {  	_ =	swait.ge [sflag:s2], $0x1400  }
0xc4: {  	s10 =	sand.u32 $0x1, s17;
	[sflag:s2] =	ssyncset.done $0x0  }
0xc5: {  	p0 =	seq.s32 s10, $0x1;
	[sflag:s2] =	ssyncadd.s32 $0xFFFFEC00  }
0xc6: {  	[tilespmem:s7], [sflag:$0x1] =	stream.indirect.gather [hbm4b:s4+s6], $0x80, s17, s6, $0xb8;
	[tilespmem:$0x1F800] =	vst v63  }
0xc7: {  	s11 =	simm.s32 @p0 $0x2;
	p0 =	por p0, p0  }
0xc8: {  	[tilespmem:s9], [sflag:$0x2] =	stream.indirect.gather [hbm4b:s4+s6], $0x80, s8, s6, $0xb8;
	[tilespmem:$0x1F800] =	vst v63  }
0xc9: {  	s13 =	simm.s32 $0x100;
	s14 =	simm.s32 $0x2;
	_ =	swait.ge @p0 [sflag:s11], $0x3E80  }
0xca: {  	s10 =	simm.s32 $0x1;
	s12 =	simm.s32 @p0 $0x3;
	[sflag:s11] =	ssyncset.done @p0 $0x0  }
0xcb: {  	s15 =	simm.s32 @p0 $0x6800;
	[sflag:s11] =	ssyncadd.s32 @p0 $0xFFFFC180;
	s11 =	simm.s32 @p0 $0x7D  }
0xcc: {  	[spmem:s1] =	stream.indirect.scatter.add.f32 @p0 [tilespmem:s15], [sflag:$0x3], $0x80, s16, s11, $0xb8;
	[tilespmem:$0x1F800] =	vst v63  }
0xcd: {  	s20 =	sand.u32 $0x1, s10;
	p1 =	por @p0 $0x0, $0x0;
	_ =	swait.ge @p0 [sflag:s12], $0x3E80  }
0xce: {  	p1 =	por p1, !p0;
	s17 =	simm.s32 @!p0 $0x1;
	[sflag:s12] =	ssyncset.done @p0 $0x0  }
0xcf: {  	s15 =	simm.s32 @!p1 $0x6800;
	[sflag:s12] =	ssyncadd.s32 @p0 $0xFFFFC180;
	s12 =	simm.s32 @!p1 $0x7D  }
0xd0: {  	[tilespmem:s15], [sflag:$0x2] =	stream.indirect.gather @!p1 [hbm4b:s4+s12], $0x80, s13, s12, $0xb8;
	[tilespmem:$0x1F800] =	vst v63  }
0xd1: {  	s18 =	simm.s32 @!p0 $0x2800;
	p3 =	seq.s32 s20, $0x1;
	_ =	swait.ge @!p0 [sflag:s17], $0x3E80  }
0xd2: {  	s11 =	simm.s32 $0x1480;
	s15 =	simm.s32 @!p0 $0x3;
	[sflag:s17] =	ssyncset.done @!p0 $0x0  }
0xd3: {  	p1 =	por @!p0 $0x0, $0x0;
	[sflag:s17] =	ssyncadd.s32 @!p0 $0xFFFFC180;
	s17 =	simm.s32 @!p0 $0x7D  }
0xd4: {  	[spmem:s1] =	stream.indirect.scatter.add.f32 @!p0 [tilespmem:s18], [sflag:$0x3], $0x80, s16, s17, $0xb8;
	[tilespmem:$0x1F800] =	vst v63  }
0xd5: {  	s12 =	simm.s32 $0x180;
	p2 =	por p1, p0;
	_ =	swait.ge @!p0 [sflag:s15], $0x3E80  }
0xd6: {  	s16 =	simm.s32 @!p2 $0x2800;
	s17 =	simm.s32 @!p2 $0x7D;
	[sflag:s15] =	ssyncset.done @!p0 $0x0  }
.LBB2_6:
0xd7: {  	s18 =	simm.s32 @p3 $0x2  }
0xd8: {  	[sflag:s15] =	ssyncadd.s32 @!p0 $0xFFFFC180;
	s19 =	smov.u32 s10;
	s10 =	smov.u32 s14  }
0xd9: {  	s14 =	sadd.s32 $0x1, s14;
	s20 =	smov.u32 s11;
	p0 =	por p3, p3  }
0xda: {  	[tilespmem:s16], [sflag:$0x1] =	stream.indirect.gather @!p2 [hbm4b:s4+s17], $0x80, s13, s17, $0xb8;
	[tilespmem:$0x1F800] =	vst v63  }
0xdb: {  	p1 =	sne.s32 s14, $0x28;
	s13 =	smov.u32 s12;
	_ =	swait.ge @p0 [sflag:s18], $0x3E80  }
0xdc: {  	s11 =	sadd.s32 $0x80, s11;
	s15 =	simm.s32 @p0 $0x3;
	[sflag:s18] =	ssyncset.done @p0 $0x0  }
0xdd: {  	s16 =	simm.s32 @p0 $0x7D;
	s17 =	simm.s32 @p0 $0x6800;
	[sflag:s18] =	ssyncadd.s32 @p0 $0xFFFFC180  }
0xde: {  	[spmem:s1] =	stream.indirect.scatter.add.f32 @p0 [tilespmem:s17], [sflag:$0x3], $0x80, s20, s16, $0xb8;
	[tilespmem:$0x1F800] =	vst v63  }
0xdf: {  	p2 =	sgt.u32 @p0 s19, $0x25;
	s12 =	sadd.s32 $0x80, s12;
	_ =	swait.ge @p0 [sflag:s15], $0x3E80  }
0xe0: {  	p2 =	por p2, !p0;
	s16 =	simm.s32 @!p0 $0x1;
	[sflag:s15] =	ssyncset.done @p0 $0x0  }
0xe1: {  	s17 =	simm.s32 @!p2 $0x6800;
	[sflag:s15] =	ssyncadd.s32 @p0 $0xFFFFC180;
	s15 =	simm.s32 @!p2 $0x7D  }
0xe2: {  	[tilespmem:s17], [sflag:$0x2] =	stream.indirect.gather @!p2 [hbm4b:s4+s15], $0x80, s13, s15, $0xb8;
	[tilespmem:$0x1F800] =	vst v63  }
0xe3: {  	s17 =	simm.s32 @!p0 $0x2800;
	s15 =	simm.s32 @!p0 $0x3;
	_ =	swait.ge @!p0 [sflag:s16], $0x3E80  }
.Ltmp2:
0xe4: {  	p2 =	sgt.u32 @!p0 s19, $0x25;
	[sflag:s16] =	ssyncset.done @!p0 $0x0;
	(pc) =	sbr.rel @p1 .LBB2_6-.Ltmp2, $4  }
0xe5: {  	p2 =	por p2, p0;
	[sflag:s16] =	ssyncadd.s32 @!p0 $0xFFFFC180;
	s16 =	simm.s32 @!p0 $0x7D  }
0xe6: {  	[spmem:s1] =	stream.indirect.scatter.add.f32 @!p0 [tilespmem:s17], [sflag:$0x3], $0x80, s20, s16, $0xb8;
	[tilespmem:$0x1F800] =	vst v63  }
0xe7: {  	s17 =	sand.u32 $0x1, s10;
	s16 =	simm.s32 @!p2 $0x2800;
	_ =	swait.ge @!p0 [sflag:s15], $0x3E80  }
0xe8: {  	p3 =	seq.s32 s17, $0x1;
	s17 =	simm.s32 @!p2 $0x7D;
	[sflag:s15] =	ssyncset.done @!p0 $0x0  }
0xe9: {  	s14 =	simm.s32 @p3 $0x2;
	[sflag:s15] =	ssyncadd.s32 @!p0 $0xFFFFC180;
	p0 =	por p3, p3  }
0xea: {  	[tilespmem:s16], [sflag:$0x1] =	stream.indirect.gather @!p2 [hbm4b:s4+s17], $0x80, s13, s17, $0xb8;
	[tilespmem:$0x1F800] =	vst v63  }
0xeb: {  	_ =	swait.ge @p0 [sflag:s14], $0x3E80  }
0xec: {  	s13 =	simm.s32 @p0 $0x3;
	[sflag:s14] =	ssyncset.done @p0 $0x0  }
0xed: {  	s15 =	simm.s32 @p0 $0x6800;
	[sflag:s14] =	ssyncadd.s32 @p0 $0xFFFFC180;
	s14 =	simm.s32 @p0 $0x7D  }
0xee: {  	[spmem:s1] =	stream.indirect.scatter.add.f32 @p0 [tilespmem:s15], [sflag:$0x3], $0x80, s11, s14, $0xb8;
	[tilespmem:$0x1F800] =	vst v63  }
0xef: {  	p1 =	sgt.u32 @p0 s10, $0x25;
	_ =	swait.ge @p0 [sflag:s13], $0x3E80  }
0xf0: {  	p1 =	por p1, !p0;
	s14 =	simm.s32 @!p0 $0x1;
	[sflag:s13] =	ssyncset.done @p0 $0x0  }
0xf1: {  	s15 =	simm.s32 @!p1 $0x6800;
	[sflag:s13] =	ssyncadd.s32 @p0 $0xFFFFC180;
	s13 =	simm.s32 @!p1 $0x7D  }
0xf2: {  	[tilespmem:s15], [sflag:$0x2] =	stream.indirect.gather @!p1 [hbm4b:s4+s13], $0x80, s12, s13, $0xb8;
	[tilespmem:$0x1F800] =	vst v63  }
0xf3: {  	_ =	swait.ge @!p0 [sflag:s14], $0x3E80  }
0xf4: {  	s13 =	simm.s32 @!p0 $0x2800;
	[sflag:s14] =	ssyncset.done @!p0 $0x0  }
0xf5: {  	s15 =	simm.s32 @!p0 $0x3;
	[sflag:s14] =	ssyncadd.s32 @!p0 $0xFFFFC180;
	s14 =	simm.s32 @!p0 $0x7D  }
0xf6: {  	[spmem:s1] =	stream.indirect.scatter.add.f32 @!p0 [tilespmem:s13], [sflag:$0x3], $0x80, s11, s14, $0xb8;
	[tilespmem:$0x1F800] =	vst v63  }
0xf7: {  	p1 =	sgt.u32 @!p0 s10, $0x25;
	_ =	swait.ge @!p0 [sflag:s15], $0x3E80  }
0xf8: {  	s17 =	stileid.u32;
	p1 =	por p1, p0;
	[sflag:s15] =	ssyncset.done @!p0 $0x0  }
0xf9: {  	s10 =	simm.s32 @!p1 $0x2800;
	s11 =	simm.s32 @!p1 $0x7D;
	[sflag:s15] =	ssyncadd.s32 @!p0 $0xFFFFC180  }
0xfa: {  	[tilespmem:s10], [sflag:$0x1] =	stream.indirect.gather @!p1 [hbm4b:s4+s11], $0x80, s12, s11, $0xb8;
	[tilespmem:$0x1F800] =	vst v63  }
0xfb: {  	s10 =	sshll.u32 s17, $0x6;
	[bflag:$0x0] =	sbarrier.arrive $0xFFFF  }
0xfc: {  	s18 =	sshrl.u32 s5, $0x3;
	s10 =	sor.u32 $0x1C03, s10;
	s19 =	rddreg [dreg:$0x8]  }
0xfd: {  	[hbm:s19], [sflag:s10] =	dma.local [spmem:s18], $0x2800  }
0xfe: {  	_ =	swait.ge [sflag:s2], $0x2800  }
0xff: {  	s3 =	sadd.s32 $0x1, s3;
	s20 =	rddreg [dreg:$0x9]  }
0x100: {  	p0 =	sne.s32 s3, s20  }
.Ltmp3:
0x101: {  	_ = 	snop;
	(pc) =	sbr.rel @p0 .LBB2_1-.Ltmp3, $3  }
0x102: {  	_ =	sdelay $0x1  }
0x103: {  	[sflag:s2] =	ssyncset.done $0x0  }
0x104: {  	[sflag:s2] =	ssyncadd.s32 $0xFFFFD800  }
0x105: {  	_ =	sfence.sel $0x180000  }
0x106: {  	[bflag:$0x0] =	sbarrier.arrive $0xFFFF  }
0x107: {  	_ =	strace $0x90000050  }
0x108: {  	s0 =	stileid.u32;
	[bflag:$0x2] =	sbarrier.arrive $0xFFFF  }
0x109: {  	p0 =	sne.s32 s0, $0x0;
	s0 =	rddreg [dreg:$0x3]  }
0x10a: {  	s0 =	sadd.s32 @!p0 $0x100000, s0  }
0x10b: {  	[sflag:s0] =	ssyncadd.tile.s32 @!p0 $0x1;
	_ =	shalt  }
.Lfunc_end2:
_tile_overlayer_lowered:
.L_overlay_start_2:
0x10c: {  	(tag) =	ssettag $0x2  }
0x10d: {  	s0 =	rddreg [dreg:$0x0];
	s2 =	stileid.u32  }
0x10e: {  	s1 =	rddreg [dreg:$0x1];
	p0 =	sne.s32 s2, $0x0  }
0x10f: {  	s3 =	rddreg [dreg:$0x2];
	[bflag:$0x3] =	sbarrier.arrive $0xFFFF;
	s2 =	simm.s32 @!p0 $0x1C03  }
0x110: {  	[timem:s3], [sflag:s2] =	dma.local @!p0 [hbm:s0], s1  }
0x111: {  	s0 =	simm.s32 @!p0 $0x3  }
0x112: {  	_ =	swait.ge @!p0 [sflag:s0], s1  }
0x113: {  	s1 =	ssub.s32 @!p0 $0x0, s1;
	[sflag:s0] =	ssyncset.done @!p0 $0x0  }
0x114: {  	[sflag:s0] =	ssyncadd.s32 @!p0 s1  }
0x115: {  	[bflag:$0x3] =	sbarrier.arrive $0xFFFF  }
0x116: {  	_ =	shalt  }

</sc_bundles>
